<compile_context>
chip_gen: v7x
topology: tpu7x:2x2x1
jax: 0.10.2.dev20260603
libtpu: 0.0.44.dev20260713+nightly
codegen_flags: <defaults>
</compile_context>

<pallas_src>
import dataclasses
import functools

import jax
import jax.numpy as jnp
from jax import lax
from jax.experimental import pallas as pl
from jax.experimental.pallas import tpu as pltpu
from jax.experimental.pallas import tpu_sc as plsc

N = 10000
D = 128
E = 320000
NC = 2
NS = 16
NW = NC * NS
CHUNK = 128
NSLOT = 2
ROWS = E // CHUNK
GR = 8
RPAD = ((ROWS + NW * GR - 1) // (NW * GR)) * (NW * GR)
RPF = RPAD + 2 * GR
RPW = RPAD // NW
NBLK = RPW // GR
NSP = 10112
ZR = NSP // NS
HR = 80
DR = HR // NS

_mesh = plsc.VectorSubcoreMesh(
    core_axis_name="core", subcore_axis_name="subcore",
    num_cores=NC, num_subcores=NS)

_cp = pltpu.CompilerParams()
if "needs_layout_passes" in pltpu.CompilerParams.__dataclass_fields__:
    _cp = dataclasses.replace(_cp, needs_layout_passes=False)


def _zero_rows(ref, nrows, width):
    zero = jnp.zeros((16,), jnp.float32)

    @pl.loop(0, nrows)
    def _(r):
        for c in range(width // 16):
            ref[r, pl.ds(c * 16, 16)] = zero


def _zero_shared_slice(src, dst, base, total):
    off = 0
    while off < total:
        n = min(CHUNK, total - off)
        pltpu.sync_copy(src.at[pl.ds(0, n)], dst.at[pl.ds(base + off, n)])
        off += n


def _sc_agg_body(with_deg, h_hbm, es_hbm, ed_hbm, ident_hbm, *rest):
    if with_deg:
        (part_hbm, degd_hbm, ibs0, ibd0, ibs1, ibd1, rows, ident, hist,
         agg_sp, deg_sh, sem_i0, sem_i1, sem_g0, sem_g1, sem_s0,
         sem_s1) = rest
    else:
        (part_hbm, ibs0, ibd0, ibs1, ibd1, rows, agg_sp, sem_i0, sem_i1,
         sem_g0, sem_g1, sem_s0, sem_s1) = rest
    cidx = lax.axis_index("core")
    sidx = lax.axis_index("subcore")
    wid = cidx * NS + sidx
    wbase = wid * RPW

    _zero_rows(rows, CHUNK, D)
    base = sidx * ZR
    _zero_shared_slice(rows, agg_sp, base, ZR)
    if with_deg:
        _zero_rows(hist, HR, D)

        @pl.when(sidx == 0)
        def _():
            pltpu.sync_copy(rows.at[pl.ds(0, HR)], deg_sh)

        pltpu.sync_copy(ident_hbm, ident)
    plsc.subcore_barrier()

    sem_g = (sem_g0, sem_g1)
    sem_s = (sem_s0, sem_s1)
    ones16 = jnp.ones((16,), jnp.float32)

    def run_block(ibs, ibd):
        hg = {}
        hs = {}
        hg[0] = pltpu.async_copy(
            h_hbm.at[ibs.at[0]], rows.at[pl.ds(0, CHUNK)], sem_g[0])
        for k in range(GR):
            slot = k % NSLOT
            if k + 1 < GR:
                nslot = (k + 1) % NSLOT
                if k - 1 >= 0:
                    hs[k - 1].wait()
                hg[k + 1] = pltpu.async_copy(
                    h_hbm.at[ibs.at[k + 1]],
                    rows.at[pl.ds(nslot * CHUNK, CHUNK)], sem_g[nslot])
            if with_deg:
                for c in range(CHUNK // 16):
                    v = ibd[k, pl.ds(c * 16, 16)]
                    row = lax.shift_right_logical(v, 7)
                    col = lax.bitwise_and(v, 127)
                    plsc.addupdate_scatter(hist, [row, col], ones16)
            hg[k].wait()
            hs[k] = pltpu.async_copy(
                rows.at[pl.ds(slot * CHUNK, CHUNK)],
                agg_sp.at[ibd.at[k]], sem_s[slot], add=True)
        hs[GR - 2].wait()
        hs[GR - 1].wait()

    pltpu.sync_copy(es_hbm.at[pl.ds(wbase, GR)], ibs0)
    pltpu.sync_copy(ed_hbm.at[pl.ds(wbase, GR)], ibd0)
    pltpu.async_copy(es_hbm.at[pl.ds(wbase + GR, GR)], ibs1, sem_i1)
    pltpu.async_copy(ed_hbm.at[pl.ds(wbase + GR, GR)], ibd1, sem_i1)

    @pl.loop(0, NBLK, step=2)
    def _(b):
        row0 = wbase + b * GR

        @pl.when(b > 0)
        def _():
            pltpu.make_async_copy(es_hbm.at[pl.ds(row0, GR)], ibs0,
                                  sem_i0).wait()
            pltpu.make_async_copy(ed_hbm.at[pl.ds(row0, GR)], ibd0,
                                  sem_i0).wait()

        run_block(ibs0, ibd0)
        pltpu.async_copy(es_hbm.at[pl.ds(row0 + 2 * GR, GR)], ibs0, sem_i0)
        pltpu.async_copy(ed_hbm.at[pl.ds(row0 + 2 * GR, GR)], ibd0, sem_i0)

        row1 = row0 + GR
        pltpu.make_async_copy(es_hbm.at[pl.ds(row1, GR)], ibs1, sem_i1).wait()
        pltpu.make_async_copy(ed_hbm.at[pl.ds(row1, GR)], ibd1, sem_i1).wait()
        run_block(ibs1, ibd1)
        pltpu.async_copy(es_hbm.at[pl.ds(row1 + 2 * GR, GR)], ibs1, sem_i1)
        pltpu.async_copy(ed_hbm.at[pl.ds(row1 + 2 * GR, GR)], ibd1, sem_i1)

    pltpu.make_async_copy(es_hbm.at[pl.ds(wbase, GR)], ibs0, sem_i0).wait()
    pltpu.make_async_copy(ed_hbm.at[pl.ds(wbase, GR)], ibd0, sem_i0).wait()
    pltpu.make_async_copy(es_hbm.at[pl.ds(wbase, GR)], ibs1, sem_i1).wait()
    pltpu.make_async_copy(ed_hbm.at[pl.ds(wbase, GR)], ibd1, sem_i1).wait()

    if with_deg:
        pltpu.sync_copy(hist, deg_sh.at[ident], add=True)

    plsc.subcore_barrier()
    pltpu.sync_copy(agg_sp.at[pl.ds(base, ZR)],
                    part_hbm.at[cidx].at[pl.ds(base, ZR)])
    if with_deg:
        @pl.when(sidx == 0)
        def _():
            pltpu.sync_copy(deg_sh, degd_hbm.at[cidx])


def _make_sc_agg(with_deg):
    out_type = [jax.ShapeDtypeStruct((NC, NSP, D), jnp.float32)]
    scratch = [
        pltpu.VMEM((GR, CHUNK), jnp.int32),
        pltpu.VMEM((GR, CHUNK), jnp.int32),
        pltpu.VMEM((GR, CHUNK), jnp.int32),
        pltpu.VMEM((GR, CHUNK), jnp.int32),
        pltpu.VMEM((NSLOT * CHUNK, D), jnp.float32),
    ]
    if with_deg:
        out_type.append(jax.ShapeDtypeStruct((NC, HR, D), jnp.float32))
        scratch.append(pltpu.VMEM((HR,), jnp.int32))
        scratch.append(pltpu.VMEM((HR, D), jnp.float32))
    scratch.append(pltpu.VMEM_SHARED((NSP, D), jnp.float32))
    if with_deg:
        scratch.append(pltpu.VMEM_SHARED((HR, D), jnp.float32))
    scratch += [pltpu.SemaphoreType.DMA] * 6
    return pl.kernel(
        functools.partial(_sc_agg_body, with_deg),
        out_type=tuple(out_type) if with_deg else out_type[0],
        mesh=_mesh,
        scratch_types=scratch,
        compiler_params=_cp,
    )


_sc_agg_deg = _make_sc_agg(True)
_sc_agg = _make_sc_agg(False)


RB = 1000
_PREC = lax.Precision.HIGHEST


def _tc_pre_body(h_ref, w_ref, b_ref, o_ref):
    o_ref[...] = lax.dot_general(
        h_ref[...], w_ref[...], (((1,), (0,)), ((), ())),
        precision=_PREC, preferred_element_type=jnp.float32) + b_ref[...]


def _tc_pre(h, w, b):
    return pl.pallas_call(
        _tc_pre_body,
        grid=(N // RB,),
        in_specs=[
            pl.BlockSpec((RB, D), lambda i: (i, 0)),
            pl.BlockSpec((D, D), lambda i: (0, 0)),
            pl.BlockSpec((1, D), lambda i: (0, 0)),
        ],
        out_specs=pl.BlockSpec((RB, D), lambda i: (i, 0)),
        out_shape=jax.ShapeDtypeStruct((N, D), jnp.float32),
    )(h, w[:D], b.reshape(1, D))


def _tc_post_body(relu, pre_ref, p_ref, d_ref, w_ref, o_ref):
    agg = p_ref[0] + p_ref[1]
    dsum = d_ref[0] + d_ref[1]
    deg = jnp.maximum(dsum, 1.0)
    mean = agg / deg
    y = pre_ref[...] + lax.dot_general(
        mean, w_ref[...], (((1,), (0,)), ((), ())),
        precision=_PREC, preferred_element_type=jnp.float32)
    if relu:
        y = jnp.maximum(y, 0.0)
    o_ref[...] = y


def _tc_post(pre, part, degc, w, relu):
    return pl.pallas_call(
        functools.partial(_tc_post_body, relu),
        grid=(N // RB,),
        in_specs=[
            pl.BlockSpec((RB, D), lambda i: (i, 0)),
            pl.BlockSpec((NC, RB, D), lambda i: (0, i, 0)),
            pl.BlockSpec((NC, RB, 1), lambda i: (0, i, 0)),
            pl.BlockSpec((D, D), lambda i: (0, 0)),
        ],
        out_specs=pl.BlockSpec((RB, D), lambda i: (i, 0)),
        out_shape=jax.ShapeDtypeStruct((N, D), jnp.float32),
    )(pre, part, degc, w[D:])


def kernel(x, edge_index, W0, b0, W1, b1):
    ei = edge_index.astype(jnp.int32)
    pr = RPF - ROWS
    r2 = (lax.broadcasted_iota(jnp.int32, (pr, CHUNK), 0) * CHUNK
          + lax.broadcasted_iota(jnp.int32, (pr, CHUNK), 1))
    pad_s = r2 % N
    pad_d = N + (r2 % (NSP - N))
    es = jnp.concatenate([ei[0].reshape(ROWS, CHUNK), pad_s], axis=0)
    ed = jnp.concatenate([ei[1].reshape(ROWS, CHUNK), pad_d], axis=0)
    ident = jnp.arange(HR, dtype=jnp.int32)

    part0, degd = _sc_agg_deg(x, es, ed, ident)
    degc = degd.reshape(NC, HR * D, 1)
    pre0 = _tc_pre(x, W0, b0)
    h1 = _tc_post(pre0, part0, degc, W0, relu=True)
    part1 = _sc_agg(h1, es, ed, ident)
    pre1 = _tc_pre(h1, W1, b1)
    h2 = _tc_post(pre1, part1, degc, W1, relu=False)
    return h2

# --- scband reference (transcript-rebuilt; emitter-appended) ---
"""Pipeline reference for scband-text-sage-38912403702074 (READ-ONLY COPY).

The authoritative reference and input builder live on the scoring server;
editing this copy changes nothing except your own understanding.
"""

import jax, jax.numpy as jnp
import numpy as np

N = 10000
E = 320000
D = 128


def setup_inputs(seed: int = 0) -> dict:
    key = jax.random.key(seed)
    k1, k2, k3, k4, k5 = jax.random.split(key, 5)
    x = jax.random.normal(k1, (N, D), dtype=jnp.float32)
    edge_index = jax.random.randint(k2, (2, E), 0, N)
    # SAGE layer weights: concat([self, mean_neighbor]) -> latent_dim, two layers
    W0 = jax.random.normal(k3, (2 * D, D), dtype=jnp.float32) * 0.05
    b0 = jnp.zeros((D,), dtype=jnp.float32)
    W1 = jax.random.normal(k4, (2 * D, D), dtype=jnp.float32) * 0.05
    b1 = jnp.zeros((D,), dtype=jnp.float32)
    return {"x": x, "edge_index": edge_index, "W0": W0, "b0": b0, "W1": W1, "b1": b1}


def reference(x, edge_index, W0, b0, W1, b1):
    # TextSAGE core message passing: for each layer, mean-aggregate neighbor
    # features (gather by src, scatter-add by dst, divide by degree), concat
    # with self features, apply w_linears[l]; ReLU between layers.
    src = edge_index[0]
    dst = edge_index[1]
    ones = jnp.ones((E, 1), dtype=jnp.float32)
    deg = jax.ops.segment_sum(ones, dst, num_segments=N)
    deg = jnp.clip(deg, 1.0, None)

    h = x
    for (W, b, is_last) in ((W0, b0, False), (W1, b1, True)):
        msg = jnp.take(h, src, axis=0)                      # gather  [E, D]
        agg = jax.ops.segment_sum(msg, dst, num_segments=N)  # scatter-add [N, D]
        mean_nbr = agg / deg
        h = jnp.concatenate([h, mean_nbr], axis=-1) @ W + b
        if not is_last:
            h = jax.nn.relu(h)
    return h

if __name__ == "__main__":
    import jax
    _d = setup_inputs()
    print(jax.jit(kernel)(*tuple(_d.values())))

</pallas_src>

<mosaic_0001>
#map = affine_map<(d0, d1) -> (0, 0)>
#map1 = affine_map<(d0, d1) -> (0)>
#map2 = affine_map<(d0, d1) -> (0, 0, 0)>
module attributes {stable_mosaic.version = 14 : i64} {
  func.func @_sc_agg_body(%arg0: i32, %arg1: i32, %arg2: memref<10000x128xf32, #tpu.memory_space<hbm>>, %arg3: memref<2576x128xi32, #tpu.memory_space<hbm>>, %arg4: memref<2576x128xi32, #tpu.memory_space<hbm>>, %arg5: memref<80xi32, #tpu.memory_space<hbm>>, %arg6: memref<2x10112x128xf32, #tpu.memory_space<hbm>>, %arg7: memref<2x80x128xf32, #tpu.memory_space<hbm>>, %arg8: memref<8x128xi32, #tpu.memory_space<vmem>>, %arg9: memref<8x128xi32, #tpu.memory_space<vmem>>, %arg10: memref<8x128xi32, #tpu.memory_space<vmem>>, %arg11: memref<8x128xi32, #tpu.memory_space<vmem>>, %arg12: memref<256x128xf32, #tpu.memory_space<vmem>>, %arg13: memref<80xi32, #tpu.memory_space<vmem>>, %arg14: memref<80x128xf32, #tpu.memory_space<vmem>>, %arg15: memref<10112x128xf32, #tpu.memory_space<vmem_shared>>, %arg16: memref<80x128xf32, #tpu.memory_space<vmem_shared>>, %arg17: memref<!tpu.dma_semaphore, #tpu.memory_space<semaphore_mem>>, %arg18: memref<!tpu.dma_semaphore, #tpu.memory_space<semaphore_mem>>, %arg19: memref<!tpu.dma_semaphore, #tpu.memory_space<semaphore_mem>>, %arg20: memref<!tpu.dma_semaphore, #tpu.memory_space<semaphore_mem>>, %arg21: memref<!tpu.dma_semaphore, #tpu.memory_space<semaphore_mem>>, %arg22: memref<!tpu.dma_semaphore, #tpu.memory_space<semaphore_mem>>) attributes {dimension_semantics = [#tpu.dimension_semantics<core_parallel>, #tpu.dimension_semantics<subcore_parallel>], iteration_bounds = array<i64: 2, 16>, scalar_prefetch = 0 : i64, scratch_operands = 15 : i64, tpu.core_type = #tpu.core_type<sc_vector_subcore>, window_params = [{transform_indices = #map}, {transform_indices = #map}, {transform_indices = #map}, {transform_indices = #map1}, {transform_indices = #map2}, {transform_indices = #map2}]} {
    %mul3A = arith.constant 16 : i32
    %mul3A_0 = arith.muli %arg0, %mul3A : i32
    %add3A = arith.addi %mul3A_0, %arg1 : i32
    %mul3A_1 = arith.constant 80 : i32
    %mul3A_2 = arith.muli %add3A, %mul3A_1 : i32
    %broadcast_in_dim3A = arith.constant 0.000000e+00 : f32
    %broadcast_in_dim3A_3 = vector.broadcast %broadcast_in_dim3A : f32 to vector<16xf32>
    %scan3A = arith.constant 0 : i32
    %scan3A_4 = arith.constant 128 : i32
    %scan3A_5 = arith.addi %scan3A, %scan3A_4 : i32
    %scan3A_6 = arith.constant 1 : i32
    scf.for %scan3A_68 = %scan3A to %scan3A_5 step %scan3A_6  : i32 {
      %mul3A_69 = arith.constant 1 : i32
      %mul3A_70 = arith.muli %scan3A_68, %mul3A_69 : i32
      %add3A_71 = arith.constant 0 : i32
      %add3A_72 = arith.addi %add3A_71, %mul3A_70 : i32
      %swap3A = arith.index_cast %add3A_72 : i32 to index
      %swap3A_73 = arith.constant 0 : index
      %swap3A_74 = tpu.vector_load %arg12[%swap3A, %swap3A_73] {strides = array<i32>} : memref<256x128xf32, #tpu.memory_space<vmem>>, vector<16xf32>,
      tpu.vector_store %arg12[%swap3A, %swap3A_73], %broadcast_in_dim3A_3 {strides = array<i32>} : memref<256x128xf32, #tpu.memory_space<vmem>>, vector<16xf32>,
      %swap3A_75 = arith.index_cast %add3A_72 : i32 to index
      %swap3A_76 = arith.constant 16 : index
      %swap3A_77 = tpu.vector_load %arg12[%swap3A_75, %swap3A_76] {strides = array<i32>} : memref<256x128xf32, #tpu.memory_space<vmem>>, vector<16xf32>,
      tpu.vector_store %arg12[%swap3A_75, %swap3A_76], %broadcast_in_dim3A_3 {strides = array<i32>} : memref<256x128xf32, #tpu.memory_space<vmem>>, vector<16xf32>,
      %swap3A_78 = arith.index_cast %add3A_72 : i32 to index
      %swap3A_79 = arith.constant 32 : index
      %swap3A_80 = tpu.vector_load %arg12[%swap3A_78, %swap3A_79] {strides = array<i32>} : memref<256x128xf32, #tpu.memory_space<vmem>>, vector<16xf32>,
      tpu.vector_store %arg12[%swap3A_78, %swap3A_79], %broadcast_in_dim3A_3 {strides = array<i32>} : memref<256x128xf32, #tpu.memory_space<vmem>>, vector<16xf32>,
      %swap3A_81 = arith.index_cast %add3A_72 : i32 to index
      %swap3A_82 = arith.constant 48 : index
      %swap3A_83 = tpu.vector_load %arg12[%swap3A_81, %swap3A_82] {strides = array<i32>} : memref<256x128xf32, #tpu.memory_space<vmem>>, vector<16xf32>,
      tpu.vector_store %arg12[%swap3A_81, %swap3A_82], %broadcast_in_dim3A_3 {strides = array<i32>} : memref<256x128xf32, #tpu.memory_space<vmem>>, vector<16xf32>,
      %swap3A_84 = arith.index_cast %add3A_72 : i32 to index
      %swap3A_85 = arith.constant 64 : index
      %swap3A_86 = tpu.vector_load %arg12[%swap3A_84, %swap3A_85] {strides = array<i32>} : memref<256x128xf32, #tpu.memory_space<vmem>>, vector<16xf32>,
      tpu.vector_store %arg12[%swap3A_84, %swap3A_85], %broadcast_in_dim3A_3 {strides = array<i32>} : memref<256x128xf32, #tpu.memory_space<vmem>>, vector<16xf32>,
      %swap3A_87 = arith.index_cast %add3A_72 : i32 to index
      %swap3A_88 = arith.constant 80 : index
      %swap3A_89 = tpu.vector_load %arg12[%swap3A_87, %swap3A_88] {strides = array<i32>} : memref<256x128xf32, #tpu.memory_space<vmem>>, vector<16xf32>,
      tpu.vector_store %arg12[%swap3A_87, %swap3A_88], %broadcast_in_dim3A_3 {strides = array<i32>} : memref<256x128xf32, #tpu.memory_space<vmem>>, vector<16xf32>,
      %swap3A_90 = arith.index_cast %add3A_72 : i32 to index
      %swap3A_91 = arith.constant 96 : index
      %swap3A_92 = tpu.vector_load %arg12[%swap3A_90, %swap3A_91] {strides = array<i32>} : memref<256x128xf32, #tpu.memory_space<vmem>>, vector<16xf32>,
      tpu.vector_store %arg12[%swap3A_90, %swap3A_91], %broadcast_in_dim3A_3 {strides = array<i32>} : memref<256x128xf32, #tpu.memory_space<vmem>>, vector<16xf32>,
      %swap3A_93 = arith.index_cast %add3A_72 : i32 to index
      %swap3A_94 = arith.constant 112 : index
      %swap3A_95 = tpu.vector_load %arg12[%swap3A_93, %swap3A_94] {strides = array<i32>} : memref<256x128xf32, #tpu.memory_space<vmem>>, vector<16xf32>,
      tpu.vector_store %arg12[%swap3A_93, %swap3A_94], %broadcast_in_dim3A_3 {strides = array<i32>} : memref<256x128xf32, #tpu.memory_space<vmem>>, vector<16xf32>,
    }
    %scan3A_7 = arith.constant 128 : i32
    %mul3A_8 = arith.constant 632 : i32
    %mul3A_9 = arith.muli %arg1, %mul3A_8 : i32
    %add3A_10 = arith.constant 0 : i32
    %add3A_11 = arith.addi %mul3A_9, %add3A_10 : i32
    "tpu.region"() ({
      %run_scoped3A = tpu.sem_alloc : memref<!tpu.dma_semaphore, #tpu.memory_space<semaphore_mem>>
      %dma_start3A_68 = arith.constant 0 : i32
      %dma_start3A_69 = arith.constant 0 : i32
      %dma_start3A_70 = tpu.memref_slice %arg12[%dma_start3A_68, %dma_start3A_69] : memref<256x128xf32, #tpu.memory_space<vmem>> -> memref<128x128xf32, #tpu.memory_space<vmem>>
      %dma_start3A_71 = arith.constant 0 : i32
      %dma_start3A_72 = tpu.memref_slice %arg15[%add3A_11, %dma_start3A_71] : memref<10112x128xf32, #tpu.memory_space<vmem_shared>> -> memref<128x128xf32, #tpu.memory_space<vmem_shared>>
      %dma_start3A_73 = arith.constant 0 : i32
      %dma_start3A_74 = tpu.memref_slice %arg15[%add3A_11, %dma_start3A_73] : memref<10112x128xf32, #tpu.memory_space<vmem_shared>> -> memref<128x128xf32, #tpu.memory_space<vmem_shared>>
      %dma_start3A_75 = arith.constant 0 : i32
      %dma_start3A_76 = arith.constant 0 : i32
      %dma_start3A_77 = tpu.memref_slice %arg12[%dma_start3A_75, %dma_start3A_76] : memref<256x128xf32, #tpu.memory_space<vmem>> -> memref<128x128xf32, #tpu.memory_space<vmem>>
      tpu.enqueue_dma source(%dma_start3A_77 : memref<128x128xf32, #tpu.memory_space<vmem>>) target(%dma_start3A_74 : memref<128x128xf32, #tpu.memory_space<vmem_shared>>) target_semaphore(%run_scoped3A : memref<!tpu.dma_semaphore, #tpu.memory_space<semaphore_mem>>)
      %dma_wait3A_78 = arith.constant 0 : i32
      %dma_wait3A_79 = arith.constant 0 : i32
      %dma_wait3A_80 = tpu.memref_slice %arg12[%dma_wait3A_78, %dma_wait3A_79] : memref<256x128xf32, #tpu.memory_space<vmem>> -> memref<128x128xf32, #tpu.memory_space<vmem>>
      %dma_wait3A_81 = arith.constant 0 : i32
      %dma_wait3A_82 = tpu.memref_slice %arg15[%add3A_11, %dma_wait3A_81] : memref<10112x128xf32, #tpu.memory_space<vmem_shared>> -> memref<128x128xf32, #tpu.memory_space<vmem_shared>>
      %dma_wait3A_83 = arith.constant 0 : i32
      %dma_wait3A_84 = tpu.memref_slice %arg15[%add3A_11, %dma_wait3A_83] : memref<10112x128xf32, #tpu.memory_space<vmem_shared>> -> memref<128x128xf32, #tpu.memory_space<vmem_shared>>
      %dma_wait3A_85 = arith.constant 0 : i32
      %dma_wait3A_86 = arith.constant 0 : i32
      %dma_wait3A_87 = tpu.memref_slice %arg12[%dma_wait3A_85, %dma_wait3A_86] : memref<256x128xf32, #tpu.memory_space<vmem>> -> memref<128x128xf32, #tpu.memory_space<vmem>>
      tpu.wait_dma2 semaphore(%run_scoped3A : memref<!tpu.dma_semaphore, #tpu.memory_space<semaphore_mem>>) src(%dma_wait3A_87 : memref<128x128xf32, #tpu.memory_space<vmem>>) dst(%dma_wait3A_84 : memref<128x128xf32, #tpu.memory_space<vmem_shared>>)
      tpu.yield
    }) : () -> ()
    %add3A_12 = arith.constant 128 : i32
    %add3A_13 = arith.addi %mul3A_9, %add3A_12 : i32
    "tpu.region"() ({
      %run_scoped3A = tpu.sem_alloc : memref<!tpu.dma_semaphore, #tpu.memory_space<semaphore_mem>>
      %dma_start3A_68 = arith.constant 0 : i32
      %dma_start3A_69 = arith.constant 0 : i32
      %dma_start3A_70 = tpu.memref_slice %arg12[%dma_start3A_68, %dma_start3A_69] : memref<256x128xf32, #tpu.memory_space<vmem>> -> memref<128x128xf32, #tpu.memory_space<vmem>>
      %dma_start3A_71 = arith.constant 0 : i32
      %dma_start3A_72 = tpu.memref_slice %arg15[%add3A_13, %dma_start3A_71] : memref<10112x128xf32, #tpu.memory_space<vmem_shared>> -> memref<128x128xf32, #tpu.memory_space<vmem_shared>>
      %dma_start3A_73 = arith.constant 0 : i32
      %dma_start3A_74 = tpu.memref_slice %arg15[%add3A_13, %dma_start3A_73] : memref<10112x128xf32, #tpu.memory_space<vmem_shared>> -> memref<128x128xf32, #tpu.memory_space<vmem_shared>>
      %dma_start3A_75 = arith.constant 0 : i32
      %dma_start3A_76 = arith.constant 0 : i32
      %dma_start3A_77 = tpu.memref_slice %arg12[%dma_start3A_75, %dma_start3A_76] : memref<256x128xf32, #tpu.memory_space<vmem>> -> memref<128x128xf32, #tpu.memory_space<vmem>>
      tpu.enqueue_dma source(%dma_start3A_77 : memref<128x128xf32, #tpu.memory_space<vmem>>) target(%dma_start3A_74 : memref<128x128xf32, #tpu.memory_space<vmem_shared>>) target_semaphore(%run_scoped3A : memref<!tpu.dma_semaphore, #tpu.memory_space<semaphore_mem>>)
      %dma_wait3A_78 = arith.constant 0 : i32
      %dma_wait3A_79 = arith.constant 0 : i32
      %dma_wait3A_80 = tpu.memref_slice %arg12[%dma_wait3A_78, %dma_wait3A_79] : memref<256x128xf32, #tpu.memory_space<vmem>> -> memref<128x128xf32, #tpu.memory_space<vmem>>
      %dma_wait3A_81 = arith.constant 0 : i32
      %dma_wait3A_82 = tpu.memref_slice %arg15[%add3A_13, %dma_wait3A_81] : memref<10112x128xf32, #tpu.memory_space<vmem_shared>> -> memref<128x128xf32, #tpu.memory_space<vmem_shared>>
      %dma_wait3A_83 = arith.constant 0 : i32
      %dma_wait3A_84 = tpu.memref_slice %arg15[%add3A_13, %dma_wait3A_83] : memref<10112x128xf32, #tpu.memory_space<vmem_shared>> -> memref<128x128xf32, #tpu.memory_space<vmem_shared>>
      %dma_wait3A_85 = arith.constant 0 : i32
      %dma_wait3A_86 = arith.constant 0 : i32
      %dma_wait3A_87 = tpu.memref_slice %arg12[%dma_wait3A_85, %dma_wait3A_86] : memref<256x128xf32, #tpu.memory_space<vmem>> -> memref<128x128xf32, #tpu.memory_space<vmem>>
      tpu.wait_dma2 semaphore(%run_scoped3A : memref<!tpu.dma_semaphore, #tpu.memory_space<semaphore_mem>>) src(%dma_wait3A_87 : memref<128x128xf32, #tpu.memory_space<vmem>>) dst(%dma_wait3A_84 : memref<128x128xf32, #tpu.memory_space<vmem_shared>>)
      tpu.yield
    }) : () -> ()
    %add3A_14 = arith.constant 256 : i32
    %add3A_15 = arith.addi %mul3A_9, %add3A_14 : i32
    "tpu.region"() ({
      %run_scoped3A = tpu.sem_alloc : memref<!tpu.dma_semaphore, #tpu.memory_space<semaphore_mem>>
      %dma_start3A_68 = arith.constant 0 : i32
      %dma_start3A_69 = arith.constant 0 : i32
      %dma_start3A_70 = tpu.memref_slice %arg12[%dma_start3A_68, %dma_start3A_69] : memref<256x128xf32, #tpu.memory_space<vmem>> -> memref<128x128xf32, #tpu.memory_space<vmem>>
      %dma_start3A_71 = arith.constant 0 : i32
      %dma_start3A_72 = tpu.memref_slice %arg15[%add3A_15, %dma_start3A_71] : memref<10112x128xf32, #tpu.memory_space<vmem_shared>> -> memref<128x128xf32, #tpu.memory_space<vmem_shared>>
      %dma_start3A_73 = arith.constant 0 : i32
      %dma_start3A_74 = tpu.memref_slice %arg15[%add3A_15, %dma_start3A_73] : memref<10112x128xf32, #tpu.memory_space<vmem_shared>> -> memref<128x128xf32, #tpu.memory_space<vmem_shared>>
      %dma_start3A_75 = arith.constant 0 : i32
      %dma_start3A_76 = arith.constant 0 : i32
      %dma_start3A_77 = tpu.memref_slice %arg12[%dma_start3A_75, %dma_start3A_76] : memref<256x128xf32, #tpu.memory_space<vmem>> -> memref<128x128xf32, #tpu.memory_space<vmem>>
      tpu.enqueue_dma source(%dma_start3A_77 : memref<128x128xf32, #tpu.memory_space<vmem>>) target(%dma_start3A_74 : memref<128x128xf32, #tpu.memory_space<vmem_shared>>) target_semaphore(%run_scoped3A : memref<!tpu.dma_semaphore, #tpu.memory_space<semaphore_mem>>)
      %dma_wait3A_78 = arith.constant 0 : i32
      %dma_wait3A_79 = arith.constant 0 : i32
      %dma_wait3A_80 = tpu.memref_slice %arg12[%dma_wait3A_78, %dma_wait3A_79] : memref<256x128xf32, #tpu.memory_space<vmem>> -> memref<128x128xf32, #tpu.memory_space<vmem>>
      %dma_wait3A_81 = arith.constant 0 : i32
      %dma_wait3A_82 = tpu.memref_slice %arg15[%add3A_15, %dma_wait3A_81] : memref<10112x128xf32, #tpu.memory_space<vmem_shared>> -> memref<128x128xf32, #tpu.memory_space<vmem_shared>>
      %dma_wait3A_83 = arith.constant 0 : i32
      %dma_wait3A_84 = tpu.memref_slice %arg15[%add3A_15, %dma_wait3A_83] : memref<10112x128xf32, #tpu.memory_space<vmem_shared>> -> memref<128x128xf32, #tpu.memory_space<vmem_shared>>
      %dma_wait3A_85 = arith.constant 0 : i32
      %dma_wait3A_86 = arith.constant 0 : i32
      %dma_wait3A_87 = tpu.memref_slice %arg12[%dma_wait3A_85, %dma_wait3A_86] : memref<256x128xf32, #tpu.memory_space<vmem>> -> memref<128x128xf32, #tpu.memory_space<vmem>>
      tpu.wait_dma2 semaphore(%run_scoped3A : memref<!tpu.dma_semaphore, #tpu.memory_space<semaphore_mem>>) src(%dma_wait3A_87 : memref<128x128xf32, #tpu.memory_space<vmem>>) dst(%dma_wait3A_84 : memref<128x128xf32, #tpu.memory_space<vmem_shared>>)
      tpu.yield
    }) : () -> ()
    %add3A_16 = arith.constant 384 : i32
    %add3A_17 = arith.addi %mul3A_9, %add3A_16 : i32
    "tpu.region"() ({
      %run_scoped3A = tpu.sem_alloc : memref<!tpu.dma_semaphore, #tpu.memory_space<semaphore_mem>>
      %dma_start3A_68 = arith.constant 0 : i32
      %dma_start3A_69 = arith.constant 0 : i32
      %dma_start3A_70 = tpu.memref_slice %arg12[%dma_start3A_68, %dma_start3A_69] : memref<256x128xf32, #tpu.memory_space<vmem>> -> memref<128x128xf32, #tpu.memory_space<vmem>>
      %dma_start3A_71 = arith.constant 0 : i32
      %dma_start3A_72 = tpu.memref_slice %arg15[%add3A_17, %dma_start3A_71] : memref<10112x128xf32, #tpu.memory_space<vmem_shared>> -> memref<128x128xf32, #tpu.memory_space<vmem_shared>>
      %dma_start3A_73 = arith.constant 0 : i32
      %dma_start3A_74 = tpu.memref_slice %arg15[%add3A_17, %dma_start3A_73] : memref<10112x128xf32, #tpu.memory_space<vmem_shared>> -> memref<128x128xf32, #tpu.memory_space<vmem_shared>>
      %dma_start3A_75 = arith.constant 0 : i32
      %dma_start3A_76 = arith.constant 0 : i32
      %dma_start3A_77 = tpu.memref_slice %arg12[%dma_start3A_75, %dma_start3A_76] : memref<256x128xf32, #tpu.memory_space<vmem>> -> memref<128x128xf32, #tpu.memory_space<vmem>>
      tpu.enqueue_dma source(%dma_start3A_77 : memref<128x128xf32, #tpu.memory_space<vmem>>) target(%dma_start3A_74 : memref<128x128xf32, #tpu.memory_space<vmem_shared>>) target_semaphore(%run_scoped3A : memref<!tpu.dma_semaphore, #tpu.memory_space<semaphore_mem>>)
      %dma_wait3A_78 = arith.constant 0 : i32
      %dma_wait3A_79 = arith.constant 0 : i32
      %dma_wait3A_80 = tpu.memref_slice %arg12[%dma_wait3A_78, %dma_wait3A_79] : memref<256x128xf32, #tpu.memory_space<vmem>> -> memref<128x128xf32, #tpu.memory_space<vmem>>
      %dma_wait3A_81 = arith.constant 0 : i32
      %dma_wait3A_82 = tpu.memref_slice %arg15[%add3A_17, %dma_wait3A_81] : memref<10112x128xf32, #tpu.memory_space<vmem_shared>> -> memref<128x128xf32, #tpu.memory_space<vmem_shared>>
      %dma_wait3A_83 = arith.constant 0 : i32
      %dma_wait3A_84 = tpu.memref_slice %arg15[%add3A_17, %dma_wait3A_83] : memref<10112x128xf32, #tpu.memory_space<vmem_shared>> -> memref<128x128xf32, #tpu.memory_space<vmem_shared>>
      %dma_wait3A_85 = arith.constant 0 : i32
      %dma_wait3A_86 = arith.constant 0 : i32
      %dma_wait3A_87 = tpu.memref_slice %arg12[%dma_wait3A_85, %dma_wait3A_86] : memref<256x128xf32, #tpu.memory_space<vmem>> -> memref<128x128xf32, #tpu.memory_space<vmem>>
      tpu.wait_dma2 semaphore(%run_scoped3A : memref<!tpu.dma_semaphore, #tpu.memory_space<semaphore_mem>>) src(%dma_wait3A_87 : memref<128x128xf32, #tpu.memory_space<vmem>>) dst(%dma_wait3A_84 : memref<128x128xf32, #tpu.memory_space<vmem_shared>>)
      tpu.yield
    }) : () -> ()
    %add3A_18 = arith.constant 512 : i32
    %add3A_19 = arith.addi %mul3A_9, %add3A_18 : i32
    "tpu.region"() ({
      %run_scoped3A = tpu.sem_alloc : memref<!tpu.dma_semaphore, #tpu.memory_space<semaphore_mem>>
      %dma_start3A_68 = arith.constant 0 : i32
      %dma_start3A_69 = arith.constant 0 : i32
      %dma_start3A_70 = tpu.memref_slice %arg12[%dma_start3A_68, %dma_start3A_69] : memref<256x128xf32, #tpu.memory_space<vmem>> -> memref<120x128xf32, #tpu.memory_space<vmem>>
      %dma_start3A_71 = arith.constant 0 : i32
      %dma_start3A_72 = tpu.memref_slice %arg15[%add3A_19, %dma_start3A_71] : memref<10112x128xf32, #tpu.memory_space<vmem_shared>> -> memref<120x128xf32, #tpu.memory_space<vmem_shared>>
      %dma_start3A_73 = arith.constant 0 : i32
      %dma_start3A_74 = tpu.memref_slice %arg15[%add3A_19, %dma_start3A_73] : memref<10112x128xf32, #tpu.memory_space<vmem_shared>> -> memref<120x128xf32, #tpu.memory_space<vmem_shared>>
      %dma_start3A_75 = arith.constant 0 : i32
      %dma_start3A_76 = arith.constant 0 : i32
      %dma_start3A_77 = tpu.memref_slice %arg12[%dma_start3A_75, %dma_start3A_76] : memref<256x128xf32, #tpu.memory_space<vmem>> -> memref<120x128xf32, #tpu.memory_space<vmem>>
      tpu.enqueue_dma source(%dma_start3A_77 : memref<120x128xf32, #tpu.memory_space<vmem>>) target(%dma_start3A_74 : memref<120x128xf32, #tpu.memory_space<vmem_shared>>) target_semaphore(%run_scoped3A : memref<!tpu.dma_semaphore, #tpu.memory_space<semaphore_mem>>)
      %dma_wait3A_78 = arith.constant 0 : i32
      %dma_wait3A_79 = arith.constant 0 : i32
      %dma_wait3A_80 = tpu.memref_slice %arg12[%dma_wait3A_78, %dma_wait3A_79] : memref<256x128xf32, #tpu.memory_space<vmem>> -> memref<120x128xf32, #tpu.memory_space<vmem>>
      %dma_wait3A_81 = arith.constant 0 : i32
      %dma_wait3A_82 = tpu.memref_slice %arg15[%add3A_19, %dma_wait3A_81] : memref<10112x128xf32, #tpu.memory_space<vmem_shared>> -> memref<120x128xf32, #tpu.memory_space<vmem_shared>>
      %dma_wait3A_83 = arith.constant 0 : i32
      %dma_wait3A_84 = tpu.memref_slice %arg15[%add3A_19, %dma_wait3A_83] : memref<10112x128xf32, #tpu.memory_space<vmem_shared>> -> memref<120x128xf32, #tpu.memory_space<vmem_shared>>
      %dma_wait3A_85 = arith.constant 0 : i32
      %dma_wait3A_86 = arith.constant 0 : i32
      %dma_wait3A_87 = tpu.memref_slice %arg12[%dma_wait3A_85, %dma_wait3A_86] : memref<256x128xf32, #tpu.memory_space<vmem>> -> memref<120x128xf32, #tpu.memory_space<vmem>>
      tpu.wait_dma2 semaphore(%run_scoped3A : memref<!tpu.dma_semaphore, #tpu.memory_space<semaphore_mem>>) src(%dma_wait3A_87 : memref<120x128xf32, #tpu.memory_space<vmem>>) dst(%dma_wait3A_84 : memref<120x128xf32, #tpu.memory_space<vmem_shared>>)
      tpu.yield
    }) : () -> ()
    %broadcast_in_dim3A_20 = arith.constant 0.000000e+00 : f32
    %broadcast_in_dim3A_21 = vector.broadcast %broadcast_in_dim3A_20 : f32 to vector<16xf32>
    %scan3A_22 = arith.constant 0 : i32
    %scan3A_23 = arith.constant 80 : i32
    %scan3A_24 = arith.addi %scan3A_22, %scan3A_23 : i32
    %scan3A_25 = arith.constant 1 : i32
    scf.for %scan3A_68 = %scan3A_22 to %scan3A_24 step %scan3A_25  : i32 {
      %mul3A_69 = arith.constant 1 : i32
      %mul3A_70 = arith.muli %scan3A_68, %mul3A_69 : i32
      %add3A_71 = arith.constant 0 : i32
      %add3A_72 = arith.addi %add3A_71, %mul3A_70 : i32
      %swap3A = arith.index_cast %add3A_72 : i32 to index
      %swap3A_73 = arith.constant 0 : index
      %swap3A_74 = tpu.vector_load %arg14[%swap3A, %swap3A_73] {strides = array<i32>} : memref<80x128xf32, #tpu.memory_space<vmem>>, vector<16xf32>,
      tpu.vector_store %arg14[%swap3A, %swap3A_73], %broadcast_in_dim3A_21 {strides = array<i32>} : memref<80x128xf32, #tpu.memory_space<vmem>>, vector<16xf32>,
      %swap3A_75 = arith.index_cast %add3A_72 : i32 to index
      %swap3A_76 = arith.constant 16 : index
      %swap3A_77 = tpu.vector_load %arg14[%swap3A_75, %swap3A_76] {strides = array<i32>} : memref<80x128xf32, #tpu.memory_space<vmem>>, vector<16xf32>,
      tpu.vector_store %arg14[%swap3A_75, %swap3A_76], %broadcast_in_dim3A_21 {strides = array<i32>} : memref<80x128xf32, #tpu.memory_space<vmem>>, vector<16xf32>,
      %swap3A_78 = arith.index_cast %add3A_72 : i32 to index
      %swap3A_79 = arith.constant 32 : index
      %swap3A_80 = tpu.vector_load %arg14[%swap3A_78, %swap3A_79] {strides = array<i32>} : memref<80x128xf32, #tpu.memory_space<vmem>>, vector<16xf32>,
      tpu.vector_store %arg14[%swap3A_78, %swap3A_79], %broadcast_in_dim3A_21 {strides = array<i32>} : memref<80x128xf32, #tpu.memory_space<vmem>>, vector<16xf32>,
      %swap3A_81 = arith.index_cast %add3A_72 : i32 to index
      %swap3A_82 = arith.constant 48 : index
      %swap3A_83 = tpu.vector_load %arg14[%swap3A_81, %swap3A_82] {strides = array<i32>} : memref<80x128xf32, #tpu.memory_space<vmem>>, vector<16xf32>,
      tpu.vector_store %arg14[%swap3A_81, %swap3A_82], %broadcast_in_dim3A_21 {strides = array<i32>} : memref<80x128xf32, #tpu.memory_space<vmem>>, vector<16xf32>,
      %swap3A_84 = arith.index_cast %add3A_72 : i32 to index
      %swap3A_85 = arith.constant 64 : index
      %swap3A_86 = tpu.vector_load %arg14[%swap3A_84, %swap3A_85] {strides = array<i32>} : memref<80x128xf32, #tpu.memory_space<vmem>>, vector<16xf32>,
      tpu.vector_store %arg14[%swap3A_84, %swap3A_85], %broadcast_in_dim3A_21 {strides = array<i32>} : memref<80x128xf32, #tpu.memory_space<vmem>>, vector<16xf32>,
      %swap3A_87 = arith.index_cast %add3A_72 : i32 to index
      %swap3A_88 = arith.constant 80 : index
      %swap3A_89 = tpu.vector_load %arg14[%swap3A_87, %swap3A_88] {strides = array<i32>} : memref<80x128xf32, #tpu.memory_space<vmem>>, vector<16xf32>,
      tpu.vector_store %arg14[%swap3A_87, %swap3A_88], %broadcast_in_dim3A_21 {strides = array<i32>} : memref<80x128xf32, #tpu.memory_space<vmem>>, vector<16xf32>,
      %swap3A_90 = arith.index_cast %add3A_72 : i32 to index
      %swap3A_91 = arith.constant 96 : index
      %swap3A_92 = tpu.vector_load %arg14[%swap3A_90, %swap3A_91] {strides = array<i32>} : memref<80x128xf32, #tpu.memory_space<vmem>>, vector<16xf32>,
      tpu.vector_store %arg14[%swap3A_90, %swap3A_91], %broadcast_in_dim3A_21 {strides = array<i32>} : memref<80x128xf32, #tpu.memory_space<vmem>>, vector<16xf32>,
      %swap3A_93 = arith.index_cast %add3A_72 : i32 to index
      %swap3A_94 = arith.constant 112 : index
      %swap3A_95 = tpu.vector_load %arg14[%swap3A_93, %swap3A_94] {strides = array<i32>} : memref<80x128xf32, #tpu.memory_space<vmem>>, vector<16xf32>,
      tpu.vector_store %arg14[%swap3A_93, %swap3A_94], %broadcast_in_dim3A_21 {strides = array<i32>} : memref<80x128xf32, #tpu.memory_space<vmem>>, vector<16xf32>,
    }
    %scan3A_26 = arith.constant 80 : i32
    %eq3A = arith.constant 0 : i32
    %eq3A_27 = arith.cmpi eq, %arg1, %eq3A : i32
    %convert_element_type3A = arith.extui %eq3A_27 : i1 to i32
    %cond3A = arith.constant 0 : i32
    %cond3A_28 = arith.cmpi ne, %convert_element_type3A, %cond3A : i32
    scf.if %cond3A_28 {
      "tpu.region"() ({
        %run_scoped3A = tpu.sem_alloc : memref<!tpu.dma_semaphore, #tpu.memory_space<semaphore_mem>>
        %dma_start3A_68 = arith.constant 0 : i32
        %dma_start3A_69 = arith.constant 0 : i32
        %dma_start3A_70 = tpu.memref_slice %arg12[%dma_start3A_68, %dma_start3A_69] : memref<256x128xf32, #tpu.memory_space<vmem>> -> memref<80x128xf32, #tpu.memory_space<vmem>>
        %dma_start3A_71 = arith.constant 0 : i32
        %dma_start3A_72 = arith.constant 0 : i32
        %dma_start3A_73 = tpu.memref_slice %arg12[%dma_start3A_71, %dma_start3A_72] : memref<256x128xf32, #tpu.memory_space<vmem>> -> memref<80x128xf32, #tpu.memory_space<vmem>>
        tpu.enqueue_dma source(%dma_start3A_73 : memref<80x128xf32, #tpu.memory_space<vmem>>) target(%arg16 : memref<80x128xf32, #tpu.memory_space<vmem_shared>>) target_semaphore(%run_scoped3A : memref<!tpu.dma_semaphore, #tpu.memory_space<semaphore_mem>>)
        %dma_wait3A_74 = arith.constant 0 : i32
        %dma_wait3A_75 = arith.constant 0 : i32
        %dma_wait3A_76 = tpu.memref_slice %arg12[%dma_wait3A_74, %dma_wait3A_75] : memref<256x128xf32, #tpu.memory_space<vmem>> -> memref<80x128xf32, #tpu.memory_space<vmem>>
        %dma_wait3A_77 = arith.constant 0 : i32
        %dma_wait3A_78 = arith.constant 0 : i32
        %dma_wait3A_79 = tpu.memref_slice %arg12[%dma_wait3A_77, %dma_wait3A_78] : memref<256x128xf32, #tpu.memory_space<vmem>> -> memref<80x128xf32, #tpu.memory_space<vmem>>
        tpu.wait_dma2 semaphore(%run_scoped3A : memref<!tpu.dma_semaphore, #tpu.memory_space<semaphore_mem>>) src(%dma_wait3A_79 : memref<80x128xf32, #tpu.memory_space<vmem>>) dst(%arg16 : memref<80x128xf32, #tpu.memory_space<vmem_shared>>)
        tpu.yield
      }) : () -> ()
    } else {
    }
    "tpu.region"() ({
      %run_scoped3A = tpu.sem_alloc : memref<!tpu.dma_semaphore, #tpu.memory_space<semaphore_mem>>
      tpu.enqueue_dma source(%arg5 : memref<80xi32, #tpu.memory_space<hbm>>) target(%arg13 : memref<80xi32, #tpu.memory_space<vmem>>) target_semaphore(%run_scoped3A : memref<!tpu.dma_semaphore, #tpu.memory_space<semaphore_mem>>)
      tpu.wait_dma2 semaphore(%run_scoped3A : memref<!tpu.dma_semaphore, #tpu.memory_space<semaphore_mem>>) src(%arg5 : memref<80xi32, #tpu.memory_space<hbm>>) dst(%arg13 : memref<80xi32, #tpu.memory_space<vmem>>)
      tpu.yield
    }) : () -> ()
    %barrier3A = arith.constant 0 : index
    tpu.barrier barrier_id(%barrier3A)
    %broadcast_in_dim3A_29 = arith.constant 1.000000e+00 : f32
    %broadcast_in_dim3A_30 = vector.broadcast %broadcast_in_dim3A_29 : f32 to vector<16xf32>
    "tpu.region"() ({
      %run_scoped3A = tpu.sem_alloc : memref<!tpu.dma_semaphore, #tpu.memory_space<semaphore_mem>>
      %dma_start3A_68 = arith.constant 0 : i32
      %dma_start3A_69 = tpu.memref_slice %arg3[%mul3A_2, %dma_start3A_68] : memref<2576x128xi32, #tpu.memory_space<hbm>> -> memref<8x128xi32, #tpu.memory_space<hbm>>
      %dma_start3A_70 = arith.constant 0 : i32
      %dma_start3A_71 = tpu.memref_slice %arg3[%mul3A_2, %dma_start3A_70] : memref<2576x128xi32, #tpu.memory_space<hbm>> -> memref<8x128xi32, #tpu.memory_space<hbm>>
      tpu.enqueue_dma source(%dma_start3A_71 : memref<8x128xi32, #tpu.memory_space<hbm>>) target(%arg8 : memref<8x128xi32, #tpu.memory_space<vmem>>) target_semaphore(%run_scoped3A : memref<!tpu.dma_semaphore, #tpu.memory_space<semaphore_mem>>)
      %dma_wait3A_72 = arith.constant 0 : i32
      %dma_wait3A_73 = tpu.memref_slice %arg3[%mul3A_2, %dma_wait3A_72] : memref<2576x128xi32, #tpu.memory_space<hbm>> -> memref<8x128xi32, #tpu.memory_space<hbm>>
      %dma_wait3A_74 = arith.constant 0 : i32
      %dma_wait3A_75 = tpu.memref_slice %arg3[%mul3A_2, %dma_wait3A_74] : memref<2576x128xi32, #tpu.memory_space<hbm>> -> memref<8x128xi32, #tpu.memory_space<hbm>>
      tpu.wait_dma2 semaphore(%run_scoped3A : memref<!tpu.dma_semaphore, #tpu.memory_space<semaphore_mem>>) src(%dma_wait3A_75 : memref<8x128xi32, #tpu.memory_space<hbm>>) dst(%arg8 : memref<8x128xi32, #tpu.memory_space<vmem>>)
      tpu.yield
    }) : () -> ()
    "tpu.region"() ({
      %run_scoped3A = tpu.sem_alloc : memref<!tpu.dma_semaphore, #tpu.memory_space<semaphore_mem>>
      %dma_start3A_68 = arith.constant 0 : i32
      %dma_start3A_69 = tpu.memref_slice %arg4[%mul3A_2, %dma_start3A_68] : memref<2576x128xi32, #tpu.memory_space<hbm>> -> memref<8x128xi32, #tpu.memory_space<hbm>>
      %dma_start3A_70 = arith.constant 0 : i32
      %dma_start3A_71 = tpu.memref_slice %arg4[%mul3A_2, %dma_start3A_70] : memref<2576x128xi32, #tpu.memory_space<hbm>> -> memref<8x128xi32, #tpu.memory_space<hbm>>
      tpu.enqueue_dma source(%dma_start3A_71 : memref<8x128xi32, #tpu.memory_space<hbm>>) target(%arg9 : memref<8x128xi32, #tpu.memory_space<vmem>>) target_semaphore(%run_scoped3A : memref<!tpu.dma_semaphore, #tpu.memory_space<semaphore_mem>>)
      %dma_wait3A_72 = arith.constant 0 : i32
      %dma_wait3A_73 = tpu.memref_slice %arg4[%mul3A_2, %dma_wait3A_72] : memref<2576x128xi32, #tpu.memory_space<hbm>> -> memref<8x128xi32, #tpu.memory_space<hbm>>
      %dma_wait3A_74 = arith.constant 0 : i32
      %dma_wait3A_75 = tpu.memref_slice %arg4[%mul3A_2, %dma_wait3A_74] : memref<2576x128xi32, #tpu.memory_space<hbm>> -> memref<8x128xi32, #tpu.memory_space<hbm>>
      tpu.wait_dma2 semaphore(%run_scoped3A : memref<!tpu.dma_semaphore, #tpu.memory_space<semaphore_mem>>) src(%dma_wait3A_75 : memref<8x128xi32, #tpu.memory_space<hbm>>) dst(%arg9 : memref<8x128xi32, #tpu.memory_space<vmem>>)
      tpu.yield
    }) : () -> ()
    %add3A_31 = arith.constant 8 : i32
    %add3A_32 = arith.addi %mul3A_2, %add3A_31 : i32
    %dma_start3A = arith.constant 0 : i32
    %dma_start3A_33 = tpu.memref_slice %arg3[%add3A_32, %dma_start3A] : memref<2576x128xi32, #tpu.memory_space<hbm>> -> memref<8x128xi32, #tpu.memory_space<hbm>>
    %dma_start3A_34 = arith.constant 0 : i32
    %dma_start3A_35 = tpu.memref_slice %arg3[%add3A_32, %dma_start3A_34] : memref<2576x128xi32, #tpu.memory_space<hbm>> -> memref<8x128xi32, #tpu.memory_space<hbm>>
    tpu.enqueue_dma source(%dma_start3A_35 : memref<8x128xi32, #tpu.memory_space<hbm>>) target(%arg10 : memref<8x128xi32, #tpu.memory_space<vmem>>) target_semaphore(%arg18 : memref<!tpu.dma_semaphore, #tpu.memory_space<semaphore_mem>>)
    %add3A_36 = arith.constant 8 : i32
    %add3A_37 = arith.addi %mul3A_2, %add3A_36 : i32
    %dma_start3A_38 = arith.constant 0 : i32
    %dma_start3A_39 = tpu.memref_slice %arg4[%add3A_37, %dma_start3A_38] : memref<2576x128xi32, #tpu.memory_space<hbm>> -> memref<8x128xi32, #tpu.memory_space<hbm>>
    %dma_start3A_40 = arith.constant 0 : i32
    %dma_start3A_41 = tpu.memref_slice %arg4[%add3A_37, %dma_start3A_40] : memref<2576x128xi32, #tpu.memory_space<hbm>> -> memref<8x128xi32, #tpu.memory_space<hbm>>
    tpu.enqueue_dma source(%dma_start3A_41 : memref<8x128xi32, #tpu.memory_space<hbm>>) target(%arg11 : memref<8x128xi32, #tpu.memory_space<vmem>>) target_semaphore(%arg18 : memref<!tpu.dma_semaphore, #tpu.memory_space<semaphore_mem>>)
    %scan3A_42 = arith.constant 0 : i32
    %scan3A_43 = arith.constant 5 : i32
    %scan3A_44 = arith.addi %scan3A_42, %scan3A_43 : i32
    %scan3A_45 = arith.constant 1 : i32
    scf.for %scan3A_68 = %scan3A_42 to %scan3A_44 step %scan3A_45  : i32 {
      %mul3A_69 = arith.constant 2 : i32
      %mul3A_70 = arith.muli %scan3A_68, %mul3A_69 : i32
      %add3A_71 = arith.constant 0 : i32
      %add3A_72 = arith.addi %add3A_71, %mul3A_70 : i32
      %mul3A_73 = arith.constant 8 : i32
      %mul3A_74 = arith.muli %add3A_72, %mul3A_73 : i32
      %add3A_75 = arith.addi %mul3A_2, %mul3A_74 : i32
      %gt3A = arith.constant 0 : i32
      %gt3A_76 = arith.cmpi sgt, %add3A_72, %gt3A : i32
      %convert_element_type3A_77 = arith.extui %gt3A_76 : i1 to i32
      %cond3A_78 = arith.constant 0 : i32
      %cond3A_79 = arith.cmpi ne, %convert_element_type3A_77, %cond3A_78 : i32
      scf.if %cond3A_79 {
        %dma_wait3A_2031 = arith.constant 0 : i32
        %dma_wait3A_2032 = tpu.memref_slice %arg3[%add3A_75, %dma_wait3A_2031] : memref<2576x128xi32, #tpu.memory_space<hbm>> -> memref<8x128xi32, #tpu.memory_space<hbm>>
        %dma_wait3A_2033 = arith.constant 0 : i32
        %dma_wait3A_2034 = tpu.memref_slice %arg3[%add3A_75, %dma_wait3A_2033] : memref<2576x128xi32, #tpu.memory_space<hbm>> -> memref<8x128xi32, #tpu.memory_space<hbm>>
        tpu.wait_dma2 semaphore(%arg17 : memref<!tpu.dma_semaphore, #tpu.memory_space<semaphore_mem>>) src(%dma_wait3A_2034 : memref<8x128xi32, #tpu.memory_space<hbm>>) dst(%arg8 : memref<8x128xi32, #tpu.memory_space<vmem>>)
        %dma_wait3A_2035 = arith.constant 0 : i32
        %dma_wait3A_2036 = tpu.memref_slice %arg4[%add3A_75, %dma_wait3A_2035] : memref<2576x128xi32, #tpu.memory_space<hbm>> -> memref<8x128xi32, #tpu.memory_space<hbm>>
        %dma_wait3A_2037 = arith.constant 0 : i32
        %dma_wait3A_2038 = tpu.memref_slice %arg4[%add3A_75, %dma_wait3A_2037] : memref<2576x128xi32, #tpu.memory_space<hbm>> -> memref<8x128xi32, #tpu.memory_space<hbm>>
        tpu.wait_dma2 semaphore(%arg17 : memref<!tpu.dma_semaphore, #tpu.memory_space<semaphore_mem>>) src(%dma_wait3A_2038 : memref<8x128xi32, #tpu.memory_space<hbm>>) dst(%arg9 : memref<8x128xi32, #tpu.memory_space<vmem>>)
      } else {
      }
      %dma_start3A_80 = arith.constant 0 : i32
      %dma_start3A_81 = arith.constant 0 : i32
      %dma_start3A_82 = arith.constant 0 : i32
      %dma_start3A_83 = tpu.memref_slice %arg12[%dma_start3A_81, %dma_start3A_82] : memref<256x128xf32, #tpu.memory_space<vmem>> -> memref<128x128xf32, #tpu.memory_space<vmem>>
      %dma_start3A_84 = arith.constant 0 : i32
      %dma_start3A_85 = tpu.memref_slice %arg8[%dma_start3A_80, %dma_start3A_84] : memref<8x128xi32, #tpu.memory_space<vmem>> -> memref<1x128xi32, #tpu.memory_space<vmem>>
      %dma_start3A_86 = tpu.memref_squeeze %dma_start3A_85 : memref<1x128xi32, #tpu.memory_space<vmem>> -> memref<128xi32, #tpu.memory_space<vmem>>
      %dma_start3A_87 = arith.constant 0 : i32
      %dma_start3A_88 = arith.constant 0 : i32
      %dma_start3A_89 = tpu.memref_slice %arg2[%dma_start3A_87, %dma_start3A_88] : memref<10000x128xf32, #tpu.memory_space<hbm>> -> memref<10000x128xf32, #tpu.memory_space<hbm>>
      tpu.enqueue_indirect_dma source(%dma_start3A_89 : memref<10000x128xf32, #tpu.memory_space<hbm>>) target(%dma_start3A_83 : memref<128x128xf32, #tpu.memory_space<vmem>>) offsets(%dma_start3A_86 : memref<128xi32, #tpu.memory_space<vmem>>) semaphore(%arg19 : memref<!tpu.dma_semaphore, #tpu.memory_space<semaphore_mem>>)
      %dma_start3A_90 = arith.constant 1 : i32
      %dma_start3A_91 = arith.constant 128 : i32
      %dma_start3A_92 = arith.constant 0 : i32
      %dma_start3A_93 = tpu.memref_slice %arg12[%dma_start3A_91, %dma_start3A_92] : memref<256x128xf32, #tpu.memory_space<vmem>> -> memref<128x128xf32, #tpu.memory_space<vmem>>
      %dma_start3A_94 = arith.constant 0 : i32
      %dma_start3A_95 = tpu.memref_slice %arg8[%dma_start3A_90, %dma_start3A_94] : memref<8x128xi32, #tpu.memory_space<vmem>> -> memref<1x128xi32, #tpu.memory_space<vmem>>
      %dma_start3A_96 = tpu.memref_squeeze %dma_start3A_95 : memref<1x128xi32, #tpu.memory_space<vmem>> -> memref<128xi32, #tpu.memory_space<vmem>>
      %dma_start3A_97 = arith.constant 0 : i32
      %dma_start3A_98 = arith.constant 0 : i32
      %dma_start3A_99 = tpu.memref_slice %arg2[%dma_start3A_97, %dma_start3A_98] : memref<10000x128xf32, #tpu.memory_space<hbm>> -> memref<10000x128xf32, #tpu.memory_space<hbm>>
      tpu.enqueue_indirect_dma source(%dma_start3A_99 : memref<10000x128xf32, #tpu.memory_space<hbm>>) target(%dma_start3A_93 : memref<128x128xf32, #tpu.memory_space<vmem>>) offsets(%dma_start3A_96 : memref<128xi32, #tpu.memory_space<vmem>>) semaphore(%arg20 : memref<!tpu.dma_semaphore, #tpu.memory_space<semaphore_mem>>)
      %get3A = arith.constant 0 : i32
      %get3A_100 = arith.index_cast %get3A : i32 to index
      %get3A_101 = arith.constant 0 : index
      %get3A_102 = tpu.vector_load %arg9[%get3A_100, %get3A_101] {strides = array<i32>} : memref<8x128xi32, #tpu.memory_space<vmem>>, vector<16xi32>,
      %shift_right_logical3A = arith.constant 7 : i32
      %shift_right_logical3A_103 = vector.broadcast %shift_right_logical3A : i32 to vector<16xi32>
      %shift_right_logical3A_104 = arith.shrui %get3A_102, %shift_right_logical3A_103 : vector<16xi32>
      %and3A = arith.constant 127 : i32
      %and3A_105 = vector.broadcast %and3A : i32 to vector<16xi32>
      %and3A_106 = arith.andi %get3A_102, %and3A_105 : vector<16xi32>
      tpu.vector_store_idx %arg14[%shift_right_logical3A_104, %and3A_106], %broadcast_in_dim3A_30 {add = true} : memref<80x128xf32, #tpu.memory_space<vmem>>[vector<16xi32>, vector<16xi32>], vector<16xf32>,
      %get3A_107 = arith.constant 0 : i32
      %get3A_108 = arith.index_cast %get3A_107 : i32 to index
      %get3A_109 = arith.constant 16 : index
      %get3A_110 = tpu.vector_load %arg9[%get3A_108, %get3A_109] {strides = array<i32>} : memref<8x128xi32, #tpu.memory_space<vmem>>, vector<16xi32>,
      %shift_right_logical3A_111 = arith.constant 7 : i32
      %shift_right_logical3A_112 = vector.broadcast %shift_right_logical3A_111 : i32 to vector<16xi32>
      %shift_right_logical3A_113 = arith.shrui %get3A_110, %shift_right_logical3A_112 : vector<16xi32>
      %and3A_114 = arith.constant 127 : i32
      %and3A_115 = vector.broadcast %and3A_114 : i32 to vector<16xi32>
      %and3A_116 = arith.andi %get3A_110, %and3A_115 : vector<16xi32>
      tpu.vector_store_idx %arg14[%shift_right_logical3A_113, %and3A_116], %broadcast_in_dim3A_30 {add = true} : memref<80x128xf32, #tpu.memory_space<vmem>>[vector<16xi32>, vector<16xi32>], vector<16xf32>,
      %get3A_117 = arith.constant 0 : i32
      %get3A_118 = arith.index_cast %get3A_117 : i32 to index
      %get3A_119 = arith.constant 32 : index
      %get3A_120 = tpu.vector_load %arg9[%get3A_118, %get3A_119] {strides = array<i32>} : memref<8x128xi32, #tpu.memory_space<vmem>>, vector<16xi32>,
      %shift_right_logical3A_121 = arith.constant 7 : i32
      %shift_right_logical3A_122 = vector.broadcast %shift_right_logical3A_121 : i32 to vector<16xi32>
      %shift_right_logical3A_123 = arith.shrui %get3A_120, %shift_right_logical3A_122 : vector<16xi32>
      %and3A_124 = arith.constant 127 : i32
      %and3A_125 = vector.broadcast %and3A_124 : i32 to vector<16xi32>
      %and3A_126 = arith.andi %get3A_120, %and3A_125 : vector<16xi32>
      tpu.vector_store_idx %arg14[%shift_right_logical3A_123, %and3A_126], %broadcast_in_dim3A_30 {add = true} : memref<80x128xf32, #tpu.memory_space<vmem>>[vector<16xi32>, vector<16xi32>], vector<16xf32>,
      %get3A_127 = arith.constant 0 : i32
      %get3A_128 = arith.index_cast %get3A_127 : i32 to index
      %get3A_129 = arith.constant 48 : index
      %get3A_130 = tpu.vector_load %arg9[%get3A_128, %get3A_129] {strides = array<i32>} : memref<8x128xi32, #tpu.memory_space<vmem>>, vector<16xi32>,
      %shift_right_logical3A_131 = arith.constant 7 : i32
      %shift_right_logical3A_132 = vector.broadcast %shift_right_logical3A_131 : i32 to vector<16xi32>
      %shift_right_logical3A_133 = arith.shrui %get3A_130, %shift_right_logical3A_132 : vector<16xi32>
      %and3A_134 = arith.constant 127 : i32
      %and3A_135 = vector.broadcast %and3A_134 : i32 to vector<16xi32>
      %and3A_136 = arith.andi %get3A_130, %and3A_135 : vector<16xi32>
      tpu.vector_store_idx %arg14[%shift_right_logical3A_133, %and3A_136], %broadcast_in_dim3A_30 {add = true} : memref<80x128xf32, #tpu.memory_space<vmem>>[vector<16xi32>, vector<16xi32>], vector<16xf32>,
      %get3A_137 = arith.constant 0 : i32
      %get3A_138 = arith.index_cast %get3A_137 : i32 to index
      %get3A_139 = arith.constant 64 : index
      %get3A_140 = tpu.vector_load %arg9[%get3A_138, %get3A_139] {strides = array<i32>} : memref<8x128xi32, #tpu.memory_space<vmem>>, vector<16xi32>,
      %shift_right_logical3A_141 = arith.constant 7 : i32
      %shift_right_logical3A_142 = vector.broadcast %shift_right_logical3A_141 : i32 to vector<16xi32>
      %shift_right_logical3A_143 = arith.shrui %get3A_140, %shift_right_logical3A_142 : vector<16xi32>
      %and3A_144 = arith.constant 127 : i32
      %and3A_145 = vector.broadcast %and3A_144 : i32 to vector<16xi32>
      %and3A_146 = arith.andi %get3A_140, %and3A_145 : vector<16xi32>
      tpu.vector_store_idx %arg14[%shift_right_logical3A_143, %and3A_146], %broadcast_in_dim3A_30 {add = true} : memref<80x128xf32, #tpu.memory_space<vmem>>[vector<16xi32>, vector<16xi32>], vector<16xf32>,
      %get3A_147 = arith.constant 0 : i32
      %get3A_148 = arith.index_cast %get3A_147 : i32 to index
      %get3A_149 = arith.constant 80 : index
      %get3A_150 = tpu.vector_load %arg9[%get3A_148, %get3A_149] {strides = array<i32>} : memref<8x128xi32, #tpu.memory_space<vmem>>, vector<16xi32>,
      %shift_right_logical3A_151 = arith.constant 7 : i32
      %shift_right_logical3A_152 = vector.broadcast %shift_right_logical3A_151 : i32 to vector<16xi32>
      %shift_right_logical3A_153 = arith.shrui %get3A_150, %shift_right_logical3A_152 : vector<16xi32>
      %and3A_154 = arith.constant 127 : i32
      %and3A_155 = vector.broadcast %and3A_154 : i32 to vector<16xi32>
      %and3A_156 = arith.andi %get3A_150, %and3A_155 : vector<16xi32>
      tpu.vector_store_idx %arg14[%shift_right_logical3A_153, %and3A_156], %broadcast_in_dim3A_30 {add = true} : memref<80x128xf32, #tpu.memory_space<vmem>>[vector<16xi32>, vector<16xi32>], vector<16xf32>,
      %get3A_157 = arith.constant 0 : i32
      %get3A_158 = arith.index_cast %get3A_157 : i32 to index
      %get3A_159 = arith.constant 96 : index
      %get3A_160 = tpu.vector_load %arg9[%get3A_158, %get3A_159] {strides = array<i32>} : memref<8x128xi32, #tpu.memory_space<vmem>>, vector<16xi32>,
      %shift_right_logical3A_161 = arith.constant 7 : i32
      %shift_right_logical3A_162 = vector.broadcast %shift_right_logical3A_161 : i32 to vector<16xi32>
      %shift_right_logical3A_163 = arith.shrui %get3A_160, %shift_right_logical3A_162 : vector<16xi32>
      %and3A_164 = arith.constant 127 : i32
      %and3A_165 = vector.broadcast %and3A_164 : i32 to vector<16xi32>
      %and3A_166 = arith.andi %get3A_160, %and3A_165 : vector<16xi32>
      tpu.vector_store_idx %arg14[%shift_right_logical3A_163, %and3A_166], %broadcast_in_dim3A_30 {add = true} : memref<80x128xf32, #tpu.memory_space<vmem>>[vector<16xi32>, vector<16xi32>], vector<16xf32>,
      %get3A_167 = arith.constant 0 : i32
      %get3A_168 = arith.index_cast %get3A_167 : i32 to index
      %get3A_169 = arith.constant 112 : index
      %get3A_170 = tpu.vector_load %arg9[%get3A_168, %get3A_169] {strides = array<i32>} : memref<8x128xi32, #tpu.memory_space<vmem>>, vector<16xi32>,
      %shift_right_logical3A_171 = arith.constant 7 : i32
      %shift_right_logical3A_172 = vector.broadcast %shift_right_logical3A_171 : i32 to vector<16xi32>
      %shift_right_logical3A_173 = arith.shrui %get3A_170, %shift_right_logical3A_172 : vector<16xi32>
      %and3A_174 = arith.constant 127 : i32
      %and3A_175 = vector.broadcast %and3A_174 : i32 to vector<16xi32>
      %and3A_176 = arith.andi %get3A_170, %and3A_175 : vector<16xi32>
      tpu.vector_store_idx %arg14[%shift_right_logical3A_173, %and3A_176], %broadcast_in_dim3A_30 {add = true} : memref<80x128xf32, #tpu.memory_space<vmem>>[vector<16xi32>, vector<16xi32>], vector<16xf32>,
      %dma_wait3A_177 = arith.constant 0 : i32
      %dma_wait3A_178 = arith.constant 0 : i32
      %dma_wait3A_179 = arith.constant 0 : i32
      %dma_wait3A_180 = tpu.memref_slice %arg12[%dma_wait3A_178, %dma_wait3A_179] : memref<256x128xf32, #tpu.memory_space<vmem>> -> memref<128x128xf32, #tpu.memory_space<vmem>>
      %dma_wait3A_181 = arith.constant 0 : i32
      %dma_wait3A_182 = tpu.memref_slice %arg8[%dma_wait3A_177, %dma_wait3A_181] : memref<8x128xi32, #tpu.memory_space<vmem>> -> memref<1x128xi32, #tpu.memory_space<vmem>>
      %dma_wait3A_183 = tpu.memref_squeeze %dma_wait3A_182 : memref<1x128xi32, #tpu.memory_space<vmem>> -> memref<128xi32, #tpu.memory_space<vmem>>
      %dma_wait3A_184 = arith.constant 0 : i32
      %dma_wait3A_185 = arith.constant 0 : i32
      %dma_wait3A_186 = tpu.memref_slice %arg2[%dma_wait3A_184, %dma_wait3A_185] : memref<10000x128xf32, #tpu.memory_space<hbm>> -> memref<10000x128xf32, #tpu.memory_space<hbm>>
      tpu.wait_indirect_dma semaphore(%arg19 : memref<!tpu.dma_semaphore, #tpu.memory_space<semaphore_mem>>) src(%dma_wait3A_186 : memref<10000x128xf32, #tpu.memory_space<hbm>>) dst(%dma_wait3A_180 : memref<128x128xf32, #tpu.memory_space<vmem>>)
      %dma_start3A_187 = arith.constant 0 : i32
      %dma_start3A_188 = arith.constant 0 : i32
      %dma_start3A_189 = arith.constant 0 : i32
      %dma_start3A_190 = tpu.memref_slice %arg12[%dma_start3A_188, %dma_start3A_189] : memref<256x128xf32, #tpu.memory_space<vmem>> -> memref<128x128xf32, #tpu.memory_space<vmem>>
      %dma_start3A_191 = arith.constant 0 : i32
      %dma_start3A_192 = tpu.memref_slice %arg9[%dma_start3A_187, %dma_start3A_191] : memref<8x128xi32, #tpu.memory_space<vmem>> -> memref<1x128xi32, #tpu.memory_space<vmem>>
      %dma_start3A_193 = tpu.memref_squeeze %dma_start3A_192 : memref<1x128xi32, #tpu.memory_space<vmem>> -> memref<128xi32, #tpu.memory_space<vmem>>
      %dma_start3A_194 = arith.constant 0 : i32
      %dma_start3A_195 = arith.constant 0 : i32
      %dma_start3A_196 = tpu.memref_slice %arg15[%dma_start3A_194, %dma_start3A_195] : memref<10112x128xf32, #tpu.memory_space<vmem_shared>> -> memref<10112x128xf32, #tpu.memory_space<vmem_shared>>
      tpu.enqueue_indirect_dma source(%dma_start3A_190 : memref<128x128xf32, #tpu.memory_space<vmem>>) target(%dma_start3A_196 : memref<10112x128xf32, #tpu.memory_space<vmem_shared>>) offsets(%dma_start3A_193 : memref<128xi32, #tpu.memory_space<vmem>>) semaphore(%arg21 : memref<!tpu.dma_semaphore, #tpu.memory_space<semaphore_mem>>) {add = true}
      %dma_wait3A_197 = arith.constant 0 : i32
      %dma_wait3A_198 = arith.constant 0 : i32
      %dma_wait3A_199 = arith.constant 0 : i32
      %dma_wait3A_200 = tpu.memref_slice %arg12[%dma_wait3A_198, %dma_wait3A_199] : memref<256x128xf32, #tpu.memory_space<vmem>> -> memref<128x128xf32, #tpu.memory_space<vmem>>
      %dma_wait3A_201 = arith.constant 0 : i32
      %dma_wait3A_202 = tpu.memref_slice %arg9[%dma_wait3A_197, %dma_wait3A_201] : memref<8x128xi32, #tpu.memory_space<vmem>> -> memref<1x128xi32, #tpu.memory_space<vmem>>
      %dma_wait3A_203 = tpu.memref_squeeze %dma_wait3A_202 : memref<1x128xi32, #tpu.memory_space<vmem>> -> memref<128xi32, #tpu.memory_space<vmem>>
      %dma_wait3A_204 = arith.constant 0 : i32
      %dma_wait3A_205 = arith.constant 0 : i32
      %dma_wait3A_206 = tpu.memref_slice %arg15[%dma_wait3A_204, %dma_wait3A_205] : memref<10112x128xf32, #tpu.memory_space<vmem_shared>> -> memref<10112x128xf32, #tpu.memory_space<vmem_shared>>
      tpu.wait_indirect_dma semaphore(%arg21 : memref<!tpu.dma_semaphore, #tpu.memory_space<semaphore_mem>>) src(%dma_wait3A_200 : memref<128x128xf32, #tpu.memory_space<vmem>>) dst(%dma_wait3A_206 : memref<10112x128xf32, #tpu.memory_space<vmem_shared>>)
      %dma_start3A_207 = arith.constant 2 : i32
      %dma_start3A_208 = arith.constant 0 : i32
      %dma_start3A_209 = arith.constant 0 : i32
      %dma_start3A_210 = tpu.memref_slice %arg12[%dma_start3A_208, %dma_start3A_209] : memref<256x128xf32, #tpu.memory_space<vmem>> -> memref<128x128xf32, #tpu.memory_space<vmem>>
      %dma_start3A_211 = arith.constant 0 : i32
      %dma_start3A_212 = tpu.memref_slice %arg8[%dma_start3A_207, %dma_start3A_211] : memref<8x128xi32, #tpu.memory_space<vmem>> -> memref<1x128xi32, #tpu.memory_space<vmem>>
      %dma_start3A_213 = tpu.memref_squeeze %dma_start3A_212 : memref<1x128xi32, #tpu.memory_space<vmem>> -> memref<128xi32, #tpu.memory_space<vmem>>
      %dma_start3A_214 = arith.constant 0 : i32
      %dma_start3A_215 = arith.constant 0 : i32
      %dma_start3A_216 = tpu.memref_slice %arg2[%dma_start3A_214, %dma_start3A_215] : memref<10000x128xf32, #tpu.memory_space<hbm>> -> memref<10000x128xf32, #tpu.memory_space<hbm>>
      tpu.enqueue_indirect_dma source(%dma_start3A_216 : memref<10000x128xf32, #tpu.memory_space<hbm>>) target(%dma_start3A_210 : memref<128x128xf32, #tpu.memory_space<vmem>>) offsets(%dma_start3A_213 : memref<128xi32, #tpu.memory_space<vmem>>) semaphore(%arg19 : memref<!tpu.dma_semaphore, #tpu.memory_space<semaphore_mem>>)
      %get3A_217 = arith.constant 1 : i32
      %get3A_218 = arith.index_cast %get3A_217 : i32 to index
      %get3A_219 = arith.constant 0 : index
      %get3A_220 = tpu.vector_load %arg9[%get3A_218, %get3A_219] {strides = array<i32>} : memref<8x128xi32, #tpu.memory_space<vmem>>, vector<16xi32>,
      %shift_right_logical3A_221 = arith.constant 7 : i32
      %shift_right_logical3A_222 = vector.broadcast %shift_right_logical3A_221 : i32 to vector<16xi32>
      %shift_right_logical3A_223 = arith.shrui %get3A_220, %shift_right_logical3A_222 : vector<16xi32>
      %and3A_224 = arith.constant 127 : i32
      %and3A_225 = vector.broadcast %and3A_224 : i32 to vector<16xi32>
      %and3A_226 = arith.andi %get3A_220, %and3A_225 : vector<16xi32>
      tpu.vector_store_idx %arg14[%shift_right_logical3A_223, %and3A_226], %broadcast_in_dim3A_30 {add = true} : memref<80x128xf32, #tpu.memory_space<vmem>>[vector<16xi32>, vector<16xi32>], vector<16xf32>,
      %get3A_227 = arith.constant 1 : i32
      %get3A_228 = arith.index_cast %get3A_227 : i32 to index
      %get3A_229 = arith.constant 16 : index
      %get3A_230 = tpu.vector_load %arg9[%get3A_228, %get3A_229] {strides = array<i32>} : memref<8x128xi32, #tpu.memory_space<vmem>>, vector<16xi32>,
      %shift_right_logical3A_231 = arith.constant 7 : i32
      %shift_right_logical3A_232 = vector.broadcast %shift_right_logical3A_231 : i32 to vector<16xi32>
      %shift_right_logical3A_233 = arith.shrui %get3A_230, %shift_right_logical3A_232 : vector<16xi32>
      %and3A_234 = arith.constant 127 : i32
      %and3A_235 = vector.broadcast %and3A_234 : i32 to vector<16xi32>
      %and3A_236 = arith.andi %get3A_230, %and3A_235 : vector<16xi32>
      tpu.vector_store_idx %arg14[%shift_right_logical3A_233, %and3A_236], %broadcast_in_dim3A_30 {add = true} : memref<80x128xf32, #tpu.memory_space<vmem>>[vector<16xi32>, vector<16xi32>], vector<16xf32>,
      %get3A_237 = arith.constant 1 : i32
      %get3A_238 = arith.index_cast %get3A_237 : i32 to index
      %get3A_239 = arith.constant 32 : index
      %get3A_240 = tpu.vector_load %arg9[%get3A_238, %get3A_239] {strides = array<i32>} : memref<8x128xi32, #tpu.memory_space<vmem>>, vector<16xi32>,
      %shift_right_logical3A_241 = arith.constant 7 : i32
      %shift_right_logical3A_242 = vector.broadcast %shift_right_logical3A_241 : i32 to vector<16xi32>
      %shift_right_logical3A_243 = arith.shrui %get3A_240, %shift_right_logical3A_242 : vector<16xi32>
      %and3A_244 = arith.constant 127 : i32
      %and3A_245 = vector.broadcast %and3A_244 : i32 to vector<16xi32>
      %and3A_246 = arith.andi %get3A_240, %and3A_245 : vector<16xi32>
      tpu.vector_store_idx %arg14[%shift_right_logical3A_243, %and3A_246], %broadcast_in_dim3A_30 {add = true} : memref<80x128xf32, #tpu.memory_space<vmem>>[vector<16xi32>, vector<16xi32>], vector<16xf32>,
      %get3A_247 = arith.constant 1 : i32
      %get3A_248 = arith.index_cast %get3A_247 : i32 to index
      %get3A_249 = arith.constant 48 : index
      %get3A_250 = tpu.vector_load %arg9[%get3A_248, %get3A_249] {strides = array<i32>} : memref<8x128xi32, #tpu.memory_space<vmem>>, vector<16xi32>,
      %shift_right_logical3A_251 = arith.constant 7 : i32
      %shift_right_logical3A_252 = vector.broadcast %shift_right_logical3A_251 : i32 to vector<16xi32>
      %shift_right_logical3A_253 = arith.shrui %get3A_250, %shift_right_logical3A_252 : vector<16xi32>
      %and3A_254 = arith.constant 127 : i32
      %and3A_255 = vector.broadcast %and3A_254 : i32 to vector<16xi32>
      %and3A_256 = arith.andi %get3A_250, %and3A_255 : vector<16xi32>
      tpu.vector_store_idx %arg14[%shift_right_logical3A_253, %and3A_256], %broadcast_in_dim3A_30 {add = true} : memref<80x128xf32, #tpu.memory_space<vmem>>[vector<16xi32>, vector<16xi32>], vector<16xf32>,
      %get3A_257 = arith.constant 1 : i32
      %get3A_258 = arith.index_cast %get3A_257 : i32 to index
      %get3A_259 = arith.constant 64 : index
      %get3A_260 = tpu.vector_load %arg9[%get3A_258, %get3A_259] {strides = array<i32>} : memref<8x128xi32, #tpu.memory_space<vmem>>, vector<16xi32>,
      %shift_right_logical3A_261 = arith.constant 7 : i32
      %shift_right_logical3A_262 = vector.broadcast %shift_right_logical3A_261 : i32 to vector<16xi32>
      %shift_right_logical3A_263 = arith.shrui %get3A_260, %shift_right_logical3A_262 : vector<16xi32>
      %and3A_264 = arith.constant 127 : i32
      %and3A_265 = vector.broadcast %and3A_264 : i32 to vector<16xi32>
      %and3A_266 = arith.andi %get3A_260, %and3A_265 : vector<16xi32>
      tpu.vector_store_idx %arg14[%shift_right_logical3A_263, %and3A_266], %broadcast_in_dim3A_30 {add = true} : memref<80x128xf32, #tpu.memory_space<vmem>>[vector<16xi32>, vector<16xi32>], vector<16xf32>,
      %get3A_267 = arith.constant 1 : i32
      %get3A_268 = arith.index_cast %get3A_267 : i32 to index
      %get3A_269 = arith.constant 80 : index
      %get3A_270 = tpu.vector_load %arg9[%get3A_268, %get3A_269] {strides = array<i32>} : memref<8x128xi32, #tpu.memory_space<vmem>>, vector<16xi32>,
      %shift_right_logical3A_271 = arith.constant 7 : i32
      %shift_right_logical3A_272 = vector.broadcast %shift_right_logical3A_271 : i32 to vector<16xi32>
      %shift_right_logical3A_273 = arith.shrui %get3A_270, %shift_right_logical3A_272 : vector<16xi32>
      %and3A_274 = arith.constant 127 : i32
      %and3A_275 = vector.broadcast %and3A_274 : i32 to vector<16xi32>
      %and3A_276 = arith.andi %get3A_270, %and3A_275 : vector<16xi32>
      tpu.vector_store_idx %arg14[%shift_right_logical3A_273, %and3A_276], %broadcast_in_dim3A_30 {add = true} : memref<80x128xf32, #tpu.memory_space<vmem>>[vector<16xi32>, vector<16xi32>], vector<16xf32>,
      %get3A_277 = arith.constant 1 : i32
      %get3A_278 = arith.index_cast %get3A_277 : i32 to index
      %get3A_279 = arith.constant 96 : index
      %get3A_280 = tpu.vector_load %arg9[%get3A_278, %get3A_279] {strides = array<i32>} : memref<8x128xi32, #tpu.memory_space<vmem>>, vector<16xi32>,
      %shift_right_logical3A_281 = arith.constant 7 : i32
      %shift_right_logical3A_282 = vector.broadcast %shift_right_logical3A_281 : i32 to vector<16xi32>
      %shift_right_logical3A_283 = arith.shrui %get3A_280, %shift_right_logical3A_282 : vector<16xi32>
      %and3A_284 = arith.constant 127 : i32
      %and3A_285 = vector.broadcast %and3A_284 : i32 to vector<16xi32>
      %and3A_286 = arith.andi %get3A_280, %and3A_285 : vector<16xi32>
      tpu.vector_store_idx %arg14[%shift_right_logical3A_283, %and3A_286], %broadcast_in_dim3A_30 {add = true} : memref<80x128xf32, #tpu.memory_space<vmem>>[vector<16xi32>, vector<16xi32>], vector<16xf32>,
      %get3A_287 = arith.constant 1 : i32
      %get3A_288 = arith.index_cast %get3A_287 : i32 to index
      %get3A_289 = arith.constant 112 : index
      %get3A_290 = tpu.vector_load %arg9[%get3A_288, %get3A_289] {strides = array<i32>} : memref<8x128xi32, #tpu.memory_space<vmem>>, vector<16xi32>,
      %shift_right_logical3A_291 = arith.constant 7 : i32
      %shift_right_logical3A_292 = vector.broadcast %shift_right_logical3A_291 : i32 to vector<16xi32>
      %shift_right_logical3A_293 = arith.shrui %get3A_290, %shift_right_logical3A_292 : vector<16xi32>
      %and3A_294 = arith.constant 127 : i32
      %and3A_295 = vector.broadcast %and3A_294 : i32 to vector<16xi32>
      %and3A_296 = arith.andi %get3A_290, %and3A_295 : vector<16xi32>
      tpu.vector_store_idx %arg14[%shift_right_logical3A_293, %and3A_296], %broadcast_in_dim3A_30 {add = true} : memref<80x128xf32, #tpu.memory_space<vmem>>[vector<16xi32>, vector<16xi32>], vector<16xf32>,
      %dma_wait3A_297 = arith.constant 1 : i32
      %dma_wait3A_298 = arith.constant 128 : i32
      %dma_wait3A_299 = arith.constant 0 : i32
      %dma_wait3A_300 = tpu.memref_slice %arg12[%dma_wait3A_298, %dma_wait3A_299] : memref<256x128xf32, #tpu.memory_space<vmem>> -> memref<128x128xf32, #tpu.memory_space<vmem>>
      %dma_wait3A_301 = arith.constant 0 : i32
      %dma_wait3A_302 = tpu.memref_slice %arg8[%dma_wait3A_297, %dma_wait3A_301] : memref<8x128xi32, #tpu.memory_space<vmem>> -> memref<1x128xi32, #tpu.memory_space<vmem>>
      %dma_wait3A_303 = tpu.memref_squeeze %dma_wait3A_302 : memref<1x128xi32, #tpu.memory_space<vmem>> -> memref<128xi32, #tpu.memory_space<vmem>>
      %dma_wait3A_304 = arith.constant 0 : i32
      %dma_wait3A_305 = arith.constant 0 : i32
      %dma_wait3A_306 = tpu.memref_slice %arg2[%dma_wait3A_304, %dma_wait3A_305] : memref<10000x128xf32, #tpu.memory_space<hbm>> -> memref<10000x128xf32, #tpu.memory_space<hbm>>
      tpu.wait_indirect_dma semaphore(%arg20 : memref<!tpu.dma_semaphore, #tpu.memory_space<semaphore_mem>>) src(%dma_wait3A_306 : memref<10000x128xf32, #tpu.memory_space<hbm>>) dst(%dma_wait3A_300 : memref<128x128xf32, #tpu.memory_space<vmem>>)
      %dma_start3A_307 = arith.constant 1 : i32
      %dma_start3A_308 = arith.constant 128 : i32
      %dma_start3A_309 = arith.constant 0 : i32
      %dma_start3A_310 = tpu.memref_slice %arg12[%dma_start3A_308, %dma_start3A_309] : memref<256x128xf32, #tpu.memory_space<vmem>> -> memref<128x128xf32, #tpu.memory_space<vmem>>
      %dma_start3A_311 = arith.constant 0 : i32
      %dma_start3A_312 = tpu.memref_slice %arg9[%dma_start3A_307, %dma_start3A_311] : memref<8x128xi32, #tpu.memory_space<vmem>> -> memref<1x128xi32, #tpu.memory_space<vmem>>
      %dma_start3A_313 = tpu.memref_squeeze %dma_start3A_312 : memref<1x128xi32, #tpu.memory_space<vmem>> -> memref<128xi32, #tpu.memory_space<vmem>>
      %dma_start3A_314 = arith.constant 0 : i32
      %dma_start3A_315 = arith.constant 0 : i32
      %dma_start3A_316 = tpu.memref_slice %arg15[%dma_start3A_314, %dma_start3A_315] : memref<10112x128xf32, #tpu.memory_space<vmem_shared>> -> memref<10112x128xf32, #tpu.memory_space<vmem_shared>>
      tpu.enqueue_indirect_dma source(%dma_start3A_310 : memref<128x128xf32, #tpu.memory_space<vmem>>) target(%dma_start3A_316 : memref<10112x128xf32, #tpu.memory_space<vmem_shared>>) offsets(%dma_start3A_313 : memref<128xi32, #tpu.memory_space<vmem>>) semaphore(%arg22 : memref<!tpu.dma_semaphore, #tpu.memory_space<semaphore_mem>>) {add = true}
      %dma_wait3A_317 = arith.constant 1 : i32
      %dma_wait3A_318 = arith.constant 128 : i32
      %dma_wait3A_319 = arith.constant 0 : i32
      %dma_wait3A_320 = tpu.memref_slice %arg12[%dma_wait3A_318, %dma_wait3A_319] : memref<256x128xf32, #tpu.memory_space<vmem>> -> memref<128x128xf32, #tpu.memory_space<vmem>>
      %dma_wait3A_321 = arith.constant 0 : i32
      %dma_wait3A_322 = tpu.memref_slice %arg9[%dma_wait3A_317, %dma_wait3A_321] : memref<8x128xi32, #tpu.memory_space<vmem>> -> memref<1x128xi32, #tpu.memory_space<vmem>>
      %dma_wait3A_323 = tpu.memref_squeeze %dma_wait3A_322 : memref<1x128xi32, #tpu.memory_space<vmem>> -> memref<128xi32, #tpu.memory_space<vmem>>
      %dma_wait3A_324 = arith.constant 0 : i32
      %dma_wait3A_325 = arith.constant 0 : i32
      %dma_wait3A_326 = tpu.memref_slice %arg15[%dma_wait3A_324, %dma_wait3A_325] : memref<10112x128xf32, #tpu.memory_space<vmem_shared>> -> memref<10112x128xf32, #tpu.memory_space<vmem_shared>>
      tpu.wait_indirect_dma semaphore(%arg22 : memref<!tpu.dma_semaphore, #tpu.memory_space<semaphore_mem>>) src(%dma_wait3A_320 : memref<128x128xf32, #tpu.memory_space<vmem>>) dst(%dma_wait3A_326 : memref<10112x128xf32, #tpu.memory_space<vmem_shared>>)
      %dma_start3A_327 = arith.constant 3 : i32
      %dma_start3A_328 = arith.constant 128 : i32
      %dma_start3A_329 = arith.constant 0 : i32
      %dma_start3A_330 = tpu.memref_slice %arg12[%dma_start3A_328, %dma_start3A_329] : memref<256x128xf32, #tpu.memory_space<vmem>> -> memref<128x128xf32, #tpu.memory_space<vmem>>
      %dma_start3A_331 = arith.constant 0 : i32
      %dma_start3A_332 = tpu.memref_slice %arg8[%dma_start3A_327, %dma_start3A_331] : memref<8x128xi32, #tpu.memory_space<vmem>> -> memref<1x128xi32, #tpu.memory_space<vmem>>
      %dma_start3A_333 = tpu.memref_squeeze %dma_start3A_332 : memref<1x128xi32, #tpu.memory_space<vmem>> -> memref<128xi32, #tpu.memory_space<vmem>>
      %dma_start3A_334 = arith.constant 0 : i32
      %dma_start3A_335 = arith.constant 0 : i32
      %dma_start3A_336 = tpu.memref_slice %arg2[%dma_start3A_334, %dma_start3A_335] : memref<10000x128xf32, #tpu.memory_space<hbm>> -> memref<10000x128xf32, #tpu.memory_space<hbm>>
      tpu.enqueue_indirect_dma source(%dma_start3A_336 : memref<10000x128xf32, #tpu.memory_space<hbm>>) target(%dma_start3A_330 : memref<128x128xf32, #tpu.memory_space<vmem>>) offsets(%dma_start3A_333 : memref<128xi32, #tpu.memory_space<vmem>>) semaphore(%arg20 : memref<!tpu.dma_semaphore, #tpu.memory_space<semaphore_mem>>)
      %get3A_337 = arith.constant 2 : i32
      %get3A_338 = arith.index_cast %get3A_337 : i32 to index
      %get3A_339 = arith.constant 0 : index
      %get3A_340 = tpu.vector_load %arg9[%get3A_338, %get3A_339] {strides = array<i32>} : memref<8x128xi32, #tpu.memory_space<vmem>>, vector<16xi32>,
      %shift_right_logical3A_341 = arith.constant 7 : i32
      %shift_right_logical3A_342 = vector.broadcast %shift_right_logical3A_341 : i32 to vector<16xi32>
      %shift_right_logical3A_343 = arith.shrui %get3A_340, %shift_right_logical3A_342 : vector<16xi32>
      %and3A_344 = arith.constant 127 : i32
      %and3A_345 = vector.broadcast %and3A_344 : i32 to vector<16xi32>
      %and3A_346 = arith.andi %get3A_340, %and3A_345 : vector<16xi32>
      tpu.vector_store_idx %arg14[%shift_right_logical3A_343, %and3A_346], %broadcast_in_dim3A_30 {add = true} : memref<80x128xf32, #tpu.memory_space<vmem>>[vector<16xi32>, vector<16xi32>], vector<16xf32>,
      %get3A_347 = arith.constant 2 : i32
      %get3A_348 = arith.index_cast %get3A_347 : i32 to index
      %get3A_349 = arith.constant 16 : index
      %get3A_350 = tpu.vector_load %arg9[%get3A_348, %get3A_349] {strides = array<i32>} : memref<8x128xi32, #tpu.memory_space<vmem>>, vector<16xi32>,
      %shift_right_logical3A_351 = arith.constant 7 : i32
      %shift_right_logical3A_352 = vector.broadcast %shift_right_logical3A_351 : i32 to vector<16xi32>
      %shift_right_logical3A_353 = arith.shrui %get3A_350, %shift_right_logical3A_352 : vector<16xi32>
      %and3A_354 = arith.constant 127 : i32
      %and3A_355 = vector.broadcast %and3A_354 : i32 to vector<16xi32>
      %and3A_356 = arith.andi %get3A_350, %and3A_355 : vector<16xi32>
      tpu.vector_store_idx %arg14[%shift_right_logical3A_353, %and3A_356], %broadcast_in_dim3A_30 {add = true} : memref<80x128xf32, #tpu.memory_space<vmem>>[vector<16xi32>, vector<16xi32>], vector<16xf32>,
      %get3A_357 = arith.constant 2 : i32
      %get3A_358 = arith.index_cast %get3A_357 : i32 to index
      %get3A_359 = arith.constant 32 : index
      %get3A_360 = tpu.vector_load %arg9[%get3A_358, %get3A_359] {strides = array<i32>} : memref<8x128xi32, #tpu.memory_space<vmem>>, vector<16xi32>,
      %shift_right_logical3A_361 = arith.constant 7 : i32
      %shift_right_logical3A_362 = vector.broadcast %shift_right_logical3A_361 : i32 to vector<16xi32>
      %shift_right_logical3A_363 = arith.shrui %get3A_360, %shift_right_logical3A_362 : vector<16xi32>
      %and3A_364 = arith.constant 127 : i32
      %and3A_365 = vector.broadcast %and3A_364 : i32 to vector<16xi32>
      %and3A_366 = arith.andi %get3A_360, %and3A_365 : vector<16xi32>
      tpu.vector_store_idx %arg14[%shift_right_logical3A_363, %and3A_366], %broadcast_in_dim3A_30 {add = true} : memref<80x128xf32, #tpu.memory_space<vmem>>[vector<16xi32>, vector<16xi32>], vector<16xf32>,
      %get3A_367 = arith.constant 2 : i32
      %get3A_368 = arith.index_cast %get3A_367 : i32 to index
      %get3A_369 = arith.constant 48 : index
      %get3A_370 = tpu.vector_load %arg9[%get3A_368, %get3A_369] {strides = array<i32>} : memref<8x128xi32, #tpu.memory_space<vmem>>, vector<16xi32>,
      %shift_right_logical3A_371 = arith.constant 7 : i32
      %shift_right_logical3A_372 = vector.broadcast %shift_right_logical3A_371 : i32 to vector<16xi32>
      %shift_right_logical3A_373 = arith.shrui %get3A_370, %shift_right_logical3A_372 : vector<16xi32>
      %and3A_374 = arith.constant 127 : i32
      %and3A_375 = vector.broadcast %and3A_374 : i32 to vector<16xi32>
      %and3A_376 = arith.andi %get3A_370, %and3A_375 : vector<16xi32>
      tpu.vector_store_idx %arg14[%shift_right_logical3A_373, %and3A_376], %broadcast_in_dim3A_30 {add = true} : memref<80x128xf32, #tpu.memory_space<vmem>>[vector<16xi32>, vector<16xi32>], vector<16xf32>,
      %get3A_377 = arith.constant 2 : i32
      %get3A_378 = arith.index_cast %get3A_377 : i32 to index
      %get3A_379 = arith.constant 64 : index
      %get3A_380 = tpu.vector_load %arg9[%get3A_378, %get3A_379] {strides = array<i32>} : memref<8x128xi32, #tpu.memory_space<vmem>>, vector<16xi32>,
      %shift_right_logical3A_381 = arith.constant 7 : i32
      %shift_right_logical3A_382 = vector.broadcast %shift_right_logical3A_381 : i32 to vector<16xi32>
      %shift_right_logical3A_383 = arith.shrui %get3A_380, %shift_right_logical3A_382 : vector<16xi32>
      %and3A_384 = arith.constant 127 : i32
      %and3A_385 = vector.broadcast %and3A_384 : i32 to vector<16xi32>
      %and3A_386 = arith.andi %get3A_380, %and3A_385 : vector<16xi32>
      tpu.vector_store_idx %arg14[%shift_right_logical3A_383, %and3A_386], %broadcast_in_dim3A_30 {add = true} : memref<80x128xf32, #tpu.memory_space<vmem>>[vector<16xi32>, vector<16xi32>], vector<16xf32>,
      %get3A_387 = arith.constant 2 : i32
      %get3A_388 = arith.index_cast %get3A_387 : i32 to index
      %get3A_389 = arith.constant 80 : index
      %get3A_390 = tpu.vector_load %arg9[%get3A_388, %get3A_389] {strides = array<i32>} : memref<8x128xi32, #tpu.memory_space<vmem>>, vector<16xi32>,
      %shift_right_logical3A_391 = arith.constant 7 : i32
      %shift_right_logical3A_392 = vector.broadcast %shift_right_logical3A_391 : i32 to vector<16xi32>
      %shift_right_logical3A_393 = arith.shrui %get3A_390, %shift_right_logical3A_392 : vector<16xi32>
      %and3A_394 = arith.constant 127 : i32
      %and3A_395 = vector.broadcast %and3A_394 : i32 to vector<16xi32>
      %and3A_396 = arith.andi %get3A_390, %and3A_395 : vector<16xi32>
      tpu.vector_store_idx %arg14[%shift_right_logical3A_393, %and3A_396], %broadcast_in_dim3A_30 {add = true} : memref<80x128xf32, #tpu.memory_space<vmem>>[vector<16xi32>, vector<16xi32>], vector<16xf32>,
      %get3A_397 = arith.constant 2 : i32
      %get3A_398 = arith.index_cast %get3A_397 : i32 to index
      %get3A_399 = arith.constant 96 : index
      %get3A_400 = tpu.vector_load %arg9[%get3A_398, %get3A_399] {strides = array<i32>} : memref<8x128xi32, #tpu.memory_space<vmem>>, vector<16xi32>,
      %shift_right_logical3A_401 = arith.constant 7 : i32
      %shift_right_logical3A_402 = vector.broadcast %shift_right_logical3A_401 : i32 to vector<16xi32>
      %shift_right_logical3A_403 = arith.shrui %get3A_400, %shift_right_logical3A_402 : vector<16xi32>
      %and3A_404 = arith.constant 127 : i32
      %and3A_405 = vector.broadcast %and3A_404 : i32 to vector<16xi32>
      %and3A_406 = arith.andi %get3A_400, %and3A_405 : vector<16xi32>
      tpu.vector_store_idx %arg14[%shift_right_logical3A_403, %and3A_406], %broadcast_in_dim3A_30 {add = true} : memref<80x128xf32, #tpu.memory_space<vmem>>[vector<16xi32>, vector<16xi32>], vector<16xf32>,
      %get3A_407 = arith.constant 2 : i32
      %get3A_408 = arith.index_cast %get3A_407 : i32 to index
      %get3A_409 = arith.constant 112 : index
      %get3A_410 = tpu.vector_load %arg9[%get3A_408, %get3A_409] {strides = array<i32>} : memref<8x128xi32, #tpu.memory_space<vmem>>, vector<16xi32>,
      %shift_right_logical3A_411 = arith.constant 7 : i32
      %shift_right_logical3A_412 = vector.broadcast %shift_right_logical3A_411 : i32 to vector<16xi32>
      %shift_right_logical3A_413 = arith.shrui %get3A_410, %shift_right_logical3A_412 : vector<16xi32>
      %and3A_414 = arith.constant 127 : i32
      %and3A_415 = vector.broadcast %and3A_414 : i32 to vector<16xi32>
      %and3A_416 = arith.andi %get3A_410, %and3A_415 : vector<16xi32>
      tpu.vector_store_idx %arg14[%shift_right_logical3A_413, %and3A_416], %broadcast_in_dim3A_30 {add = true} : memref<80x128xf32, #tpu.memory_space<vmem>>[vector<16xi32>, vector<16xi32>], vector<16xf32>,
      %dma_wait3A_417 = arith.constant 2 : i32
      %dma_wait3A_418 = arith.constant 0 : i32
      %dma_wait3A_419 = arith.constant 0 : i32
      %dma_wait3A_420 = tpu.memref_slice %arg12[%dma_wait3A_418, %dma_wait3A_419] : memref<256x128xf32, #tpu.memory_space<vmem>> -> memref<128x128xf32, #tpu.memory_space<vmem>>
      %dma_wait3A_421 = arith.constant 0 : i32
      %dma_wait3A_422 = tpu.memref_slice %arg8[%dma_wait3A_417, %dma_wait3A_421] : memref<8x128xi32, #tpu.memory_space<vmem>> -> memref<1x128xi32, #tpu.memory_space<vmem>>
      %dma_wait3A_423 = tpu.memref_squeeze %dma_wait3A_422 : memref<1x128xi32, #tpu.memory_space<vmem>> -> memref<128xi32, #tpu.memory_space<vmem>>
      %dma_wait3A_424 = arith.constant 0 : i32
      %dma_wait3A_425 = arith.constant 0 : i32
      %dma_wait3A_426 = tpu.memref_slice %arg2[%dma_wait3A_424, %dma_wait3A_425] : memref<10000x128xf32, #tpu.memory_space<hbm>> -> memref<10000x128xf32, #tpu.memory_space<hbm>>
      tpu.wait_indirect_dma semaphore(%arg19 : memref<!tpu.dma_semaphore, #tpu.memory_space<semaphore_mem>>) src(%dma_wait3A_426 : memref<10000x128xf32, #tpu.memory_space<hbm>>) dst(%dma_wait3A_420 : memref<128x128xf32, #tpu.memory_space<vmem>>)
      %dma_start3A_427 = arith.constant 2 : i32
      %dma_start3A_428 = arith.constant 0 : i32
      %dma_start3A_429 = arith.constant 0 : i32
      %dma_start3A_430 = tpu.memref_slice %arg12[%dma_start3A_428, %dma_start3A_429] : memref<256x128xf32, #tpu.memory_space<vmem>> -> memref<128x128xf32, #tpu.memory_space<vmem>>
      %dma_start3A_431 = arith.constant 0 : i32
      %dma_start3A_432 = tpu.memref_slice %arg9[%dma_start3A_427, %dma_start3A_431] : memref<8x128xi32, #tpu.memory_space<vmem>> -> memref<1x128xi32, #tpu.memory_space<vmem>>
      %dma_start3A_433 = tpu.memref_squeeze %dma_start3A_432 : memref<1x128xi32, #tpu.memory_space<vmem>> -> memref<128xi32, #tpu.memory_space<vmem>>
      %dma_start3A_434 = arith.constant 0 : i32
      %dma_start3A_435 = arith.constant 0 : i32
      %dma_start3A_436 = tpu.memref_slice %arg15[%dma_start3A_434, %dma_start3A_435] : memref<10112x128xf32, #tpu.memory_space<vmem_shared>> -> memref<10112x128xf32, #tpu.memory_space<vmem_shared>>
      tpu.enqueue_indirect_dma source(%dma_start3A_430 : memref<128x128xf32, #tpu.memory_space<vmem>>) target(%dma_start3A_436 : memref<10112x128xf32, #tpu.memory_space<vmem_shared>>) offsets(%dma_start3A_433 : memref<128xi32, #tpu.memory_space<vmem>>) semaphore(%arg21 : memref<!tpu.dma_semaphore, #tpu.memory_space<semaphore_mem>>) {add = true}
      %dma_wait3A_437 = arith.constant 2 : i32
      %dma_wait3A_438 = arith.constant 0 : i32
      %dma_wait3A_439 = arith.constant 0 : i32
      %dma_wait3A_440 = tpu.memref_slice %arg12[%dma_wait3A_438, %dma_wait3A_439] : memref<256x128xf32, #tpu.memory_space<vmem>> -> memref<128x128xf32, #tpu.memory_space<vmem>>
      %dma_wait3A_441 = arith.constant 0 : i32
      %dma_wait3A_442 = tpu.memref_slice %arg9[%dma_wait3A_437, %dma_wait3A_441] : memref<8x128xi32, #tpu.memory_space<vmem>> -> memref<1x128xi32, #tpu.memory_space<vmem>>
      %dma_wait3A_443 = tpu.memref_squeeze %dma_wait3A_442 : memref<1x128xi32, #tpu.memory_space<vmem>> -> memref<128xi32, #tpu.memory_space<vmem>>
      %dma_wait3A_444 = arith.constant 0 : i32
      %dma_wait3A_445 = arith.constant 0 : i32
      %dma_wait3A_446 = tpu.memref_slice %arg15[%dma_wait3A_444, %dma_wait3A_445] : memref<10112x128xf32, #tpu.memory_space<vmem_shared>> -> memref<10112x128xf32, #tpu.memory_space<vmem_shared>>
      tpu.wait_indirect_dma semaphore(%arg21 : memref<!tpu.dma_semaphore, #tpu.memory_space<semaphore_mem>>) src(%dma_wait3A_440 : memref<128x128xf32, #tpu.memory_space<vmem>>) dst(%dma_wait3A_446 : memref<10112x128xf32, #tpu.memory_space<vmem_shared>>)
      %dma_start3A_447 = arith.constant 4 : i32
      %dma_start3A_448 = arith.constant 0 : i32
      %dma_start3A_449 = arith.constant 0 : i32
      %dma_start3A_450 = tpu.memref_slice %arg12[%dma_start3A_448, %dma_start3A_449] : memref<256x128xf32, #tpu.memory_space<vmem>> -> memref<128x128xf32, #tpu.memory_space<vmem>>
      %dma_start3A_451 = arith.constant 0 : i32
      %dma_start3A_452 = tpu.memref_slice %arg8[%dma_start3A_447, %dma_start3A_451] : memref<8x128xi32, #tpu.memory_space<vmem>> -> memref<1x128xi32, #tpu.memory_space<vmem>>
      %dma_start3A_453 = tpu.memref_squeeze %dma_start3A_452 : memref<1x128xi32, #tpu.memory_space<vmem>> -> memref<128xi32, #tpu.memory_space<vmem>>
      %dma_start3A_454 = arith.constant 0 : i32
      %dma_start3A_455 = arith.constant 0 : i32
      %dma_start3A_456 = tpu.memref_slice %arg2[%dma_start3A_454, %dma_start3A_455] : memref<10000x128xf32, #tpu.memory_space<hbm>> -> memref<10000x128xf32, #tpu.memory_space<hbm>>
      tpu.enqueue_indirect_dma source(%dma_start3A_456 : memref<10000x128xf32, #tpu.memory_space<hbm>>) target(%dma_start3A_450 : memref<128x128xf32, #tpu.memory_space<vmem>>) offsets(%dma_start3A_453 : memref<128xi32, #tpu.memory_space<vmem>>) semaphore(%arg19 : memref<!tpu.dma_semaphore, #tpu.memory_space<semaphore_mem>>)
      %get3A_457 = arith.constant 3 : i32
      %get3A_458 = arith.index_cast %get3A_457 : i32 to index
      %get3A_459 = arith.constant 0 : index
      %get3A_460 = tpu.vector_load %arg9[%get3A_458, %get3A_459] {strides = array<i32>} : memref<8x128xi32, #tpu.memory_space<vmem>>, vector<16xi32>,
      %shift_right_logical3A_461 = arith.constant 7 : i32
      %shift_right_logical3A_462 = vector.broadcast %shift_right_logical3A_461 : i32 to vector<16xi32>
      %shift_right_logical3A_463 = arith.shrui %get3A_460, %shift_right_logical3A_462 : vector<16xi32>
      %and3A_464 = arith.constant 127 : i32
      %and3A_465 = vector.broadcast %and3A_464 : i32 to vector<16xi32>
      %and3A_466 = arith.andi %get3A_460, %and3A_465 : vector<16xi32>
      tpu.vector_store_idx %arg14[%shift_right_logical3A_463, %and3A_466], %broadcast_in_dim3A_30 {add = true} : memref<80x128xf32, #tpu.memory_space<vmem>>[vector<16xi32>, vector<16xi32>], vector<16xf32>,
      %get3A_467 = arith.constant 3 : i32
      %get3A_468 = arith.index_cast %get3A_467 : i32 to index
      %get3A_469 = arith.constant 16 : index
      %get3A_470 = tpu.vector_load %arg9[%get3A_468, %get3A_469] {strides = array<i32>} : memref<8x128xi32, #tpu.memory_space<vmem>>, vector<16xi32>,
      %shift_right_logical3A_471 = arith.constant 7 : i32
      %shift_right_logical3A_472 = vector.broadcast %shift_right_logical3A_471 : i32 to vector<16xi32>
      %shift_right_logical3A_473 = arith.shrui %get3A_470, %shift_right_logical3A_472 : vector<16xi32>
      %and3A_474 = arith.constant 127 : i32
      %and3A_475 = vector.broadcast %and3A_474 : i32 to vector<16xi32>
      %and3A_476 = arith.andi %get3A_470, %and3A_475 : vector<16xi32>
      tpu.vector_store_idx %arg14[%shift_right_logical3A_473, %and3A_476], %broadcast_in_dim3A_30 {add = true} : memref<80x128xf32, #tpu.memory_space<vmem>>[vector<16xi32>, vector<16xi32>], vector<16xf32>,
      %get3A_477 = arith.constant 3 : i32
      %get3A_478 = arith.index_cast %get3A_477 : i32 to index
      %get3A_479 = arith.constant 32 : index
      %get3A_480 = tpu.vector_load %arg9[%get3A_478, %get3A_479] {strides = array<i32>} : memref<8x128xi32, #tpu.memory_space<vmem>>, vector<16xi32>,
      %shift_right_logical3A_481 = arith.constant 7 : i32
      %shift_right_logical3A_482 = vector.broadcast %shift_right_logical3A_481 : i32 to vector<16xi32>
      %shift_right_logical3A_483 = arith.shrui %get3A_480, %shift_right_logical3A_482 : vector<16xi32>
      %and3A_484 = arith.constant 127 : i32
      %and3A_485 = vector.broadcast %and3A_484 : i32 to vector<16xi32>
      %and3A_486 = arith.andi %get3A_480, %and3A_485 : vector<16xi32>
      tpu.vector_store_idx %arg14[%shift_right_logical3A_483, %and3A_486], %broadcast_in_dim3A_30 {add = true} : memref<80x128xf32, #tpu.memory_space<vmem>>[vector<16xi32>, vector<16xi32>], vector<16xf32>,
      %get3A_487 = arith.constant 3 : i32
      %get3A_488 = arith.index_cast %get3A_487 : i32 to index
      %get3A_489 = arith.constant 48 : index
      %get3A_490 = tpu.vector_load %arg9[%get3A_488, %get3A_489] {strides = array<i32>} : memref<8x128xi32, #tpu.memory_space<vmem>>, vector<16xi32>,
      %shift_right_logical3A_491 = arith.constant 7 : i32
      %shift_right_logical3A_492 = vector.broadcast %shift_right_logical3A_491 : i32 to vector<16xi32>
      %shift_right_logical3A_493 = arith.shrui %get3A_490, %shift_right_logical3A_492 : vector<16xi32>
      %and3A_494 = arith.constant 127 : i32
      %and3A_495 = vector.broadcast %and3A_494 : i32 to vector<16xi32>
      %and3A_496 = arith.andi %get3A_490, %and3A_495 : vector<16xi32>
      tpu.vector_store_idx %arg14[%shift_right_logical3A_493, %and3A_496], %broadcast_in_dim3A_30 {add = true} : memref<80x128xf32, #tpu.memory_space<vmem>>[vector<16xi32>, vector<16xi32>], vector<16xf32>,
      %get3A_497 = arith.constant 3 : i32
      %get3A_498 = arith.index_cast %get3A_497 : i32 to index
      %get3A_499 = arith.constant 64 : index
      %get3A_500 = tpu.vector_load %arg9[%get3A_498, %get3A_499] {strides = array<i32>} : memref<8x128xi32, #tpu.memory_space<vmem>>, vector<16xi32>,
      %shift_right_logical3A_501 = arith.constant 7 : i32
      %shift_right_logical3A_502 = vector.broadcast %shift_right_logical3A_501 : i32 to vector<16xi32>
      %shift_right_logical3A_503 = arith.shrui %get3A_500, %shift_right_logical3A_502 : vector<16xi32>
      %and3A_504 = arith.constant 127 : i32
      %and3A_505 = vector.broadcast %and3A_504 : i32 to vector<16xi32>
      %and3A_506 = arith.andi %get3A_500, %and3A_505 : vector<16xi32>
      tpu.vector_store_idx %arg14[%shift_right_logical3A_503, %and3A_506], %broadcast_in_dim3A_30 {add = true} : memref<80x128xf32, #tpu.memory_space<vmem>>[vector<16xi32>, vector<16xi32>], vector<16xf32>,
      %get3A_507 = arith.constant 3 : i32
      %get3A_508 = arith.index_cast %get3A_507 : i32 to index
      %get3A_509 = arith.constant 80 : index
      %get3A_510 = tpu.vector_load %arg9[%get3A_508, %get3A_509] {strides = array<i32>} : memref<8x128xi32, #tpu.memory_space<vmem>>, vector<16xi32>,
      %shift_right_logical3A_511 = arith.constant 7 : i32
      %shift_right_logical3A_512 = vector.broadcast %shift_right_logical3A_511 : i32 to vector<16xi32>
      %shift_right_logical3A_513 = arith.shrui %get3A_510, %shift_right_logical3A_512 : vector<16xi32>
      %and3A_514 = arith.constant 127 : i32
      %and3A_515 = vector.broadcast %and3A_514 : i32 to vector<16xi32>
      %and3A_516 = arith.andi %get3A_510, %and3A_515 : vector<16xi32>
      tpu.vector_store_idx %arg14[%shift_right_logical3A_513, %and3A_516], %broadcast_in_dim3A_30 {add = true} : memref<80x128xf32, #tpu.memory_space<vmem>>[vector<16xi32>, vector<16xi32>], vector<16xf32>,
      %get3A_517 = arith.constant 3 : i32
      %get3A_518 = arith.index_cast %get3A_517 : i32 to index
      %get3A_519 = arith.constant 96 : index
      %get3A_520 = tpu.vector_load %arg9[%get3A_518, %get3A_519] {strides = array<i32>} : memref<8x128xi32, #tpu.memory_space<vmem>>, vector<16xi32>,
      %shift_right_logical3A_521 = arith.constant 7 : i32
      %shift_right_logical3A_522 = vector.broadcast %shift_right_logical3A_521 : i32 to vector<16xi32>
      %shift_right_logical3A_523 = arith.shrui %get3A_520, %shift_right_logical3A_522 : vector<16xi32>
      %and3A_524 = arith.constant 127 : i32
      %and3A_525 = vector.broadcast %and3A_524 : i32 to vector<16xi32>
      %and3A_526 = arith.andi %get3A_520, %and3A_525 : vector<16xi32>
      tpu.vector_store_idx %arg14[%shift_right_logical3A_523, %and3A_526], %broadcast_in_dim3A_30 {add = true} : memref<80x128xf32, #tpu.memory_space<vmem>>[vector<16xi32>, vector<16xi32>], vector<16xf32>,
      %get3A_527 = arith.constant 3 : i32
      %get3A_528 = arith.index_cast %get3A_527 : i32 to index
      %get3A_529 = arith.constant 112 : index
      %get3A_530 = tpu.vector_load %arg9[%get3A_528, %get3A_529] {strides = array<i32>} : memref<8x128xi32, #tpu.memory_space<vmem>>, vector<16xi32>,
      %shift_right_logical3A_531 = arith.constant 7 : i32
      %shift_right_logical3A_532 = vector.broadcast %shift_right_logical3A_531 : i32 to vector<16xi32>
      %shift_right_logical3A_533 = arith.shrui %get3A_530, %shift_right_logical3A_532 : vector<16xi32>
      %and3A_534 = arith.constant 127 : i32
      %and3A_535 = vector.broadcast %and3A_534 : i32 to vector<16xi32>
      %and3A_536 = arith.andi %get3A_530, %and3A_535 : vector<16xi32>
      tpu.vector_store_idx %arg14[%shift_right_logical3A_533, %and3A_536], %broadcast_in_dim3A_30 {add = true} : memref<80x128xf32, #tpu.memory_space<vmem>>[vector<16xi32>, vector<16xi32>], vector<16xf32>,
      %dma_wait3A_537 = arith.constant 3 : i32
      %dma_wait3A_538 = arith.constant 128 : i32
      %dma_wait3A_539 = arith.constant 0 : i32
      %dma_wait3A_540 = tpu.memref_slice %arg12[%dma_wait3A_538, %dma_wait3A_539] : memref<256x128xf32, #tpu.memory_space<vmem>> -> memref<128x128xf32, #tpu.memory_space<vmem>>
      %dma_wait3A_541 = arith.constant 0 : i32
      %dma_wait3A_542 = tpu.memref_slice %arg8[%dma_wait3A_537, %dma_wait3A_541] : memref<8x128xi32, #tpu.memory_space<vmem>> -> memref<1x128xi32, #tpu.memory_space<vmem>>
      %dma_wait3A_543 = tpu.memref_squeeze %dma_wait3A_542 : memref<1x128xi32, #tpu.memory_space<vmem>> -> memref<128xi32, #tpu.memory_space<vmem>>
      %dma_wait3A_544 = arith.constant 0 : i32
      %dma_wait3A_545 = arith.constant 0 : i32
      %dma_wait3A_546 = tpu.memref_slice %arg2[%dma_wait3A_544, %dma_wait3A_545] : memref<10000x128xf32, #tpu.memory_space<hbm>> -> memref<10000x128xf32, #tpu.memory_space<hbm>>
      tpu.wait_indirect_dma semaphore(%arg20 : memref<!tpu.dma_semaphore, #tpu.memory_space<semaphore_mem>>) src(%dma_wait3A_546 : memref<10000x128xf32, #tpu.memory_space<hbm>>) dst(%dma_wait3A_540 : memref<128x128xf32, #tpu.memory_space<vmem>>)
      %dma_start3A_547 = arith.constant 3 : i32
      %dma_start3A_548 = arith.constant 128 : i32
      %dma_start3A_549 = arith.constant 0 : i32
      %dma_start3A_550 = tpu.memref_slice %arg12[%dma_start3A_548, %dma_start3A_549] : memref<256x128xf32, #tpu.memory_space<vmem>> -> memref<128x128xf32, #tpu.memory_space<vmem>>
      %dma_start3A_551 = arith.constant 0 : i32
      %dma_start3A_552 = tpu.memref_slice %arg9[%dma_start3A_547, %dma_start3A_551] : memref<8x128xi32, #tpu.memory_space<vmem>> -> memref<1x128xi32, #tpu.memory_space<vmem>>
      %dma_start3A_553 = tpu.memref_squeeze %dma_start3A_552 : memref<1x128xi32, #tpu.memory_space<vmem>> -> memref<128xi32, #tpu.memory_space<vmem>>
      %dma_start3A_554 = arith.constant 0 : i32
      %dma_start3A_555 = arith.constant 0 : i32
      %dma_start3A_556 = tpu.memref_slice %arg15[%dma_start3A_554, %dma_start3A_555] : memref<10112x128xf32, #tpu.memory_space<vmem_shared>> -> memref<10112x128xf32, #tpu.memory_space<vmem_shared>>
      tpu.enqueue_indirect_dma source(%dma_start3A_550 : memref<128x128xf32, #tpu.memory_space<vmem>>) target(%dma_start3A_556 : memref<10112x128xf32, #tpu.memory_space<vmem_shared>>) offsets(%dma_start3A_553 : memref<128xi32, #tpu.memory_space<vmem>>) semaphore(%arg22 : memref<!tpu.dma_semaphore, #tpu.memory_space<semaphore_mem>>) {add = true}
      %dma_wait3A_557 = arith.constant 3 : i32
      %dma_wait3A_558 = arith.constant 128 : i32
      %dma_wait3A_559 = arith.constant 0 : i32
      %dma_wait3A_560 = tpu.memref_slice %arg12[%dma_wait3A_558, %dma_wait3A_559] : memref<256x128xf32, #tpu.memory_space<vmem>> -> memref<128x128xf32, #tpu.memory_space<vmem>>
      %dma_wait3A_561 = arith.constant 0 : i32
      %dma_wait3A_562 = tpu.memref_slice %arg9[%dma_wait3A_557, %dma_wait3A_561] : memref<8x128xi32, #tpu.memory_space<vmem>> -> memref<1x128xi32, #tpu.memory_space<vmem>>
      %dma_wait3A_563 = tpu.memref_squeeze %dma_wait3A_562 : memref<1x128xi32, #tpu.memory_space<vmem>> -> memref<128xi32, #tpu.memory_space<vmem>>
      %dma_wait3A_564 = arith.constant 0 : i32
      %dma_wait3A_565 = arith.constant 0 : i32
      %dma_wait3A_566 = tpu.memref_slice %arg15[%dma_wait3A_564, %dma_wait3A_565] : memref<10112x128xf32, #tpu.memory_space<vmem_shared>> -> memref<10112x128xf32, #tpu.memory_space<vmem_shared>>
      tpu.wait_indirect_dma semaphore(%arg22 : memref<!tpu.dma_semaphore, #tpu.memory_space<semaphore_mem>>) src(%dma_wait3A_560 : memref<128x128xf32, #tpu.memory_space<vmem>>) dst(%dma_wait3A_566 : memref<10112x128xf32, #tpu.memory_space<vmem_shared>>)
      %dma_start3A_567 = arith.constant 5 : i32
      %dma_start3A_568 = arith.constant 128 : i32
      %dma_start3A_569 = arith.constant 0 : i32
      %dma_start3A_570 = tpu.memref_slice %arg12[%dma_start3A_568, %dma_start3A_569] : memref<256x128xf32, #tpu.memory_space<vmem>> -> memref<128x128xf32, #tpu.memory_space<vmem>>
      %dma_start3A_571 = arith.constant 0 : i32
      %dma_start3A_572 = tpu.memref_slice %arg8[%dma_start3A_567, %dma_start3A_571] : memref<8x128xi32, #tpu.memory_space<vmem>> -> memref<1x128xi32, #tpu.memory_space<vmem>>
      %dma_start3A_573 = tpu.memref_squeeze %dma_start3A_572 : memref<1x128xi32, #tpu.memory_space<vmem>> -> memref<128xi32, #tpu.memory_space<vmem>>
      %dma_start3A_574 = arith.constant 0 : i32
      %dma_start3A_575 = arith.constant 0 : i32
      %dma_start3A_576 = tpu.memref_slice %arg2[%dma_start3A_574, %dma_start3A_575] : memref<10000x128xf32, #tpu.memory_space<hbm>> -> memref<10000x128xf32, #tpu.memory_space<hbm>>
      tpu.enqueue_indirect_dma source(%dma_start3A_576 : memref<10000x128xf32, #tpu.memory_space<hbm>>) target(%dma_start3A_570 : memref<128x128xf32, #tpu.memory_space<vmem>>) offsets(%dma_start3A_573 : memref<128xi32, #tpu.memory_space<vmem>>) semaphore(%arg20 : memref<!tpu.dma_semaphore, #tpu.memory_space<semaphore_mem>>)
      %get3A_577 = arith.constant 4 : i32
      %get3A_578 = arith.index_cast %get3A_577 : i32 to index
      %get3A_579 = arith.constant 0 : index
      %get3A_580 = tpu.vector_load %arg9[%get3A_578, %get3A_579] {strides = array<i32>} : memref<8x128xi32, #tpu.memory_space<vmem>>, vector<16xi32>,
      %shift_right_logical3A_581 = arith.constant 7 : i32
      %shift_right_logical3A_582 = vector.broadcast %shift_right_logical3A_581 : i32 to vector<16xi32>
      %shift_right_logical3A_583 = arith.shrui %get3A_580, %shift_right_logical3A_582 : vector<16xi32>
      %and3A_584 = arith.constant 127 : i32
      %and3A_585 = vector.broadcast %and3A_584 : i32 to vector<16xi32>
      %and3A_586 = arith.andi %get3A_580, %and3A_585 : vector<16xi32>
      tpu.vector_store_idx %arg14[%shift_right_logical3A_583, %and3A_586], %broadcast_in_dim3A_30 {add = true} : memref<80x128xf32, #tpu.memory_space<vmem>>[vector<16xi32>, vector<16xi32>], vector<16xf32>,
      %get3A_587 = arith.constant 4 : i32
      %get3A_588 = arith.index_cast %get3A_587 : i32 to index
      %get3A_589 = arith.constant 16 : index
      %get3A_590 = tpu.vector_load %arg9[%get3A_588, %get3A_589] {strides = array<i32>} : memref<8x128xi32, #tpu.memory_space<vmem>>, vector<16xi32>,
      %shift_right_logical3A_591 = arith.constant 7 : i32
      %shift_right_logical3A_592 = vector.broadcast %shift_right_logical3A_591 : i32 to vector<16xi32>
      %shift_right_logical3A_593 = arith.shrui %get3A_590, %shift_right_logical3A_592 : vector<16xi32>
      %and3A_594 = arith.constant 127 : i32
      %and3A_595 = vector.broadcast %and3A_594 : i32 to vector<16xi32>
      %and3A_596 = arith.andi %get3A_590, %and3A_595 : vector<16xi32>
      tpu.vector_store_idx %arg14[%shift_right_logical3A_593, %and3A_596], %broadcast_in_dim3A_30 {add = true} : memref<80x128xf32, #tpu.memory_space<vmem>>[vector<16xi32>, vector<16xi32>], vector<16xf32>,
      %get3A_597 = arith.constant 4 : i32
      %get3A_598 = arith.index_cast %get3A_597 : i32 to index
      %get3A_599 = arith.constant 32 : index
      %get3A_600 = tpu.vector_load %arg9[%get3A_598, %get3A_599] {strides = array<i32>} : memref<8x128xi32, #tpu.memory_space<vmem>>, vector<16xi32>,
      %shift_right_logical3A_601 = arith.constant 7 : i32
      %shift_right_logical3A_602 = vector.broadcast %shift_right_logical3A_601 : i32 to vector<16xi32>
      %shift_right_logical3A_603 = arith.shrui %get3A_600, %shift_right_logical3A_602 : vector<16xi32>
      %and3A_604 = arith.constant 127 : i32
      %and3A_605 = vector.broadcast %and3A_604 : i32 to vector<16xi32>
      %and3A_606 = arith.andi %get3A_600, %and3A_605 : vector<16xi32>
      tpu.vector_store_idx %arg14[%shift_right_logical3A_603, %and3A_606], %broadcast_in_dim3A_30 {add = true} : memref<80x128xf32, #tpu.memory_space<vmem>>[vector<16xi32>, vector<16xi32>], vector<16xf32>,
      %get3A_607 = arith.constant 4 : i32
      %get3A_608 = arith.index_cast %get3A_607 : i32 to index
      %get3A_609 = arith.constant 48 : index
      %get3A_610 = tpu.vector_load %arg9[%get3A_608, %get3A_609] {strides = array<i32>} : memref<8x128xi32, #tpu.memory_space<vmem>>, vector<16xi32>,
      %shift_right_logical3A_611 = arith.constant 7 : i32
      %shift_right_logical3A_612 = vector.broadcast %shift_right_logical3A_611 : i32 to vector<16xi32>
      %shift_right_logical3A_613 = arith.shrui %get3A_610, %shift_right_logical3A_612 : vector<16xi32>
      %and3A_614 = arith.constant 127 : i32
      %and3A_615 = vector.broadcast %and3A_614 : i32 to vector<16xi32>
      %and3A_616 = arith.andi %get3A_610, %and3A_615 : vector<16xi32>
      tpu.vector_store_idx %arg14[%shift_right_logical3A_613, %and3A_616], %broadcast_in_dim3A_30 {add = true} : memref<80x128xf32, #tpu.memory_space<vmem>>[vector<16xi32>, vector<16xi32>], vector<16xf32>,
      %get3A_617 = arith.constant 4 : i32
      %get3A_618 = arith.index_cast %get3A_617 : i32 to index
      %get3A_619 = arith.constant 64 : index
      %get3A_620 = tpu.vector_load %arg9[%get3A_618, %get3A_619] {strides = array<i32>} : memref<8x128xi32, #tpu.memory_space<vmem>>, vector<16xi32>,
      %shift_right_logical3A_621 = arith.constant 7 : i32
      %shift_right_logical3A_622 = vector.broadcast %shift_right_logical3A_621 : i32 to vector<16xi32>
      %shift_right_logical3A_623 = arith.shrui %get3A_620, %shift_right_logical3A_622 : vector<16xi32>
      %and3A_624 = arith.constant 127 : i32
      %and3A_625 = vector.broadcast %and3A_624 : i32 to vector<16xi32>
      %and3A_626 = arith.andi %get3A_620, %and3A_625 : vector<16xi32>
      tpu.vector_store_idx %arg14[%shift_right_logical3A_623, %and3A_626], %broadcast_in_dim3A_30 {add = true} : memref<80x128xf32, #tpu.memory_space<vmem>>[vector<16xi32>, vector<16xi32>], vector<16xf32>,
      %get3A_627 = arith.constant 4 : i32
      %get3A_628 = arith.index_cast %get3A_627 : i32 to index
      %get3A_629 = arith.constant 80 : index
      %get3A_630 = tpu.vector_load %arg9[%get3A_628, %get3A_629] {strides = array<i32>} : memref<8x128xi32, #tpu.memory_space<vmem>>, vector<16xi32>,
      %shift_right_logical3A_631 = arith.constant 7 : i32
      %shift_right_logical3A_632 = vector.broadcast %shift_right_logical3A_631 : i32 to vector<16xi32>
      %shift_right_logical3A_633 = arith.shrui %get3A_630, %shift_right_logical3A_632 : vector<16xi32>
      %and3A_634 = arith.constant 127 : i32
      %and3A_635 = vector.broadcast %and3A_634 : i32 to vector<16xi32>
      %and3A_636 = arith.andi %get3A_630, %and3A_635 : vector<16xi32>
      tpu.vector_store_idx %arg14[%shift_right_logical3A_633, %and3A_636], %broadcast_in_dim3A_30 {add = true} : memref<80x128xf32, #tpu.memory_space<vmem>>[vector<16xi32>, vector<16xi32>], vector<16xf32>,
      %get3A_637 = arith.constant 4 : i32
      %get3A_638 = arith.index_cast %get3A_637 : i32 to index
      %get3A_639 = arith.constant 96 : index
      %get3A_640 = tpu.vector_load %arg9[%get3A_638, %get3A_639] {strides = array<i32>} : memref<8x128xi32, #tpu.memory_space<vmem>>, vector<16xi32>,
      %shift_right_logical3A_641 = arith.constant 7 : i32
      %shift_right_logical3A_642 = vector.broadcast %shift_right_logical3A_641 : i32 to vector<16xi32>
      %shift_right_logical3A_643 = arith.shrui %get3A_640, %shift_right_logical3A_642 : vector<16xi32>
      %and3A_644 = arith.constant 127 : i32
      %and3A_645 = vector.broadcast %and3A_644 : i32 to vector<16xi32>
      %and3A_646 = arith.andi %get3A_640, %and3A_645 : vector<16xi32>
      tpu.vector_store_idx %arg14[%shift_right_logical3A_643, %and3A_646], %broadcast_in_dim3A_30 {add = true} : memref<80x128xf32, #tpu.memory_space<vmem>>[vector<16xi32>, vector<16xi32>], vector<16xf32>,
      %get3A_647 = arith.constant 4 : i32
      %get3A_648 = arith.index_cast %get3A_647 : i32 to index
      %get3A_649 = arith.constant 112 : index
      %get3A_650 = tpu.vector_load %arg9[%get3A_648, %get3A_649] {strides = array<i32>} : memref<8x128xi32, #tpu.memory_space<vmem>>, vector<16xi32>,
      %shift_right_logical3A_651 = arith.constant 7 : i32
      %shift_right_logical3A_652 = vector.broadcast %shift_right_logical3A_651 : i32 to vector<16xi32>
      %shift_right_logical3A_653 = arith.shrui %get3A_650, %shift_right_logical3A_652 : vector<16xi32>
      %and3A_654 = arith.constant 127 : i32
      %and3A_655 = vector.broadcast %and3A_654 : i32 to vector<16xi32>
      %and3A_656 = arith.andi %get3A_650, %and3A_655 : vector<16xi32>
      tpu.vector_store_idx %arg14[%shift_right_logical3A_653, %and3A_656], %broadcast_in_dim3A_30 {add = true} : memref<80x128xf32, #tpu.memory_space<vmem>>[vector<16xi32>, vector<16xi32>], vector<16xf32>,
      %dma_wait3A_657 = arith.constant 4 : i32
      %dma_wait3A_658 = arith.constant 0 : i32
      %dma_wait3A_659 = arith.constant 0 : i32
      %dma_wait3A_660 = tpu.memref_slice %arg12[%dma_wait3A_658, %dma_wait3A_659] : memref<256x128xf32, #tpu.memory_space<vmem>> -> memref<128x128xf32, #tpu.memory_space<vmem>>
      %dma_wait3A_661 = arith.constant 0 : i32
      %dma_wait3A_662 = tpu.memref_slice %arg8[%dma_wait3A_657, %dma_wait3A_661] : memref<8x128xi32, #tpu.memory_space<vmem>> -> memref<1x128xi32, #tpu.memory_space<vmem>>
      %dma_wait3A_663 = tpu.memref_squeeze %dma_wait3A_662 : memref<1x128xi32, #tpu.memory_space<vmem>> -> memref<128xi32, #tpu.memory_space<vmem>>
      %dma_wait3A_664 = arith.constant 0 : i32
      %dma_wait3A_665 = arith.constant 0 : i32
      %dma_wait3A_666 = tpu.memref_slice %arg2[%dma_wait3A_664, %dma_wait3A_665] : memref<10000x128xf32, #tpu.memory_space<hbm>> -> memref<10000x128xf32, #tpu.memory_space<hbm>>
      tpu.wait_indirect_dma semaphore(%arg19 : memref<!tpu.dma_semaphore, #tpu.memory_space<semaphore_mem>>) src(%dma_wait3A_666 : memref<10000x128xf32, #tpu.memory_space<hbm>>) dst(%dma_wait3A_660 : memref<128x128xf32, #tpu.memory_space<vmem>>)
      %dma_start3A_667 = arith.constant 4 : i32
      %dma_start3A_668 = arith.constant 0 : i32
      %dma_start3A_669 = arith.constant 0 : i32
      %dma_start3A_670 = tpu.memref_slice %arg12[%dma_start3A_668, %dma_start3A_669] : memref<256x128xf32, #tpu.memory_space<vmem>> -> memref<128x128xf32, #tpu.memory_space<vmem>>
      %dma_start3A_671 = arith.constant 0 : i32
      %dma_start3A_672 = tpu.memref_slice %arg9[%dma_start3A_667, %dma_start3A_671] : memref<8x128xi32, #tpu.memory_space<vmem>> -> memref<1x128xi32, #tpu.memory_space<vmem>>
      %dma_start3A_673 = tpu.memref_squeeze %dma_start3A_672 : memref<1x128xi32, #tpu.memory_space<vmem>> -> memref<128xi32, #tpu.memory_space<vmem>>
      %dma_start3A_674 = arith.constant 0 : i32
      %dma_start3A_675 = arith.constant 0 : i32
      %dma_start3A_676 = tpu.memref_slice %arg15[%dma_start3A_674, %dma_start3A_675] : memref<10112x128xf32, #tpu.memory_space<vmem_shared>> -> memref<10112x128xf32, #tpu.memory_space<vmem_shared>>
      tpu.enqueue_indirect_dma source(%dma_start3A_670 : memref<128x128xf32, #tpu.memory_space<vmem>>) target(%dma_start3A_676 : memref<10112x128xf32, #tpu.memory_space<vmem_shared>>) offsets(%dma_start3A_673 : memref<128xi32, #tpu.memory_space<vmem>>) semaphore(%arg21 : memref<!tpu.dma_semaphore, #tpu.memory_space<semaphore_mem>>) {add = true}
      %dma_wait3A_677 = arith.constant 4 : i32
      %dma_wait3A_678 = arith.constant 0 : i32
      %dma_wait3A_679 = arith.constant 0 : i32
      %dma_wait3A_680 = tpu.memref_slice %arg12[%dma_wait3A_678, %dma_wait3A_679] : memref<256x128xf32, #tpu.memory_space<vmem>> -> memref<128x128xf32, #tpu.memory_space<vmem>>
      %dma_wait3A_681 = arith.constant 0 : i32
      %dma_wait3A_682 = tpu.memref_slice %arg9[%dma_wait3A_677, %dma_wait3A_681] : memref<8x128xi32, #tpu.memory_space<vmem>> -> memref<1x128xi32, #tpu.memory_space<vmem>>
      %dma_wait3A_683 = tpu.memref_squeeze %dma_wait3A_682 : memref<1x128xi32, #tpu.memory_space<vmem>> -> memref<128xi32, #tpu.memory_space<vmem>>
      %dma_wait3A_684 = arith.constant 0 : i32
      %dma_wait3A_685 = arith.constant 0 : i32
      %dma_wait3A_686 = tpu.memref_slice %arg15[%dma_wait3A_684, %dma_wait3A_685] : memref<10112x128xf32, #tpu.memory_space<vmem_shared>> -> memref<10112x128xf32, #tpu.memory_space<vmem_shared>>
      tpu.wait_indirect_dma semaphore(%arg21 : memref<!tpu.dma_semaphore, #tpu.memory_space<semaphore_mem>>) src(%dma_wait3A_680 : memref<128x128xf32, #tpu.memory_space<vmem>>) dst(%dma_wait3A_686 : memref<10112x128xf32, #tpu.memory_space<vmem_shared>>)
      %dma_start3A_687 = arith.constant 6 : i32
      %dma_start3A_688 = arith.constant 0 : i32
      %dma_start3A_689 = arith.constant 0 : i32
      %dma_start3A_690 = tpu.memref_slice %arg12[%dma_start3A_688, %dma_start3A_689] : memref<256x128xf32, #tpu.memory_space<vmem>> -> memref<128x128xf32, #tpu.memory_space<vmem>>
      %dma_start3A_691 = arith.constant 0 : i32
      %dma_start3A_692 = tpu.memref_slice %arg8[%dma_start3A_687, %dma_start3A_691] : memref<8x128xi32, #tpu.memory_space<vmem>> -> memref<1x128xi32, #tpu.memory_space<vmem>>
      %dma_start3A_693 = tpu.memref_squeeze %dma_start3A_692 : memref<1x128xi32, #tpu.memory_space<vmem>> -> memref<128xi32, #tpu.memory_space<vmem>>
      %dma_start3A_694 = arith.constant 0 : i32
      %dma_start3A_695 = arith.constant 0 : i32
      %dma_start3A_696 = tpu.memref_slice %arg2[%dma_start3A_694, %dma_start3A_695] : memref<10000x128xf32, #tpu.memory_space<hbm>> -> memref<10000x128xf32, #tpu.memory_space<hbm>>
      tpu.enqueue_indirect_dma source(%dma_start3A_696 : memref<10000x128xf32, #tpu.memory_space<hbm>>) target(%dma_start3A_690 : memref<128x128xf32, #tpu.memory_space<vmem>>) offsets(%dma_start3A_693 : memref<128xi32, #tpu.memory_space<vmem>>) semaphore(%arg19 : memref<!tpu.dma_semaphore, #tpu.memory_space<semaphore_mem>>)
      %get3A_697 = arith.constant 5 : i32
      %get3A_698 = arith.index_cast %get3A_697 : i32 to index
      %get3A_699 = arith.constant 0 : index
      %get3A_700 = tpu.vector_load %arg9[%get3A_698, %get3A_699] {strides = array<i32>} : memref<8x128xi32, #tpu.memory_space<vmem>>, vector<16xi32>,
      %shift_right_logical3A_701 = arith.constant 7 : i32
      %shift_right_logical3A_702 = vector.broadcast %shift_right_logical3A_701 : i32 to vector<16xi32>
      %shift_right_logical3A_703 = arith.shrui %get3A_700, %shift_right_logical3A_702 : vector<16xi32>
      %and3A_704 = arith.constant 127 : i32
      %and3A_705 = vector.broadcast %and3A_704 : i32 to vector<16xi32>
      %and3A_706 = arith.andi %get3A_700, %and3A_705 : vector<16xi32>
      tpu.vector_store_idx %arg14[%shift_right_logical3A_703, %and3A_706], %broadcast_in_dim3A_30 {add = true} : memref<80x128xf32, #tpu.memory_space<vmem>>[vector<16xi32>, vector<16xi32>], vector<16xf32>,
      %get3A_707 = arith.constant 5 : i32
      %get3A_708 = arith.index_cast %get3A_707 : i32 to index
      %get3A_709 = arith.constant 16 : index
      %get3A_710 = tpu.vector_load %arg9[%get3A_708, %get3A_709] {strides = array<i32>} : memref<8x128xi32, #tpu.memory_space<vmem>>, vector<16xi32>,
      %shift_right_logical3A_711 = arith.constant 7 : i32
      %shift_right_logical3A_712 = vector.broadcast %shift_right_logical3A_711 : i32 to vector<16xi32>
      %shift_right_logical3A_713 = arith.shrui %get3A_710, %shift_right_logical3A_712 : vector<16xi32>
      %and3A_714 = arith.constant 127 : i32
      %and3A_715 = vector.broadcast %and3A_714 : i32 to vector<16xi32>
      %and3A_716 = arith.andi %get3A_710, %and3A_715 : vector<16xi32>
      tpu.vector_store_idx %arg14[%shift_right_logical3A_713, %and3A_716], %broadcast_in_dim3A_30 {add = true} : memref<80x128xf32, #tpu.memory_space<vmem>>[vector<16xi32>, vector<16xi32>], vector<16xf32>,
      %get3A_717 = arith.constant 5 : i32
      %get3A_718 = arith.index_cast %get3A_717 : i32 to index
      %get3A_719 = arith.constant 32 : index
      %get3A_720 = tpu.vector_load %arg9[%get3A_718, %get3A_719] {strides = array<i32>} : memref<8x128xi32, #tpu.memory_space<vmem>>, vector<16xi32>,
      %shift_right_logical3A_721 = arith.constant 7 : i32
      %shift_right_logical3A_722 = vector.broadcast %shift_right_logical3A_721 : i32 to vector<16xi32>
      %shift_right_logical3A_723 = arith.shrui %get3A_720, %shift_right_logical3A_722 : vector<16xi32>
      %and3A_724 = arith.constant 127 : i32
      %and3A_725 = vector.broadcast %and3A_724 : i32 to vector<16xi32>
      %and3A_726 = arith.andi %get3A_720, %and3A_725 : vector<16xi32>
      tpu.vector_store_idx %arg14[%shift_right_logical3A_723, %and3A_726], %broadcast_in_dim3A_30 {add = true} : memref<80x128xf32, #tpu.memory_space<vmem>>[vector<16xi32>, vector<16xi32>], vector<16xf32>,
      %get3A_727 = arith.constant 5 : i32
      %get3A_728 = arith.index_cast %get3A_727 : i32 to index
      %get3A_729 = arith.constant 48 : index
      %get3A_730 = tpu.vector_load %arg9[%get3A_728, %get3A_729] {strides = array<i32>} : memref<8x128xi32, #tpu.memory_space<vmem>>, vector<16xi32>,
      %shift_right_logical3A_731 = arith.constant 7 : i32
      %shift_right_logical3A_732 = vector.broadcast %shift_right_logical3A_731 : i32 to vector<16xi32>
      %shift_right_logical3A_733 = arith.shrui %get3A_730, %shift_right_logical3A_732 : vector<16xi32>
      %and3A_734 = arith.constant 127 : i32
      %and3A_735 = vector.broadcast %and3A_734 : i32 to vector<16xi32>
      %and3A_736 = arith.andi %get3A_730, %and3A_735 : vector<16xi32>
      tpu.vector_store_idx %arg14[%shift_right_logical3A_733, %and3A_736], %broadcast_in_dim3A_30 {add = true} : memref<80x128xf32, #tpu.memory_space<vmem>>[vector<16xi32>, vector<16xi32>], vector<16xf32>,
      %get3A_737 = arith.constant 5 : i32
      %get3A_738 = arith.index_cast %get3A_737 : i32 to index
      %get3A_739 = arith.constant 64 : index
      %get3A_740 = tpu.vector_load %arg9[%get3A_738, %get3A_739] {strides = array<i32>} : memref<8x128xi32, #tpu.memory_space<vmem>>, vector<16xi32>,
      %shift_right_logical3A_741 = arith.constant 7 : i32
      %shift_right_logical3A_742 = vector.broadcast %shift_right_logical3A_741 : i32 to vector<16xi32>
      %shift_right_logical3A_743 = arith.shrui %get3A_740, %shift_right_logical3A_742 : vector<16xi32>
      %and3A_744 = arith.constant 127 : i32
      %and3A_745 = vector.broadcast %and3A_744 : i32 to vector<16xi32>
      %and3A_746 = arith.andi %get3A_740, %and3A_745 : vector<16xi32>
      tpu.vector_store_idx %arg14[%shift_right_logical3A_743, %and3A_746], %broadcast_in_dim3A_30 {add = true} : memref<80x128xf32, #tpu.memory_space<vmem>>[vector<16xi32>, vector<16xi32>], vector<16xf32>,
      %get3A_747 = arith.constant 5 : i32
      %get3A_748 = arith.index_cast %get3A_747 : i32 to index
      %get3A_749 = arith.constant 80 : index
      %get3A_750 = tpu.vector_load %arg9[%get3A_748, %get3A_749] {strides = array<i32>} : memref<8x128xi32, #tpu.memory_space<vmem>>, vector<16xi32>,
      %shift_right_logical3A_751 = arith.constant 7 : i32
      %shift_right_logical3A_752 = vector.broadcast %shift_right_logical3A_751 : i32 to vector<16xi32>
      %shift_right_logical3A_753 = arith.shrui %get3A_750, %shift_right_logical3A_752 : vector<16xi32>
      %and3A_754 = arith.constant 127 : i32
      %and3A_755 = vector.broadcast %and3A_754 : i32 to vector<16xi32>
      %and3A_756 = arith.andi %get3A_750, %and3A_755 : vector<16xi32>
      tpu.vector_store_idx %arg14[%shift_right_logical3A_753, %and3A_756], %broadcast_in_dim3A_30 {add = true} : memref<80x128xf32, #tpu.memory_space<vmem>>[vector<16xi32>, vector<16xi32>], vector<16xf32>,
      %get3A_757 = arith.constant 5 : i32
      %get3A_758 = arith.index_cast %get3A_757 : i32 to index
      %get3A_759 = arith.constant 96 : index
      %get3A_760 = tpu.vector_load %arg9[%get3A_758, %get3A_759] {strides = array<i32>} : memref<8x128xi32, #tpu.memory_space<vmem>>, vector<16xi32>,
      %shift_right_logical3A_761 = arith.constant 7 : i32
      %shift_right_logical3A_762 = vector.broadcast %shift_right_logical3A_761 : i32 to vector<16xi32>
      %shift_right_logical3A_763 = arith.shrui %get3A_760, %shift_right_logical3A_762 : vector<16xi32>
      %and3A_764 = arith.constant 127 : i32
      %and3A_765 = vector.broadcast %and3A_764 : i32 to vector<16xi32>
      %and3A_766 = arith.andi %get3A_760, %and3A_765 : vector<16xi32>
      tpu.vector_store_idx %arg14[%shift_right_logical3A_763, %and3A_766], %broadcast_in_dim3A_30 {add = true} : memref<80x128xf32, #tpu.memory_space<vmem>>[vector<16xi32>, vector<16xi32>], vector<16xf32>,
      %get3A_767 = arith.constant 5 : i32
      %get3A_768 = arith.index_cast %get3A_767 : i32 to index
      %get3A_769 = arith.constant 112 : index
      %get3A_770 = tpu.vector_load %arg9[%get3A_768, %get3A_769] {strides = array<i32>} : memref<8x128xi32, #tpu.memory_space<vmem>>, vector<16xi32>,
      %shift_right_logical3A_771 = arith.constant 7 : i32
      %shift_right_logical3A_772 = vector.broadcast %shift_right_logical3A_771 : i32 to vector<16xi32>
      %shift_right_logical3A_773 = arith.shrui %get3A_770, %shift_right_logical3A_772 : vector<16xi32>
      %and3A_774 = arith.constant 127 : i32
      %and3A_775 = vector.broadcast %and3A_774 : i32 to vector<16xi32>
      %and3A_776 = arith.andi %get3A_770, %and3A_775 : vector<16xi32>
      tpu.vector_store_idx %arg14[%shift_right_logical3A_773, %and3A_776], %broadcast_in_dim3A_30 {add = true} : memref<80x128xf32, #tpu.memory_space<vmem>>[vector<16xi32>, vector<16xi32>], vector<16xf32>,
      %dma_wait3A_777 = arith.constant 5 : i32
      %dma_wait3A_778 = arith.constant 128 : i32
      %dma_wait3A_779 = arith.constant 0 : i32
      %dma_wait3A_780 = tpu.memref_slice %arg12[%dma_wait3A_778, %dma_wait3A_779] : memref<256x128xf32, #tpu.memory_space<vmem>> -> memref<128x128xf32, #tpu.memory_space<vmem>>
      %dma_wait3A_781 = arith.constant 0 : i32
      %dma_wait3A_782 = tpu.memref_slice %arg8[%dma_wait3A_777, %dma_wait3A_781] : memref<8x128xi32, #tpu.memory_space<vmem>> -> memref<1x128xi32, #tpu.memory_space<vmem>>
      %dma_wait3A_783 = tpu.memref_squeeze %dma_wait3A_782 : memref<1x128xi32, #tpu.memory_space<vmem>> -> memref<128xi32, #tpu.memory_space<vmem>>
      %dma_wait3A_784 = arith.constant 0 : i32
      %dma_wait3A_785 = arith.constant 0 : i32
      %dma_wait3A_786 = tpu.memref_slice %arg2[%dma_wait3A_784, %dma_wait3A_785] : memref<10000x128xf32, #tpu.memory_space<hbm>> -> memref<10000x128xf32, #tpu.memory_space<hbm>>
      tpu.wait_indirect_dma semaphore(%arg20 : memref<!tpu.dma_semaphore, #tpu.memory_space<semaphore_mem>>) src(%dma_wait3A_786 : memref<10000x128xf32, #tpu.memory_space<hbm>>) dst(%dma_wait3A_780 : memref<128x128xf32, #tpu.memory_space<vmem>>)
      %dma_start3A_787 = arith.constant 5 : i32
      %dma_start3A_788 = arith.constant 128 : i32
      %dma_start3A_789 = arith.constant 0 : i32
      %dma_start3A_790 = tpu.memref_slice %arg12[%dma_start3A_788, %dma_start3A_789] : memref<256x128xf32, #tpu.memory_space<vmem>> -> memref<128x128xf32, #tpu.memory_space<vmem>>
      %dma_start3A_791 = arith.constant 0 : i32
      %dma_start3A_792 = tpu.memref_slice %arg9[%dma_start3A_787, %dma_start3A_791] : memref<8x128xi32, #tpu.memory_space<vmem>> -> memref<1x128xi32, #tpu.memory_space<vmem>>
      %dma_start3A_793 = tpu.memref_squeeze %dma_start3A_792 : memref<1x128xi32, #tpu.memory_space<vmem>> -> memref<128xi32, #tpu.memory_space<vmem>>
      %dma_start3A_794 = arith.constant 0 : i32
      %dma_start3A_795 = arith.constant 0 : i32
      %dma_start3A_796 = tpu.memref_slice %arg15[%dma_start3A_794, %dma_start3A_795] : memref<10112x128xf32, #tpu.memory_space<vmem_shared>> -> memref<10112x128xf32, #tpu.memory_space<vmem_shared>>
      tpu.enqueue_indirect_dma source(%dma_start3A_790 : memref<128x128xf32, #tpu.memory_space<vmem>>) target(%dma_start3A_796 : memref<10112x128xf32, #tpu.memory_space<vmem_shared>>) offsets(%dma_start3A_793 : memref<128xi32, #tpu.memory_space<vmem>>) semaphore(%arg22 : memref<!tpu.dma_semaphore, #tpu.memory_space<semaphore_mem>>) {add = true}
      %dma_wait3A_797 = arith.constant 5 : i32
      %dma_wait3A_798 = arith.constant 128 : i32
      %dma_wait3A_799 = arith.constant 0 : i32
      %dma_wait3A_800 = tpu.memref_slice %arg12[%dma_wait3A_798, %dma_wait3A_799] : memref<256x128xf32, #tpu.memory_space<vmem>> -> memref<128x128xf32, #tpu.memory_space<vmem>>
      %dma_wait3A_801 = arith.constant 0 : i32
      %dma_wait3A_802 = tpu.memref_slice %arg9[%dma_wait3A_797, %dma_wait3A_801] : memref<8x128xi32, #tpu.memory_space<vmem>> -> memref<1x128xi32, #tpu.memory_space<vmem>>
      %dma_wait3A_803 = tpu.memref_squeeze %dma_wait3A_802 : memref<1x128xi32, #tpu.memory_space<vmem>> -> memref<128xi32, #tpu.memory_space<vmem>>
      %dma_wait3A_804 = arith.constant 0 : i32
      %dma_wait3A_805 = arith.constant 0 : i32
      %dma_wait3A_806 = tpu.memref_slice %arg15[%dma_wait3A_804, %dma_wait3A_805] : memref<10112x128xf32, #tpu.memory_space<vmem_shared>> -> memref<10112x128xf32, #tpu.memory_space<vmem_shared>>
      tpu.wait_indirect_dma semaphore(%arg22 : memref<!tpu.dma_semaphore, #tpu.memory_space<semaphore_mem>>) src(%dma_wait3A_800 : memref<128x128xf32, #tpu.memory_space<vmem>>) dst(%dma_wait3A_806 : memref<10112x128xf32, #tpu.memory_space<vmem_shared>>)
      %dma_start3A_807 = arith.constant 7 : i32
      %dma_start3A_808 = arith.constant 128 : i32
      %dma_start3A_809 = arith.constant 0 : i32
      %dma_start3A_810 = tpu.memref_slice %arg12[%dma_start3A_808, %dma_start3A_809] : memref<256x128xf32, #tpu.memory_space<vmem>> -> memref<128x128xf32, #tpu.memory_space<vmem>>
      %dma_start3A_811 = arith.constant 0 : i32
      %dma_start3A_812 = tpu.memref_slice %arg8[%dma_start3A_807, %dma_start3A_811] : memref<8x128xi32, #tpu.memory_space<vmem>> -> memref<1x128xi32, #tpu.memory_space<vmem>>
      %dma_start3A_813 = tpu.memref_squeeze %dma_start3A_812 : memref<1x128xi32, #tpu.memory_space<vmem>> -> memref<128xi32, #tpu.memory_space<vmem>>
      %dma_start3A_814 = arith.constant 0 : i32
      %dma_start3A_815 = arith.constant 0 : i32
      %dma_start3A_816 = tpu.memref_slice %arg2[%dma_start3A_814, %dma_start3A_815] : memref<10000x128xf32, #tpu.memory_space<hbm>> -> memref<10000x128xf32, #tpu.memory_space<hbm>>
      tpu.enqueue_indirect_dma source(%dma_start3A_816 : memref<10000x128xf32, #tpu.memory_space<hbm>>) target(%dma_start3A_810 : memref<128x128xf32, #tpu.memory_space<vmem>>) offsets(%dma_start3A_813 : memref<128xi32, #tpu.memory_space<vmem>>) semaphore(%arg20 : memref<!tpu.dma_semaphore, #tpu.memory_space<semaphore_mem>>)
      %get3A_817 = arith.constant 6 : i32
      %get3A_818 = arith.index_cast %get3A_817 : i32 to index
      %get3A_819 = arith.constant 0 : index
      %get3A_820 = tpu.vector_load %arg9[%get3A_818, %get3A_819] {strides = array<i32>} : memref<8x128xi32, #tpu.memory_space<vmem>>, vector<16xi32>,
      %shift_right_logical3A_821 = arith.constant 7 : i32
      %shift_right_logical3A_822 = vector.broadcast %shift_right_logical3A_821 : i32 to vector<16xi32>
      %shift_right_logical3A_823 = arith.shrui %get3A_820, %shift_right_logical3A_822 : vector<16xi32>
      %and3A_824 = arith.constant 127 : i32
      %and3A_825 = vector.broadcast %and3A_824 : i32 to vector<16xi32>
      %and3A_826 = arith.andi %get3A_820, %and3A_825 : vector<16xi32>
      tpu.vector_store_idx %arg14[%shift_right_logical3A_823, %and3A_826], %broadcast_in_dim3A_30 {add = true} : memref<80x128xf32, #tpu.memory_space<vmem>>[vector<16xi32>, vector<16xi32>], vector<16xf32>,
      %get3A_827 = arith.constant 6 : i32
      %get3A_828 = arith.index_cast %get3A_827 : i32 to index
      %get3A_829 = arith.constant 16 : index
      %get3A_830 = tpu.vector_load %arg9[%get3A_828, %get3A_829] {strides = array<i32>} : memref<8x128xi32, #tpu.memory_space<vmem>>, vector<16xi32>,
      %shift_right_logical3A_831 = arith.constant 7 : i32
      %shift_right_logical3A_832 = vector.broadcast %shift_right_logical3A_831 : i32 to vector<16xi32>
      %shift_right_logical3A_833 = arith.shrui %get3A_830, %shift_right_logical3A_832 : vector<16xi32>
      %and3A_834 = arith.constant 127 : i32
      %and3A_835 = vector.broadcast %and3A_834 : i32 to vector<16xi32>
      %and3A_836 = arith.andi %get3A_830, %and3A_835 : vector<16xi32>
      tpu.vector_store_idx %arg14[%shift_right_logical3A_833, %and3A_836], %broadcast_in_dim3A_30 {add = true} : memref<80x128xf32, #tpu.memory_space<vmem>>[vector<16xi32>, vector<16xi32>], vector<16xf32>,
      %get3A_837 = arith.constant 6 : i32
      %get3A_838 = arith.index_cast %get3A_837 : i32 to index
      %get3A_839 = arith.constant 32 : index
      %get3A_840 = tpu.vector_load %arg9[%get3A_838, %get3A_839] {strides = array<i32>} : memref<8x128xi32, #tpu.memory_space<vmem>>, vector<16xi32>,
      %shift_right_logical3A_841 = arith.constant 7 : i32
      %shift_right_logical3A_842 = vector.broadcast %shift_right_logical3A_841 : i32 to vector<16xi32>
      %shift_right_logical3A_843 = arith.shrui %get3A_840, %shift_right_logical3A_842 : vector<16xi32>
      %and3A_844 = arith.constant 127 : i32
      %and3A_845 = vector.broadcast %and3A_844 : i32 to vector<16xi32>
      %and3A_846 = arith.andi %get3A_840, %and3A_845 : vector<16xi32>
      tpu.vector_store_idx %arg14[%shift_right_logical3A_843, %and3A_846], %broadcast_in_dim3A_30 {add = true} : memref<80x128xf32, #tpu.memory_space<vmem>>[vector<16xi32>, vector<16xi32>], vector<16xf32>,
      %get3A_847 = arith.constant 6 : i32
      %get3A_848 = arith.index_cast %get3A_847 : i32 to index
      %get3A_849 = arith.constant 48 : index
      %get3A_850 = tpu.vector_load %arg9[%get3A_848, %get3A_849] {strides = array<i32>} : memref<8x128xi32, #tpu.memory_space<vmem>>, vector<16xi32>,
      %shift_right_logical3A_851 = arith.constant 7 : i32
      %shift_right_logical3A_852 = vector.broadcast %shift_right_logical3A_851 : i32 to vector<16xi32>
      %shift_right_logical3A_853 = arith.shrui %get3A_850, %shift_right_logical3A_852 : vector<16xi32>
      %and3A_854 = arith.constant 127 : i32
      %and3A_855 = vector.broadcast %and3A_854 : i32 to vector<16xi32>
      %and3A_856 = arith.andi %get3A_850, %and3A_855 : vector<16xi32>
      tpu.vector_store_idx %arg14[%shift_right_logical3A_853, %and3A_856], %broadcast_in_dim3A_30 {add = true} : memref<80x128xf32, #tpu.memory_space<vmem>>[vector<16xi32>, vector<16xi32>], vector<16xf32>,
      %get3A_857 = arith.constant 6 : i32
      %get3A_858 = arith.index_cast %get3A_857 : i32 to index
      %get3A_859 = arith.constant 64 : index
      %get3A_860 = tpu.vector_load %arg9[%get3A_858, %get3A_859] {strides = array<i32>} : memref<8x128xi32, #tpu.memory_space<vmem>>, vector<16xi32>,
      %shift_right_logical3A_861 = arith.constant 7 : i32
      %shift_right_logical3A_862 = vector.broadcast %shift_right_logical3A_861 : i32 to vector<16xi32>
      %shift_right_logical3A_863 = arith.shrui %get3A_860, %shift_right_logical3A_862 : vector<16xi32>
      %and3A_864 = arith.constant 127 : i32
      %and3A_865 = vector.broadcast %and3A_864 : i32 to vector<16xi32>
      %and3A_866 = arith.andi %get3A_860, %and3A_865 : vector<16xi32>
      tpu.vector_store_idx %arg14[%shift_right_logical3A_863, %and3A_866], %broadcast_in_dim3A_30 {add = true} : memref<80x128xf32, #tpu.memory_space<vmem>>[vector<16xi32>, vector<16xi32>], vector<16xf32>,
      %get3A_867 = arith.constant 6 : i32
      %get3A_868 = arith.index_cast %get3A_867 : i32 to index
      %get3A_869 = arith.constant 80 : index
      %get3A_870 = tpu.vector_load %arg9[%get3A_868, %get3A_869] {strides = array<i32>} : memref<8x128xi32, #tpu.memory_space<vmem>>, vector<16xi32>,
      %shift_right_logical3A_871 = arith.constant 7 : i32
      %shift_right_logical3A_872 = vector.broadcast %shift_right_logical3A_871 : i32 to vector<16xi32>
      %shift_right_logical3A_873 = arith.shrui %get3A_870, %shift_right_logical3A_872 : vector<16xi32>
      %and3A_874 = arith.constant 127 : i32
      %and3A_875 = vector.broadcast %and3A_874 : i32 to vector<16xi32>
      %and3A_876 = arith.andi %get3A_870, %and3A_875 : vector<16xi32>
      tpu.vector_store_idx %arg14[%shift_right_logical3A_873, %and3A_876], %broadcast_in_dim3A_30 {add = true} : memref<80x128xf32, #tpu.memory_space<vmem>>[vector<16xi32>, vector<16xi32>], vector<16xf32>,
      %get3A_877 = arith.constant 6 : i32
      %get3A_878 = arith.index_cast %get3A_877 : i32 to index
      %get3A_879 = arith.constant 96 : index
      %get3A_880 = tpu.vector_load %arg9[%get3A_878, %get3A_879] {strides = array<i32>} : memref<8x128xi32, #tpu.memory_space<vmem>>, vector<16xi32>,
      %shift_right_logical3A_881 = arith.constant 7 : i32
      %shift_right_logical3A_882 = vector.broadcast %shift_right_logical3A_881 : i32 to vector<16xi32>
      %shift_right_logical3A_883 = arith.shrui %get3A_880, %shift_right_logical3A_882 : vector<16xi32>
      %and3A_884 = arith.constant 127 : i32
      %and3A_885 = vector.broadcast %and3A_884 : i32 to vector<16xi32>
      %and3A_886 = arith.andi %get3A_880, %and3A_885 : vector<16xi32>
      tpu.vector_store_idx %arg14[%shift_right_logical3A_883, %and3A_886], %broadcast_in_dim3A_30 {add = true} : memref<80x128xf32, #tpu.memory_space<vmem>>[vector<16xi32>, vector<16xi32>], vector<16xf32>,
      %get3A_887 = arith.constant 6 : i32
      %get3A_888 = arith.index_cast %get3A_887 : i32 to index
      %get3A_889 = arith.constant 112 : index
      %get3A_890 = tpu.vector_load %arg9[%get3A_888, %get3A_889] {strides = array<i32>} : memref<8x128xi32, #tpu.memory_space<vmem>>, vector<16xi32>,
      %shift_right_logical3A_891 = arith.constant 7 : i32
      %shift_right_logical3A_892 = vector.broadcast %shift_right_logical3A_891 : i32 to vector<16xi32>
      %shift_right_logical3A_893 = arith.shrui %get3A_890, %shift_right_logical3A_892 : vector<16xi32>
      %and3A_894 = arith.constant 127 : i32
      %and3A_895 = vector.broadcast %and3A_894 : i32 to vector<16xi32>
      %and3A_896 = arith.andi %get3A_890, %and3A_895 : vector<16xi32>
      tpu.vector_store_idx %arg14[%shift_right_logical3A_893, %and3A_896], %broadcast_in_dim3A_30 {add = true} : memref<80x128xf32, #tpu.memory_space<vmem>>[vector<16xi32>, vector<16xi32>], vector<16xf32>,
      %dma_wait3A_897 = arith.constant 6 : i32
      %dma_wait3A_898 = arith.constant 0 : i32
      %dma_wait3A_899 = arith.constant 0 : i32
      %dma_wait3A_900 = tpu.memref_slice %arg12[%dma_wait3A_898, %dma_wait3A_899] : memref<256x128xf32, #tpu.memory_space<vmem>> -> memref<128x128xf32, #tpu.memory_space<vmem>>
      %dma_wait3A_901 = arith.constant 0 : i32
      %dma_wait3A_902 = tpu.memref_slice %arg8[%dma_wait3A_897, %dma_wait3A_901] : memref<8x128xi32, #tpu.memory_space<vmem>> -> memref<1x128xi32, #tpu.memory_space<vmem>>
      %dma_wait3A_903 = tpu.memref_squeeze %dma_wait3A_902 : memref<1x128xi32, #tpu.memory_space<vmem>> -> memref<128xi32, #tpu.memory_space<vmem>>
      %dma_wait3A_904 = arith.constant 0 : i32
      %dma_wait3A_905 = arith.constant 0 : i32
      %dma_wait3A_906 = tpu.memref_slice %arg2[%dma_wait3A_904, %dma_wait3A_905] : memref<10000x128xf32, #tpu.memory_space<hbm>> -> memref<10000x128xf32, #tpu.memory_space<hbm>>
      tpu.wait_indirect_dma semaphore(%arg19 : memref<!tpu.dma_semaphore, #tpu.memory_space<semaphore_mem>>) src(%dma_wait3A_906 : memref<10000x128xf32, #tpu.memory_space<hbm>>) dst(%dma_wait3A_900 : memref<128x128xf32, #tpu.memory_space<vmem>>)
      %dma_start3A_907 = arith.constant 6 : i32
      %dma_start3A_908 = arith.constant 0 : i32
      %dma_start3A_909 = arith.constant 0 : i32
      %dma_start3A_910 = tpu.memref_slice %arg12[%dma_start3A_908, %dma_start3A_909] : memref<256x128xf32, #tpu.memory_space<vmem>> -> memref<128x128xf32, #tpu.memory_space<vmem>>
      %dma_start3A_911 = arith.constant 0 : i32
      %dma_start3A_912 = tpu.memref_slice %arg9[%dma_start3A_907, %dma_start3A_911] : memref<8x128xi32, #tpu.memory_space<vmem>> -> memref<1x128xi32, #tpu.memory_space<vmem>>
      %dma_start3A_913 = tpu.memref_squeeze %dma_start3A_912 : memref<1x128xi32, #tpu.memory_space<vmem>> -> memref<128xi32, #tpu.memory_space<vmem>>
      %dma_start3A_914 = arith.constant 0 : i32
      %dma_start3A_915 = arith.constant 0 : i32
      %dma_start3A_916 = tpu.memref_slice %arg15[%dma_start3A_914, %dma_start3A_915] : memref<10112x128xf32, #tpu.memory_space<vmem_shared>> -> memref<10112x128xf32, #tpu.memory_space<vmem_shared>>
      tpu.enqueue_indirect_dma source(%dma_start3A_910 : memref<128x128xf32, #tpu.memory_space<vmem>>) target(%dma_start3A_916 : memref<10112x128xf32, #tpu.memory_space<vmem_shared>>) offsets(%dma_start3A_913 : memref<128xi32, #tpu.memory_space<vmem>>) semaphore(%arg21 : memref<!tpu.dma_semaphore, #tpu.memory_space<semaphore_mem>>) {add = true}
      %get3A_917 = arith.constant 7 : i32
      %get3A_918 = arith.index_cast %get3A_917 : i32 to index
      %get3A_919 = arith.constant 0 : index
      %get3A_920 = tpu.vector_load %arg9[%get3A_918, %get3A_919] {strides = array<i32>} : memref<8x128xi32, #tpu.memory_space<vmem>>, vector<16xi32>,
      %shift_right_logical3A_921 = arith.constant 7 : i32
      %shift_right_logical3A_922 = vector.broadcast %shift_right_logical3A_921 : i32 to vector<16xi32>
      %shift_right_logical3A_923 = arith.shrui %get3A_920, %shift_right_logical3A_922 : vector<16xi32>
      %and3A_924 = arith.constant 127 : i32
      %and3A_925 = vector.broadcast %and3A_924 : i32 to vector<16xi32>
      %and3A_926 = arith.andi %get3A_920, %and3A_925 : vector<16xi32>
      tpu.vector_store_idx %arg14[%shift_right_logical3A_923, %and3A_926], %broadcast_in_dim3A_30 {add = true} : memref<80x128xf32, #tpu.memory_space<vmem>>[vector<16xi32>, vector<16xi32>], vector<16xf32>,
      %get3A_927 = arith.constant 7 : i32
      %get3A_928 = arith.index_cast %get3A_927 : i32 to index
      %get3A_929 = arith.constant 16 : index
      %get3A_930 = tpu.vector_load %arg9[%get3A_928, %get3A_929] {strides = array<i32>} : memref<8x128xi32, #tpu.memory_space<vmem>>, vector<16xi32>,
      %shift_right_logical3A_931 = arith.constant 7 : i32
      %shift_right_logical3A_932 = vector.broadcast %shift_right_logical3A_931 : i32 to vector<16xi32>
      %shift_right_logical3A_933 = arith.shrui %get3A_930, %shift_right_logical3A_932 : vector<16xi32>
      %and3A_934 = arith.constant 127 : i32
      %and3A_935 = vector.broadcast %and3A_934 : i32 to vector<16xi32>
      %and3A_936 = arith.andi %get3A_930, %and3A_935 : vector<16xi32>
      tpu.vector_store_idx %arg14[%shift_right_logical3A_933, %and3A_936], %broadcast_in_dim3A_30 {add = true} : memref<80x128xf32, #tpu.memory_space<vmem>>[vector<16xi32>, vector<16xi32>], vector<16xf32>,
      %get3A_937 = arith.constant 7 : i32
      %get3A_938 = arith.index_cast %get3A_937 : i32 to index
      %get3A_939 = arith.constant 32 : index
      %get3A_940 = tpu.vector_load %arg9[%get3A_938, %get3A_939] {strides = array<i32>} : memref<8x128xi32, #tpu.memory_space<vmem>>, vector<16xi32>,
      %shift_right_logical3A_941 = arith.constant 7 : i32
      %shift_right_logical3A_942 = vector.broadcast %shift_right_logical3A_941 : i32 to vector<16xi32>
      %shift_right_logical3A_943 = arith.shrui %get3A_940, %shift_right_logical3A_942 : vector<16xi32>
      %and3A_944 = arith.constant 127 : i32
      %and3A_945 = vector.broadcast %and3A_944 : i32 to vector<16xi32>
      %and3A_946 = arith.andi %get3A_940, %and3A_945 : vector<16xi32>
      tpu.vector_store_idx %arg14[%shift_right_logical3A_943, %and3A_946], %broadcast_in_dim3A_30 {add = true} : memref<80x128xf32, #tpu.memory_space<vmem>>[vector<16xi32>, vector<16xi32>], vector<16xf32>,
      %get3A_947 = arith.constant 7 : i32
      %get3A_948 = arith.index_cast %get3A_947 : i32 to index
      %get3A_949 = arith.constant 48 : index
      %get3A_950 = tpu.vector_load %arg9[%get3A_948, %get3A_949] {strides = array<i32>} : memref<8x128xi32, #tpu.memory_space<vmem>>, vector<16xi32>,
      %shift_right_logical3A_951 = arith.constant 7 : i32
      %shift_right_logical3A_952 = vector.broadcast %shift_right_logical3A_951 : i32 to vector<16xi32>
      %shift_right_logical3A_953 = arith.shrui %get3A_950, %shift_right_logical3A_952 : vector<16xi32>
      %and3A_954 = arith.constant 127 : i32
      %and3A_955 = vector.broadcast %and3A_954 : i32 to vector<16xi32>
      %and3A_956 = arith.andi %get3A_950, %and3A_955 : vector<16xi32>
      tpu.vector_store_idx %arg14[%shift_right_logical3A_953, %and3A_956], %broadcast_in_dim3A_30 {add = true} : memref<80x128xf32, #tpu.memory_space<vmem>>[vector<16xi32>, vector<16xi32>], vector<16xf32>,
      %get3A_957 = arith.constant 7 : i32
      %get3A_958 = arith.index_cast %get3A_957 : i32 to index
      %get3A_959 = arith.constant 64 : index
      %get3A_960 = tpu.vector_load %arg9[%get3A_958, %get3A_959] {strides = array<i32>} : memref<8x128xi32, #tpu.memory_space<vmem>>, vector<16xi32>,
      %shift_right_logical3A_961 = arith.constant 7 : i32
      %shift_right_logical3A_962 = vector.broadcast %shift_right_logical3A_961 : i32 to vector<16xi32>
      %shift_right_logical3A_963 = arith.shrui %get3A_960, %shift_right_logical3A_962 : vector<16xi32>
      %and3A_964 = arith.constant 127 : i32
      %and3A_965 = vector.broadcast %and3A_964 : i32 to vector<16xi32>
      %and3A_966 = arith.andi %get3A_960, %and3A_965 : vector<16xi32>
      tpu.vector_store_idx %arg14[%shift_right_logical3A_963, %and3A_966], %broadcast_in_dim3A_30 {add = true} : memref<80x128xf32, #tpu.memory_space<vmem>>[vector<16xi32>, vector<16xi32>], vector<16xf32>,
      %get3A_967 = arith.constant 7 : i32
      %get3A_968 = arith.index_cast %get3A_967 : i32 to index
      %get3A_969 = arith.constant 80 : index
      %get3A_970 = tpu.vector_load %arg9[%get3A_968, %get3A_969] {strides = array<i32>} : memref<8x128xi32, #tpu.memory_space<vmem>>, vector<16xi32>,
      %shift_right_logical3A_971 = arith.constant 7 : i32
      %shift_right_logical3A_972 = vector.broadcast %shift_right_logical3A_971 : i32 to vector<16xi32>
      %shift_right_logical3A_973 = arith.shrui %get3A_970, %shift_right_logical3A_972 : vector<16xi32>
      %and3A_974 = arith.constant 127 : i32
      %and3A_975 = vector.broadcast %and3A_974 : i32 to vector<16xi32>
      %and3A_976 = arith.andi %get3A_970, %and3A_975 : vector<16xi32>
      tpu.vector_store_idx %arg14[%shift_right_logical3A_973, %and3A_976], %broadcast_in_dim3A_30 {add = true} : memref<80x128xf32, #tpu.memory_space<vmem>>[vector<16xi32>, vector<16xi32>], vector<16xf32>,
      %get3A_977 = arith.constant 7 : i32
      %get3A_978 = arith.index_cast %get3A_977 : i32 to index
      %get3A_979 = arith.constant 96 : index
      %get3A_980 = tpu.vector_load %arg9[%get3A_978, %get3A_979] {strides = array<i32>} : memref<8x128xi32, #tpu.memory_space<vmem>>, vector<16xi32>,
      %shift_right_logical3A_981 = arith.constant 7 : i32
      %shift_right_logical3A_982 = vector.broadcast %shift_right_logical3A_981 : i32 to vector<16xi32>
      %shift_right_logical3A_983 = arith.shrui %get3A_980, %shift_right_logical3A_982 : vector<16xi32>
      %and3A_984 = arith.constant 127 : i32
      %and3A_985 = vector.broadcast %and3A_984 : i32 to vector<16xi32>
      %and3A_986 = arith.andi %get3A_980, %and3A_985 : vector<16xi32>
      tpu.vector_store_idx %arg14[%shift_right_logical3A_983, %and3A_986], %broadcast_in_dim3A_30 {add = true} : memref<80x128xf32, #tpu.memory_space<vmem>>[vector<16xi32>, vector<16xi32>], vector<16xf32>,
      %get3A_987 = arith.constant 7 : i32
      %get3A_988 = arith.index_cast %get3A_987 : i32 to index
      %get3A_989 = arith.constant 112 : index
      %get3A_990 = tpu.vector_load %arg9[%get3A_988, %get3A_989] {strides = array<i32>} : memref<8x128xi32, #tpu.memory_space<vmem>>, vector<16xi32>,
      %shift_right_logical3A_991 = arith.constant 7 : i32
      %shift_right_logical3A_992 = vector.broadcast %shift_right_logical3A_991 : i32 to vector<16xi32>
      %shift_right_logical3A_993 = arith.shrui %get3A_990, %shift_right_logical3A_992 : vector<16xi32>
      %and3A_994 = arith.constant 127 : i32
      %and3A_995 = vector.broadcast %and3A_994 : i32 to vector<16xi32>
      %and3A_996 = arith.andi %get3A_990, %and3A_995 : vector<16xi32>
      tpu.vector_store_idx %arg14[%shift_right_logical3A_993, %and3A_996], %broadcast_in_dim3A_30 {add = true} : memref<80x128xf32, #tpu.memory_space<vmem>>[vector<16xi32>, vector<16xi32>], vector<16xf32>,
      %dma_wait3A_997 = arith.constant 7 : i32
      %dma_wait3A_998 = arith.constant 128 : i32
      %dma_wait3A_999 = arith.constant 0 : i32
      %dma_wait3A_1000 = tpu.memref_slice %arg12[%dma_wait3A_998, %dma_wait3A_999] : memref<256x128xf32, #tpu.memory_space<vmem>> -> memref<128x128xf32, #tpu.memory_space<vmem>>
      %dma_wait3A_1001 = arith.constant 0 : i32
      %dma_wait3A_1002 = tpu.memref_slice %arg8[%dma_wait3A_997, %dma_wait3A_1001] : memref<8x128xi32, #tpu.memory_space<vmem>> -> memref<1x128xi32, #tpu.memory_space<vmem>>
      %dma_wait3A_1003 = tpu.memref_squeeze %dma_wait3A_1002 : memref<1x128xi32, #tpu.memory_space<vmem>> -> memref<128xi32, #tpu.memory_space<vmem>>
      %dma_wait3A_1004 = arith.constant 0 : i32
      %dma_wait3A_1005 = arith.constant 0 : i32
      %dma_wait3A_1006 = tpu.memref_slice %arg2[%dma_wait3A_1004, %dma_wait3A_1005] : memref<10000x128xf32, #tpu.memory_space<hbm>> -> memref<10000x128xf32, #tpu.memory_space<hbm>>
      tpu.wait_indirect_dma semaphore(%arg20 : memref<!tpu.dma_semaphore, #tpu.memory_space<semaphore_mem>>) src(%dma_wait3A_1006 : memref<10000x128xf32, #tpu.memory_space<hbm>>) dst(%dma_wait3A_1000 : memref<128x128xf32, #tpu.memory_space<vmem>>)
      %dma_start3A_1007 = arith.constant 7 : i32
      %dma_start3A_1008 = arith.constant 128 : i32
      %dma_start3A_1009 = arith.constant 0 : i32
      %dma_start3A_1010 = tpu.memref_slice %arg12[%dma_start3A_1008, %dma_start3A_1009] : memref<256x128xf32, #tpu.memory_space<vmem>> -> memref<128x128xf32, #tpu.memory_space<vmem>>
      %dma_start3A_1011 = arith.constant 0 : i32
      %dma_start3A_1012 = tpu.memref_slice %arg9[%dma_start3A_1007, %dma_start3A_1011] : memref<8x128xi32, #tpu.memory_space<vmem>> -> memref<1x128xi32, #tpu.memory_space<vmem>>
      %dma_start3A_1013 = tpu.memref_squeeze %dma_start3A_1012 : memref<1x128xi32, #tpu.memory_space<vmem>> -> memref<128xi32, #tpu.memory_space<vmem>>
      %dma_start3A_1014 = arith.constant 0 : i32
      %dma_start3A_1015 = arith.constant 0 : i32
      %dma_start3A_1016 = tpu.memref_slice %arg15[%dma_start3A_1014, %dma_start3A_1015] : memref<10112x128xf32, #tpu.memory_space<vmem_shared>> -> memref<10112x128xf32, #tpu.memory_space<vmem_shared>>
      tpu.enqueue_indirect_dma source(%dma_start3A_1010 : memref<128x128xf32, #tpu.memory_space<vmem>>) target(%dma_start3A_1016 : memref<10112x128xf32, #tpu.memory_space<vmem_shared>>) offsets(%dma_start3A_1013 : memref<128xi32, #tpu.memory_space<vmem>>) semaphore(%arg22 : memref<!tpu.dma_semaphore, #tpu.memory_space<semaphore_mem>>) {add = true}
      %dma_wait3A_1017 = arith.constant 6 : i32
      %dma_wait3A_1018 = arith.constant 0 : i32
      %dma_wait3A_1019 = arith.constant 0 : i32
      %dma_wait3A_1020 = tpu.memref_slice %arg12[%dma_wait3A_1018, %dma_wait3A_1019] : memref<256x128xf32, #tpu.memory_space<vmem>> -> memref<128x128xf32, #tpu.memory_space<vmem>>
      %dma_wait3A_1021 = arith.constant 0 : i32
      %dma_wait3A_1022 = tpu.memref_slice %arg9[%dma_wait3A_1017, %dma_wait3A_1021] : memref<8x128xi32, #tpu.memory_space<vmem>> -> memref<1x128xi32, #tpu.memory_space<vmem>>
      %dma_wait3A_1023 = tpu.memref_squeeze %dma_wait3A_1022 : memref<1x128xi32, #tpu.memory_space<vmem>> -> memref<128xi32, #tpu.memory_space<vmem>>
      %dma_wait3A_1024 = arith.constant 0 : i32
      %dma_wait3A_1025 = arith.constant 0 : i32
      %dma_wait3A_1026 = tpu.memref_slice %arg15[%dma_wait3A_1024, %dma_wait3A_1025] : memref<10112x128xf32, #tpu.memory_space<vmem_shared>> -> memref<10112x128xf32, #tpu.memory_space<vmem_shared>>
      tpu.wait_indirect_dma semaphore(%arg21 : memref<!tpu.dma_semaphore, #tpu.memory_space<semaphore_mem>>) src(%dma_wait3A_1020 : memref<128x128xf32, #tpu.memory_space<vmem>>) dst(%dma_wait3A_1026 : memref<10112x128xf32, #tpu.memory_space<vmem_shared>>)
      %dma_wait3A_1027 = arith.constant 7 : i32
      %dma_wait3A_1028 = arith.constant 128 : i32
      %dma_wait3A_1029 = arith.constant 0 : i32
      %dma_wait3A_1030 = tpu.memref_slice %arg12[%dma_wait3A_1028, %dma_wait3A_1029] : memref<256x128xf32, #tpu.memory_space<vmem>> -> memref<128x128xf32, #tpu.memory_space<vmem>>
      %dma_wait3A_1031 = arith.constant 0 : i32
      %dma_wait3A_1032 = tpu.memref_slice %arg9[%dma_wait3A_1027, %dma_wait3A_1031] : memref<8x128xi32, #tpu.memory_space<vmem>> -> memref<1x128xi32, #tpu.memory_space<vmem>>
      %dma_wait3A_1033 = tpu.memref_squeeze %dma_wait3A_1032 : memref<1x128xi32, #tpu.memory_space<vmem>> -> memref<128xi32, #tpu.memory_space<vmem>>
      %dma_wait3A_1034 = arith.constant 0 : i32
      %dma_wait3A_1035 = arith.constant 0 : i32
      %dma_wait3A_1036 = tpu.memref_slice %arg15[%dma_wait3A_1034, %dma_wait3A_1035] : memref<10112x128xf32, #tpu.memory_space<vmem_shared>> -> memref<10112x128xf32, #tpu.memory_space<vmem_shared>>
      tpu.wait_indirect_dma semaphore(%arg22 : memref<!tpu.dma_semaphore, #tpu.memory_space<semaphore_mem>>) src(%dma_wait3A_1030 : memref<128x128xf32, #tpu.memory_space<vmem>>) dst(%dma_wait3A_1036 : memref<10112x128xf32, #tpu.memory_space<vmem_shared>>)
      %add3A_1037 = arith.constant 16 : i32
      %add3A_1038 = arith.addi %add3A_75, %add3A_1037 : i32
      %dma_start3A_1039 = arith.constant 0 : i32
      %dma_start3A_1040 = tpu.memref_slice %arg3[%add3A_1038, %dma_start3A_1039] : memref<2576x128xi32, #tpu.memory_space<hbm>> -> memref<8x128xi32, #tpu.memory_space<hbm>>
      %dma_start3A_1041 = arith.constant 0 : i32
      %dma_start3A_1042 = tpu.memref_slice %arg3[%add3A_1038, %dma_start3A_1041] : memref<2576x128xi32, #tpu.memory_space<hbm>> -> memref<8x128xi32, #tpu.memory_space<hbm>>
      tpu.enqueue_dma source(%dma_start3A_1042 : memref<8x128xi32, #tpu.memory_space<hbm>>) target(%arg8 : memref<8x128xi32, #tpu.memory_space<vmem>>) target_semaphore(%arg17 : memref<!tpu.dma_semaphore, #tpu.memory_space<semaphore_mem>>)
      %add3A_1043 = arith.constant 16 : i32
      %add3A_1044 = arith.addi %add3A_75, %add3A_1043 : i32
      %dma_start3A_1045 = arith.constant 0 : i32
      %dma_start3A_1046 = tpu.memref_slice %arg4[%add3A_1044, %dma_start3A_1045] : memref<2576x128xi32, #tpu.memory_space<hbm>> -> memref<8x128xi32, #tpu.memory_space<hbm>>
      %dma_start3A_1047 = arith.constant 0 : i32
      %dma_start3A_1048 = tpu.memref_slice %arg4[%add3A_1044, %dma_start3A_1047] : memref<2576x128xi32, #tpu.memory_space<hbm>> -> memref<8x128xi32, #tpu.memory_space<hbm>>
      tpu.enqueue_dma source(%dma_start3A_1048 : memref<8x128xi32, #tpu.memory_space<hbm>>) target(%arg9 : memref<8x128xi32, #tpu.memory_space<vmem>>) target_semaphore(%arg17 : memref<!tpu.dma_semaphore, #tpu.memory_space<semaphore_mem>>)
      %add3A_1049 = arith.constant 8 : i32
      %add3A_1050 = arith.addi %add3A_75, %add3A_1049 : i32
      %dma_wait3A_1051 = arith.constant 0 : i32
      %dma_wait3A_1052 = tpu.memref_slice %arg3[%add3A_1050, %dma_wait3A_1051] : memref<2576x128xi32, #tpu.memory_space<hbm>> -> memref<8x128xi32, #tpu.memory_space<hbm>>
      %dma_wait3A_1053 = arith.constant 0 : i32
      %dma_wait3A_1054 = tpu.memref_slice %arg3[%add3A_1050, %dma_wait3A_1053] : memref<2576x128xi32, #tpu.memory_space<hbm>> -> memref<8x128xi32, #tpu.memory_space<hbm>>
      tpu.wait_dma2 semaphore(%arg18 : memref<!tpu.dma_semaphore, #tpu.memory_space<semaphore_mem>>) src(%dma_wait3A_1054 : memref<8x128xi32, #tpu.memory_space<hbm>>) dst(%arg10 : memref<8x128xi32, #tpu.memory_space<vmem>>)
      %dma_wait3A_1055 = arith.constant 0 : i32
      %dma_wait3A_1056 = tpu.memref_slice %arg4[%add3A_1050, %dma_wait3A_1055] : memref<2576x128xi32, #tpu.memory_space<hbm>> -> memref<8x128xi32, #tpu.memory_space<hbm>>
      %dma_wait3A_1057 = arith.constant 0 : i32
      %dma_wait3A_1058 = tpu.memref_slice %arg4[%add3A_1050, %dma_wait3A_1057] : memref<2576x128xi32, #tpu.memory_space<hbm>> -> memref<8x128xi32, #tpu.memory_space<hbm>>
      tpu.wait_dma2 semaphore(%arg18 : memref<!tpu.dma_semaphore, #tpu.memory_space<semaphore_mem>>) src(%dma_wait3A_1058 : memref<8x128xi32, #tpu.memory_space<hbm>>) dst(%arg11 : memref<8x128xi32, #tpu.memory_space<vmem>>)
      %dma_start3A_1059 = arith.constant 0 : i32
      %dma_start3A_1060 = arith.constant 0 : i32
      %dma_start3A_1061 = arith.constant 0 : i32
      %dma_start3A_1062 = tpu.memref_slice %arg12[%dma_start3A_1060, %dma_start3A_1061] : memref<256x128xf32, #tpu.memory_space<vmem>> -> memref<128x128xf32, #tpu.memory_space<vmem>>
      %dma_start3A_1063 = arith.constant 0 : i32
      %dma_start3A_1064 = tpu.memref_slice %arg10[%dma_start3A_1059, %dma_start3A_1063] : memref<8x128xi32, #tpu.memory_space<vmem>> -> memref<1x128xi32, #tpu.memory_space<vmem>>
      %dma_start3A_1065 = tpu.memref_squeeze %dma_start3A_1064 : memref<1x128xi32, #tpu.memory_space<vmem>> -> memref<128xi32, #tpu.memory_space<vmem>>
      %dma_start3A_1066 = arith.constant 0 : i32
      %dma_start3A_1067 = arith.constant 0 : i32
      %dma_start3A_1068 = tpu.memref_slice %arg2[%dma_start3A_1066, %dma_start3A_1067] : memref<10000x128xf32, #tpu.memory_space<hbm>> -> memref<10000x128xf32, #tpu.memory_space<hbm>>
      tpu.enqueue_indirect_dma source(%dma_start3A_1068 : memref<10000x128xf32, #tpu.memory_space<hbm>>) target(%dma_start3A_1062 : memref<128x128xf32, #tpu.memory_space<vmem>>) offsets(%dma_start3A_1065 : memref<128xi32, #tpu.memory_space<vmem>>) semaphore(%arg19 : memref<!tpu.dma_semaphore, #tpu.memory_space<semaphore_mem>>)
      %dma_start3A_1069 = arith.constant 1 : i32
      %dma_start3A_1070 = arith.constant 128 : i32
      %dma_start3A_1071 = arith.constant 0 : i32
      %dma_start3A_1072 = tpu.memref_slice %arg12[%dma_start3A_1070, %dma_start3A_1071] : memref<256x128xf32, #tpu.memory_space<vmem>> -> memref<128x128xf32, #tpu.memory_space<vmem>>
      %dma_start3A_1073 = arith.constant 0 : i32
      %dma_start3A_1074 = tpu.memref_slice %arg10[%dma_start3A_1069, %dma_start3A_1073] : memref<8x128xi32, #tpu.memory_space<vmem>> -> memref<1x128xi32, #tpu.memory_space<vmem>>
      %dma_start3A_1075 = tpu.memref_squeeze %dma_start3A_1074 : memref<1x128xi32, #tpu.memory_space<vmem>> -> memref<128xi32, #tpu.memory_space<vmem>>
      %dma_start3A_1076 = arith.constant 0 : i32
      %dma_start3A_1077 = arith.constant 0 : i32
      %dma_start3A_1078 = tpu.memref_slice %arg2[%dma_start3A_1076, %dma_start3A_1077] : memref<10000x128xf32, #tpu.memory_space<hbm>> -> memref<10000x128xf32, #tpu.memory_space<hbm>>
      tpu.enqueue_indirect_dma source(%dma_start3A_1078 : memref<10000x128xf32, #tpu.memory_space<hbm>>) target(%dma_start3A_1072 : memref<128x128xf32, #tpu.memory_space<vmem>>) offsets(%dma_start3A_1075 : memref<128xi32, #tpu.memory_space<vmem>>) semaphore(%arg20 : memref<!tpu.dma_semaphore, #tpu.memory_space<semaphore_mem>>)
      %get3A_1079 = arith.constant 0 : i32
      %get3A_1080 = arith.index_cast %get3A_1079 : i32 to index
      %get3A_1081 = arith.constant 0 : index
      %get3A_1082 = tpu.vector_load %arg11[%get3A_1080, %get3A_1081] {strides = array<i32>} : memref<8x128xi32, #tpu.memory_space<vmem>>, vector<16xi32>,
      %shift_right_logical3A_1083 = arith.constant 7 : i32
      %shift_right_logical3A_1084 = vector.broadcast %shift_right_logical3A_1083 : i32 to vector<16xi32>
      %shift_right_logical3A_1085 = arith.shrui %get3A_1082, %shift_right_logical3A_1084 : vector<16xi32>
      %and3A_1086 = arith.constant 127 : i32
      %and3A_1087 = vector.broadcast %and3A_1086 : i32 to vector<16xi32>
      %and3A_1088 = arith.andi %get3A_1082, %and3A_1087 : vector<16xi32>
      tpu.vector_store_idx %arg14[%shift_right_logical3A_1085, %and3A_1088], %broadcast_in_dim3A_30 {add = true} : memref<80x128xf32, #tpu.memory_space<vmem>>[vector<16xi32>, vector<16xi32>], vector<16xf32>,
      %get3A_1089 = arith.constant 0 : i32
      %get3A_1090 = arith.index_cast %get3A_1089 : i32 to index
      %get3A_1091 = arith.constant 16 : index
      %get3A_1092 = tpu.vector_load %arg11[%get3A_1090, %get3A_1091] {strides = array<i32>} : memref<8x128xi32, #tpu.memory_space<vmem>>, vector<16xi32>,
      %shift_right_logical3A_1093 = arith.constant 7 : i32
      %shift_right_logical3A_1094 = vector.broadcast %shift_right_logical3A_1093 : i32 to vector<16xi32>
      %shift_right_logical3A_1095 = arith.shrui %get3A_1092, %shift_right_logical3A_1094 : vector<16xi32>
      %and3A_1096 = arith.constant 127 : i32
      %and3A_1097 = vector.broadcast %and3A_1096 : i32 to vector<16xi32>
      %and3A_1098 = arith.andi %get3A_1092, %and3A_1097 : vector<16xi32>
      tpu.vector_store_idx %arg14[%shift_right_logical3A_1095, %and3A_1098], %broadcast_in_dim3A_30 {add = true} : memref<80x128xf32, #tpu.memory_space<vmem>>[vector<16xi32>, vector<16xi32>], vector<16xf32>,
      %get3A_1099 = arith.constant 0 : i32
      %get3A_1100 = arith.index_cast %get3A_1099 : i32 to index
      %get3A_1101 = arith.constant 32 : index
      %get3A_1102 = tpu.vector_load %arg11[%get3A_1100, %get3A_1101] {strides = array<i32>} : memref<8x128xi32, #tpu.memory_space<vmem>>, vector<16xi32>,
      %shift_right_logical3A_1103 = arith.constant 7 : i32
      %shift_right_logical3A_1104 = vector.broadcast %shift_right_logical3A_1103 : i32 to vector<16xi32>
      %shift_right_logical3A_1105 = arith.shrui %get3A_1102, %shift_right_logical3A_1104 : vector<16xi32>
      %and3A_1106 = arith.constant 127 : i32
      %and3A_1107 = vector.broadcast %and3A_1106 : i32 to vector<16xi32>
      %and3A_1108 = arith.andi %get3A_1102, %and3A_1107 : vector<16xi32>
      tpu.vector_store_idx %arg14[%shift_right_logical3A_1105, %and3A_1108], %broadcast_in_dim3A_30 {add = true} : memref<80x128xf32, #tpu.memory_space<vmem>>[vector<16xi32>, vector<16xi32>], vector<16xf32>,
      %get3A_1109 = arith.constant 0 : i32
      %get3A_1110 = arith.index_cast %get3A_1109 : i32 to index
      %get3A_1111 = arith.constant 48 : index
      %get3A_1112 = tpu.vector_load %arg11[%get3A_1110, %get3A_1111] {strides = array<i32>} : memref<8x128xi32, #tpu.memory_space<vmem>>, vector<16xi32>,
      %shift_right_logical3A_1113 = arith.constant 7 : i32
      %shift_right_logical3A_1114 = vector.broadcast %shift_right_logical3A_1113 : i32 to vector<16xi32>
      %shift_right_logical3A_1115 = arith.shrui %get3A_1112, %shift_right_logical3A_1114 : vector<16xi32>
      %and3A_1116 = arith.constant 127 : i32
      %and3A_1117 = vector.broadcast %and3A_1116 : i32 to vector<16xi32>
      %and3A_1118 = arith.andi %get3A_1112, %and3A_1117 : vector<16xi32>
      tpu.vector_store_idx %arg14[%shift_right_logical3A_1115, %and3A_1118], %broadcast_in_dim3A_30 {add = true} : memref<80x128xf32, #tpu.memory_space<vmem>>[vector<16xi32>, vector<16xi32>], vector<16xf32>,
      %get3A_1119 = arith.constant 0 : i32
      %get3A_1120 = arith.index_cast %get3A_1119 : i32 to index
      %get3A_1121 = arith.constant 64 : index
      %get3A_1122 = tpu.vector_load %arg11[%get3A_1120, %get3A_1121] {strides = array<i32>} : memref<8x128xi32, #tpu.memory_space<vmem>>, vector<16xi32>,
      %shift_right_logical3A_1123 = arith.constant 7 : i32
      %shift_right_logical3A_1124 = vector.broadcast %shift_right_logical3A_1123 : i32 to vector<16xi32>
      %shift_right_logical3A_1125 = arith.shrui %get3A_1122, %shift_right_logical3A_1124 : vector<16xi32>
      %and3A_1126 = arith.constant 127 : i32
      %and3A_1127 = vector.broadcast %and3A_1126 : i32 to vector<16xi32>
      %and3A_1128 = arith.andi %get3A_1122, %and3A_1127 : vector<16xi32>
      tpu.vector_store_idx %arg14[%shift_right_logical3A_1125, %and3A_1128], %broadcast_in_dim3A_30 {add = true} : memref<80x128xf32, #tpu.memory_space<vmem>>[vector<16xi32>, vector<16xi32>], vector<16xf32>,
      %get3A_1129 = arith.constant 0 : i32
      %get3A_1130 = arith.index_cast %get3A_1129 : i32 to index
      %get3A_1131 = arith.constant 80 : index
      %get3A_1132 = tpu.vector_load %arg11[%get3A_1130, %get3A_1131] {strides = array<i32>} : memref<8x128xi32, #tpu.memory_space<vmem>>, vector<16xi32>,
      %shift_right_logical3A_1133 = arith.constant 7 : i32
      %shift_right_logical3A_1134 = vector.broadcast %shift_right_logical3A_1133 : i32 to vector<16xi32>
      %shift_right_logical3A_1135 = arith.shrui %get3A_1132, %shift_right_logical3A_1134 : vector<16xi32>
      %and3A_1136 = arith.constant 127 : i32
      %and3A_1137 = vector.broadcast %and3A_1136 : i32 to vector<16xi32>
      %and3A_1138 = arith.andi %get3A_1132, %and3A_1137 : vector<16xi32>
      tpu.vector_store_idx %arg14[%shift_right_logical3A_1135, %and3A_1138], %broadcast_in_dim3A_30 {add = true} : memref<80x128xf32, #tpu.memory_space<vmem>>[vector<16xi32>, vector<16xi32>], vector<16xf32>,
      %get3A_1139 = arith.constant 0 : i32
      %get3A_1140 = arith.index_cast %get3A_1139 : i32 to index
      %get3A_1141 = arith.constant 96 : index
      %get3A_1142 = tpu.vector_load %arg11[%get3A_1140, %get3A_1141] {strides = array<i32>} : memref<8x128xi32, #tpu.memory_space<vmem>>, vector<16xi32>,
      %shift_right_logical3A_1143 = arith.constant 7 : i32
      %shift_right_logical3A_1144 = vector.broadcast %shift_right_logical3A_1143 : i32 to vector<16xi32>
      %shift_right_logical3A_1145 = arith.shrui %get3A_1142, %shift_right_logical3A_1144 : vector<16xi32>
      %and3A_1146 = arith.constant 127 : i32
      %and3A_1147 = vector.broadcast %and3A_1146 : i32 to vector<16xi32>
      %and3A_1148 = arith.andi %get3A_1142, %and3A_1147 : vector<16xi32>
      tpu.vector_store_idx %arg14[%shift_right_logical3A_1145, %and3A_1148], %broadcast_in_dim3A_30 {add = true} : memref<80x128xf32, #tpu.memory_space<vmem>>[vector<16xi32>, vector<16xi32>], vector<16xf32>,
      %get3A_1149 = arith.constant 0 : i32
      %get3A_1150 = arith.index_cast %get3A_1149 : i32 to index
      %get3A_1151 = arith.constant 112 : index
      %get3A_1152 = tpu.vector_load %arg11[%get3A_1150, %get3A_1151] {strides = array<i32>} : memref<8x128xi32, #tpu.memory_space<vmem>>, vector<16xi32>,
      %shift_right_logical3A_1153 = arith.constant 7 : i32
      %shift_right_logical3A_1154 = vector.broadcast %shift_right_logical3A_1153 : i32 to vector<16xi32>
      %shift_right_logical3A_1155 = arith.shrui %get3A_1152, %shift_right_logical3A_1154 : vector<16xi32>
      %and3A_1156 = arith.constant 127 : i32
      %and3A_1157 = vector.broadcast %and3A_1156 : i32 to vector<16xi32>
      %and3A_1158 = arith.andi %get3A_1152, %and3A_1157 : vector<16xi32>
      tpu.vector_store_idx %arg14[%shift_right_logical3A_1155, %and3A_1158], %broadcast_in_dim3A_30 {add = true} : memref<80x128xf32, #tpu.memory_space<vmem>>[vector<16xi32>, vector<16xi32>], vector<16xf32>,
      %dma_wait3A_1159 = arith.constant 0 : i32
      %dma_wait3A_1160 = arith.constant 0 : i32
      %dma_wait3A_1161 = arith.constant 0 : i32
      %dma_wait3A_1162 = tpu.memref_slice %arg12[%dma_wait3A_1160, %dma_wait3A_1161] : memref<256x128xf32, #tpu.memory_space<vmem>> -> memref<128x128xf32, #tpu.memory_space<vmem>>
      %dma_wait3A_1163 = arith.constant 0 : i32
      %dma_wait3A_1164 = tpu.memref_slice %arg10[%dma_wait3A_1159, %dma_wait3A_1163] : memref<8x128xi32, #tpu.memory_space<vmem>> -> memref<1x128xi32, #tpu.memory_space<vmem>>
      %dma_wait3A_1165 = tpu.memref_squeeze %dma_wait3A_1164 : memref<1x128xi32, #tpu.memory_space<vmem>> -> memref<128xi32, #tpu.memory_space<vmem>>
      %dma_wait3A_1166 = arith.constant 0 : i32
      %dma_wait3A_1167 = arith.constant 0 : i32
      %dma_wait3A_1168 = tpu.memref_slice %arg2[%dma_wait3A_1166, %dma_wait3A_1167] : memref<10000x128xf32, #tpu.memory_space<hbm>> -> memref<10000x128xf32, #tpu.memory_space<hbm>>
      tpu.wait_indirect_dma semaphore(%arg19 : memref<!tpu.dma_semaphore, #tpu.memory_space<semaphore_mem>>) src(%dma_wait3A_1168 : memref<10000x128xf32, #tpu.memory_space<hbm>>) dst(%dma_wait3A_1162 : memref<128x128xf32, #tpu.memory_space<vmem>>)
      %dma_start3A_1169 = arith.constant 0 : i32
      %dma_start3A_1170 = arith.constant 0 : i32
      %dma_start3A_1171 = arith.constant 0 : i32
      %dma_start3A_1172 = tpu.memref_slice %arg12[%dma_start3A_1170, %dma_start3A_1171] : memref<256x128xf32, #tpu.memory_space<vmem>> -> memref<128x128xf32, #tpu.memory_space<vmem>>
      %dma_start3A_1173 = arith.constant 0 : i32
      %dma_start3A_1174 = tpu.memref_slice %arg11[%dma_start3A_1169, %dma_start3A_1173] : memref<8x128xi32, #tpu.memory_space<vmem>> -> memref<1x128xi32, #tpu.memory_space<vmem>>
      %dma_start3A_1175 = tpu.memref_squeeze %dma_start3A_1174 : memref<1x128xi32, #tpu.memory_space<vmem>> -> memref<128xi32, #tpu.memory_space<vmem>>
      %dma_start3A_1176 = arith.constant 0 : i32
      %dma_start3A_1177 = arith.constant 0 : i32
      %dma_start3A_1178 = tpu.memref_slice %arg15[%dma_start3A_1176, %dma_start3A_1177] : memref<10112x128xf32, #tpu.memory_space<vmem_shared>> -> memref<10112x128xf32, #tpu.memory_space<vmem_shared>>
      tpu.enqueue_indirect_dma source(%dma_start3A_1172 : memref<128x128xf32, #tpu.memory_space<vmem>>) target(%dma_start3A_1178 : memref<10112x128xf32, #tpu.memory_space<vmem_shared>>) offsets(%dma_start3A_1175 : memref<128xi32, #tpu.memory_space<vmem>>) semaphore(%arg21 : memref<!tpu.dma_semaphore, #tpu.memory_space<semaphore_mem>>) {add = true}
      %dma_wait3A_1179 = arith.constant 0 : i32
      %dma_wait3A_1180 = arith.constant 0 : i32
      %dma_wait3A_1181 = arith.constant 0 : i32
      %dma_wait3A_1182 = tpu.memref_slice %arg12[%dma_wait3A_1180, %dma_wait3A_1181] : memref<256x128xf32, #tpu.memory_space<vmem>> -> memref<128x128xf32, #tpu.memory_space<vmem>>
      %dma_wait3A_1183 = arith.constant 0 : i32
      %dma_wait3A_1184 = tpu.memref_slice %arg11[%dma_wait3A_1179, %dma_wait3A_1183] : memref<8x128xi32, #tpu.memory_space<vmem>> -> memref<1x128xi32, #tpu.memory_space<vmem>>
      %dma_wait3A_1185 = tpu.memref_squeeze %dma_wait3A_1184 : memref<1x128xi32, #tpu.memory_space<vmem>> -> memref<128xi32, #tpu.memory_space<vmem>>
      %dma_wait3A_1186 = arith.constant 0 : i32
      %dma_wait3A_1187 = arith.constant 0 : i32
      %dma_wait3A_1188 = tpu.memref_slice %arg15[%dma_wait3A_1186, %dma_wait3A_1187] : memref<10112x128xf32, #tpu.memory_space<vmem_shared>> -> memref<10112x128xf32, #tpu.memory_space<vmem_shared>>
      tpu.wait_indirect_dma semaphore(%arg21 : memref<!tpu.dma_semaphore, #tpu.memory_space<semaphore_mem>>) src(%dma_wait3A_1182 : memref<128x128xf32, #tpu.memory_space<vmem>>) dst(%dma_wait3A_1188 : memref<10112x128xf32, #tpu.memory_space<vmem_shared>>)
      %dma_start3A_1189 = arith.constant 2 : i32
      %dma_start3A_1190 = arith.constant 0 : i32
      %dma_start3A_1191 = arith.constant 0 : i32
      %dma_start3A_1192 = tpu.memref_slice %arg12[%dma_start3A_1190, %dma_start3A_1191] : memref<256x128xf32, #tpu.memory_space<vmem>> -> memref<128x128xf32, #tpu.memory_space<vmem>>
      %dma_start3A_1193 = arith.constant 0 : i32
      %dma_start3A_1194 = tpu.memref_slice %arg10[%dma_start3A_1189, %dma_start3A_1193] : memref<8x128xi32, #tpu.memory_space<vmem>> -> memref<1x128xi32, #tpu.memory_space<vmem>>
      %dma_start3A_1195 = tpu.memref_squeeze %dma_start3A_1194 : memref<1x128xi32, #tpu.memory_space<vmem>> -> memref<128xi32, #tpu.memory_space<vmem>>
      %dma_start3A_1196 = arith.constant 0 : i32
      %dma_start3A_1197 = arith.constant 0 : i32
      %dma_start3A_1198 = tpu.memref_slice %arg2[%dma_start3A_1196, %dma_start3A_1197] : memref<10000x128xf32, #tpu.memory_space<hbm>> -> memref<10000x128xf32, #tpu.memory_space<hbm>>
      tpu.enqueue_indirect_dma source(%dma_start3A_1198 : memref<10000x128xf32, #tpu.memory_space<hbm>>) target(%dma_start3A_1192 : memref<128x128xf32, #tpu.memory_space<vmem>>) offsets(%dma_start3A_1195 : memref<128xi32, #tpu.memory_space<vmem>>) semaphore(%arg19 : memref<!tpu.dma_semaphore, #tpu.memory_space<semaphore_mem>>)
      %get3A_1199 = arith.constant 1 : i32
      %get3A_1200 = arith.index_cast %get3A_1199 : i32 to index
      %get3A_1201 = arith.constant 0 : index
      %get3A_1202 = tpu.vector_load %arg11[%get3A_1200, %get3A_1201] {strides = array<i32>} : memref<8x128xi32, #tpu.memory_space<vmem>>, vector<16xi32>,
      %shift_right_logical3A_1203 = arith.constant 7 : i32
      %shift_right_logical3A_1204 = vector.broadcast %shift_right_logical3A_1203 : i32 to vector<16xi32>
      %shift_right_logical3A_1205 = arith.shrui %get3A_1202, %shift_right_logical3A_1204 : vector<16xi32>
      %and3A_1206 = arith.constant 127 : i32
      %and3A_1207 = vector.broadcast %and3A_1206 : i32 to vector<16xi32>
      %and3A_1208 = arith.andi %get3A_1202, %and3A_1207 : vector<16xi32>
      tpu.vector_store_idx %arg14[%shift_right_logical3A_1205, %and3A_1208], %broadcast_in_dim3A_30 {add = true} : memref<80x128xf32, #tpu.memory_space<vmem>>[vector<16xi32>, vector<16xi32>], vector<16xf32>,
      %get3A_1209 = arith.constant 1 : i32
      %get3A_1210 = arith.index_cast %get3A_1209 : i32 to index
      %get3A_1211 = arith.constant 16 : index
      %get3A_1212 = tpu.vector_load %arg11[%get3A_1210, %get3A_1211] {strides = array<i32>} : memref<8x128xi32, #tpu.memory_space<vmem>>, vector<16xi32>,
      %shift_right_logical3A_1213 = arith.constant 7 : i32
      %shift_right_logical3A_1214 = vector.broadcast %shift_right_logical3A_1213 : i32 to vector<16xi32>
      %shift_right_logical3A_1215 = arith.shrui %get3A_1212, %shift_right_logical3A_1214 : vector<16xi32>
      %and3A_1216 = arith.constant 127 : i32
      %and3A_1217 = vector.broadcast %and3A_1216 : i32 to vector<16xi32>
      %and3A_1218 = arith.andi %get3A_1212, %and3A_1217 : vector<16xi32>
      tpu.vector_store_idx %arg14[%shift_right_logical3A_1215, %and3A_1218], %broadcast_in_dim3A_30 {add = true} : memref<80x128xf32, #tpu.memory_space<vmem>>[vector<16xi32>, vector<16xi32>], vector<16xf32>,
      %get3A_1219 = arith.constant 1 : i32
      %get3A_1220 = arith.index_cast %get3A_1219 : i32 to index
      %get3A_1221 = arith.constant 32 : index
      %get3A_1222 = tpu.vector_load %arg11[%get3A_1220, %get3A_1221] {strides = array<i32>} : memref<8x128xi32, #tpu.memory_space<vmem>>, vector<16xi32>,
      %shift_right_logical3A_1223 = arith.constant 7 : i32
      %shift_right_logical3A_1224 = vector.broadcast %shift_right_logical3A_1223 : i32 to vector<16xi32>
      %shift_right_logical3A_1225 = arith.shrui %get3A_1222, %shift_right_logical3A_1224 : vector<16xi32>
      %and3A_1226 = arith.constant 127 : i32
      %and3A_1227 = vector.broadcast %and3A_1226 : i32 to vector<16xi32>
      %and3A_1228 = arith.andi %get3A_1222, %and3A_1227 : vector<16xi32>
      tpu.vector_store_idx %arg14[%shift_right_logical3A_1225, %and3A_1228], %broadcast_in_dim3A_30 {add = true} : memref<80x128xf32, #tpu.memory_space<vmem>>[vector<16xi32>, vector<16xi32>], vector<16xf32>,
      %get3A_1229 = arith.constant 1 : i32
      %get3A_1230 = arith.index_cast %get3A_1229 : i32 to index
      %get3A_1231 = arith.constant 48 : index
      %get3A_1232 = tpu.vector_load %arg11[%get3A_1230, %get3A_1231] {strides = array<i32>} : memref<8x128xi32, #tpu.memory_space<vmem>>, vector<16xi32>,
      %shift_right_logical3A_1233 = arith.constant 7 : i32
      %shift_right_logical3A_1234 = vector.broadcast %shift_right_logical3A_1233 : i32 to vector<16xi32>
      %shift_right_logical3A_1235 = arith.shrui %get3A_1232, %shift_right_logical3A_1234 : vector<16xi32>
      %and3A_1236 = arith.constant 127 : i32
      %and3A_1237 = vector.broadcast %and3A_1236 : i32 to vector<16xi32>
      %and3A_1238 = arith.andi %get3A_1232, %and3A_1237 : vector<16xi32>
      tpu.vector_store_idx %arg14[%shift_right_logical3A_1235, %and3A_1238], %broadcast_in_dim3A_30 {add = true} : memref<80x128xf32, #tpu.memory_space<vmem>>[vector<16xi32>, vector<16xi32>], vector<16xf32>,
      %get3A_1239 = arith.constant 1 : i32
      %get3A_1240 = arith.index_cast %get3A_1239 : i32 to index
      %get3A_1241 = arith.constant 64 : index
      %get3A_1242 = tpu.vector_load %arg11[%get3A_1240, %get3A_1241] {strides = array<i32>} : memref<8x128xi32, #tpu.memory_space<vmem>>, vector<16xi32>,
      %shift_right_logical3A_1243 = arith.constant 7 : i32
      %shift_right_logical3A_1244 = vector.broadcast %shift_right_logical3A_1243 : i32 to vector<16xi32>
      %shift_right_logical3A_1245 = arith.shrui %get3A_1242, %shift_right_logical3A_1244 : vector<16xi32>
      %and3A_1246 = arith.constant 127 : i32
      %and3A_1247 = vector.broadcast %and3A_1246 : i32 to vector<16xi32>
      %and3A_1248 = arith.andi %get3A_1242, %and3A_1247 : vector<16xi32>
      tpu.vector_store_idx %arg14[%shift_right_logical3A_1245, %and3A_1248], %broadcast_in_dim3A_30 {add = true} : memref<80x128xf32, #tpu.memory_space<vmem>>[vector<16xi32>, vector<16xi32>], vector<16xf32>,
      %get3A_1249 = arith.constant 1 : i32
      %get3A_1250 = arith.index_cast %get3A_1249 : i32 to index
      %get3A_1251 = arith.constant 80 : index
      %get3A_1252 = tpu.vector_load %arg11[%get3A_1250, %get3A_1251] {strides = array<i32>} : memref<8x128xi32, #tpu.memory_space<vmem>>, vector<16xi32>,
      %shift_right_logical3A_1253 = arith.constant 7 : i32
      %shift_right_logical3A_1254 = vector.broadcast %shift_right_logical3A_1253 : i32 to vector<16xi32>
      %shift_right_logical3A_1255 = arith.shrui %get3A_1252, %shift_right_logical3A_1254 : vector<16xi32>
      %and3A_1256 = arith.constant 127 : i32
      %and3A_1257 = vector.broadcast %and3A_1256 : i32 to vector<16xi32>
      %and3A_1258 = arith.andi %get3A_1252, %and3A_1257 : vector<16xi32>
      tpu.vector_store_idx %arg14[%shift_right_logical3A_1255, %and3A_1258], %broadcast_in_dim3A_30 {add = true} : memref<80x128xf32, #tpu.memory_space<vmem>>[vector<16xi32>, vector<16xi32>], vector<16xf32>,
      %get3A_1259 = arith.constant 1 : i32
      %get3A_1260 = arith.index_cast %get3A_1259 : i32 to index
      %get3A_1261 = arith.constant 96 : index
      %get3A_1262 = tpu.vector_load %arg11[%get3A_1260, %get3A_1261] {strides = array<i32>} : memref<8x128xi32, #tpu.memory_space<vmem>>, vector<16xi32>,
      %shift_right_logical3A_1263 = arith.constant 7 : i32
      %shift_right_logical3A_1264 = vector.broadcast %shift_right_logical3A_1263 : i32 to vector<16xi32>
      %shift_right_logical3A_1265 = arith.shrui %get3A_1262, %shift_right_logical3A_1264 : vector<16xi32>
      %and3A_1266 = arith.constant 127 : i32
      %and3A_1267 = vector.broadcast %and3A_1266 : i32 to vector<16xi32>
      %and3A_1268 = arith.andi %get3A_1262, %and3A_1267 : vector<16xi32>
      tpu.vector_store_idx %arg14[%shift_right_logical3A_1265, %and3A_1268], %broadcast_in_dim3A_30 {add = true} : memref<80x128xf32, #tpu.memory_space<vmem>>[vector<16xi32>, vector<16xi32>], vector<16xf32>,
      %get3A_1269 = arith.constant 1 : i32
      %get3A_1270 = arith.index_cast %get3A_1269 : i32 to index
      %get3A_1271 = arith.constant 112 : index
      %get3A_1272 = tpu.vector_load %arg11[%get3A_1270, %get3A_1271] {strides = array<i32>} : memref<8x128xi32, #tpu.memory_space<vmem>>, vector<16xi32>,
      %shift_right_logical3A_1273 = arith.constant 7 : i32
      %shift_right_logical3A_1274 = vector.broadcast %shift_right_logical3A_1273 : i32 to vector<16xi32>
      %shift_right_logical3A_1275 = arith.shrui %get3A_1272, %shift_right_logical3A_1274 : vector<16xi32>
      %and3A_1276 = arith.constant 127 : i32
      %and3A_1277 = vector.broadcast %and3A_1276 : i32 to vector<16xi32>
      %and3A_1278 = arith.andi %get3A_1272, %and3A_1277 : vector<16xi32>
      tpu.vector_store_idx %arg14[%shift_right_logical3A_1275, %and3A_1278], %broadcast_in_dim3A_30 {add = true} : memref<80x128xf32, #tpu.memory_space<vmem>>[vector<16xi32>, vector<16xi32>], vector<16xf32>,
      %dma_wait3A_1279 = arith.constant 1 : i32
      %dma_wait3A_1280 = arith.constant 128 : i32
      %dma_wait3A_1281 = arith.constant 0 : i32
      %dma_wait3A_1282 = tpu.memref_slice %arg12[%dma_wait3A_1280, %dma_wait3A_1281] : memref<256x128xf32, #tpu.memory_space<vmem>> -> memref<128x128xf32, #tpu.memory_space<vmem>>
      %dma_wait3A_1283 = arith.constant 0 : i32
      %dma_wait3A_1284 = tpu.memref_slice %arg10[%dma_wait3A_1279, %dma_wait3A_1283] : memref<8x128xi32, #tpu.memory_space<vmem>> -> memref<1x128xi32, #tpu.memory_space<vmem>>
      %dma_wait3A_1285 = tpu.memref_squeeze %dma_wait3A_1284 : memref<1x128xi32, #tpu.memory_space<vmem>> -> memref<128xi32, #tpu.memory_space<vmem>>
      %dma_wait3A_1286 = arith.constant 0 : i32
      %dma_wait3A_1287 = arith.constant 0 : i32
      %dma_wait3A_1288 = tpu.memref_slice %arg2[%dma_wait3A_1286, %dma_wait3A_1287] : memref<10000x128xf32, #tpu.memory_space<hbm>> -> memref<10000x128xf32, #tpu.memory_space<hbm>>
      tpu.wait_indirect_dma semaphore(%arg20 : memref<!tpu.dma_semaphore, #tpu.memory_space<semaphore_mem>>) src(%dma_wait3A_1288 : memref<10000x128xf32, #tpu.memory_space<hbm>>) dst(%dma_wait3A_1282 : memref<128x128xf32, #tpu.memory_space<vmem>>)
      %dma_start3A_1289 = arith.constant 1 : i32
      %dma_start3A_1290 = arith.constant 128 : i32
      %dma_start3A_1291 = arith.constant 0 : i32
      %dma_start3A_1292 = tpu.memref_slice %arg12[%dma_start3A_1290, %dma_start3A_1291] : memref<256x128xf32, #tpu.memory_space<vmem>> -> memref<128x128xf32, #tpu.memory_space<vmem>>
      %dma_start3A_1293 = arith.constant 0 : i32
      %dma_start3A_1294 = tpu.memref_slice %arg11[%dma_start3A_1289, %dma_start3A_1293] : memref<8x128xi32, #tpu.memory_space<vmem>> -> memref<1x128xi32, #tpu.memory_space<vmem>>
      %dma_start3A_1295 = tpu.memref_squeeze %dma_start3A_1294 : memref<1x128xi32, #tpu.memory_space<vmem>> -> memref<128xi32, #tpu.memory_space<vmem>>
      %dma_start3A_1296 = arith.constant 0 : i32
      %dma_start3A_1297 = arith.constant 0 : i32
      %dma_start3A_1298 = tpu.memref_slice %arg15[%dma_start3A_1296, %dma_start3A_1297] : memref<10112x128xf32, #tpu.memory_space<vmem_shared>> -> memref<10112x128xf32, #tpu.memory_space<vmem_shared>>
      tpu.enqueue_indirect_dma source(%dma_start3A_1292 : memref<128x128xf32, #tpu.memory_space<vmem>>) target(%dma_start3A_1298 : memref<10112x128xf32, #tpu.memory_space<vmem_shared>>) offsets(%dma_start3A_1295 : memref<128xi32, #tpu.memory_space<vmem>>) semaphore(%arg22 : memref<!tpu.dma_semaphore, #tpu.memory_space<semaphore_mem>>) {add = true}
      %dma_wait3A_1299 = arith.constant 1 : i32
      %dma_wait3A_1300 = arith.constant 128 : i32
      %dma_wait3A_1301 = arith.constant 0 : i32
      %dma_wait3A_1302 = tpu.memref_slice %arg12[%dma_wait3A_1300, %dma_wait3A_1301] : memref<256x128xf32, #tpu.memory_space<vmem>> -> memref<128x128xf32, #tpu.memory_space<vmem>>
      %dma_wait3A_1303 = arith.constant 0 : i32
      %dma_wait3A_1304 = tpu.memref_slice %arg11[%dma_wait3A_1299, %dma_wait3A_1303] : memref<8x128xi32, #tpu.memory_space<vmem>> -> memref<1x128xi32, #tpu.memory_space<vmem>>
      %dma_wait3A_1305 = tpu.memref_squeeze %dma_wait3A_1304 : memref<1x128xi32, #tpu.memory_space<vmem>> -> memref<128xi32, #tpu.memory_space<vmem>>
      %dma_wait3A_1306 = arith.constant 0 : i32
      %dma_wait3A_1307 = arith.constant 0 : i32
      %dma_wait3A_1308 = tpu.memref_slice %arg15[%dma_wait3A_1306, %dma_wait3A_1307] : memref<10112x128xf32, #tpu.memory_space<vmem_shared>> -> memref<10112x128xf32, #tpu.memory_space<vmem_shared>>
      tpu.wait_indirect_dma semaphore(%arg22 : memref<!tpu.dma_semaphore, #tpu.memory_space<semaphore_mem>>) src(%dma_wait3A_1302 : memref<128x128xf32, #tpu.memory_space<vmem>>) dst(%dma_wait3A_1308 : memref<10112x128xf32, #tpu.memory_space<vmem_shared>>)
      %dma_start3A_1309 = arith.constant 3 : i32
      %dma_start3A_1310 = arith.constant 128 : i32
      %dma_start3A_1311 = arith.constant 0 : i32
      %dma_start3A_1312 = tpu.memref_slice %arg12[%dma_start3A_1310, %dma_start3A_1311] : memref<256x128xf32, #tpu.memory_space<vmem>> -> memref<128x128xf32, #tpu.memory_space<vmem>>
      %dma_start3A_1313 = arith.constant 0 : i32
      %dma_start3A_1314 = tpu.memref_slice %arg10[%dma_start3A_1309, %dma_start3A_1313] : memref<8x128xi32, #tpu.memory_space<vmem>> -> memref<1x128xi32, #tpu.memory_space<vmem>>
      %dma_start3A_1315 = tpu.memref_squeeze %dma_start3A_1314 : memref<1x128xi32, #tpu.memory_space<vmem>> -> memref<128xi32, #tpu.memory_space<vmem>>
      %dma_start3A_1316 = arith.constant 0 : i32
      %dma_start3A_1317 = arith.constant 0 : i32
      %dma_start3A_1318 = tpu.memref_slice %arg2[%dma_start3A_1316, %dma_start3A_1317] : memref<10000x128xf32, #tpu.memory_space<hbm>> -> memref<10000x128xf32, #tpu.memory_space<hbm>>
      tpu.enqueue_indirect_dma source(%dma_start3A_1318 : memref<10000x128xf32, #tpu.memory_space<hbm>>) target(%dma_start3A_1312 : memref<128x128xf32, #tpu.memory_space<vmem>>) offsets(%dma_start3A_1315 : memref<128xi32, #tpu.memory_space<vmem>>) semaphore(%arg20 : memref<!tpu.dma_semaphore, #tpu.memory_space<semaphore_mem>>)
      %get3A_1319 = arith.constant 2 : i32
      %get3A_1320 = arith.index_cast %get3A_1319 : i32 to index
      %get3A_1321 = arith.constant 0 : index
      %get3A_1322 = tpu.vector_load %arg11[%get3A_1320, %get3A_1321] {strides = array<i32>} : memref<8x128xi32, #tpu.memory_space<vmem>>, vector<16xi32>,
      %shift_right_logical3A_1323 = arith.constant 7 : i32
      %shift_right_logical3A_1324 = vector.broadcast %shift_right_logical3A_1323 : i32 to vector<16xi32>
      %shift_right_logical3A_1325 = arith.shrui %get3A_1322, %shift_right_logical3A_1324 : vector<16xi32>
      %and3A_1326 = arith.constant 127 : i32
      %and3A_1327 = vector.broadcast %and3A_1326 : i32 to vector<16xi32>
      %and3A_1328 = arith.andi %get3A_1322, %and3A_1327 : vector<16xi32>
      tpu.vector_store_idx %arg14[%shift_right_logical3A_1325, %and3A_1328], %broadcast_in_dim3A_30 {add = true} : memref<80x128xf32, #tpu.memory_space<vmem>>[vector<16xi32>, vector<16xi32>], vector<16xf32>,
      %get3A_1329 = arith.constant 2 : i32
      %get3A_1330 = arith.index_cast %get3A_1329 : i32 to index
      %get3A_1331 = arith.constant 16 : index
      %get3A_1332 = tpu.vector_load %arg11[%get3A_1330, %get3A_1331] {strides = array<i32>} : memref<8x128xi32, #tpu.memory_space<vmem>>, vector<16xi32>,
      %shift_right_logical3A_1333 = arith.constant 7 : i32
      %shift_right_logical3A_1334 = vector.broadcast %shift_right_logical3A_1333 : i32 to vector<16xi32>
      %shift_right_logical3A_1335 = arith.shrui %get3A_1332, %shift_right_logical3A_1334 : vector<16xi32>
      %and3A_1336 = arith.constant 127 : i32
      %and3A_1337 = vector.broadcast %and3A_1336 : i32 to vector<16xi32>
      %and3A_1338 = arith.andi %get3A_1332, %and3A_1337 : vector<16xi32>
      tpu.vector_store_idx %arg14[%shift_right_logical3A_1335, %and3A_1338], %broadcast_in_dim3A_30 {add = true} : memref<80x128xf32, #tpu.memory_space<vmem>>[vector<16xi32>, vector<16xi32>], vector<16xf32>,
      %get3A_1339 = arith.constant 2 : i32
      %get3A_1340 = arith.index_cast %get3A_1339 : i32 to index
      %get3A_1341 = arith.constant 32 : index
      %get3A_1342 = tpu.vector_load %arg11[%get3A_1340, %get3A_1341] {strides = array<i32>} : memref<8x128xi32, #tpu.memory_space<vmem>>, vector<16xi32>,
      %shift_right_logical3A_1343 = arith.constant 7 : i32
      %shift_right_logical3A_1344 = vector.broadcast %shift_right_logical3A_1343 : i32 to vector<16xi32>
      %shift_right_logical3A_1345 = arith.shrui %get3A_1342, %shift_right_logical3A_1344 : vector<16xi32>
      %and3A_1346 = arith.constant 127 : i32
      %and3A_1347 = vector.broadcast %and3A_1346 : i32 to vector<16xi32>
      %and3A_1348 = arith.andi %get3A_1342, %and3A_1347 : vector<16xi32>
      tpu.vector_store_idx %arg14[%shift_right_logical3A_1345, %and3A_1348], %broadcast_in_dim3A_30 {add = true} : memref<80x128xf32, #tpu.memory_space<vmem>>[vector<16xi32>, vector<16xi32>], vector<16xf32>,
      %get3A_1349 = arith.constant 2 : i32
      %get3A_1350 = arith.index_cast %get3A_1349 : i32 to index
      %get3A_1351 = arith.constant 48 : index
      %get3A_1352 = tpu.vector_load %arg11[%get3A_1350, %get3A_1351] {strides = array<i32>} : memref<8x128xi32, #tpu.memory_space<vmem>>, vector<16xi32>,
      %shift_right_logical3A_1353 = arith.constant 7 : i32
      %shift_right_logical3A_1354 = vector.broadcast %shift_right_logical3A_1353 : i32 to vector<16xi32>
      %shift_right_logical3A_1355 = arith.shrui %get3A_1352, %shift_right_logical3A_1354 : vector<16xi32>
      %and3A_1356 = arith.constant 127 : i32
      %and3A_1357 = vector.broadcast %and3A_1356 : i32 to vector<16xi32>
      %and3A_1358 = arith.andi %get3A_1352, %and3A_1357 : vector<16xi32>
      tpu.vector_store_idx %arg14[%shift_right_logical3A_1355, %and3A_1358], %broadcast_in_dim3A_30 {add = true} : memref<80x128xf32, #tpu.memory_space<vmem>>[vector<16xi32>, vector<16xi32>], vector<16xf32>,
      %get3A_1359 = arith.constant 2 : i32
      %get3A_1360 = arith.index_cast %get3A_1359 : i32 to index
      %get3A_1361 = arith.constant 64 : index
      %get3A_1362 = tpu.vector_load %arg11[%get3A_1360, %get3A_1361] {strides = array<i32>} : memref<8x128xi32, #tpu.memory_space<vmem>>, vector<16xi32>,
      %shift_right_logical3A_1363 = arith.constant 7 : i32
      %shift_right_logical3A_1364 = vector.broadcast %shift_right_logical3A_1363 : i32 to vector<16xi32>
      %shift_right_logical3A_1365 = arith.shrui %get3A_1362, %shift_right_logical3A_1364 : vector<16xi32>
      %and3A_1366 = arith.constant 127 : i32
      %and3A_1367 = vector.broadcast %and3A_1366 : i32 to vector<16xi32>
      %and3A_1368 = arith.andi %get3A_1362, %and3A_1367 : vector<16xi32>
      tpu.vector_store_idx %arg14[%shift_right_logical3A_1365, %and3A_1368], %broadcast_in_dim3A_30 {add = true} : memref<80x128xf32, #tpu.memory_space<vmem>>[vector<16xi32>, vector<16xi32>], vector<16xf32>,
      %get3A_1369 = arith.constant 2 : i32
      %get3A_1370 = arith.index_cast %get3A_1369 : i32 to index
      %get3A_1371 = arith.constant 80 : index
      %get3A_1372 = tpu.vector_load %arg11[%get3A_1370, %get3A_1371] {strides = array<i32>} : memref<8x128xi32, #tpu.memory_space<vmem>>, vector<16xi32>,
      %shift_right_logical3A_1373 = arith.constant 7 : i32
      %shift_right_logical3A_1374 = vector.broadcast %shift_right_logical3A_1373 : i32 to vector<16xi32>
      %shift_right_logical3A_1375 = arith.shrui %get3A_1372, %shift_right_logical3A_1374 : vector<16xi32>
      %and3A_1376 = arith.constant 127 : i32
      %and3A_1377 = vector.broadcast %and3A_1376 : i32 to vector<16xi32>
      %and3A_1378 = arith.andi %get3A_1372, %and3A_1377 : vector<16xi32>
      tpu.vector_store_idx %arg14[%shift_right_logical3A_1375, %and3A_1378], %broadcast_in_dim3A_30 {add = true} : memref<80x128xf32, #tpu.memory_space<vmem>>[vector<16xi32>, vector<16xi32>], vector<16xf32>,
      %get3A_1379 = arith.constant 2 : i32
      %get3A_1380 = arith.index_cast %get3A_1379 : i32 to index
      %get3A_1381 = arith.constant 96 : index
      %get3A_1382 = tpu.vector_load %arg11[%get3A_1380, %get3A_1381] {strides = array<i32>} : memref<8x128xi32, #tpu.memory_space<vmem>>, vector<16xi32>,
      %shift_right_logical3A_1383 = arith.constant 7 : i32
      %shift_right_logical3A_1384 = vector.broadcast %shift_right_logical3A_1383 : i32 to vector<16xi32>
      %shift_right_logical3A_1385 = arith.shrui %get3A_1382, %shift_right_logical3A_1384 : vector<16xi32>
      %and3A_1386 = arith.constant 127 : i32
      %and3A_1387 = vector.broadcast %and3A_1386 : i32 to vector<16xi32>
      %and3A_1388 = arith.andi %get3A_1382, %and3A_1387 : vector<16xi32>
      tpu.vector_store_idx %arg14[%shift_right_logical3A_1385, %and3A_1388], %broadcast_in_dim3A_30 {add = true} : memref<80x128xf32, #tpu.memory_space<vmem>>[vector<16xi32>, vector<16xi32>], vector<16xf32>,
      %get3A_1389 = arith.constant 2 : i32
      %get3A_1390 = arith.index_cast %get3A_1389 : i32 to index
      %get3A_1391 = arith.constant 112 : index
      %get3A_1392 = tpu.vector_load %arg11[%get3A_1390, %get3A_1391] {strides = array<i32>} : memref<8x128xi32, #tpu.memory_space<vmem>>, vector<16xi32>,
      %shift_right_logical3A_1393 = arith.constant 7 : i32
      %shift_right_logical3A_1394 = vector.broadcast %shift_right_logical3A_1393 : i32 to vector<16xi32>
      %shift_right_logical3A_1395 = arith.shrui %get3A_1392, %shift_right_logical3A_1394 : vector<16xi32>
      %and3A_1396 = arith.constant 127 : i32
      %and3A_1397 = vector.broadcast %and3A_1396 : i32 to vector<16xi32>
      %and3A_1398 = arith.andi %get3A_1392, %and3A_1397 : vector<16xi32>
      tpu.vector_store_idx %arg14[%shift_right_logical3A_1395, %and3A_1398], %broadcast_in_dim3A_30 {add = true} : memref<80x128xf32, #tpu.memory_space<vmem>>[vector<16xi32>, vector<16xi32>], vector<16xf32>,
      %dma_wait3A_1399 = arith.constant 2 : i32
      %dma_wait3A_1400 = arith.constant 0 : i32
      %dma_wait3A_1401 = arith.constant 0 : i32
      %dma_wait3A_1402 = tpu.memref_slice %arg12[%dma_wait3A_1400, %dma_wait3A_1401] : memref<256x128xf32, #tpu.memory_space<vmem>> -> memref<128x128xf32, #tpu.memory_space<vmem>>
      %dma_wait3A_1403 = arith.constant 0 : i32
      %dma_wait3A_1404 = tpu.memref_slice %arg10[%dma_wait3A_1399, %dma_wait3A_1403] : memref<8x128xi32, #tpu.memory_space<vmem>> -> memref<1x128xi32, #tpu.memory_space<vmem>>
      %dma_wait3A_1405 = tpu.memref_squeeze %dma_wait3A_1404 : memref<1x128xi32, #tpu.memory_space<vmem>> -> memref<128xi32, #tpu.memory_space<vmem>>
      %dma_wait3A_1406 = arith.constant 0 : i32
      %dma_wait3A_1407 = arith.constant 0 : i32
      %dma_wait3A_1408 = tpu.memref_slice %arg2[%dma_wait3A_1406, %dma_wait3A_1407] : memref<10000x128xf32, #tpu.memory_space<hbm>> -> memref<10000x128xf32, #tpu.memory_space<hbm>>
      tpu.wait_indirect_dma semaphore(%arg19 : memref<!tpu.dma_semaphore, #tpu.memory_space<semaphore_mem>>) src(%dma_wait3A_1408 : memref<10000x128xf32, #tpu.memory_space<hbm>>) dst(%dma_wait3A_1402 : memref<128x128xf32, #tpu.memory_space<vmem>>)
      %dma_start3A_1409 = arith.constant 2 : i32
      %dma_start3A_1410 = arith.constant 0 : i32
      %dma_start3A_1411 = arith.constant 0 : i32
      %dma_start3A_1412 = tpu.memref_slice %arg12[%dma_start3A_1410, %dma_start3A_1411] : memref<256x128xf32, #tpu.memory_space<vmem>> -> memref<128x128xf32, #tpu.memory_space<vmem>>
      %dma_start3A_1413 = arith.constant 0 : i32
      %dma_start3A_1414 = tpu.memref_slice %arg11[%dma_start3A_1409, %dma_start3A_1413] : memref<8x128xi32, #tpu.memory_space<vmem>> -> memref<1x128xi32, #tpu.memory_space<vmem>>
      %dma_start3A_1415 = tpu.memref_squeeze %dma_start3A_1414 : memref<1x128xi32, #tpu.memory_space<vmem>> -> memref<128xi32, #tpu.memory_space<vmem>>
      %dma_start3A_1416 = arith.constant 0 : i32
      %dma_start3A_1417 = arith.constant 0 : i32
      %dma_start3A_1418 = tpu.memref_slice %arg15[%dma_start3A_1416, %dma_start3A_1417] : memref<10112x128xf32, #tpu.memory_space<vmem_shared>> -> memref<10112x128xf32, #tpu.memory_space<vmem_shared>>
      tpu.enqueue_indirect_dma source(%dma_start3A_1412 : memref<128x128xf32, #tpu.memory_space<vmem>>) target(%dma_start3A_1418 : memref<10112x128xf32, #tpu.memory_space<vmem_shared>>) offsets(%dma_start3A_1415 : memref<128xi32, #tpu.memory_space<vmem>>) semaphore(%arg21 : memref<!tpu.dma_semaphore, #tpu.memory_space<semaphore_mem>>) {add = true}
      %dma_wait3A_1419 = arith.constant 2 : i32
      %dma_wait3A_1420 = arith.constant 0 : i32
      %dma_wait3A_1421 = arith.constant 0 : i32
      %dma_wait3A_1422 = tpu.memref_slice %arg12[%dma_wait3A_1420, %dma_wait3A_1421] : memref<256x128xf32, #tpu.memory_space<vmem>> -> memref<128x128xf32, #tpu.memory_space<vmem>>
      %dma_wait3A_1423 = arith.constant 0 : i32
      %dma_wait3A_1424 = tpu.memref_slice %arg11[%dma_wait3A_1419, %dma_wait3A_1423] : memref<8x128xi32, #tpu.memory_space<vmem>> -> memref<1x128xi32, #tpu.memory_space<vmem>>
      %dma_wait3A_1425 = tpu.memref_squeeze %dma_wait3A_1424 : memref<1x128xi32, #tpu.memory_space<vmem>> -> memref<128xi32, #tpu.memory_space<vmem>>
      %dma_wait3A_1426 = arith.constant 0 : i32
      %dma_wait3A_1427 = arith.constant 0 : i32
      %dma_wait3A_1428 = tpu.memref_slice %arg15[%dma_wait3A_1426, %dma_wait3A_1427] : memref<10112x128xf32, #tpu.memory_space<vmem_shared>> -> memref<10112x128xf32, #tpu.memory_space<vmem_shared>>
      tpu.wait_indirect_dma semaphore(%arg21 : memref<!tpu.dma_semaphore, #tpu.memory_space<semaphore_mem>>) src(%dma_wait3A_1422 : memref<128x128xf32, #tpu.memory_space<vmem>>) dst(%dma_wait3A_1428 : memref<10112x128xf32, #tpu.memory_space<vmem_shared>>)
      %dma_start3A_1429 = arith.constant 4 : i32
      %dma_start3A_1430 = arith.constant 0 : i32
      %dma_start3A_1431 = arith.constant 0 : i32
      %dma_start3A_1432 = tpu.memref_slice %arg12[%dma_start3A_1430, %dma_start3A_1431] : memref<256x128xf32, #tpu.memory_space<vmem>> -> memref<128x128xf32, #tpu.memory_space<vmem>>
      %dma_start3A_1433 = arith.constant 0 : i32
      %dma_start3A_1434 = tpu.memref_slice %arg10[%dma_start3A_1429, %dma_start3A_1433] : memref<8x128xi32, #tpu.memory_space<vmem>> -> memref<1x128xi32, #tpu.memory_space<vmem>>
      %dma_start3A_1435 = tpu.memref_squeeze %dma_start3A_1434 : memref<1x128xi32, #tpu.memory_space<vmem>> -> memref<128xi32, #tpu.memory_space<vmem>>
      %dma_start3A_1436 = arith.constant 0 : i32
      %dma_start3A_1437 = arith.constant 0 : i32
      %dma_start3A_1438 = tpu.memref_slice %arg2[%dma_start3A_1436, %dma_start3A_1437] : memref<10000x128xf32, #tpu.memory_space<hbm>> -> memref<10000x128xf32, #tpu.memory_space<hbm>>
      tpu.enqueue_indirect_dma source(%dma_start3A_1438 : memref<10000x128xf32, #tpu.memory_space<hbm>>) target(%dma_start3A_1432 : memref<128x128xf32, #tpu.memory_space<vmem>>) offsets(%dma_start3A_1435 : memref<128xi32, #tpu.memory_space<vmem>>) semaphore(%arg19 : memref<!tpu.dma_semaphore, #tpu.memory_space<semaphore_mem>>)
      %get3A_1439 = arith.constant 3 : i32
      %get3A_1440 = arith.index_cast %get3A_1439 : i32 to index
      %get3A_1441 = arith.constant 0 : index
      %get3A_1442 = tpu.vector_load %arg11[%get3A_1440, %get3A_1441] {strides = array<i32>} : memref<8x128xi32, #tpu.memory_space<vmem>>, vector<16xi32>,
      %shift_right_logical3A_1443 = arith.constant 7 : i32
      %shift_right_logical3A_1444 = vector.broadcast %shift_right_logical3A_1443 : i32 to vector<16xi32>
      %shift_right_logical3A_1445 = arith.shrui %get3A_1442, %shift_right_logical3A_1444 : vector<16xi32>
      %and3A_1446 = arith.constant 127 : i32
      %and3A_1447 = vector.broadcast %and3A_1446 : i32 to vector<16xi32>
      %and3A_1448 = arith.andi %get3A_1442, %and3A_1447 : vector<16xi32>
      tpu.vector_store_idx %arg14[%shift_right_logical3A_1445, %and3A_1448], %broadcast_in_dim3A_30 {add = true} : memref<80x128xf32, #tpu.memory_space<vmem>>[vector<16xi32>, vector<16xi32>], vector<16xf32>,
      %get3A_1449 = arith.constant 3 : i32
      %get3A_1450 = arith.index_cast %get3A_1449 : i32 to index
      %get3A_1451 = arith.constant 16 : index
      %get3A_1452 = tpu.vector_load %arg11[%get3A_1450, %get3A_1451] {strides = array<i32>} : memref<8x128xi32, #tpu.memory_space<vmem>>, vector<16xi32>,
      %shift_right_logical3A_1453 = arith.constant 7 : i32
      %shift_right_logical3A_1454 = vector.broadcast %shift_right_logical3A_1453 : i32 to vector<16xi32>
      %shift_right_logical3A_1455 = arith.shrui %get3A_1452, %shift_right_logical3A_1454 : vector<16xi32>
      %and3A_1456 = arith.constant 127 : i32
      %and3A_1457 = vector.broadcast %and3A_1456 : i32 to vector<16xi32>
      %and3A_1458 = arith.andi %get3A_1452, %and3A_1457 : vector<16xi32>
      tpu.vector_store_idx %arg14[%shift_right_logical3A_1455, %and3A_1458], %broadcast_in_dim3A_30 {add = true} : memref<80x128xf32, #tpu.memory_space<vmem>>[vector<16xi32>, vector<16xi32>], vector<16xf32>,
      %get3A_1459 = arith.constant 3 : i32
      %get3A_1460 = arith.index_cast %get3A_1459 : i32 to index
      %get3A_1461 = arith.constant 32 : index
      %get3A_1462 = tpu.vector_load %arg11[%get3A_1460, %get3A_1461] {strides = array<i32>} : memref<8x128xi32, #tpu.memory_space<vmem>>, vector<16xi32>,
      %shift_right_logical3A_1463 = arith.constant 7 : i32
      %shift_right_logical3A_1464 = vector.broadcast %shift_right_logical3A_1463 : i32 to vector<16xi32>
      %shift_right_logical3A_1465 = arith.shrui %get3A_1462, %shift_right_logical3A_1464 : vector<16xi32>
      %and3A_1466 = arith.constant 127 : i32
      %and3A_1467 = vector.broadcast %and3A_1466 : i32 to vector<16xi32>
      %and3A_1468 = arith.andi %get3A_1462, %and3A_1467 : vector<16xi32>
      tpu.vector_store_idx %arg14[%shift_right_logical3A_1465, %and3A_1468], %broadcast_in_dim3A_30 {add = true} : memref<80x128xf32, #tpu.memory_space<vmem>>[vector<16xi32>, vector<16xi32>], vector<16xf32>,
      %get3A_1469 = arith.constant 3 : i32
      %get3A_1470 = arith.index_cast %get3A_1469 : i32 to index
      %get3A_1471 = arith.constant 48 : index
      %get3A_1472 = tpu.vector_load %arg11[%get3A_1470, %get3A_1471] {strides = array<i32>} : memref<8x128xi32, #tpu.memory_space<vmem>>, vector<16xi32>,
      %shift_right_logical3A_1473 = arith.constant 7 : i32
      %shift_right_logical3A_1474 = vector.broadcast %shift_right_logical3A_1473 : i32 to vector<16xi32>
      %shift_right_logical3A_1475 = arith.shrui %get3A_1472, %shift_right_logical3A_1474 : vector<16xi32>
      %and3A_1476 = arith.constant 127 : i32
      %and3A_1477 = vector.broadcast %and3A_1476 : i32 to vector<16xi32>
      %and3A_1478 = arith.andi %get3A_1472, %and3A_1477 : vector<16xi32>
      tpu.vector_store_idx %arg14[%shift_right_logical3A_1475, %and3A_1478], %broadcast_in_dim3A_30 {add = true} : memref<80x128xf32, #tpu.memory_space<vmem>>[vector<16xi32>, vector<16xi32>], vector<16xf32>,
      %get3A_1479 = arith.constant 3 : i32
      %get3A_1480 = arith.index_cast %get3A_1479 : i32 to index
      %get3A_1481 = arith.constant 64 : index
      %get3A_1482 = tpu.vector_load %arg11[%get3A_1480, %get3A_1481] {strides = array<i32>} : memref<8x128xi32, #tpu.memory_space<vmem>>, vector<16xi32>,
      %shift_right_logical3A_1483 = arith.constant 7 : i32
      %shift_right_logical3A_1484 = vector.broadcast %shift_right_logical3A_1483 : i32 to vector<16xi32>
      %shift_right_logical3A_1485 = arith.shrui %get3A_1482, %shift_right_logical3A_1484 : vector<16xi32>
      %and3A_1486 = arith.constant 127 : i32
      %and3A_1487 = vector.broadcast %and3A_1486 : i32 to vector<16xi32>
      %and3A_1488 = arith.andi %get3A_1482, %and3A_1487 : vector<16xi32>
      tpu.vector_store_idx %arg14[%shift_right_logical3A_1485, %and3A_1488], %broadcast_in_dim3A_30 {add = true} : memref<80x128xf32, #tpu.memory_space<vmem>>[vector<16xi32>, vector<16xi32>], vector<16xf32>,
      %get3A_1489 = arith.constant 3 : i32
      %get3A_1490 = arith.index_cast %get3A_1489 : i32 to index
      %get3A_1491 = arith.constant 80 : index
      %get3A_1492 = tpu.vector_load %arg11[%get3A_1490, %get3A_1491] {strides = array<i32>} : memref<8x128xi32, #tpu.memory_space<vmem>>, vector<16xi32>,
      %shift_right_logical3A_1493 = arith.constant 7 : i32
      %shift_right_logical3A_1494 = vector.broadcast %shift_right_logical3A_1493 : i32 to vector<16xi32>
      %shift_right_logical3A_1495 = arith.shrui %get3A_1492, %shift_right_logical3A_1494 : vector<16xi32>
      %and3A_1496 = arith.constant 127 : i32
      %and3A_1497 = vector.broadcast %and3A_1496 : i32 to vector<16xi32>
      %and3A_1498 = arith.andi %get3A_1492, %and3A_1497 : vector<16xi32>
      tpu.vector_store_idx %arg14[%shift_right_logical3A_1495, %and3A_1498], %broadcast_in_dim3A_30 {add = true} : memref<80x128xf32, #tpu.memory_space<vmem>>[vector<16xi32>, vector<16xi32>], vector<16xf32>,
      %get3A_1499 = arith.constant 3 : i32
      %get3A_1500 = arith.index_cast %get3A_1499 : i32 to index
      %get3A_1501 = arith.constant 96 : index
      %get3A_1502 = tpu.vector_load %arg11[%get3A_1500, %get3A_1501] {strides = array<i32>} : memref<8x128xi32, #tpu.memory_space<vmem>>, vector<16xi32>,
      %shift_right_logical3A_1503 = arith.constant 7 : i32
      %shift_right_logical3A_1504 = vector.broadcast %shift_right_logical3A_1503 : i32 to vector<16xi32>
      %shift_right_logical3A_1505 = arith.shrui %get3A_1502, %shift_right_logical3A_1504 : vector<16xi32>
      %and3A_1506 = arith.constant 127 : i32
      %and3A_1507 = vector.broadcast %and3A_1506 : i32 to vector<16xi32>
      %and3A_1508 = arith.andi %get3A_1502, %and3A_1507 : vector<16xi32>
      tpu.vector_store_idx %arg14[%shift_right_logical3A_1505, %and3A_1508], %broadcast_in_dim3A_30 {add = true} : memref<80x128xf32, #tpu.memory_space<vmem>>[vector<16xi32>, vector<16xi32>], vector<16xf32>,
      %get3A_1509 = arith.constant 3 : i32
      %get3A_1510 = arith.index_cast %get3A_1509 : i32 to index
      %get3A_1511 = arith.constant 112 : index
      %get3A_1512 = tpu.vector_load %arg11[%get3A_1510, %get3A_1511] {strides = array<i32>} : memref<8x128xi32, #tpu.memory_space<vmem>>, vector<16xi32>,
      %shift_right_logical3A_1513 = arith.constant 7 : i32
      %shift_right_logical3A_1514 = vector.broadcast %shift_right_logical3A_1513 : i32 to vector<16xi32>
      %shift_right_logical3A_1515 = arith.shrui %get3A_1512, %shift_right_logical3A_1514 : vector<16xi32>
      %and3A_1516 = arith.constant 127 : i32
      %and3A_1517 = vector.broadcast %and3A_1516 : i32 to vector<16xi32>
      %and3A_1518 = arith.andi %get3A_1512, %and3A_1517 : vector<16xi32>
      tpu.vector_store_idx %arg14[%shift_right_logical3A_1515, %and3A_1518], %broadcast_in_dim3A_30 {add = true} : memref<80x128xf32, #tpu.memory_space<vmem>>[vector<16xi32>, vector<16xi32>], vector<16xf32>,
      %dma_wait3A_1519 = arith.constant 3 : i32
      %dma_wait3A_1520 = arith.constant 128 : i32
      %dma_wait3A_1521 = arith.constant 0 : i32
      %dma_wait3A_1522 = tpu.memref_slice %arg12[%dma_wait3A_1520, %dma_wait3A_1521] : memref<256x128xf32, #tpu.memory_space<vmem>> -> memref<128x128xf32, #tpu.memory_space<vmem>>
      %dma_wait3A_1523 = arith.constant 0 : i32
      %dma_wait3A_1524 = tpu.memref_slice %arg10[%dma_wait3A_1519, %dma_wait3A_1523] : memref<8x128xi32, #tpu.memory_space<vmem>> -> memref<1x128xi32, #tpu.memory_space<vmem>>
      %dma_wait3A_1525 = tpu.memref_squeeze %dma_wait3A_1524 : memref<1x128xi32, #tpu.memory_space<vmem>> -> memref<128xi32, #tpu.memory_space<vmem>>
      %dma_wait3A_1526 = arith.constant 0 : i32
      %dma_wait3A_1527 = arith.constant 0 : i32
      %dma_wait3A_1528 = tpu.memref_slice %arg2[%dma_wait3A_1526, %dma_wait3A_1527] : memref<10000x128xf32, #tpu.memory_space<hbm>> -> memref<10000x128xf32, #tpu.memory_space<hbm>>
      tpu.wait_indirect_dma semaphore(%arg20 : memref<!tpu.dma_semaphore, #tpu.memory_space<semaphore_mem>>) src(%dma_wait3A_1528 : memref<10000x128xf32, #tpu.memory_space<hbm>>) dst(%dma_wait3A_1522 : memref<128x128xf32, #tpu.memory_space<vmem>>)
      %dma_start3A_1529 = arith.constant 3 : i32
      %dma_start3A_1530 = arith.constant 128 : i32
      %dma_start3A_1531 = arith.constant 0 : i32
      %dma_start3A_1532 = tpu.memref_slice %arg12[%dma_start3A_1530, %dma_start3A_1531] : memref<256x128xf32, #tpu.memory_space<vmem>> -> memref<128x128xf32, #tpu.memory_space<vmem>>
      %dma_start3A_1533 = arith.constant 0 : i32
      %dma_start3A_1534 = tpu.memref_slice %arg11[%dma_start3A_1529, %dma_start3A_1533] : memref<8x128xi32, #tpu.memory_space<vmem>> -> memref<1x128xi32, #tpu.memory_space<vmem>>
      %dma_start3A_1535 = tpu.memref_squeeze %dma_start3A_1534 : memref<1x128xi32, #tpu.memory_space<vmem>> -> memref<128xi32, #tpu.memory_space<vmem>>
      %dma_start3A_1536 = arith.constant 0 : i32
      %dma_start3A_1537 = arith.constant 0 : i32
      %dma_start3A_1538 = tpu.memref_slice %arg15[%dma_start3A_1536, %dma_start3A_1537] : memref<10112x128xf32, #tpu.memory_space<vmem_shared>> -> memref<10112x128xf32, #tpu.memory_space<vmem_shared>>
      tpu.enqueue_indirect_dma source(%dma_start3A_1532 : memref<128x128xf32, #tpu.memory_space<vmem>>) target(%dma_start3A_1538 : memref<10112x128xf32, #tpu.memory_space<vmem_shared>>) offsets(%dma_start3A_1535 : memref<128xi32, #tpu.memory_space<vmem>>) semaphore(%arg22 : memref<!tpu.dma_semaphore, #tpu.memory_space<semaphore_mem>>) {add = true}
      %dma_wait3A_1539 = arith.constant 3 : i32
      %dma_wait3A_1540 = arith.constant 128 : i32
      %dma_wait3A_1541 = arith.constant 0 : i32
      %dma_wait3A_1542 = tpu.memref_slice %arg12[%dma_wait3A_1540, %dma_wait3A_1541] : memref<256x128xf32, #tpu.memory_space<vmem>> -> memref<128x128xf32, #tpu.memory_space<vmem>>
      %dma_wait3A_1543 = arith.constant 0 : i32
      %dma_wait3A_1544 = tpu.memref_slice %arg11[%dma_wait3A_1539, %dma_wait3A_1543] : memref<8x128xi32, #tpu.memory_space<vmem>> -> memref<1x128xi32, #tpu.memory_space<vmem>>
      %dma_wait3A_1545 = tpu.memref_squeeze %dma_wait3A_1544 : memref<1x128xi32, #tpu.memory_space<vmem>> -> memref<128xi32, #tpu.memory_space<vmem>>
      %dma_wait3A_1546 = arith.constant 0 : i32
      %dma_wait3A_1547 = arith.constant 0 : i32
      %dma_wait3A_1548 = tpu.memref_slice %arg15[%dma_wait3A_1546, %dma_wait3A_1547] : memref<10112x128xf32, #tpu.memory_space<vmem_shared>> -> memref<10112x128xf32, #tpu.memory_space<vmem_shared>>
      tpu.wait_indirect_dma semaphore(%arg22 : memref<!tpu.dma_semaphore, #tpu.memory_space<semaphore_mem>>) src(%dma_wait3A_1542 : memref<128x128xf32, #tpu.memory_space<vmem>>) dst(%dma_wait3A_1548 : memref<10112x128xf32, #tpu.memory_space<vmem_shared>>)
      %dma_start3A_1549 = arith.constant 5 : i32
      %dma_start3A_1550 = arith.constant 128 : i32
      %dma_start3A_1551 = arith.constant 0 : i32
      %dma_start3A_1552 = tpu.memref_slice %arg12[%dma_start3A_1550, %dma_start3A_1551] : memref<256x128xf32, #tpu.memory_space<vmem>> -> memref<128x128xf32, #tpu.memory_space<vmem>>
      %dma_start3A_1553 = arith.constant 0 : i32
      %dma_start3A_1554 = tpu.memref_slice %arg10[%dma_start3A_1549, %dma_start3A_1553] : memref<8x128xi32, #tpu.memory_space<vmem>> -> memref<1x128xi32, #tpu.memory_space<vmem>>
      %dma_start3A_1555 = tpu.memref_squeeze %dma_start3A_1554 : memref<1x128xi32, #tpu.memory_space<vmem>> -> memref<128xi32, #tpu.memory_space<vmem>>
      %dma_start3A_1556 = arith.constant 0 : i32
      %dma_start3A_1557 = arith.constant 0 : i32
      %dma_start3A_1558 = tpu.memref_slice %arg2[%dma_start3A_1556, %dma_start3A_1557] : memref<10000x128xf32, #tpu.memory_space<hbm>> -> memref<10000x128xf32, #tpu.memory_space<hbm>>
      tpu.enqueue_indirect_dma source(%dma_start3A_1558 : memref<10000x128xf32, #tpu.memory_space<hbm>>) target(%dma_start3A_1552 : memref<128x128xf32, #tpu.memory_space<vmem>>) offsets(%dma_start3A_1555 : memref<128xi32, #tpu.memory_space<vmem>>) semaphore(%arg20 : memref<!tpu.dma_semaphore, #tpu.memory_space<semaphore_mem>>)
      %get3A_1559 = arith.constant 4 : i32
      %get3A_1560 = arith.index_cast %get3A_1559 : i32 to index
      %get3A_1561 = arith.constant 0 : index
      %get3A_1562 = tpu.vector_load %arg11[%get3A_1560, %get3A_1561] {strides = array<i32>} : memref<8x128xi32, #tpu.memory_space<vmem>>, vector<16xi32>,
      %shift_right_logical3A_1563 = arith.constant 7 : i32
      %shift_right_logical3A_1564 = vector.broadcast %shift_right_logical3A_1563 : i32 to vector<16xi32>
      %shift_right_logical3A_1565 = arith.shrui %get3A_1562, %shift_right_logical3A_1564 : vector<16xi32>
      %and3A_1566 = arith.constant 127 : i32
      %and3A_1567 = vector.broadcast %and3A_1566 : i32 to vector<16xi32>
      %and3A_1568 = arith.andi %get3A_1562, %and3A_1567 : vector<16xi32>
      tpu.vector_store_idx %arg14[%shift_right_logical3A_1565, %and3A_1568], %broadcast_in_dim3A_30 {add = true} : memref<80x128xf32, #tpu.memory_space<vmem>>[vector<16xi32>, vector<16xi32>], vector<16xf32>,
      %get3A_1569 = arith.constant 4 : i32
      %get3A_1570 = arith.index_cast %get3A_1569 : i32 to index
      %get3A_1571 = arith.constant 16 : index
      %get3A_1572 = tpu.vector_load %arg11[%get3A_1570, %get3A_1571] {strides = array<i32>} : memref<8x128xi32, #tpu.memory_space<vmem>>, vector<16xi32>,
      %shift_right_logical3A_1573 = arith.constant 7 : i32
      %shift_right_logical3A_1574 = vector.broadcast %shift_right_logical3A_1573 : i32 to vector<16xi32>
      %shift_right_logical3A_1575 = arith.shrui %get3A_1572, %shift_right_logical3A_1574 : vector<16xi32>
      %and3A_1576 = arith.constant 127 : i32
      %and3A_1577 = vector.broadcast %and3A_1576 : i32 to vector<16xi32>
      %and3A_1578 = arith.andi %get3A_1572, %and3A_1577 : vector<16xi32>
      tpu.vector_store_idx %arg14[%shift_right_logical3A_1575, %and3A_1578], %broadcast_in_dim3A_30 {add = true} : memref<80x128xf32, #tpu.memory_space<vmem>>[vector<16xi32>, vector<16xi32>], vector<16xf32>,
      %get3A_1579 = arith.constant 4 : i32
      %get3A_1580 = arith.index_cast %get3A_1579 : i32 to index
      %get3A_1581 = arith.constant 32 : index
      %get3A_1582 = tpu.vector_load %arg11[%get3A_1580, %get3A_1581] {strides = array<i32>} : memref<8x128xi32, #tpu.memory_space<vmem>>, vector<16xi32>,
      %shift_right_logical3A_1583 = arith.constant 7 : i32
      %shift_right_logical3A_1584 = vector.broadcast %shift_right_logical3A_1583 : i32 to vector<16xi32>
      %shift_right_logical3A_1585 = arith.shrui %get3A_1582, %shift_right_logical3A_1584 : vector<16xi32>
      %and3A_1586 = arith.constant 127 : i32
      %and3A_1587 = vector.broadcast %and3A_1586 : i32 to vector<16xi32>
      %and3A_1588 = arith.andi %get3A_1582, %and3A_1587 : vector<16xi32>
      tpu.vector_store_idx %arg14[%shift_right_logical3A_1585, %and3A_1588], %broadcast_in_dim3A_30 {add = true} : memref<80x128xf32, #tpu.memory_space<vmem>>[vector<16xi32>, vector<16xi32>], vector<16xf32>,
      %get3A_1589 = arith.constant 4 : i32
      %get3A_1590 = arith.index_cast %get3A_1589 : i32 to index
      %get3A_1591 = arith.constant 48 : index
      %get3A_1592 = tpu.vector_load %arg11[%get3A_1590, %get3A_1591] {strides = array<i32>} : memref<8x128xi32, #tpu.memory_space<vmem>>, vector<16xi32>,
      %shift_right_logical3A_1593 = arith.constant 7 : i32
      %shift_right_logical3A_1594 = vector.broadcast %shift_right_logical3A_1593 : i32 to vector<16xi32>
      %shift_right_logical3A_1595 = arith.shrui %get3A_1592, %shift_right_logical3A_1594 : vector<16xi32>
      %and3A_1596 = arith.constant 127 : i32
      %and3A_1597 = vector.broadcast %and3A_1596 : i32 to vector<16xi32>
      %and3A_1598 = arith.andi %get3A_1592, %and3A_1597 : vector<16xi32>
      tpu.vector_store_idx %arg14[%shift_right_logical3A_1595, %and3A_1598], %broadcast_in_dim3A_30 {add = true} : memref<80x128xf32, #tpu.memory_space<vmem>>[vector<16xi32>, vector<16xi32>], vector<16xf32>,
      %get3A_1599 = arith.constant 4 : i32
      %get3A_1600 = arith.index_cast %get3A_1599 : i32 to index
      %get3A_1601 = arith.constant 64 : index
      %get3A_1602 = tpu.vector_load %arg11[%get3A_1600, %get3A_1601] {strides = array<i32>} : memref<8x128xi32, #tpu.memory_space<vmem>>, vector<16xi32>,
      %shift_right_logical3A_1603 = arith.constant 7 : i32
      %shift_right_logical3A_1604 = vector.broadcast %shift_right_logical3A_1603 : i32 to vector<16xi32>
      %shift_right_logical3A_1605 = arith.shrui %get3A_1602, %shift_right_logical3A_1604 : vector<16xi32>
      %and3A_1606 = arith.constant 127 : i32
      %and3A_1607 = vector.broadcast %and3A_1606 : i32 to vector<16xi32>
      %and3A_1608 = arith.andi %get3A_1602, %and3A_1607 : vector<16xi32>
      tpu.vector_store_idx %arg14[%shift_right_logical3A_1605, %and3A_1608], %broadcast_in_dim3A_30 {add = true} : memref<80x128xf32, #tpu.memory_space<vmem>>[vector<16xi32>, vector<16xi32>], vector<16xf32>,
      %get3A_1609 = arith.constant 4 : i32
      %get3A_1610 = arith.index_cast %get3A_1609 : i32 to index
      %get3A_1611 = arith.constant 80 : index
      %get3A_1612 = tpu.vector_load %arg11[%get3A_1610, %get3A_1611] {strides = array<i32>} : memref<8x128xi32, #tpu.memory_space<vmem>>, vector<16xi32>,
      %shift_right_logical3A_1613 = arith.constant 7 : i32
      %shift_right_logical3A_1614 = vector.broadcast %shift_right_logical3A_1613 : i32 to vector<16xi32>
      %shift_right_logical3A_1615 = arith.shrui %get3A_1612, %shift_right_logical3A_1614 : vector<16xi32>
      %and3A_1616 = arith.constant 127 : i32
      %and3A_1617 = vector.broadcast %and3A_1616 : i32 to vector<16xi32>
      %and3A_1618 = arith.andi %get3A_1612, %and3A_1617 : vector<16xi32>
      tpu.vector_store_idx %arg14[%shift_right_logical3A_1615, %and3A_1618], %broadcast_in_dim3A_30 {add = true} : memref<80x128xf32, #tpu.memory_space<vmem>>[vector<16xi32>, vector<16xi32>], vector<16xf32>,
      %get3A_1619 = arith.constant 4 : i32
      %get3A_1620 = arith.index_cast %get3A_1619 : i32 to index
      %get3A_1621 = arith.constant 96 : index
      %get3A_1622 = tpu.vector_load %arg11[%get3A_1620, %get3A_1621] {strides = array<i32>} : memref<8x128xi32, #tpu.memory_space<vmem>>, vector<16xi32>,
      %shift_right_logical3A_1623 = arith.constant 7 : i32
      %shift_right_logical3A_1624 = vector.broadcast %shift_right_logical3A_1623 : i32 to vector<16xi32>
      %shift_right_logical3A_1625 = arith.shrui %get3A_1622, %shift_right_logical3A_1624 : vector<16xi32>
      %and3A_1626 = arith.constant 127 : i32
      %and3A_1627 = vector.broadcast %and3A_1626 : i32 to vector<16xi32>
      %and3A_1628 = arith.andi %get3A_1622, %and3A_1627 : vector<16xi32>
      tpu.vector_store_idx %arg14[%shift_right_logical3A_1625, %and3A_1628], %broadcast_in_dim3A_30 {add = true} : memref<80x128xf32, #tpu.memory_space<vmem>>[vector<16xi32>, vector<16xi32>], vector<16xf32>,
      %get3A_1629 = arith.constant 4 : i32
      %get3A_1630 = arith.index_cast %get3A_1629 : i32 to index
      %get3A_1631 = arith.constant 112 : index
      %get3A_1632 = tpu.vector_load %arg11[%get3A_1630, %get3A_1631] {strides = array<i32>} : memref<8x128xi32, #tpu.memory_space<vmem>>, vector<16xi32>,
      %shift_right_logical3A_1633 = arith.constant 7 : i32
      %shift_right_logical3A_1634 = vector.broadcast %shift_right_logical3A_1633 : i32 to vector<16xi32>
      %shift_right_logical3A_1635 = arith.shrui %get3A_1632, %shift_right_logical3A_1634 : vector<16xi32>
      %and3A_1636 = arith.constant 127 : i32
      %and3A_1637 = vector.broadcast %and3A_1636 : i32 to vector<16xi32>
      %and3A_1638 = arith.andi %get3A_1632, %and3A_1637 : vector<16xi32>
      tpu.vector_store_idx %arg14[%shift_right_logical3A_1635, %and3A_1638], %broadcast_in_dim3A_30 {add = true} : memref<80x128xf32, #tpu.memory_space<vmem>>[vector<16xi32>, vector<16xi32>], vector<16xf32>,
      %dma_wait3A_1639 = arith.constant 4 : i32
      %dma_wait3A_1640 = arith.constant 0 : i32
      %dma_wait3A_1641 = arith.constant 0 : i32
      %dma_wait3A_1642 = tpu.memref_slice %arg12[%dma_wait3A_1640, %dma_wait3A_1641] : memref<256x128xf32, #tpu.memory_space<vmem>> -> memref<128x128xf32, #tpu.memory_space<vmem>>
      %dma_wait3A_1643 = arith.constant 0 : i32
      %dma_wait3A_1644 = tpu.memref_slice %arg10[%dma_wait3A_1639, %dma_wait3A_1643] : memref<8x128xi32, #tpu.memory_space<vmem>> -> memref<1x128xi32, #tpu.memory_space<vmem>>
      %dma_wait3A_1645 = tpu.memref_squeeze %dma_wait3A_1644 : memref<1x128xi32, #tpu.memory_space<vmem>> -> memref<128xi32, #tpu.memory_space<vmem>>
      %dma_wait3A_1646 = arith.constant 0 : i32
      %dma_wait3A_1647 = arith.constant 0 : i32
      %dma_wait3A_1648 = tpu.memref_slice %arg2[%dma_wait3A_1646, %dma_wait3A_1647] : memref<10000x128xf32, #tpu.memory_space<hbm>> -> memref<10000x128xf32, #tpu.memory_space<hbm>>
      tpu.wait_indirect_dma semaphore(%arg19 : memref<!tpu.dma_semaphore, #tpu.memory_space<semaphore_mem>>) src(%dma_wait3A_1648 : memref<10000x128xf32, #tpu.memory_space<hbm>>) dst(%dma_wait3A_1642 : memref<128x128xf32, #tpu.memory_space<vmem>>)
      %dma_start3A_1649 = arith.constant 4 : i32
      %dma_start3A_1650 = arith.constant 0 : i32
      %dma_start3A_1651 = arith.constant 0 : i32
      %dma_start3A_1652 = tpu.memref_slice %arg12[%dma_start3A_1650, %dma_start3A_1651] : memref<256x128xf32, #tpu.memory_space<vmem>> -> memref<128x128xf32, #tpu.memory_space<vmem>>
      %dma_start3A_1653 = arith.constant 0 : i32
      %dma_start3A_1654 = tpu.memref_slice %arg11[%dma_start3A_1649, %dma_start3A_1653] : memref<8x128xi32, #tpu.memory_space<vmem>> -> memref<1x128xi32, #tpu.memory_space<vmem>>
      %dma_start3A_1655 = tpu.memref_squeeze %dma_start3A_1654 : memref<1x128xi32, #tpu.memory_space<vmem>> -> memref<128xi32, #tpu.memory_space<vmem>>
      %dma_start3A_1656 = arith.constant 0 : i32
      %dma_start3A_1657 = arith.constant 0 : i32
      %dma_start3A_1658 = tpu.memref_slice %arg15[%dma_start3A_1656, %dma_start3A_1657] : memref<10112x128xf32, #tpu.memory_space<vmem_shared>> -> memref<10112x128xf32, #tpu.memory_space<vmem_shared>>
      tpu.enqueue_indirect_dma source(%dma_start3A_1652 : memref<128x128xf32, #tpu.memory_space<vmem>>) target(%dma_start3A_1658 : memref<10112x128xf32, #tpu.memory_space<vmem_shared>>) offsets(%dma_start3A_1655 : memref<128xi32, #tpu.memory_space<vmem>>) semaphore(%arg21 : memref<!tpu.dma_semaphore, #tpu.memory_space<semaphore_mem>>) {add = true}
      %dma_wait3A_1659 = arith.constant 4 : i32
      %dma_wait3A_1660 = arith.constant 0 : i32
      %dma_wait3A_1661 = arith.constant 0 : i32
      %dma_wait3A_1662 = tpu.memref_slice %arg12[%dma_wait3A_1660, %dma_wait3A_1661] : memref<256x128xf32, #tpu.memory_space<vmem>> -> memref<128x128xf32, #tpu.memory_space<vmem>>
      %dma_wait3A_1663 = arith.constant 0 : i32
      %dma_wait3A_1664 = tpu.memref_slice %arg11[%dma_wait3A_1659, %dma_wait3A_1663] : memref<8x128xi32, #tpu.memory_space<vmem>> -> memref<1x128xi32, #tpu.memory_space<vmem>>
      %dma_wait3A_1665 = tpu.memref_squeeze %dma_wait3A_1664 : memref<1x128xi32, #tpu.memory_space<vmem>> -> memref<128xi32, #tpu.memory_space<vmem>>
      %dma_wait3A_1666 = arith.constant 0 : i32
      %dma_wait3A_1667 = arith.constant 0 : i32
      %dma_wait3A_1668 = tpu.memref_slice %arg15[%dma_wait3A_1666, %dma_wait3A_1667] : memref<10112x128xf32, #tpu.memory_space<vmem_shared>> -> memref<10112x128xf32, #tpu.memory_space<vmem_shared>>
      tpu.wait_indirect_dma semaphore(%arg21 : memref<!tpu.dma_semaphore, #tpu.memory_space<semaphore_mem>>) src(%dma_wait3A_1662 : memref<128x128xf32, #tpu.memory_space<vmem>>) dst(%dma_wait3A_1668 : memref<10112x128xf32, #tpu.memory_space<vmem_shared>>)
      %dma_start3A_1669 = arith.constant 6 : i32
      %dma_start3A_1670 = arith.constant 0 : i32
      %dma_start3A_1671 = arith.constant 0 : i32
      %dma_start3A_1672 = tpu.memref_slice %arg12[%dma_start3A_1670, %dma_start3A_1671] : memref<256x128xf32, #tpu.memory_space<vmem>> -> memref<128x128xf32, #tpu.memory_space<vmem>>
      %dma_start3A_1673 = arith.constant 0 : i32
      %dma_start3A_1674 = tpu.memref_slice %arg10[%dma_start3A_1669, %dma_start3A_1673] : memref<8x128xi32, #tpu.memory_space<vmem>> -> memref<1x128xi32, #tpu.memory_space<vmem>>
      %dma_start3A_1675 = tpu.memref_squeeze %dma_start3A_1674 : memref<1x128xi32, #tpu.memory_space<vmem>> -> memref<128xi32, #tpu.memory_space<vmem>>
      %dma_start3A_1676 = arith.constant 0 : i32
      %dma_start3A_1677 = arith.constant 0 : i32
      %dma_start3A_1678 = tpu.memref_slice %arg2[%dma_start3A_1676, %dma_start3A_1677] : memref<10000x128xf32, #tpu.memory_space<hbm>> -> memref<10000x128xf32, #tpu.memory_space<hbm>>
      tpu.enqueue_indirect_dma source(%dma_start3A_1678 : memref<10000x128xf32, #tpu.memory_space<hbm>>) target(%dma_start3A_1672 : memref<128x128xf32, #tpu.memory_space<vmem>>) offsets(%dma_start3A_1675 : memref<128xi32, #tpu.memory_space<vmem>>) semaphore(%arg19 : memref<!tpu.dma_semaphore, #tpu.memory_space<semaphore_mem>>)
      %get3A_1679 = arith.constant 5 : i32
      %get3A_1680 = arith.index_cast %get3A_1679 : i32 to index
      %get3A_1681 = arith.constant 0 : index
      %get3A_1682 = tpu.vector_load %arg11[%get3A_1680, %get3A_1681] {strides = array<i32>} : memref<8x128xi32, #tpu.memory_space<vmem>>, vector<16xi32>,
      %shift_right_logical3A_1683 = arith.constant 7 : i32
      %shift_right_logical3A_1684 = vector.broadcast %shift_right_logical3A_1683 : i32 to vector<16xi32>
      %shift_right_logical3A_1685 = arith.shrui %get3A_1682, %shift_right_logical3A_1684 : vector<16xi32>
      %and3A_1686 = arith.constant 127 : i32
      %and3A_1687 = vector.broadcast %and3A_1686 : i32 to vector<16xi32>
      %and3A_1688 = arith.andi %get3A_1682, %and3A_1687 : vector<16xi32>
      tpu.vector_store_idx %arg14[%shift_right_logical3A_1685, %and3A_1688], %broadcast_in_dim3A_30 {add = true} : memref<80x128xf32, #tpu.memory_space<vmem>>[vector<16xi32>, vector<16xi32>], vector<16xf32>,
      %get3A_1689 = arith.constant 5 : i32
      %get3A_1690 = arith.index_cast %get3A_1689 : i32 to index
      %get3A_1691 = arith.constant 16 : index
      %get3A_1692 = tpu.vector_load %arg11[%get3A_1690, %get3A_1691] {strides = array<i32>} : memref<8x128xi32, #tpu.memory_space<vmem>>, vector<16xi32>,
      %shift_right_logical3A_1693 = arith.constant 7 : i32
      %shift_right_logical3A_1694 = vector.broadcast %shift_right_logical3A_1693 : i32 to vector<16xi32>
      %shift_right_logical3A_1695 = arith.shrui %get3A_1692, %shift_right_logical3A_1694 : vector<16xi32>
      %and3A_1696 = arith.constant 127 : i32
      %and3A_1697 = vector.broadcast %and3A_1696 : i32 to vector<16xi32>
      %and3A_1698 = arith.andi %get3A_1692, %and3A_1697 : vector<16xi32>
      tpu.vector_store_idx %arg14[%shift_right_logical3A_1695, %and3A_1698], %broadcast_in_dim3A_30 {add = true} : memref<80x128xf32, #tpu.memory_space<vmem>>[vector<16xi32>, vector<16xi32>], vector<16xf32>,
      %get3A_1699 = arith.constant 5 : i32
      %get3A_1700 = arith.index_cast %get3A_1699 : i32 to index
      %get3A_1701 = arith.constant 32 : index
      %get3A_1702 = tpu.vector_load %arg11[%get3A_1700, %get3A_1701] {strides = array<i32>} : memref<8x128xi32, #tpu.memory_space<vmem>>, vector<16xi32>,
      %shift_right_logical3A_1703 = arith.constant 7 : i32
      %shift_right_logical3A_1704 = vector.broadcast %shift_right_logical3A_1703 : i32 to vector<16xi32>
      %shift_right_logical3A_1705 = arith.shrui %get3A_1702, %shift_right_logical3A_1704 : vector<16xi32>
      %and3A_1706 = arith.constant 127 : i32
      %and3A_1707 = vector.broadcast %and3A_1706 : i32 to vector<16xi32>
      %and3A_1708 = arith.andi %get3A_1702, %and3A_1707 : vector<16xi32>
      tpu.vector_store_idx %arg14[%shift_right_logical3A_1705, %and3A_1708], %broadcast_in_dim3A_30 {add = true} : memref<80x128xf32, #tpu.memory_space<vmem>>[vector<16xi32>, vector<16xi32>], vector<16xf32>,
      %get3A_1709 = arith.constant 5 : i32
      %get3A_1710 = arith.index_cast %get3A_1709 : i32 to index
      %get3A_1711 = arith.constant 48 : index
      %get3A_1712 = tpu.vector_load %arg11[%get3A_1710, %get3A_1711] {strides = array<i32>} : memref<8x128xi32, #tpu.memory_space<vmem>>, vector<16xi32>,
      %shift_right_logical3A_1713 = arith.constant 7 : i32
      %shift_right_logical3A_1714 = vector.broadcast %shift_right_logical3A_1713 : i32 to vector<16xi32>
      %shift_right_logical3A_1715 = arith.shrui %get3A_1712, %shift_right_logical3A_1714 : vector<16xi32>
      %and3A_1716 = arith.constant 127 : i32
      %and3A_1717 = vector.broadcast %and3A_1716 : i32 to vector<16xi32>
      %and3A_1718 = arith.andi %get3A_1712, %and3A_1717 : vector<16xi32>
      tpu.vector_store_idx %arg14[%shift_right_logical3A_1715, %and3A_1718], %broadcast_in_dim3A_30 {add = true} : memref<80x128xf32, #tpu.memory_space<vmem>>[vector<16xi32>, vector<16xi32>], vector<16xf32>,
      %get3A_1719 = arith.constant 5 : i32
      %get3A_1720 = arith.index_cast %get3A_1719 : i32 to index
      %get3A_1721 = arith.constant 64 : index
      %get3A_1722 = tpu.vector_load %arg11[%get3A_1720, %get3A_1721] {strides = array<i32>} : memref<8x128xi32, #tpu.memory_space<vmem>>, vector<16xi32>,
      %shift_right_logical3A_1723 = arith.constant 7 : i32
      %shift_right_logical3A_1724 = vector.broadcast %shift_right_logical3A_1723 : i32 to vector<16xi32>
      %shift_right_logical3A_1725 = arith.shrui %get3A_1722, %shift_right_logical3A_1724 : vector<16xi32>
      %and3A_1726 = arith.constant 127 : i32
      %and3A_1727 = vector.broadcast %and3A_1726 : i32 to vector<16xi32>
      %and3A_1728 = arith.andi %get3A_1722, %and3A_1727 : vector<16xi32>
      tpu.vector_store_idx %arg14[%shift_right_logical3A_1725, %and3A_1728], %broadcast_in_dim3A_30 {add = true} : memref<80x128xf32, #tpu.memory_space<vmem>>[vector<16xi32>, vector<16xi32>], vector<16xf32>,
      %get3A_1729 = arith.constant 5 : i32
      %get3A_1730 = arith.index_cast %get3A_1729 : i32 to index
      %get3A_1731 = arith.constant 80 : index
      %get3A_1732 = tpu.vector_load %arg11[%get3A_1730, %get3A_1731] {strides = array<i32>} : memref<8x128xi32, #tpu.memory_space<vmem>>, vector<16xi32>,
      %shift_right_logical3A_1733 = arith.constant 7 : i32
      %shift_right_logical3A_1734 = vector.broadcast %shift_right_logical3A_1733 : i32 to vector<16xi32>
      %shift_right_logical3A_1735 = arith.shrui %get3A_1732, %shift_right_logical3A_1734 : vector<16xi32>
      %and3A_1736 = arith.constant 127 : i32
      %and3A_1737 = vector.broadcast %and3A_1736 : i32 to vector<16xi32>
      %and3A_1738 = arith.andi %get3A_1732, %and3A_1737 : vector<16xi32>
      tpu.vector_store_idx %arg14[%shift_right_logical3A_1735, %and3A_1738], %broadcast_in_dim3A_30 {add = true} : memref<80x128xf32, #tpu.memory_space<vmem>>[vector<16xi32>, vector<16xi32>], vector<16xf32>,
      %get3A_1739 = arith.constant 5 : i32
      %get3A_1740 = arith.index_cast %get3A_1739 : i32 to index
      %get3A_1741 = arith.constant 96 : index
      %get3A_1742 = tpu.vector_load %arg11[%get3A_1740, %get3A_1741] {strides = array<i32>} : memref<8x128xi32, #tpu.memory_space<vmem>>, vector<16xi32>,
      %shift_right_logical3A_1743 = arith.constant 7 : i32
      %shift_right_logical3A_1744 = vector.broadcast %shift_right_logical3A_1743 : i32 to vector<16xi32>
      %shift_right_logical3A_1745 = arith.shrui %get3A_1742, %shift_right_logical3A_1744 : vector<16xi32>
      %and3A_1746 = arith.constant 127 : i32
      %and3A_1747 = vector.broadcast %and3A_1746 : i32 to vector<16xi32>
      %and3A_1748 = arith.andi %get3A_1742, %and3A_1747 : vector<16xi32>
      tpu.vector_store_idx %arg14[%shift_right_logical3A_1745, %and3A_1748], %broadcast_in_dim3A_30 {add = true} : memref<80x128xf32, #tpu.memory_space<vmem>>[vector<16xi32>, vector<16xi32>], vector<16xf32>,
      %get3A_1749 = arith.constant 5 : i32
      %get3A_1750 = arith.index_cast %get3A_1749 : i32 to index
      %get3A_1751 = arith.constant 112 : index
      %get3A_1752 = tpu.vector_load %arg11[%get3A_1750, %get3A_1751] {strides = array<i32>} : memref<8x128xi32, #tpu.memory_space<vmem>>, vector<16xi32>,
      %shift_right_logical3A_1753 = arith.constant 7 : i32
      %shift_right_logical3A_1754 = vector.broadcast %shift_right_logical3A_1753 : i32 to vector<16xi32>
      %shift_right_logical3A_1755 = arith.shrui %get3A_1752, %shift_right_logical3A_1754 : vector<16xi32>
      %and3A_1756 = arith.constant 127 : i32
      %and3A_1757 = vector.broadcast %and3A_1756 : i32 to vector<16xi32>
      %and3A_1758 = arith.andi %get3A_1752, %and3A_1757 : vector<16xi32>
      tpu.vector_store_idx %arg14[%shift_right_logical3A_1755, %and3A_1758], %broadcast_in_dim3A_30 {add = true} : memref<80x128xf32, #tpu.memory_space<vmem>>[vector<16xi32>, vector<16xi32>], vector<16xf32>,
      %dma_wait3A_1759 = arith.constant 5 : i32
      %dma_wait3A_1760 = arith.constant 128 : i32
      %dma_wait3A_1761 = arith.constant 0 : i32
      %dma_wait3A_1762 = tpu.memref_slice %arg12[%dma_wait3A_1760, %dma_wait3A_1761] : memref<256x128xf32, #tpu.memory_space<vmem>> -> memref<128x128xf32, #tpu.memory_space<vmem>>
      %dma_wait3A_1763 = arith.constant 0 : i32
      %dma_wait3A_1764 = tpu.memref_slice %arg10[%dma_wait3A_1759, %dma_wait3A_1763] : memref<8x128xi32, #tpu.memory_space<vmem>> -> memref<1x128xi32, #tpu.memory_space<vmem>>
      %dma_wait3A_1765 = tpu.memref_squeeze %dma_wait3A_1764 : memref<1x128xi32, #tpu.memory_space<vmem>> -> memref<128xi32, #tpu.memory_space<vmem>>
      %dma_wait3A_1766 = arith.constant 0 : i32
      %dma_wait3A_1767 = arith.constant 0 : i32
      %dma_wait3A_1768 = tpu.memref_slice %arg2[%dma_wait3A_1766, %dma_wait3A_1767] : memref<10000x128xf32, #tpu.memory_space<hbm>> -> memref<10000x128xf32, #tpu.memory_space<hbm>>
      tpu.wait_indirect_dma semaphore(%arg20 : memref<!tpu.dma_semaphore, #tpu.memory_space<semaphore_mem>>) src(%dma_wait3A_1768 : memref<10000x128xf32, #tpu.memory_space<hbm>>) dst(%dma_wait3A_1762 : memref<128x128xf32, #tpu.memory_space<vmem>>)
      %dma_start3A_1769 = arith.constant 5 : i32
      %dma_start3A_1770 = arith.constant 128 : i32
      %dma_start3A_1771 = arith.constant 0 : i32
      %dma_start3A_1772 = tpu.memref_slice %arg12[%dma_start3A_1770, %dma_start3A_1771] : memref<256x128xf32, #tpu.memory_space<vmem>> -> memref<128x128xf32, #tpu.memory_space<vmem>>
      %dma_start3A_1773 = arith.constant 0 : i32
      %dma_start3A_1774 = tpu.memref_slice %arg11[%dma_start3A_1769, %dma_start3A_1773] : memref<8x128xi32, #tpu.memory_space<vmem>> -> memref<1x128xi32, #tpu.memory_space<vmem>>
      %dma_start3A_1775 = tpu.memref_squeeze %dma_start3A_1774 : memref<1x128xi32, #tpu.memory_space<vmem>> -> memref<128xi32, #tpu.memory_space<vmem>>
      %dma_start3A_1776 = arith.constant 0 : i32
      %dma_start3A_1777 = arith.constant 0 : i32
      %dma_start3A_1778 = tpu.memref_slice %arg15[%dma_start3A_1776, %dma_start3A_1777] : memref<10112x128xf32, #tpu.memory_space<vmem_shared>> -> memref<10112x128xf32, #tpu.memory_space<vmem_shared>>
      tpu.enqueue_indirect_dma source(%dma_start3A_1772 : memref<128x128xf32, #tpu.memory_space<vmem>>) target(%dma_start3A_1778 : memref<10112x128xf32, #tpu.memory_space<vmem_shared>>) offsets(%dma_start3A_1775 : memref<128xi32, #tpu.memory_space<vmem>>) semaphore(%arg22 : memref<!tpu.dma_semaphore, #tpu.memory_space<semaphore_mem>>) {add = true}
      %dma_wait3A_1779 = arith.constant 5 : i32
      %dma_wait3A_1780 = arith.constant 128 : i32
      %dma_wait3A_1781 = arith.constant 0 : i32
      %dma_wait3A_1782 = tpu.memref_slice %arg12[%dma_wait3A_1780, %dma_wait3A_1781] : memref<256x128xf32, #tpu.memory_space<vmem>> -> memref<128x128xf32, #tpu.memory_space<vmem>>
      %dma_wait3A_1783 = arith.constant 0 : i32
      %dma_wait3A_1784 = tpu.memref_slice %arg11[%dma_wait3A_1779, %dma_wait3A_1783] : memref<8x128xi32, #tpu.memory_space<vmem>> -> memref<1x128xi32, #tpu.memory_space<vmem>>
      %dma_wait3A_1785 = tpu.memref_squeeze %dma_wait3A_1784 : memref<1x128xi32, #tpu.memory_space<vmem>> -> memref<128xi32, #tpu.memory_space<vmem>>
      %dma_wait3A_1786 = arith.constant 0 : i32
      %dma_wait3A_1787 = arith.constant 0 : i32
      %dma_wait3A_1788 = tpu.memref_slice %arg15[%dma_wait3A_1786, %dma_wait3A_1787] : memref<10112x128xf32, #tpu.memory_space<vmem_shared>> -> memref<10112x128xf32, #tpu.memory_space<vmem_shared>>
      tpu.wait_indirect_dma semaphore(%arg22 : memref<!tpu.dma_semaphore, #tpu.memory_space<semaphore_mem>>) src(%dma_wait3A_1782 : memref<128x128xf32, #tpu.memory_space<vmem>>) dst(%dma_wait3A_1788 : memref<10112x128xf32, #tpu.memory_space<vmem_shared>>)
      %dma_start3A_1789 = arith.constant 7 : i32
      %dma_start3A_1790 = arith.constant 128 : i32
      %dma_start3A_1791 = arith.constant 0 : i32
      %dma_start3A_1792 = tpu.memref_slice %arg12[%dma_start3A_1790, %dma_start3A_1791] : memref<256x128xf32, #tpu.memory_space<vmem>> -> memref<128x128xf32, #tpu.memory_space<vmem>>
      %dma_start3A_1793 = arith.constant 0 : i32
      %dma_start3A_1794 = tpu.memref_slice %arg10[%dma_start3A_1789, %dma_start3A_1793] : memref<8x128xi32, #tpu.memory_space<vmem>> -> memref<1x128xi32, #tpu.memory_space<vmem>>
      %dma_start3A_1795 = tpu.memref_squeeze %dma_start3A_1794 : memref<1x128xi32, #tpu.memory_space<vmem>> -> memref<128xi32, #tpu.memory_space<vmem>>
      %dma_start3A_1796 = arith.constant 0 : i32
      %dma_start3A_1797 = arith.constant 0 : i32
      %dma_start3A_1798 = tpu.memref_slice %arg2[%dma_start3A_1796, %dma_start3A_1797] : memref<10000x128xf32, #tpu.memory_space<hbm>> -> memref<10000x128xf32, #tpu.memory_space<hbm>>
      tpu.enqueue_indirect_dma source(%dma_start3A_1798 : memref<10000x128xf32, #tpu.memory_space<hbm>>) target(%dma_start3A_1792 : memref<128x128xf32, #tpu.memory_space<vmem>>) offsets(%dma_start3A_1795 : memref<128xi32, #tpu.memory_space<vmem>>) semaphore(%arg20 : memref<!tpu.dma_semaphore, #tpu.memory_space<semaphore_mem>>)
      %get3A_1799 = arith.constant 6 : i32
      %get3A_1800 = arith.index_cast %get3A_1799 : i32 to index
      %get3A_1801 = arith.constant 0 : index
      %get3A_1802 = tpu.vector_load %arg11[%get3A_1800, %get3A_1801] {strides = array<i32>} : memref<8x128xi32, #tpu.memory_space<vmem>>, vector<16xi32>,
      %shift_right_logical3A_1803 = arith.constant 7 : i32
      %shift_right_logical3A_1804 = vector.broadcast %shift_right_logical3A_1803 : i32 to vector<16xi32>
      %shift_right_logical3A_1805 = arith.shrui %get3A_1802, %shift_right_logical3A_1804 : vector<16xi32>
      %and3A_1806 = arith.constant 127 : i32
      %and3A_1807 = vector.broadcast %and3A_1806 : i32 to vector<16xi32>
      %and3A_1808 = arith.andi %get3A_1802, %and3A_1807 : vector<16xi32>
      tpu.vector_store_idx %arg14[%shift_right_logical3A_1805, %and3A_1808], %broadcast_in_dim3A_30 {add = true} : memref<80x128xf32, #tpu.memory_space<vmem>>[vector<16xi32>, vector<16xi32>], vector<16xf32>,
      %get3A_1809 = arith.constant 6 : i32
      %get3A_1810 = arith.index_cast %get3A_1809 : i32 to index
      %get3A_1811 = arith.constant 16 : index
      %get3A_1812 = tpu.vector_load %arg11[%get3A_1810, %get3A_1811] {strides = array<i32>} : memref<8x128xi32, #tpu.memory_space<vmem>>, vector<16xi32>,
      %shift_right_logical3A_1813 = arith.constant 7 : i32
      %shift_right_logical3A_1814 = vector.broadcast %shift_right_logical3A_1813 : i32 to vector<16xi32>
      %shift_right_logical3A_1815 = arith.shrui %get3A_1812, %shift_right_logical3A_1814 : vector<16xi32>
      %and3A_1816 = arith.constant 127 : i32
      %and3A_1817 = vector.broadcast %and3A_1816 : i32 to vector<16xi32>
      %and3A_1818 = arith.andi %get3A_1812, %and3A_1817 : vector<16xi32>
      tpu.vector_store_idx %arg14[%shift_right_logical3A_1815, %and3A_1818], %broadcast_in_dim3A_30 {add = true} : memref<80x128xf32, #tpu.memory_space<vmem>>[vector<16xi32>, vector<16xi32>], vector<16xf32>,
      %get3A_1819 = arith.constant 6 : i32
      %get3A_1820 = arith.index_cast %get3A_1819 : i32 to index
      %get3A_1821 = arith.constant 32 : index
      %get3A_1822 = tpu.vector_load %arg11[%get3A_1820, %get3A_1821] {strides = array<i32>} : memref<8x128xi32, #tpu.memory_space<vmem>>, vector<16xi32>,
      %shift_right_logical3A_1823 = arith.constant 7 : i32
      %shift_right_logical3A_1824 = vector.broadcast %shift_right_logical3A_1823 : i32 to vector<16xi32>
      %shift_right_logical3A_1825 = arith.shrui %get3A_1822, %shift_right_logical3A_1824 : vector<16xi32>
      %and3A_1826 = arith.constant 127 : i32
      %and3A_1827 = vector.broadcast %and3A_1826 : i32 to vector<16xi32>
      %and3A_1828 = arith.andi %get3A_1822, %and3A_1827 : vector<16xi32>
      tpu.vector_store_idx %arg14[%shift_right_logical3A_1825, %and3A_1828], %broadcast_in_dim3A_30 {add = true} : memref<80x128xf32, #tpu.memory_space<vmem>>[vector<16xi32>, vector<16xi32>], vector<16xf32>,
      %get3A_1829 = arith.constant 6 : i32
      %get3A_1830 = arith.index_cast %get3A_1829 : i32 to index
      %get3A_1831 = arith.constant 48 : index
      %get3A_1832 = tpu.vector_load %arg11[%get3A_1830, %get3A_1831] {strides = array<i32>} : memref<8x128xi32, #tpu.memory_space<vmem>>, vector<16xi32>,
      %shift_right_logical3A_1833 = arith.constant 7 : i32
      %shift_right_logical3A_1834 = vector.broadcast %shift_right_logical3A_1833 : i32 to vector<16xi32>
      %shift_right_logical3A_1835 = arith.shrui %get3A_1832, %shift_right_logical3A_1834 : vector<16xi32>
      %and3A_1836 = arith.constant 127 : i32
      %and3A_1837 = vector.broadcast %and3A_1836 : i32 to vector<16xi32>
      %and3A_1838 = arith.andi %get3A_1832, %and3A_1837 : vector<16xi32>
      tpu.vector_store_idx %arg14[%shift_right_logical3A_1835, %and3A_1838], %broadcast_in_dim3A_30 {add = true} : memref<80x128xf32, #tpu.memory_space<vmem>>[vector<16xi32>, vector<16xi32>], vector<16xf32>,
      %get3A_1839 = arith.constant 6 : i32
      %get3A_1840 = arith.index_cast %get3A_1839 : i32 to index
      %get3A_1841 = arith.constant 64 : index
      %get3A_1842 = tpu.vector_load %arg11[%get3A_1840, %get3A_1841] {strides = array<i32>} : memref<8x128xi32, #tpu.memory_space<vmem>>, vector<16xi32>,
      %shift_right_logical3A_1843 = arith.constant 7 : i32
      %shift_right_logical3A_1844 = vector.broadcast %shift_right_logical3A_1843 : i32 to vector<16xi32>
      %shift_right_logical3A_1845 = arith.shrui %get3A_1842, %shift_right_logical3A_1844 : vector<16xi32>
      %and3A_1846 = arith.constant 127 : i32
      %and3A_1847 = vector.broadcast %and3A_1846 : i32 to vector<16xi32>
      %and3A_1848 = arith.andi %get3A_1842, %and3A_1847 : vector<16xi32>
      tpu.vector_store_idx %arg14[%shift_right_logical3A_1845, %and3A_1848], %broadcast_in_dim3A_30 {add = true} : memref<80x128xf32, #tpu.memory_space<vmem>>[vector<16xi32>, vector<16xi32>], vector<16xf32>,
      %get3A_1849 = arith.constant 6 : i32
      %get3A_1850 = arith.index_cast %get3A_1849 : i32 to index
      %get3A_1851 = arith.constant 80 : index
      %get3A_1852 = tpu.vector_load %arg11[%get3A_1850, %get3A_1851] {strides = array<i32>} : memref<8x128xi32, #tpu.memory_space<vmem>>, vector<16xi32>,
      %shift_right_logical3A_1853 = arith.constant 7 : i32
      %shift_right_logical3A_1854 = vector.broadcast %shift_right_logical3A_1853 : i32 to vector<16xi32>
      %shift_right_logical3A_1855 = arith.shrui %get3A_1852, %shift_right_logical3A_1854 : vector<16xi32>
      %and3A_1856 = arith.constant 127 : i32
      %and3A_1857 = vector.broadcast %and3A_1856 : i32 to vector<16xi32>
      %and3A_1858 = arith.andi %get3A_1852, %and3A_1857 : vector<16xi32>
      tpu.vector_store_idx %arg14[%shift_right_logical3A_1855, %and3A_1858], %broadcast_in_dim3A_30 {add = true} : memref<80x128xf32, #tpu.memory_space<vmem>>[vector<16xi32>, vector<16xi32>], vector<16xf32>,
      %get3A_1859 = arith.constant 6 : i32
      %get3A_1860 = arith.index_cast %get3A_1859 : i32 to index
      %get3A_1861 = arith.constant 96 : index
      %get3A_1862 = tpu.vector_load %arg11[%get3A_1860, %get3A_1861] {strides = array<i32>} : memref<8x128xi32, #tpu.memory_space<vmem>>, vector<16xi32>,
      %shift_right_logical3A_1863 = arith.constant 7 : i32
      %shift_right_logical3A_1864 = vector.broadcast %shift_right_logical3A_1863 : i32 to vector<16xi32>
      %shift_right_logical3A_1865 = arith.shrui %get3A_1862, %shift_right_logical3A_1864 : vector<16xi32>
      %and3A_1866 = arith.constant 127 : i32
      %and3A_1867 = vector.broadcast %and3A_1866 : i32 to vector<16xi32>
      %and3A_1868 = arith.andi %get3A_1862, %and3A_1867 : vector<16xi32>
      tpu.vector_store_idx %arg14[%shift_right_logical3A_1865, %and3A_1868], %broadcast_in_dim3A_30 {add = true} : memref<80x128xf32, #tpu.memory_space<vmem>>[vector<16xi32>, vector<16xi32>], vector<16xf32>,
      %get3A_1869 = arith.constant 6 : i32
      %get3A_1870 = arith.index_cast %get3A_1869 : i32 to index
      %get3A_1871 = arith.constant 112 : index
      %get3A_1872 = tpu.vector_load %arg11[%get3A_1870, %get3A_1871] {strides = array<i32>} : memref<8x128xi32, #tpu.memory_space<vmem>>, vector<16xi32>,
      %shift_right_logical3A_1873 = arith.constant 7 : i32
      %shift_right_logical3A_1874 = vector.broadcast %shift_right_logical3A_1873 : i32 to vector<16xi32>
      %shift_right_logical3A_1875 = arith.shrui %get3A_1872, %shift_right_logical3A_1874 : vector<16xi32>
      %and3A_1876 = arith.constant 127 : i32
      %and3A_1877 = vector.broadcast %and3A_1876 : i32 to vector<16xi32>
      %and3A_1878 = arith.andi %get3A_1872, %and3A_1877 : vector<16xi32>
      tpu.vector_store_idx %arg14[%shift_right_logical3A_1875, %and3A_1878], %broadcast_in_dim3A_30 {add = true} : memref<80x128xf32, #tpu.memory_space<vmem>>[vector<16xi32>, vector<16xi32>], vector<16xf32>,
      %dma_wait3A_1879 = arith.constant 6 : i32
      %dma_wait3A_1880 = arith.constant 0 : i32
      %dma_wait3A_1881 = arith.constant 0 : i32
      %dma_wait3A_1882 = tpu.memref_slice %arg12[%dma_wait3A_1880, %dma_wait3A_1881] : memref<256x128xf32, #tpu.memory_space<vmem>> -> memref<128x128xf32, #tpu.memory_space<vmem>>
      %dma_wait3A_1883 = arith.constant 0 : i32
      %dma_wait3A_1884 = tpu.memref_slice %arg10[%dma_wait3A_1879, %dma_wait3A_1883] : memref<8x128xi32, #tpu.memory_space<vmem>> -> memref<1x128xi32, #tpu.memory_space<vmem>>
      %dma_wait3A_1885 = tpu.memref_squeeze %dma_wait3A_1884 : memref<1x128xi32, #tpu.memory_space<vmem>> -> memref<128xi32, #tpu.memory_space<vmem>>
      %dma_wait3A_1886 = arith.constant 0 : i32
      %dma_wait3A_1887 = arith.constant 0 : i32
      %dma_wait3A_1888 = tpu.memref_slice %arg2[%dma_wait3A_1886, %dma_wait3A_1887] : memref<10000x128xf32, #tpu.memory_space<hbm>> -> memref<10000x128xf32, #tpu.memory_space<hbm>>
      tpu.wait_indirect_dma semaphore(%arg19 : memref<!tpu.dma_semaphore, #tpu.memory_space<semaphore_mem>>) src(%dma_wait3A_1888 : memref<10000x128xf32, #tpu.memory_space<hbm>>) dst(%dma_wait3A_1882 : memref<128x128xf32, #tpu.memory_space<vmem>>)
      %dma_start3A_1889 = arith.constant 6 : i32
      %dma_start3A_1890 = arith.constant 0 : i32
      %dma_start3A_1891 = arith.constant 0 : i32
      %dma_start3A_1892 = tpu.memref_slice %arg12[%dma_start3A_1890, %dma_start3A_1891] : memref<256x128xf32, #tpu.memory_space<vmem>> -> memref<128x128xf32, #tpu.memory_space<vmem>>
      %dma_start3A_1893 = arith.constant 0 : i32
      %dma_start3A_1894 = tpu.memref_slice %arg11[%dma_start3A_1889, %dma_start3A_1893] : memref<8x128xi32, #tpu.memory_space<vmem>> -> memref<1x128xi32, #tpu.memory_space<vmem>>
      %dma_start3A_1895 = tpu.memref_squeeze %dma_start3A_1894 : memref<1x128xi32, #tpu.memory_space<vmem>> -> memref<128xi32, #tpu.memory_space<vmem>>
      %dma_start3A_1896 = arith.constant 0 : i32
      %dma_start3A_1897 = arith.constant 0 : i32
      %dma_start3A_1898 = tpu.memref_slice %arg15[%dma_start3A_1896, %dma_start3A_1897] : memref<10112x128xf32, #tpu.memory_space<vmem_shared>> -> memref<10112x128xf32, #tpu.memory_space<vmem_shared>>
      tpu.enqueue_indirect_dma source(%dma_start3A_1892 : memref<128x128xf32, #tpu.memory_space<vmem>>) target(%dma_start3A_1898 : memref<10112x128xf32, #tpu.memory_space<vmem_shared>>) offsets(%dma_start3A_1895 : memref<128xi32, #tpu.memory_space<vmem>>) semaphore(%arg21 : memref<!tpu.dma_semaphore, #tpu.memory_space<semaphore_mem>>) {add = true}
      %get3A_1899 = arith.constant 7 : i32
      %get3A_1900 = arith.index_cast %get3A_1899 : i32 to index
      %get3A_1901 = arith.constant 0 : index
      %get3A_1902 = tpu.vector_load %arg11[%get3A_1900, %get3A_1901] {strides = array<i32>} : memref<8x128xi32, #tpu.memory_space<vmem>>, vector<16xi32>,
      %shift_right_logical3A_1903 = arith.constant 7 : i32
      %shift_right_logical3A_1904 = vector.broadcast %shift_right_logical3A_1903 : i32 to vector<16xi32>
      %shift_right_logical3A_1905 = arith.shrui %get3A_1902, %shift_right_logical3A_1904 : vector<16xi32>
      %and3A_1906 = arith.constant 127 : i32
      %and3A_1907 = vector.broadcast %and3A_1906 : i32 to vector<16xi32>
      %and3A_1908 = arith.andi %get3A_1902, %and3A_1907 : vector<16xi32>
      tpu.vector_store_idx %arg14[%shift_right_logical3A_1905, %and3A_1908], %broadcast_in_dim3A_30 {add = true} : memref<80x128xf32, #tpu.memory_space<vmem>>[vector<16xi32>, vector<16xi32>], vector<16xf32>,
      %get3A_1909 = arith.constant 7 : i32
      %get3A_1910 = arith.index_cast %get3A_1909 : i32 to index
      %get3A_1911 = arith.constant 16 : index
      %get3A_1912 = tpu.vector_load %arg11[%get3A_1910, %get3A_1911] {strides = array<i32>} : memref<8x128xi32, #tpu.memory_space<vmem>>, vector<16xi32>,
      %shift_right_logical3A_1913 = arith.constant 7 : i32
      %shift_right_logical3A_1914 = vector.broadcast %shift_right_logical3A_1913 : i32 to vector<16xi32>
      %shift_right_logical3A_1915 = arith.shrui %get3A_1912, %shift_right_logical3A_1914 : vector<16xi32>
      %and3A_1916 = arith.constant 127 : i32
      %and3A_1917 = vector.broadcast %and3A_1916 : i32 to vector<16xi32>
      %and3A_1918 = arith.andi %get3A_1912, %and3A_1917 : vector<16xi32>
      tpu.vector_store_idx %arg14[%shift_right_logical3A_1915, %and3A_1918], %broadcast_in_dim3A_30 {add = true} : memref<80x128xf32, #tpu.memory_space<vmem>>[vector<16xi32>, vector<16xi32>], vector<16xf32>,
      %get3A_1919 = arith.constant 7 : i32
      %get3A_1920 = arith.index_cast %get3A_1919 : i32 to index
      %get3A_1921 = arith.constant 32 : index
      %get3A_1922 = tpu.vector_load %arg11[%get3A_1920, %get3A_1921] {strides = array<i32>} : memref<8x128xi32, #tpu.memory_space<vmem>>, vector<16xi32>,
      %shift_right_logical3A_1923 = arith.constant 7 : i32
      %shift_right_logical3A_1924 = vector.broadcast %shift_right_logical3A_1923 : i32 to vector<16xi32>
      %shift_right_logical3A_1925 = arith.shrui %get3A_1922, %shift_right_logical3A_1924 : vector<16xi32>
      %and3A_1926 = arith.constant 127 : i32
      %and3A_1927 = vector.broadcast %and3A_1926 : i32 to vector<16xi32>
      %and3A_1928 = arith.andi %get3A_1922, %and3A_1927 : vector<16xi32>
      tpu.vector_store_idx %arg14[%shift_right_logical3A_1925, %and3A_1928], %broadcast_in_dim3A_30 {add = true} : memref<80x128xf32, #tpu.memory_space<vmem>>[vector<16xi32>, vector<16xi32>], vector<16xf32>,
      %get3A_1929 = arith.constant 7 : i32
      %get3A_1930 = arith.index_cast %get3A_1929 : i32 to index
      %get3A_1931 = arith.constant 48 : index
      %get3A_1932 = tpu.vector_load %arg11[%get3A_1930, %get3A_1931] {strides = array<i32>} : memref<8x128xi32, #tpu.memory_space<vmem>>, vector<16xi32>,
      %shift_right_logical3A_1933 = arith.constant 7 : i32
      %shift_right_logical3A_1934 = vector.broadcast %shift_right_logical3A_1933 : i32 to vector<16xi32>
      %shift_right_logical3A_1935 = arith.shrui %get3A_1932, %shift_right_logical3A_1934 : vector<16xi32>
      %and3A_1936 = arith.constant 127 : i32
      %and3A_1937 = vector.broadcast %and3A_1936 : i32 to vector<16xi32>
      %and3A_1938 = arith.andi %get3A_1932, %and3A_1937 : vector<16xi32>
      tpu.vector_store_idx %arg14[%shift_right_logical3A_1935, %and3A_1938], %broadcast_in_dim3A_30 {add = true} : memref<80x128xf32, #tpu.memory_space<vmem>>[vector<16xi32>, vector<16xi32>], vector<16xf32>,
      %get3A_1939 = arith.constant 7 : i32
      %get3A_1940 = arith.index_cast %get3A_1939 : i32 to index
      %get3A_1941 = arith.constant 64 : index
      %get3A_1942 = tpu.vector_load %arg11[%get3A_1940, %get3A_1941] {strides = array<i32>} : memref<8x128xi32, #tpu.memory_space<vmem>>, vector<16xi32>,
      %shift_right_logical3A_1943 = arith.constant 7 : i32
      %shift_right_logical3A_1944 = vector.broadcast %shift_right_logical3A_1943 : i32 to vector<16xi32>
      %shift_right_logical3A_1945 = arith.shrui %get3A_1942, %shift_right_logical3A_1944 : vector<16xi32>
      %and3A_1946 = arith.constant 127 : i32
      %and3A_1947 = vector.broadcast %and3A_1946 : i32 to vector<16xi32>
      %and3A_1948 = arith.andi %get3A_1942, %and3A_1947 : vector<16xi32>
      tpu.vector_store_idx %arg14[%shift_right_logical3A_1945, %and3A_1948], %broadcast_in_dim3A_30 {add = true} : memref<80x128xf32, #tpu.memory_space<vmem>>[vector<16xi32>, vector<16xi32>], vector<16xf32>,
      %get3A_1949 = arith.constant 7 : i32
      %get3A_1950 = arith.index_cast %get3A_1949 : i32 to index
      %get3A_1951 = arith.constant 80 : index
      %get3A_1952 = tpu.vector_load %arg11[%get3A_1950, %get3A_1951] {strides = array<i32>} : memref<8x128xi32, #tpu.memory_space<vmem>>, vector<16xi32>,
      %shift_right_logical3A_1953 = arith.constant 7 : i32
      %shift_right_logical3A_1954 = vector.broadcast %shift_right_logical3A_1953 : i32 to vector<16xi32>
      %shift_right_logical3A_1955 = arith.shrui %get3A_1952, %shift_right_logical3A_1954 : vector<16xi32>
      %and3A_1956 = arith.constant 127 : i32
      %and3A_1957 = vector.broadcast %and3A_1956 : i32 to vector<16xi32>
      %and3A_1958 = arith.andi %get3A_1952, %and3A_1957 : vector<16xi32>
      tpu.vector_store_idx %arg14[%shift_right_logical3A_1955, %and3A_1958], %broadcast_in_dim3A_30 {add = true} : memref<80x128xf32, #tpu.memory_space<vmem>>[vector<16xi32>, vector<16xi32>], vector<16xf32>,
      %get3A_1959 = arith.constant 7 : i32
      %get3A_1960 = arith.index_cast %get3A_1959 : i32 to index
      %get3A_1961 = arith.constant 96 : index
      %get3A_1962 = tpu.vector_load %arg11[%get3A_1960, %get3A_1961] {strides = array<i32>} : memref<8x128xi32, #tpu.memory_space<vmem>>, vector<16xi32>,
      %shift_right_logical3A_1963 = arith.constant 7 : i32
      %shift_right_logical3A_1964 = vector.broadcast %shift_right_logical3A_1963 : i32 to vector<16xi32>
      %shift_right_logical3A_1965 = arith.shrui %get3A_1962, %shift_right_logical3A_1964 : vector<16xi32>
      %and3A_1966 = arith.constant 127 : i32
      %and3A_1967 = vector.broadcast %and3A_1966 : i32 to vector<16xi32>
      %and3A_1968 = arith.andi %get3A_1962, %and3A_1967 : vector<16xi32>
      tpu.vector_store_idx %arg14[%shift_right_logical3A_1965, %and3A_1968], %broadcast_in_dim3A_30 {add = true} : memref<80x128xf32, #tpu.memory_space<vmem>>[vector<16xi32>, vector<16xi32>], vector<16xf32>,
      %get3A_1969 = arith.constant 7 : i32
      %get3A_1970 = arith.index_cast %get3A_1969 : i32 to index
      %get3A_1971 = arith.constant 112 : index
      %get3A_1972 = tpu.vector_load %arg11[%get3A_1970, %get3A_1971] {strides = array<i32>} : memref<8x128xi32, #tpu.memory_space<vmem>>, vector<16xi32>,
      %shift_right_logical3A_1973 = arith.constant 7 : i32
      %shift_right_logical3A_1974 = vector.broadcast %shift_right_logical3A_1973 : i32 to vector<16xi32>
      %shift_right_logical3A_1975 = arith.shrui %get3A_1972, %shift_right_logical3A_1974 : vector<16xi32>
      %and3A_1976 = arith.constant 127 : i32
      %and3A_1977 = vector.broadcast %and3A_1976 : i32 to vector<16xi32>
      %and3A_1978 = arith.andi %get3A_1972, %and3A_1977 : vector<16xi32>
      tpu.vector_store_idx %arg14[%shift_right_logical3A_1975, %and3A_1978], %broadcast_in_dim3A_30 {add = true} : memref<80x128xf32, #tpu.memory_space<vmem>>[vector<16xi32>, vector<16xi32>], vector<16xf32>,
      %dma_wait3A_1979 = arith.constant 7 : i32
      %dma_wait3A_1980 = arith.constant 128 : i32
      %dma_wait3A_1981 = arith.constant 0 : i32
      %dma_wait3A_1982 = tpu.memref_slice %arg12[%dma_wait3A_1980, %dma_wait3A_1981] : memref<256x128xf32, #tpu.memory_space<vmem>> -> memref<128x128xf32, #tpu.memory_space<vmem>>
      %dma_wait3A_1983 = arith.constant 0 : i32
      %dma_wait3A_1984 = tpu.memref_slice %arg10[%dma_wait3A_1979, %dma_wait3A_1983] : memref<8x128xi32, #tpu.memory_space<vmem>> -> memref<1x128xi32, #tpu.memory_space<vmem>>
      %dma_wait3A_1985 = tpu.memref_squeeze %dma_wait3A_1984 : memref<1x128xi32, #tpu.memory_space<vmem>> -> memref<128xi32, #tpu.memory_space<vmem>>
      %dma_wait3A_1986 = arith.constant 0 : i32
      %dma_wait3A_1987 = arith.constant 0 : i32
      %dma_wait3A_1988 = tpu.memref_slice %arg2[%dma_wait3A_1986, %dma_wait3A_1987] : memref<10000x128xf32, #tpu.memory_space<hbm>> -> memref<10000x128xf32, #tpu.memory_space<hbm>>
      tpu.wait_indirect_dma semaphore(%arg20 : memref<!tpu.dma_semaphore, #tpu.memory_space<semaphore_mem>>) src(%dma_wait3A_1988 : memref<10000x128xf32, #tpu.memory_space<hbm>>) dst(%dma_wait3A_1982 : memref<128x128xf32, #tpu.memory_space<vmem>>)
      %dma_start3A_1989 = arith.constant 7 : i32
      %dma_start3A_1990 = arith.constant 128 : i32
      %dma_start3A_1991 = arith.constant 0 : i32
      %dma_start3A_1992 = tpu.memref_slice %arg12[%dma_start3A_1990, %dma_start3A_1991] : memref<256x128xf32, #tpu.memory_space<vmem>> -> memref<128x128xf32, #tpu.memory_space<vmem>>
      %dma_start3A_1993 = arith.constant 0 : i32
      %dma_start3A_1994 = tpu.memref_slice %arg11[%dma_start3A_1989, %dma_start3A_1993] : memref<8x128xi32, #tpu.memory_space<vmem>> -> memref<1x128xi32, #tpu.memory_space<vmem>>
      %dma_start3A_1995 = tpu.memref_squeeze %dma_start3A_1994 : memref<1x128xi32, #tpu.memory_space<vmem>> -> memref<128xi32, #tpu.memory_space<vmem>>
      %dma_start3A_1996 = arith.constant 0 : i32
      %dma_start3A_1997 = arith.constant 0 : i32
      %dma_start3A_1998 = tpu.memref_slice %arg15[%dma_start3A_1996, %dma_start3A_1997] : memref<10112x128xf32, #tpu.memory_space<vmem_shared>> -> memref<10112x128xf32, #tpu.memory_space<vmem_shared>>
      tpu.enqueue_indirect_dma source(%dma_start3A_1992 : memref<128x128xf32, #tpu.memory_space<vmem>>) target(%dma_start3A_1998 : memref<10112x128xf32, #tpu.memory_space<vmem_shared>>) offsets(%dma_start3A_1995 : memref<128xi32, #tpu.memory_space<vmem>>) semaphore(%arg22 : memref<!tpu.dma_semaphore, #tpu.memory_space<semaphore_mem>>) {add = true}
      %dma_wait3A_1999 = arith.constant 6 : i32
      %dma_wait3A_2000 = arith.constant 0 : i32
      %dma_wait3A_2001 = arith.constant 0 : i32
      %dma_wait3A_2002 = tpu.memref_slice %arg12[%dma_wait3A_2000, %dma_wait3A_2001] : memref<256x128xf32, #tpu.memory_space<vmem>> -> memref<128x128xf32, #tpu.memory_space<vmem>>
      %dma_wait3A_2003 = arith.constant 0 : i32
      %dma_wait3A_2004 = tpu.memref_slice %arg11[%dma_wait3A_1999, %dma_wait3A_2003] : memref<8x128xi32, #tpu.memory_space<vmem>> -> memref<1x128xi32, #tpu.memory_space<vmem>>
      %dma_wait3A_2005 = tpu.memref_squeeze %dma_wait3A_2004 : memref<1x128xi32, #tpu.memory_space<vmem>> -> memref<128xi32, #tpu.memory_space<vmem>>
      %dma_wait3A_2006 = arith.constant 0 : i32
      %dma_wait3A_2007 = arith.constant 0 : i32
      %dma_wait3A_2008 = tpu.memref_slice %arg15[%dma_wait3A_2006, %dma_wait3A_2007] : memref<10112x128xf32, #tpu.memory_space<vmem_shared>> -> memref<10112x128xf32, #tpu.memory_space<vmem_shared>>
      tpu.wait_indirect_dma semaphore(%arg21 : memref<!tpu.dma_semaphore, #tpu.memory_space<semaphore_mem>>) src(%dma_wait3A_2002 : memref<128x128xf32, #tpu.memory_space<vmem>>) dst(%dma_wait3A_2008 : memref<10112x128xf32, #tpu.memory_space<vmem_shared>>)
      %dma_wait3A_2009 = arith.constant 7 : i32
      %dma_wait3A_2010 = arith.constant 128 : i32
      %dma_wait3A_2011 = arith.constant 0 : i32
      %dma_wait3A_2012 = tpu.memref_slice %arg12[%dma_wait3A_2010, %dma_wait3A_2011] : memref<256x128xf32, #tpu.memory_space<vmem>> -> memref<128x128xf32, #tpu.memory_space<vmem>>
      %dma_wait3A_2013 = arith.constant 0 : i32
      %dma_wait3A_2014 = tpu.memref_slice %arg11[%dma_wait3A_2009, %dma_wait3A_2013] : memref<8x128xi32, #tpu.memory_space<vmem>> -> memref<1x128xi32, #tpu.memory_space<vmem>>
      %dma_wait3A_2015 = tpu.memref_squeeze %dma_wait3A_2014 : memref<1x128xi32, #tpu.memory_space<vmem>> -> memref<128xi32, #tpu.memory_space<vmem>>
      %dma_wait3A_2016 = arith.constant 0 : i32
      %dma_wait3A_2017 = arith.constant 0 : i32
      %dma_wait3A_2018 = tpu.memref_slice %arg15[%dma_wait3A_2016, %dma_wait3A_2017] : memref<10112x128xf32, #tpu.memory_space<vmem_shared>> -> memref<10112x128xf32, #tpu.memory_space<vmem_shared>>
      tpu.wait_indirect_dma semaphore(%arg22 : memref<!tpu.dma_semaphore, #tpu.memory_space<semaphore_mem>>) src(%dma_wait3A_2012 : memref<128x128xf32, #tpu.memory_space<vmem>>) dst(%dma_wait3A_2018 : memref<10112x128xf32, #tpu.memory_space<vmem_shared>>)
      %add3A_2019 = arith.constant 16 : i32
      %add3A_2020 = arith.addi %add3A_1050, %add3A_2019 : i32
      %dma_start3A_2021 = arith.constant 0 : i32
      %dma_start3A_2022 = tpu.memref_slice %arg3[%add3A_2020, %dma_start3A_2021] : memref<2576x128xi32, #tpu.memory_space<hbm>> -> memref<8x128xi32, #tpu.memory_space<hbm>>
      %dma_start3A_2023 = arith.constant 0 : i32
      %dma_start3A_2024 = tpu.memref_slice %arg3[%add3A_2020, %dma_start3A_2023] : memref<2576x128xi32, #tpu.memory_space<hbm>> -> memref<8x128xi32, #tpu.memory_space<hbm>>
      tpu.enqueue_dma source(%dma_start3A_2024 : memref<8x128xi32, #tpu.memory_space<hbm>>) target(%arg10 : memref<8x128xi32, #tpu.memory_space<vmem>>) target_semaphore(%arg18 : memref<!tpu.dma_semaphore, #tpu.memory_space<semaphore_mem>>)
      %add3A_2025 = arith.constant 16 : i32
      %add3A_2026 = arith.addi %add3A_1050, %add3A_2025 : i32
      %dma_start3A_2027 = arith.constant 0 : i32
      %dma_start3A_2028 = tpu.memref_slice %arg4[%add3A_2026, %dma_start3A_2027] : memref<2576x128xi32, #tpu.memory_space<hbm>> -> memref<8x128xi32, #tpu.memory_space<hbm>>
      %dma_start3A_2029 = arith.constant 0 : i32
      %dma_start3A_2030 = tpu.memref_slice %arg4[%add3A_2026, %dma_start3A_2029] : memref<2576x128xi32, #tpu.memory_space<hbm>> -> memref<8x128xi32, #tpu.memory_space<hbm>>
      tpu.enqueue_dma source(%dma_start3A_2030 : memref<8x128xi32, #tpu.memory_space<hbm>>) target(%arg11 : memref<8x128xi32, #tpu.memory_space<vmem>>) target_semaphore(%arg18 : memref<!tpu.dma_semaphore, #tpu.memory_space<semaphore_mem>>)
    }
    %scan3A_46 = arith.constant 5 : i32
    %dma_wait3A = arith.constant 0 : i32
    %dma_wait3A_47 = tpu.memref_slice %arg3[%mul3A_2, %dma_wait3A] : memref<2576x128xi32, #tpu.memory_space<hbm>> -> memref<8x128xi32, #tpu.memory_space<hbm>>
    %dma_wait3A_48 = arith.constant 0 : i32
    %dma_wait3A_49 = tpu.memref_slice %arg3[%mul3A_2, %dma_wait3A_48] : memref<2576x128xi32, #tpu.memory_space<hbm>> -> memref<8x128xi32, #tpu.memory_space<hbm>>
    tpu.wait_dma2 semaphore(%arg17 : memref<!tpu.dma_semaphore, #tpu.memory_space<semaphore_mem>>) src(%dma_wait3A_49 : memref<8x128xi32, #tpu.memory_space<hbm>>) dst(%arg8 : memref<8x128xi32, #tpu.memory_space<vmem>>)
    %dma_wait3A_50 = arith.constant 0 : i32
    %dma_wait3A_51 = tpu.memref_slice %arg4[%mul3A_2, %dma_wait3A_50] : memref<2576x128xi32, #tpu.memory_space<hbm>> -> memref<8x128xi32, #tpu.memory_space<hbm>>
    %dma_wait3A_52 = arith.constant 0 : i32
    %dma_wait3A_53 = tpu.memref_slice %arg4[%mul3A_2, %dma_wait3A_52] : memref<2576x128xi32, #tpu.memory_space<hbm>> -> memref<8x128xi32, #tpu.memory_space<hbm>>
    tpu.wait_dma2 semaphore(%arg17 : memref<!tpu.dma_semaphore, #tpu.memory_space<semaphore_mem>>) src(%dma_wait3A_53 : memref<8x128xi32, #tpu.memory_space<hbm>>) dst(%arg9 : memref<8x128xi32, #tpu.memory_space<vmem>>)
    %dma_wait3A_54 = arith.constant 0 : i32
    %dma_wait3A_55 = tpu.memref_slice %arg3[%mul3A_2, %dma_wait3A_54] : memref<2576x128xi32, #tpu.memory_space<hbm>> -> memref<8x128xi32, #tpu.memory_space<hbm>>
    %dma_wait3A_56 = arith.constant 0 : i32
    %dma_wait3A_57 = tpu.memref_slice %arg3[%mul3A_2, %dma_wait3A_56] : memref<2576x128xi32, #tpu.memory_space<hbm>> -> memref<8x128xi32, #tpu.memory_space<hbm>>
    tpu.wait_dma2 semaphore(%arg18 : memref<!tpu.dma_semaphore, #tpu.memory_space<semaphore_mem>>) src(%dma_wait3A_57 : memref<8x128xi32, #tpu.memory_space<hbm>>) dst(%arg10 : memref<8x128xi32, #tpu.memory_space<vmem>>)
    %dma_wait3A_58 = arith.constant 0 : i32
    %dma_wait3A_59 = tpu.memref_slice %arg4[%mul3A_2, %dma_wait3A_58] : memref<2576x128xi32, #tpu.memory_space<hbm>> -> memref<8x128xi32, #tpu.memory_space<hbm>>
    %dma_wait3A_60 = arith.constant 0 : i32
    %dma_wait3A_61 = tpu.memref_slice %arg4[%mul3A_2, %dma_wait3A_60] : memref<2576x128xi32, #tpu.memory_space<hbm>> -> memref<8x128xi32, #tpu.memory_space<hbm>>
    tpu.wait_dma2 semaphore(%arg18 : memref<!tpu.dma_semaphore, #tpu.memory_space<semaphore_mem>>) src(%dma_wait3A_61 : memref<8x128xi32, #tpu.memory_space<hbm>>) dst(%arg11 : memref<8x128xi32, #tpu.memory_space<vmem>>)
    "tpu.region"() ({
      %run_scoped3A = tpu.sem_alloc : memref<!tpu.dma_semaphore, #tpu.memory_space<semaphore_mem>>
      %dma_start3A_68 = arith.constant 0 : i32
      %dma_start3A_69 = arith.constant 0 : i32
      %dma_start3A_70 = tpu.memref_slice %arg16[%dma_start3A_68, %dma_start3A_69] : memref<80x128xf32, #tpu.memory_space<vmem_shared>> -> memref<80x128xf32, #tpu.memory_space<vmem_shared>>
      tpu.enqueue_indirect_dma source(%arg14 : memref<80x128xf32, #tpu.memory_space<vmem>>) target(%dma_start3A_70 : memref<80x128xf32, #tpu.memory_space<vmem_shared>>) offsets(%arg13 : memref<80xi32, #tpu.memory_space<vmem>>) semaphore(%run_scoped3A : memref<!tpu.dma_semaphore, #tpu.memory_space<semaphore_mem>>) {add = true}
      %dma_wait3A_71 = arith.constant 0 : i32
      %dma_wait3A_72 = arith.constant 0 : i32
      %dma_wait3A_73 = tpu.memref_slice %arg16[%dma_wait3A_71, %dma_wait3A_72] : memref<80x128xf32, #tpu.memory_space<vmem_shared>> -> memref<80x128xf32, #tpu.memory_space<vmem_shared>>
      tpu.wait_indirect_dma semaphore(%run_scoped3A : memref<!tpu.dma_semaphore, #tpu.memory_space<semaphore_mem>>) src(%arg14 : memref<80x128xf32, #tpu.memory_space<vmem>>) dst(%dma_wait3A_73 : memref<80x128xf32, #tpu.memory_space<vmem_shared>>)
      tpu.yield
    }) : () -> ()
    %barrier3A_62 = arith.constant 0 : index
    tpu.barrier barrier_id(%barrier3A_62)
    "tpu.region"() ({
      %run_scoped3A = tpu.sem_alloc : memref<!tpu.dma_semaphore, #tpu.memory_space<semaphore_mem>>
      %dma_start3A_68 = arith.constant 0 : i32
      %dma_start3A_69 = arith.constant 0 : i32
      %dma_start3A_70 = tpu.memref_slice %arg6[%arg0, %dma_start3A_68, %dma_start3A_69] : memref<2x10112x128xf32, #tpu.memory_space<hbm>> -> memref<1x10112x128xf32, #tpu.memory_space<hbm>>
      %dma_start3A_71 = tpu.memref_squeeze %dma_start3A_70 : memref<1x10112x128xf32, #tpu.memory_space<hbm>> -> memref<10112x128xf32, #tpu.memory_space<hbm>>
      %dma_start3A_72 = arith.constant 0 : i32
      %dma_start3A_73 = tpu.memref_slice %dma_start3A_71[%mul3A_9, %dma_start3A_72] : memref<10112x128xf32, #tpu.memory_space<hbm>> -> memref<632x128xf32, #tpu.memory_space<hbm>>
      %dma_start3A_74 = arith.constant 0 : i32
      %dma_start3A_75 = tpu.memref_slice %arg15[%mul3A_9, %dma_start3A_74] : memref<10112x128xf32, #tpu.memory_space<vmem_shared>> -> memref<632x128xf32, #tpu.memory_space<vmem_shared>>
      tpu.enqueue_dma source(%dma_start3A_75 : memref<632x128xf32, #tpu.memory_space<vmem_shared>>) target(%dma_start3A_73 : memref<632x128xf32, #tpu.memory_space<hbm>>) target_semaphore(%run_scoped3A : memref<!tpu.dma_semaphore, #tpu.memory_space<semaphore_mem>>)
      %dma_wait3A_76 = arith.constant 0 : i32
      %dma_wait3A_77 = arith.constant 0 : i32
      %dma_wait3A_78 = tpu.memref_slice %arg6[%arg0, %dma_wait3A_76, %dma_wait3A_77] : memref<2x10112x128xf32, #tpu.memory_space<hbm>> -> memref<1x10112x128xf32, #tpu.memory_space<hbm>>
      %dma_wait3A_79 = tpu.memref_squeeze %dma_wait3A_78 : memref<1x10112x128xf32, #tpu.memory_space<hbm>> -> memref<10112x128xf32, #tpu.memory_space<hbm>>
      %dma_wait3A_80 = arith.constant 0 : i32
      %dma_wait3A_81 = tpu.memref_slice %dma_wait3A_79[%mul3A_9, %dma_wait3A_80] : memref<10112x128xf32, #tpu.memory_space<hbm>> -> memref<632x128xf32, #tpu.memory_space<hbm>>
      %dma_wait3A_82 = arith.constant 0 : i32
      %dma_wait3A_83 = tpu.memref_slice %arg15[%mul3A_9, %dma_wait3A_82] : memref<10112x128xf32, #tpu.memory_space<vmem_shared>> -> memref<632x128xf32, #tpu.memory_space<vmem_shared>>
      tpu.wait_dma2 semaphore(%run_scoped3A : memref<!tpu.dma_semaphore, #tpu.memory_space<semaphore_mem>>) src(%dma_wait3A_83 : memref<632x128xf32, #tpu.memory_space<vmem_shared>>) dst(%dma_wait3A_81 : memref<632x128xf32, #tpu.memory_space<hbm>>)
      tpu.yield
    }) : () -> ()
    %eq3A_63 = arith.constant 0 : i32
    %eq3A_64 = arith.cmpi eq, %arg1, %eq3A_63 : i32
    %convert_element_type3A_65 = arith.extui %eq3A_64 : i1 to i32
    %cond3A_66 = arith.constant 0 : i32
    %cond3A_67 = arith.cmpi ne, %convert_element_type3A_65, %cond3A_66 : i32
    scf.if %cond3A_67 {
      "tpu.region"() ({
        %run_scoped3A = tpu.sem_alloc : memref<!tpu.dma_semaphore, #tpu.memory_space<semaphore_mem>>
        %dma_start3A_68 = arith.constant 0 : i32
        %dma_start3A_69 = arith.constant 0 : i32
        %dma_start3A_70 = tpu.memref_slice %arg7[%arg0, %dma_start3A_68, %dma_start3A_69] : memref<2x80x128xf32, #tpu.memory_space<hbm>> -> memref<1x80x128xf32, #tpu.memory_space<hbm>>
        %dma_start3A_71 = tpu.memref_squeeze %dma_start3A_70 : memref<1x80x128xf32, #tpu.memory_space<hbm>> -> memref<80x128xf32, #tpu.memory_space<hbm>>
        tpu.enqueue_dma source(%arg16 : memref<80x128xf32, #tpu.memory_space<vmem_shared>>) target(%dma_start3A_71 : memref<80x128xf32, #tpu.memory_space<hbm>>) target_semaphore(%run_scoped3A : memref<!tpu.dma_semaphore, #tpu.memory_space<semaphore_mem>>)
        %dma_wait3A_72 = arith.constant 0 : i32
        %dma_wait3A_73 = arith.constant 0 : i32
        %dma_wait3A_74 = tpu.memref_slice %arg7[%arg0, %dma_wait3A_72, %dma_wait3A_73] : memref<2x80x128xf32, #tpu.memory_space<hbm>> -> memref<1x80x128xf32, #tpu.memory_space<hbm>>
        %dma_wait3A_75 = tpu.memref_squeeze %dma_wait3A_74 : memref<1x80x128xf32, #tpu.memory_space<hbm>> -> memref<80x128xf32, #tpu.memory_space<hbm>>
        tpu.wait_dma2 semaphore(%run_scoped3A : memref<!tpu.dma_semaphore, #tpu.memory_space<semaphore_mem>>) src(%arg16 : memref<80x128xf32, #tpu.memory_space<vmem_shared>>) dst(%dma_wait3A_75 : memref<80x128xf32, #tpu.memory_space<hbm>>)
        tpu.yield
      }) : () -> ()
    } else {
    }
    return
  }
}

#map = affine_map<(d0, d1) -> (0, 0)>
#map1 = affine_map<(d0, d1) -> (0)>
#map2 = affine_map<(d0, d1) -> (0, 0, 0)>
module attributes {stable_mosaic.version = 14 : i64} {
  func.func @_sc_agg_body(%arg0: i32, %arg1: i32, %arg2: memref<10000x128xf32, #tpu.memory_space<hbm>>, %arg3: memref<2576x128xi32, #tpu.memory_space<hbm>>, %arg4: memref<2576x128xi32, #tpu.memory_space<hbm>>, %arg5: memref<80xi32, #tpu.memory_space<hbm>>, %arg6: memref<2x10112x128xf32, #tpu.memory_space<hbm>>, %arg7: memref<8x128xi32, #tpu.memory_space<vmem>>, %arg8: memref<8x128xi32, #tpu.memory_space<vmem>>, %arg9: memref<8x128xi32, #tpu.memory_space<vmem>>, %arg10: memref<8x128xi32, #tpu.memory_space<vmem>>, %arg11: memref<256x128xf32, #tpu.memory_space<vmem>>, %arg12: memref<10112x128xf32, #tpu.memory_space<vmem_shared>>, %arg13: memref<!tpu.dma_semaphore, #tpu.memory_space<semaphore_mem>>, %arg14: memref<!tpu.dma_semaphore, #tpu.memory_space<semaphore_mem>>, %arg15: memref<!tpu.dma_semaphore, #tpu.memory_space<semaphore_mem>>, %arg16: memref<!tpu.dma_semaphore, #tpu.memory_space<semaphore_mem>>, %arg17: memref<!tpu.dma_semaphore, #tpu.memory_space<semaphore_mem>>, %arg18: memref<!tpu.dma_semaphore, #tpu.memory_space<semaphore_mem>>) attributes {dimension_semantics = [#tpu.dimension_semantics<core_parallel>, #tpu.dimension_semantics<subcore_parallel>], iteration_bounds = array<i64: 2, 16>, scalar_prefetch = 0 : i64, scratch_operands = 12 : i64, tpu.core_type = #tpu.core_type<sc_vector_subcore>, window_params = [{transform_indices = #map}, {transform_indices = #map}, {transform_indices = #map}, {transform_indices = #map1}, {transform_indices = #map2}]} {
    %mul3A = arith.constant 16 : i32
    %mul3A_0 = arith.muli %arg0, %mul3A : i32
    %add3A = arith.addi %mul3A_0, %arg1 : i32
    %mul3A_1 = arith.constant 80 : i32
    %mul3A_2 = arith.muli %add3A, %mul3A_1 : i32
    %broadcast_in_dim3A = arith.constant 0.000000e+00 : f32
    %broadcast_in_dim3A_3 = vector.broadcast %broadcast_in_dim3A : f32 to vector<16xf32>
    %scan3A = arith.constant 0 : i32
    %scan3A_4 = arith.constant 128 : i32
    %scan3A_5 = arith.addi %scan3A, %scan3A_4 : i32
    %scan3A_6 = arith.constant 1 : i32
    scf.for %scan3A_54 = %scan3A to %scan3A_5 step %scan3A_6  : i32 {
      %mul3A_55 = arith.constant 1 : i32
      %mul3A_56 = arith.muli %scan3A_54, %mul3A_55 : i32
      %add3A_57 = arith.constant 0 : i32
      %add3A_58 = arith.addi %add3A_57, %mul3A_56 : i32
      %swap3A = arith.index_cast %add3A_58 : i32 to index
      %swap3A_59 = arith.constant 0 : index
      %swap3A_60 = tpu.vector_load %arg11[%swap3A, %swap3A_59] {strides = array<i32>} : memref<256x128xf32, #tpu.memory_space<vmem>>, vector<16xf32>,
      tpu.vector_store %arg11[%swap3A, %swap3A_59], %broadcast_in_dim3A_3 {strides = array<i32>} : memref<256x128xf32, #tpu.memory_space<vmem>>, vector<16xf32>,
      %swap3A_61 = arith.index_cast %add3A_58 : i32 to index
      %swap3A_62 = arith.constant 16 : index
      %swap3A_63 = tpu.vector_load %arg11[%swap3A_61, %swap3A_62] {strides = array<i32>} : memref<256x128xf32, #tpu.memory_space<vmem>>, vector<16xf32>,
      tpu.vector_store %arg11[%swap3A_61, %swap3A_62], %broadcast_in_dim3A_3 {strides = array<i32>} : memref<256x128xf32, #tpu.memory_space<vmem>>, vector<16xf32>,
      %swap3A_64 = arith.index_cast %add3A_58 : i32 to index
      %swap3A_65 = arith.constant 32 : index
      %swap3A_66 = tpu.vector_load %arg11[%swap3A_64, %swap3A_65] {strides = array<i32>} : memref<256x128xf32, #tpu.memory_space<vmem>>, vector<16xf32>,
      tpu.vector_store %arg11[%swap3A_64, %swap3A_65], %broadcast_in_dim3A_3 {strides = array<i32>} : memref<256x128xf32, #tpu.memory_space<vmem>>, vector<16xf32>,
      %swap3A_67 = arith.index_cast %add3A_58 : i32 to index
      %swap3A_68 = arith.constant 48 : index
      %swap3A_69 = tpu.vector_load %arg11[%swap3A_67, %swap3A_68] {strides = array<i32>} : memref<256x128xf32, #tpu.memory_space<vmem>>, vector<16xf32>,
      tpu.vector_store %arg11[%swap3A_67, %swap3A_68], %broadcast_in_dim3A_3 {strides = array<i32>} : memref<256x128xf32, #tpu.memory_space<vmem>>, vector<16xf32>,
      %swap3A_70 = arith.index_cast %add3A_58 : i32 to index
      %swap3A_71 = arith.constant 64 : index
      %swap3A_72 = tpu.vector_load %arg11[%swap3A_70, %swap3A_71] {strides = array<i32>} : memref<256x128xf32, #tpu.memory_space<vmem>>, vector<16xf32>,
      tpu.vector_store %arg11[%swap3A_70, %swap3A_71], %broadcast_in_dim3A_3 {strides = array<i32>} : memref<256x128xf32, #tpu.memory_space<vmem>>, vector<16xf32>,
      %swap3A_73 = arith.index_cast %add3A_58 : i32 to index
      %swap3A_74 = arith.constant 80 : index
      %swap3A_75 = tpu.vector_load %arg11[%swap3A_73, %swap3A_74] {strides = array<i32>} : memref<256x128xf32, #tpu.memory_space<vmem>>, vector<16xf32>,
      tpu.vector_store %arg11[%swap3A_73, %swap3A_74], %broadcast_in_dim3A_3 {strides = array<i32>} : memref<256x128xf32, #tpu.memory_space<vmem>>, vector<16xf32>,
      %swap3A_76 = arith.index_cast %add3A_58 : i32 to index
      %swap3A_77 = arith.constant 96 : index
      %swap3A_78 = tpu.vector_load %arg11[%swap3A_76, %swap3A_77] {strides = array<i32>} : memref<256x128xf32, #tpu.memory_space<vmem>>, vector<16xf32>,
      tpu.vector_store %arg11[%swap3A_76, %swap3A_77], %broadcast_in_dim3A_3 {strides = array<i32>} : memref<256x128xf32, #tpu.memory_space<vmem>>, vector<16xf32>,
      %swap3A_79 = arith.index_cast %add3A_58 : i32 to index
      %swap3A_80 = arith.constant 112 : index
      %swap3A_81 = tpu.vector_load %arg11[%swap3A_79, %swap3A_80] {strides = array<i32>} : memref<256x128xf32, #tpu.memory_space<vmem>>, vector<16xf32>,
      tpu.vector_store %arg11[%swap3A_79, %swap3A_80], %broadcast_in_dim3A_3 {strides = array<i32>} : memref<256x128xf32, #tpu.memory_space<vmem>>, vector<16xf32>,
    }
    %scan3A_7 = arith.constant 128 : i32
    %mul3A_8 = arith.constant 632 : i32
    %mul3A_9 = arith.muli %arg1, %mul3A_8 : i32
    %add3A_10 = arith.constant 0 : i32
    %add3A_11 = arith.addi %mul3A_9, %add3A_10 : i32
    "tpu.region"() ({
      %run_scoped3A = tpu.sem_alloc : memref<!tpu.dma_semaphore, #tpu.memory_space<semaphore_mem>>
      %dma_start3A_54 = arith.constant 0 : i32
      %dma_start3A_55 = arith.constant 0 : i32
      %dma_start3A_56 = tpu.memref_slice %arg11[%dma_start3A_54, %dma_start3A_55] : memref<256x128xf32, #tpu.memory_space<vmem>> -> memref<128x128xf32, #tpu.memory_space<vmem>>
      %dma_start3A_57 = arith.constant 0 : i32
      %dma_start3A_58 = tpu.memref_slice %arg12[%add3A_11, %dma_start3A_57] : memref<10112x128xf32, #tpu.memory_space<vmem_shared>> -> memref<128x128xf32, #tpu.memory_space<vmem_shared>>
      %dma_start3A_59 = arith.constant 0 : i32
      %dma_start3A_60 = tpu.memref_slice %arg12[%add3A_11, %dma_start3A_59] : memref<10112x128xf32, #tpu.memory_space<vmem_shared>> -> memref<128x128xf32, #tpu.memory_space<vmem_shared>>
      %dma_start3A_61 = arith.constant 0 : i32
      %dma_start3A_62 = arith.constant 0 : i32
      %dma_start3A_63 = tpu.memref_slice %arg11[%dma_start3A_61, %dma_start3A_62] : memref<256x128xf32, #tpu.memory_space<vmem>> -> memref<128x128xf32, #tpu.memory_space<vmem>>
      tpu.enqueue_dma source(%dma_start3A_63 : memref<128x128xf32, #tpu.memory_space<vmem>>) target(%dma_start3A_60 : memref<128x128xf32, #tpu.memory_space<vmem_shared>>) target_semaphore(%run_scoped3A : memref<!tpu.dma_semaphore, #tpu.memory_space<semaphore_mem>>)
      %dma_wait3A_64 = arith.constant 0 : i32
      %dma_wait3A_65 = arith.constant 0 : i32
      %dma_wait3A_66 = tpu.memref_slice %arg11[%dma_wait3A_64, %dma_wait3A_65] : memref<256x128xf32, #tpu.memory_space<vmem>> -> memref<128x128xf32, #tpu.memory_space<vmem>>
      %dma_wait3A_67 = arith.constant 0 : i32
      %dma_wait3A_68 = tpu.memref_slice %arg12[%add3A_11, %dma_wait3A_67] : memref<10112x128xf32, #tpu.memory_space<vmem_shared>> -> memref<128x128xf32, #tpu.memory_space<vmem_shared>>
      %dma_wait3A_69 = arith.constant 0 : i32
      %dma_wait3A_70 = tpu.memref_slice %arg12[%add3A_11, %dma_wait3A_69] : memref<10112x128xf32, #tpu.memory_space<vmem_shared>> -> memref<128x128xf32, #tpu.memory_space<vmem_shared>>
      %dma_wait3A_71 = arith.constant 0 : i32
      %dma_wait3A_72 = arith.constant 0 : i32
      %dma_wait3A_73 = tpu.memref_slice %arg11[%dma_wait3A_71, %dma_wait3A_72] : memref<256x128xf32, #tpu.memory_space<vmem>> -> memref<128x128xf32, #tpu.memory_space<vmem>>
      tpu.wait_dma2 semaphore(%run_scoped3A : memref<!tpu.dma_semaphore, #tpu.memory_space<semaphore_mem>>) src(%dma_wait3A_73 : memref<128x128xf32, #tpu.memory_space<vmem>>) dst(%dma_wait3A_70 : memref<128x128xf32, #tpu.memory_space<vmem_shared>>)
      tpu.yield
    }) : () -> ()
    %add3A_12 = arith.constant 128 : i32
    %add3A_13 = arith.addi %mul3A_9, %add3A_12 : i32
    "tpu.region"() ({
      %run_scoped3A = tpu.sem_alloc : memref<!tpu.dma_semaphore, #tpu.memory_space<semaphore_mem>>
      %dma_start3A_54 = arith.constant 0 : i32
      %dma_start3A_55 = arith.constant 0 : i32
      %dma_start3A_56 = tpu.memref_slice %arg11[%dma_start3A_54, %dma_start3A_55] : memref<256x128xf32, #tpu.memory_space<vmem>> -> memref<128x128xf32, #tpu.memory_space<vmem>>
      %dma_start3A_57 = arith.constant 0 : i32
      %dma_start3A_58 = tpu.memref_slice %arg12[%add3A_13, %dma_start3A_57] : memref<10112x128xf32, #tpu.memory_space<vmem_shared>> -> memref<128x128xf32, #tpu.memory_space<vmem_shared>>
      %dma_start3A_59 = arith.constant 0 : i32
      %dma_start3A_60 = tpu.memref_slice %arg12[%add3A_13, %dma_start3A_59] : memref<10112x128xf32, #tpu.memory_space<vmem_shared>> -> memref<128x128xf32, #tpu.memory_space<vmem_shared>>
      %dma_start3A_61 = arith.constant 0 : i32
      %dma_start3A_62 = arith.constant 0 : i32
      %dma_start3A_63 = tpu.memref_slice %arg11[%dma_start3A_61, %dma_start3A_62] : memref<256x128xf32, #tpu.memory_space<vmem>> -> memref<128x128xf32, #tpu.memory_space<vmem>>
      tpu.enqueue_dma source(%dma_start3A_63 : memref<128x128xf32, #tpu.memory_space<vmem>>) target(%dma_start3A_60 : memref<128x128xf32, #tpu.memory_space<vmem_shared>>) target_semaphore(%run_scoped3A : memref<!tpu.dma_semaphore, #tpu.memory_space<semaphore_mem>>)
      %dma_wait3A_64 = arith.constant 0 : i32
      %dma_wait3A_65 = arith.constant 0 : i32
      %dma_wait3A_66 = tpu.memref_slice %arg11[%dma_wait3A_64, %dma_wait3A_65] : memref<256x128xf32, #tpu.memory_space<vmem>> -> memref<128x128xf32, #tpu.memory_space<vmem>>
      %dma_wait3A_67 = arith.constant 0 : i32
      %dma_wait3A_68 = tpu.memref_slice %arg12[%add3A_13, %dma_wait3A_67] : memref<10112x128xf32, #tpu.memory_space<vmem_shared>> -> memref<128x128xf32, #tpu.memory_space<vmem_shared>>
      %dma_wait3A_69 = arith.constant 0 : i32
      %dma_wait3A_70 = tpu.memref_slice %arg12[%add3A_13, %dma_wait3A_69] : memref<10112x128xf32, #tpu.memory_space<vmem_shared>> -> memref<128x128xf32, #tpu.memory_space<vmem_shared>>
      %dma_wait3A_71 = arith.constant 0 : i32
      %dma_wait3A_72 = arith.constant 0 : i32
      %dma_wait3A_73 = tpu.memref_slice %arg11[%dma_wait3A_71, %dma_wait3A_72] : memref<256x128xf32, #tpu.memory_space<vmem>> -> memref<128x128xf32, #tpu.memory_space<vmem>>
      tpu.wait_dma2 semaphore(%run_scoped3A : memref<!tpu.dma_semaphore, #tpu.memory_space<semaphore_mem>>) src(%dma_wait3A_73 : memref<128x128xf32, #tpu.memory_space<vmem>>) dst(%dma_wait3A_70 : memref<128x128xf32, #tpu.memory_space<vmem_shared>>)
      tpu.yield
    }) : () -> ()
    %add3A_14 = arith.constant 256 : i32
    %add3A_15 = arith.addi %mul3A_9, %add3A_14 : i32
    "tpu.region"() ({
      %run_scoped3A = tpu.sem_alloc : memref<!tpu.dma_semaphore, #tpu.memory_space<semaphore_mem>>
      %dma_start3A_54 = arith.constant 0 : i32
      %dma_start3A_55 = arith.constant 0 : i32
      %dma_start3A_56 = tpu.memref_slice %arg11[%dma_start3A_54, %dma_start3A_55] : memref<256x128xf32, #tpu.memory_space<vmem>> -> memref<128x128xf32, #tpu.memory_space<vmem>>
      %dma_start3A_57 = arith.constant 0 : i32
      %dma_start3A_58 = tpu.memref_slice %arg12[%add3A_15, %dma_start3A_57] : memref<10112x128xf32, #tpu.memory_space<vmem_shared>> -> memref<128x128xf32, #tpu.memory_space<vmem_shared>>
      %dma_start3A_59 = arith.constant 0 : i32
      %dma_start3A_60 = tpu.memref_slice %arg12[%add3A_15, %dma_start3A_59] : memref<10112x128xf32, #tpu.memory_space<vmem_shared>> -> memref<128x128xf32, #tpu.memory_space<vmem_shared>>
      %dma_start3A_61 = arith.constant 0 : i32
      %dma_start3A_62 = arith.constant 0 : i32
      %dma_start3A_63 = tpu.memref_slice %arg11[%dma_start3A_61, %dma_start3A_62] : memref<256x128xf32, #tpu.memory_space<vmem>> -> memref<128x128xf32, #tpu.memory_space<vmem>>
      tpu.enqueue_dma source(%dma_start3A_63 : memref<128x128xf32, #tpu.memory_space<vmem>>) target(%dma_start3A_60 : memref<128x128xf32, #tpu.memory_space<vmem_shared>>) target_semaphore(%run_scoped3A : memref<!tpu.dma_semaphore, #tpu.memory_space<semaphore_mem>>)
      %dma_wait3A_64 = arith.constant 0 : i32
      %dma_wait3A_65 = arith.constant 0 : i32
      %dma_wait3A_66 = tpu.memref_slice %arg11[%dma_wait3A_64, %dma_wait3A_65] : memref<256x128xf32, #tpu.memory_space<vmem>> -> memref<128x128xf32, #tpu.memory_space<vmem>>
      %dma_wait3A_67 = arith.constant 0 : i32
      %dma_wait3A_68 = tpu.memref_slice %arg12[%add3A_15, %dma_wait3A_67] : memref<10112x128xf32, #tpu.memory_space<vmem_shared>> -> memref<128x128xf32, #tpu.memory_space<vmem_shared>>
      %dma_wait3A_69 = arith.constant 0 : i32
      %dma_wait3A_70 = tpu.memref_slice %arg12[%add3A_15, %dma_wait3A_69] : memref<10112x128xf32, #tpu.memory_space<vmem_shared>> -> memref<128x128xf32, #tpu.memory_space<vmem_shared>>
      %dma_wait3A_71 = arith.constant 0 : i32
      %dma_wait3A_72 = arith.constant 0 : i32
      %dma_wait3A_73 = tpu.memref_slice %arg11[%dma_wait3A_71, %dma_wait3A_72] : memref<256x128xf32, #tpu.memory_space<vmem>> -> memref<128x128xf32, #tpu.memory_space<vmem>>
      tpu.wait_dma2 semaphore(%run_scoped3A : memref<!tpu.dma_semaphore, #tpu.memory_space<semaphore_mem>>) src(%dma_wait3A_73 : memref<128x128xf32, #tpu.memory_space<vmem>>) dst(%dma_wait3A_70 : memref<128x128xf32, #tpu.memory_space<vmem_shared>>)
      tpu.yield
    }) : () -> ()
    %add3A_16 = arith.constant 384 : i32
    %add3A_17 = arith.addi %mul3A_9, %add3A_16 : i32
    "tpu.region"() ({
      %run_scoped3A = tpu.sem_alloc : memref<!tpu.dma_semaphore, #tpu.memory_space<semaphore_mem>>
      %dma_start3A_54 = arith.constant 0 : i32
      %dma_start3A_55 = arith.constant 0 : i32
      %dma_start3A_56 = tpu.memref_slice %arg11[%dma_start3A_54, %dma_start3A_55] : memref<256x128xf32, #tpu.memory_space<vmem>> -> memref<128x128xf32, #tpu.memory_space<vmem>>
      %dma_start3A_57 = arith.constant 0 : i32
      %dma_start3A_58 = tpu.memref_slice %arg12[%add3A_17, %dma_start3A_57] : memref<10112x128xf32, #tpu.memory_space<vmem_shared>> -> memref<128x128xf32, #tpu.memory_space<vmem_shared>>
      %dma_start3A_59 = arith.constant 0 : i32
      %dma_start3A_60 = tpu.memref_slice %arg12[%add3A_17, %dma_start3A_59] : memref<10112x128xf32, #tpu.memory_space<vmem_shared>> -> memref<128x128xf32, #tpu.memory_space<vmem_shared>>
      %dma_start3A_61 = arith.constant 0 : i32
      %dma_start3A_62 = arith.constant 0 : i32
      %dma_start3A_63 = tpu.memref_slice %arg11[%dma_start3A_61, %dma_start3A_62] : memref<256x128xf32, #tpu.memory_space<vmem>> -> memref<128x128xf32, #tpu.memory_space<vmem>>
      tpu.enqueue_dma source(%dma_start3A_63 : memref<128x128xf32, #tpu.memory_space<vmem>>) target(%dma_start3A_60 : memref<128x128xf32, #tpu.memory_space<vmem_shared>>) target_semaphore(%run_scoped3A : memref<!tpu.dma_semaphore, #tpu.memory_space<semaphore_mem>>)
      %dma_wait3A_64 = arith.constant 0 : i32
      %dma_wait3A_65 = arith.constant 0 : i32
      %dma_wait3A_66 = tpu.memref_slice %arg11[%dma_wait3A_64, %dma_wait3A_65] : memref<256x128xf32, #tpu.memory_space<vmem>> -> memref<128x128xf32, #tpu.memory_space<vmem>>
      %dma_wait3A_67 = arith.constant 0 : i32
      %dma_wait3A_68 = tpu.memref_slice %arg12[%add3A_17, %dma_wait3A_67] : memref<10112x128xf32, #tpu.memory_space<vmem_shared>> -> memref<128x128xf32, #tpu.memory_space<vmem_shared>>
      %dma_wait3A_69 = arith.constant 0 : i32
      %dma_wait3A_70 = tpu.memref_slice %arg12[%add3A_17, %dma_wait3A_69] : memref<10112x128xf32, #tpu.memory_space<vmem_shared>> -> memref<128x128xf32, #tpu.memory_space<vmem_shared>>
      %dma_wait3A_71 = arith.constant 0 : i32
      %dma_wait3A_72 = arith.constant 0 : i32
      %dma_wait3A_73 = tpu.memref_slice %arg11[%dma_wait3A_71, %dma_wait3A_72] : memref<256x128xf32, #tpu.memory_space<vmem>> -> memref<128x128xf32, #tpu.memory_space<vmem>>
      tpu.wait_dma2 semaphore(%run_scoped3A : memref<!tpu.dma_semaphore, #tpu.memory_space<semaphore_mem>>) src(%dma_wait3A_73 : memref<128x128xf32, #tpu.memory_space<vmem>>) dst(%dma_wait3A_70 : memref<128x128xf32, #tpu.memory_space<vmem_shared>>)
      tpu.yield
    }) : () -> ()
    %add3A_18 = arith.constant 512 : i32
    %add3A_19 = arith.addi %mul3A_9, %add3A_18 : i32
    "tpu.region"() ({
      %run_scoped3A = tpu.sem_alloc : memref<!tpu.dma_semaphore, #tpu.memory_space<semaphore_mem>>
      %dma_start3A_54 = arith.constant 0 : i32
      %dma_start3A_55 = arith.constant 0 : i32
      %dma_start3A_56 = tpu.memref_slice %arg11[%dma_start3A_54, %dma_start3A_55] : memref<256x128xf32, #tpu.memory_space<vmem>> -> memref<120x128xf32, #tpu.memory_space<vmem>>
      %dma_start3A_57 = arith.constant 0 : i32
      %dma_start3A_58 = tpu.memref_slice %arg12[%add3A_19, %dma_start3A_57] : memref<10112x128xf32, #tpu.memory_space<vmem_shared>> -> memref<120x128xf32, #tpu.memory_space<vmem_shared>>
      %dma_start3A_59 = arith.constant 0 : i32
      %dma_start3A_60 = tpu.memref_slice %arg12[%add3A_19, %dma_start3A_59] : memref<10112x128xf32, #tpu.memory_space<vmem_shared>> -> memref<120x128xf32, #tpu.memory_space<vmem_shared>>
      %dma_start3A_61 = arith.constant 0 : i32
      %dma_start3A_62 = arith.constant 0 : i32
      %dma_start3A_63 = tpu.memref_slice %arg11[%dma_start3A_61, %dma_start3A_62] : memref<256x128xf32, #tpu.memory_space<vmem>> -> memref<120x128xf32, #tpu.memory_space<vmem>>
      tpu.enqueue_dma source(%dma_start3A_63 : memref<120x128xf32, #tpu.memory_space<vmem>>) target(%dma_start3A_60 : memref<120x128xf32, #tpu.memory_space<vmem_shared>>) target_semaphore(%run_scoped3A : memref<!tpu.dma_semaphore, #tpu.memory_space<semaphore_mem>>)
      %dma_wait3A_64 = arith.constant 0 : i32
      %dma_wait3A_65 = arith.constant 0 : i32
      %dma_wait3A_66 = tpu.memref_slice %arg11[%dma_wait3A_64, %dma_wait3A_65] : memref<256x128xf32, #tpu.memory_space<vmem>> -> memref<120x128xf32, #tpu.memory_space<vmem>>
      %dma_wait3A_67 = arith.constant 0 : i32
      %dma_wait3A_68 = tpu.memref_slice %arg12[%add3A_19, %dma_wait3A_67] : memref<10112x128xf32, #tpu.memory_space<vmem_shared>> -> memref<120x128xf32, #tpu.memory_space<vmem_shared>>
      %dma_wait3A_69 = arith.constant 0 : i32
      %dma_wait3A_70 = tpu.memref_slice %arg12[%add3A_19, %dma_wait3A_69] : memref<10112x128xf32, #tpu.memory_space<vmem_shared>> -> memref<120x128xf32, #tpu.memory_space<vmem_shared>>
      %dma_wait3A_71 = arith.constant 0 : i32
      %dma_wait3A_72 = arith.constant 0 : i32
      %dma_wait3A_73 = tpu.memref_slice %arg11[%dma_wait3A_71, %dma_wait3A_72] : memref<256x128xf32, #tpu.memory_space<vmem>> -> memref<120x128xf32, #tpu.memory_space<vmem>>
      tpu.wait_dma2 semaphore(%run_scoped3A : memref<!tpu.dma_semaphore, #tpu.memory_space<semaphore_mem>>) src(%dma_wait3A_73 : memref<120x128xf32, #tpu.memory_space<vmem>>) dst(%dma_wait3A_70 : memref<120x128xf32, #tpu.memory_space<vmem_shared>>)
      tpu.yield
    }) : () -> ()
    %barrier3A = arith.constant 0 : index
    tpu.barrier barrier_id(%barrier3A)
    %broadcast_in_dim3A_20 = arith.constant 1.000000e+00 : f32
    %broadcast_in_dim3A_21 = vector.broadcast %broadcast_in_dim3A_20 : f32 to vector<16xf32>
    "tpu.region"() ({
      %run_scoped3A = tpu.sem_alloc : memref<!tpu.dma_semaphore, #tpu.memory_space<semaphore_mem>>
      %dma_start3A_54 = arith.constant 0 : i32
      %dma_start3A_55 = tpu.memref_slice %arg3[%mul3A_2, %dma_start3A_54] : memref<2576x128xi32, #tpu.memory_space<hbm>> -> memref<8x128xi32, #tpu.memory_space<hbm>>
      %dma_start3A_56 = arith.constant 0 : i32
      %dma_start3A_57 = tpu.memref_slice %arg3[%mul3A_2, %dma_start3A_56] : memref<2576x128xi32, #tpu.memory_space<hbm>> -> memref<8x128xi32, #tpu.memory_space<hbm>>
      tpu.enqueue_dma source(%dma_start3A_57 : memref<8x128xi32, #tpu.memory_space<hbm>>) target(%arg7 : memref<8x128xi32, #tpu.memory_space<vmem>>) target_semaphore(%run_scoped3A : memref<!tpu.dma_semaphore, #tpu.memory_space<semaphore_mem>>)
      %dma_wait3A_58 = arith.constant 0 : i32
      %dma_wait3A_59 = tpu.memref_slice %arg3[%mul3A_2, %dma_wait3A_58] : memref<2576x128xi32, #tpu.memory_space<hbm>> -> memref<8x128xi32, #tpu.memory_space<hbm>>
      %dma_wait3A_60 = arith.constant 0 : i32
      %dma_wait3A_61 = tpu.memref_slice %arg3[%mul3A_2, %dma_wait3A_60] : memref<2576x128xi32, #tpu.memory_space<hbm>> -> memref<8x128xi32, #tpu.memory_space<hbm>>
      tpu.wait_dma2 semaphore(%run_scoped3A : memref<!tpu.dma_semaphore, #tpu.memory_space<semaphore_mem>>) src(%dma_wait3A_61 : memref<8x128xi32, #tpu.memory_space<hbm>>) dst(%arg7 : memref<8x128xi32, #tpu.memory_space<vmem>>)
      tpu.yield
    }) : () -> ()
    "tpu.region"() ({
      %run_scoped3A = tpu.sem_alloc : memref<!tpu.dma_semaphore, #tpu.memory_space<semaphore_mem>>
      %dma_start3A_54 = arith.constant 0 : i32
      %dma_start3A_55 = tpu.memref_slice %arg4[%mul3A_2, %dma_start3A_54] : memref<2576x128xi32, #tpu.memory_space<hbm>> -> memref<8x128xi32, #tpu.memory_space<hbm>>
      %dma_start3A_56 = arith.constant 0 : i32
      %dma_start3A_57 = tpu.memref_slice %arg4[%mul3A_2, %dma_start3A_56] : memref<2576x128xi32, #tpu.memory_space<hbm>> -> memref<8x128xi32, #tpu.memory_space<hbm>>
      tpu.enqueue_dma source(%dma_start3A_57 : memref<8x128xi32, #tpu.memory_space<hbm>>) target(%arg8 : memref<8x128xi32, #tpu.memory_space<vmem>>) target_semaphore(%run_scoped3A : memref<!tpu.dma_semaphore, #tpu.memory_space<semaphore_mem>>)
      %dma_wait3A_58 = arith.constant 0 : i32
      %dma_wait3A_59 = tpu.memref_slice %arg4[%mul3A_2, %dma_wait3A_58] : memref<2576x128xi32, #tpu.memory_space<hbm>> -> memref<8x128xi32, #tpu.memory_space<hbm>>
      %dma_wait3A_60 = arith.constant 0 : i32
      %dma_wait3A_61 = tpu.memref_slice %arg4[%mul3A_2, %dma_wait3A_60] : memref<2576x128xi32, #tpu.memory_space<hbm>> -> memref<8x128xi32, #tpu.memory_space<hbm>>
      tpu.wait_dma2 semaphore(%run_scoped3A : memref<!tpu.dma_semaphore, #tpu.memory_space<semaphore_mem>>) src(%dma_wait3A_61 : memref<8x128xi32, #tpu.memory_space<hbm>>) dst(%arg8 : memref<8x128xi32, #tpu.memory_space<vmem>>)
      tpu.yield
    }) : () -> ()
    %add3A_22 = arith.constant 8 : i32
    %add3A_23 = arith.addi %mul3A_2, %add3A_22 : i32
    %dma_start3A = arith.constant 0 : i32
    %dma_start3A_24 = tpu.memref_slice %arg3[%add3A_23, %dma_start3A] : memref<2576x128xi32, #tpu.memory_space<hbm>> -> memref<8x128xi32, #tpu.memory_space<hbm>>
    %dma_start3A_25 = arith.constant 0 : i32
    %dma_start3A_26 = tpu.memref_slice %arg3[%add3A_23, %dma_start3A_25] : memref<2576x128xi32, #tpu.memory_space<hbm>> -> memref<8x128xi32, #tpu.memory_space<hbm>>
    tpu.enqueue_dma source(%dma_start3A_26 : memref<8x128xi32, #tpu.memory_space<hbm>>) target(%arg9 : memref<8x128xi32, #tpu.memory_space<vmem>>) target_semaphore(%arg14 : memref<!tpu.dma_semaphore, #tpu.memory_space<semaphore_mem>>)
    %add3A_27 = arith.constant 8 : i32
    %add3A_28 = arith.addi %mul3A_2, %add3A_27 : i32
    %dma_start3A_29 = arith.constant 0 : i32
    %dma_start3A_30 = tpu.memref_slice %arg4[%add3A_28, %dma_start3A_29] : memref<2576x128xi32, #tpu.memory_space<hbm>> -> memref<8x128xi32, #tpu.memory_space<hbm>>
    %dma_start3A_31 = arith.constant 0 : i32
    %dma_start3A_32 = tpu.memref_slice %arg4[%add3A_28, %dma_start3A_31] : memref<2576x128xi32, #tpu.memory_space<hbm>> -> memref<8x128xi32, #tpu.memory_space<hbm>>
    tpu.enqueue_dma source(%dma_start3A_32 : memref<8x128xi32, #tpu.memory_space<hbm>>) target(%arg10 : memref<8x128xi32, #tpu.memory_space<vmem>>) target_semaphore(%arg14 : memref<!tpu.dma_semaphore, #tpu.memory_space<semaphore_mem>>)
    %scan3A_33 = arith.constant 0 : i32
    %scan3A_34 = arith.constant 5 : i32
    %scan3A_35 = arith.addi %scan3A_33, %scan3A_34 : i32
    %scan3A_36 = arith.constant 1 : i32
    scf.for %scan3A_54 = %scan3A_33 to %scan3A_35 step %scan3A_36  : i32 {
      %mul3A_55 = arith.constant 2 : i32
      %mul3A_56 = arith.muli %scan3A_54, %mul3A_55 : i32
      %add3A_57 = arith.constant 0 : i32
      %add3A_58 = arith.addi %add3A_57, %mul3A_56 : i32
      %mul3A_59 = arith.constant 8 : i32
      %mul3A_60 = arith.muli %add3A_58, %mul3A_59 : i32
      %add3A_61 = arith.addi %mul3A_2, %mul3A_60 : i32
      %gt3A = arith.constant 0 : i32
      %gt3A_62 = arith.cmpi sgt, %add3A_58, %gt3A : i32
      %convert_element_type3A = arith.extui %gt3A_62 : i1 to i32
      %cond3A = arith.constant 0 : i32
      %cond3A_63 = arith.cmpi ne, %convert_element_type3A, %cond3A : i32
      scf.if %cond3A_63 {
        %dma_wait3A_738 = arith.constant 0 : i32
        %dma_wait3A_739 = tpu.memref_slice %arg3[%add3A_61, %dma_wait3A_738] : memref<2576x128xi32, #tpu.memory_space<hbm>> -> memref<8x128xi32, #tpu.memory_space<hbm>>
        %dma_wait3A_740 = arith.constant 0 : i32
        %dma_wait3A_741 = tpu.memref_slice %arg3[%add3A_61, %dma_wait3A_740] : memref<2576x128xi32, #tpu.memory_space<hbm>> -> memref<8x128xi32, #tpu.memory_space<hbm>>
        tpu.wait_dma2 semaphore(%arg13 : memref<!tpu.dma_semaphore, #tpu.memory_space<semaphore_mem>>) src(%dma_wait3A_741 : memref<8x128xi32, #tpu.memory_space<hbm>>) dst(%arg7 : memref<8x128xi32, #tpu.memory_space<vmem>>)
        %dma_wait3A_742 = arith.constant 0 : i32
        %dma_wait3A_743 = tpu.memref_slice %arg4[%add3A_61, %dma_wait3A_742] : memref<2576x128xi32, #tpu.memory_space<hbm>> -> memref<8x128xi32, #tpu.memory_space<hbm>>
        %dma_wait3A_744 = arith.constant 0 : i32
        %dma_wait3A_745 = tpu.memref_slice %arg4[%add3A_61, %dma_wait3A_744] : memref<2576x128xi32, #tpu.memory_space<hbm>> -> memref<8x128xi32, #tpu.memory_space<hbm>>
        tpu.wait_dma2 semaphore(%arg13 : memref<!tpu.dma_semaphore, #tpu.memory_space<semaphore_mem>>) src(%dma_wait3A_745 : memref<8x128xi32, #tpu.memory_space<hbm>>) dst(%arg8 : memref<8x128xi32, #tpu.memory_space<vmem>>)
      } else {
      }
      %dma_start3A_64 = arith.constant 0 : i32
      %dma_start3A_65 = arith.constant 0 : i32
      %dma_start3A_66 = arith.constant 0 : i32
      %dma_start3A_67 = tpu.memref_slice %arg11[%dma_start3A_65, %dma_start3A_66] : memref<256x128xf32, #tpu.memory_space<vmem>> -> memref<128x128xf32, #tpu.memory_space<vmem>>
      %dma_start3A_68 = arith.constant 0 : i32
      %dma_start3A_69 = tpu.memref_slice %arg7[%dma_start3A_64, %dma_start3A_68] : memref<8x128xi32, #tpu.memory_space<vmem>> -> memref<1x128xi32, #tpu.memory_space<vmem>>
      %dma_start3A_70 = tpu.memref_squeeze %dma_start3A_69 : memref<1x128xi32, #tpu.memory_space<vmem>> -> memref<128xi32, #tpu.memory_space<vmem>>
      %dma_start3A_71 = arith.constant 0 : i32
      %dma_start3A_72 = arith.constant 0 : i32
      %dma_start3A_73 = tpu.memref_slice %arg2[%dma_start3A_71, %dma_start3A_72] : memref<10000x128xf32, #tpu.memory_space<hbm>> -> memref<10000x128xf32, #tpu.memory_space<hbm>>
      tpu.enqueue_indirect_dma source(%dma_start3A_73 : memref<10000x128xf32, #tpu.memory_space<hbm>>) target(%dma_start3A_67 : memref<128x128xf32, #tpu.memory_space<vmem>>) offsets(%dma_start3A_70 : memref<128xi32, #tpu.memory_space<vmem>>) semaphore(%arg15 : memref<!tpu.dma_semaphore, #tpu.memory_space<semaphore_mem>>)
      %dma_start3A_74 = arith.constant 1 : i32
      %dma_start3A_75 = arith.constant 128 : i32
      %dma_start3A_76 = arith.constant 0 : i32
      %dma_start3A_77 = tpu.memref_slice %arg11[%dma_start3A_75, %dma_start3A_76] : memref<256x128xf32, #tpu.memory_space<vmem>> -> memref<128x128xf32, #tpu.memory_space<vmem>>
      %dma_start3A_78 = arith.constant 0 : i32
      %dma_start3A_79 = tpu.memref_slice %arg7[%dma_start3A_74, %dma_start3A_78] : memref<8x128xi32, #tpu.memory_space<vmem>> -> memref<1x128xi32, #tpu.memory_space<vmem>>
      %dma_start3A_80 = tpu.memref_squeeze %dma_start3A_79 : memref<1x128xi32, #tpu.memory_space<vmem>> -> memref<128xi32, #tpu.memory_space<vmem>>
      %dma_start3A_81 = arith.constant 0 : i32
      %dma_start3A_82 = arith.constant 0 : i32
      %dma_start3A_83 = tpu.memref_slice %arg2[%dma_start3A_81, %dma_start3A_82] : memref<10000x128xf32, #tpu.memory_space<hbm>> -> memref<10000x128xf32, #tpu.memory_space<hbm>>
      tpu.enqueue_indirect_dma source(%dma_start3A_83 : memref<10000x128xf32, #tpu.memory_space<hbm>>) target(%dma_start3A_77 : memref<128x128xf32, #tpu.memory_space<vmem>>) offsets(%dma_start3A_80 : memref<128xi32, #tpu.memory_space<vmem>>) semaphore(%arg16 : memref<!tpu.dma_semaphore, #tpu.memory_space<semaphore_mem>>)
      %dma_wait3A_84 = arith.constant 0 : i32
      %dma_wait3A_85 = arith.constant 0 : i32
      %dma_wait3A_86 = arith.constant 0 : i32
      %dma_wait3A_87 = tpu.memref_slice %arg11[%dma_wait3A_85, %dma_wait3A_86] : memref<256x128xf32, #tpu.memory_space<vmem>> -> memref<128x128xf32, #tpu.memory_space<vmem>>
      %dma_wait3A_88 = arith.constant 0 : i32
      %dma_wait3A_89 = tpu.memref_slice %arg7[%dma_wait3A_84, %dma_wait3A_88] : memref<8x128xi32, #tpu.memory_space<vmem>> -> memref<1x128xi32, #tpu.memory_space<vmem>>
      %dma_wait3A_90 = tpu.memref_squeeze %dma_wait3A_89 : memref<1x128xi32, #tpu.memory_space<vmem>> -> memref<128xi32, #tpu.memory_space<vmem>>
      %dma_wait3A_91 = arith.constant 0 : i32
      %dma_wait3A_92 = arith.constant 0 : i32
      %dma_wait3A_93 = tpu.memref_slice %arg2[%dma_wait3A_91, %dma_wait3A_92] : memref<10000x128xf32, #tpu.memory_space<hbm>> -> memref<10000x128xf32, #tpu.memory_space<hbm>>
      tpu.wait_indirect_dma semaphore(%arg15 : memref<!tpu.dma_semaphore, #tpu.memory_space<semaphore_mem>>) src(%dma_wait3A_93 : memref<10000x128xf32, #tpu.memory_space<hbm>>) dst(%dma_wait3A_87 : memref<128x128xf32, #tpu.memory_space<vmem>>)
      %dma_start3A_94 = arith.constant 0 : i32
      %dma_start3A_95 = arith.constant 0 : i32
      %dma_start3A_96 = arith.constant 0 : i32
      %dma_start3A_97 = tpu.memref_slice %arg11[%dma_start3A_95, %dma_start3A_96] : memref<256x128xf32, #tpu.memory_space<vmem>> -> memref<128x128xf32, #tpu.memory_space<vmem>>
      %dma_start3A_98 = arith.constant 0 : i32
      %dma_start3A_99 = tpu.memref_slice %arg8[%dma_start3A_94, %dma_start3A_98] : memref<8x128xi32, #tpu.memory_space<vmem>> -> memref<1x128xi32, #tpu.memory_space<vmem>>
      %dma_start3A_100 = tpu.memref_squeeze %dma_start3A_99 : memref<1x128xi32, #tpu.memory_space<vmem>> -> memref<128xi32, #tpu.memory_space<vmem>>
      %dma_start3A_101 = arith.constant 0 : i32
      %dma_start3A_102 = arith.constant 0 : i32
      %dma_start3A_103 = tpu.memref_slice %arg12[%dma_start3A_101, %dma_start3A_102] : memref<10112x128xf32, #tpu.memory_space<vmem_shared>> -> memref<10112x128xf32, #tpu.memory_space<vmem_shared>>
      tpu.enqueue_indirect_dma source(%dma_start3A_97 : memref<128x128xf32, #tpu.memory_space<vmem>>) target(%dma_start3A_103 : memref<10112x128xf32, #tpu.memory_space<vmem_shared>>) offsets(%dma_start3A_100 : memref<128xi32, #tpu.memory_space<vmem>>) semaphore(%arg17 : memref<!tpu.dma_semaphore, #tpu.memory_space<semaphore_mem>>) {add = true}
      %dma_wait3A_104 = arith.constant 0 : i32
      %dma_wait3A_105 = arith.constant 0 : i32
      %dma_wait3A_106 = arith.constant 0 : i32
      %dma_wait3A_107 = tpu.memref_slice %arg11[%dma_wait3A_105, %dma_wait3A_106] : memref<256x128xf32, #tpu.memory_space<vmem>> -> memref<128x128xf32, #tpu.memory_space<vmem>>
      %dma_wait3A_108 = arith.constant 0 : i32
      %dma_wait3A_109 = tpu.memref_slice %arg8[%dma_wait3A_104, %dma_wait3A_108] : memref<8x128xi32, #tpu.memory_space<vmem>> -> memref<1x128xi32, #tpu.memory_space<vmem>>
      %dma_wait3A_110 = tpu.memref_squeeze %dma_wait3A_109 : memref<1x128xi32, #tpu.memory_space<vmem>> -> memref<128xi32, #tpu.memory_space<vmem>>
      %dma_wait3A_111 = arith.constant 0 : i32
      %dma_wait3A_112 = arith.constant 0 : i32
      %dma_wait3A_113 = tpu.memref_slice %arg12[%dma_wait3A_111, %dma_wait3A_112] : memref<10112x128xf32, #tpu.memory_space<vmem_shared>> -> memref<10112x128xf32, #tpu.memory_space<vmem_shared>>
      tpu.wait_indirect_dma semaphore(%arg17 : memref<!tpu.dma_semaphore, #tpu.memory_space<semaphore_mem>>) src(%dma_wait3A_107 : memref<128x128xf32, #tpu.memory_space<vmem>>) dst(%dma_wait3A_113 : memref<10112x128xf32, #tpu.memory_space<vmem_shared>>)
      %dma_start3A_114 = arith.constant 2 : i32
      %dma_start3A_115 = arith.constant 0 : i32
      %dma_start3A_116 = arith.constant 0 : i32
      %dma_start3A_117 = tpu.memref_slice %arg11[%dma_start3A_115, %dma_start3A_116] : memref<256x128xf32, #tpu.memory_space<vmem>> -> memref<128x128xf32, #tpu.memory_space<vmem>>
      %dma_start3A_118 = arith.constant 0 : i32
      %dma_start3A_119 = tpu.memref_slice %arg7[%dma_start3A_114, %dma_start3A_118] : memref<8x128xi32, #tpu.memory_space<vmem>> -> memref<1x128xi32, #tpu.memory_space<vmem>>
      %dma_start3A_120 = tpu.memref_squeeze %dma_start3A_119 : memref<1x128xi32, #tpu.memory_space<vmem>> -> memref<128xi32, #tpu.memory_space<vmem>>
      %dma_start3A_121 = arith.constant 0 : i32
      %dma_start3A_122 = arith.constant 0 : i32
      %dma_start3A_123 = tpu.memref_slice %arg2[%dma_start3A_121, %dma_start3A_122] : memref<10000x128xf32, #tpu.memory_space<hbm>> -> memref<10000x128xf32, #tpu.memory_space<hbm>>
      tpu.enqueue_indirect_dma source(%dma_start3A_123 : memref<10000x128xf32, #tpu.memory_space<hbm>>) target(%dma_start3A_117 : memref<128x128xf32, #tpu.memory_space<vmem>>) offsets(%dma_start3A_120 : memref<128xi32, #tpu.memory_space<vmem>>) semaphore(%arg15 : memref<!tpu.dma_semaphore, #tpu.memory_space<semaphore_mem>>)
      %dma_wait3A_124 = arith.constant 1 : i32
      %dma_wait3A_125 = arith.constant 128 : i32
      %dma_wait3A_126 = arith.constant 0 : i32
      %dma_wait3A_127 = tpu.memref_slice %arg11[%dma_wait3A_125, %dma_wait3A_126] : memref<256x128xf32, #tpu.memory_space<vmem>> -> memref<128x128xf32, #tpu.memory_space<vmem>>
      %dma_wait3A_128 = arith.constant 0 : i32
      %dma_wait3A_129 = tpu.memref_slice %arg7[%dma_wait3A_124, %dma_wait3A_128] : memref<8x128xi32, #tpu.memory_space<vmem>> -> memref<1x128xi32, #tpu.memory_space<vmem>>
      %dma_wait3A_130 = tpu.memref_squeeze %dma_wait3A_129 : memref<1x128xi32, #tpu.memory_space<vmem>> -> memref<128xi32, #tpu.memory_space<vmem>>
      %dma_wait3A_131 = arith.constant 0 : i32
      %dma_wait3A_132 = arith.constant 0 : i32
      %dma_wait3A_133 = tpu.memref_slice %arg2[%dma_wait3A_131, %dma_wait3A_132] : memref<10000x128xf32, #tpu.memory_space<hbm>> -> memref<10000x128xf32, #tpu.memory_space<hbm>>
      tpu.wait_indirect_dma semaphore(%arg16 : memref<!tpu.dma_semaphore, #tpu.memory_space<semaphore_mem>>) src(%dma_wait3A_133 : memref<10000x128xf32, #tpu.memory_space<hbm>>) dst(%dma_wait3A_127 : memref<128x128xf32, #tpu.memory_space<vmem>>)
      %dma_start3A_134 = arith.constant 1 : i32
      %dma_start3A_135 = arith.constant 128 : i32
      %dma_start3A_136 = arith.constant 0 : i32
      %dma_start3A_137 = tpu.memref_slice %arg11[%dma_start3A_135, %dma_start3A_136] : memref<256x128xf32, #tpu.memory_space<vmem>> -> memref<128x128xf32, #tpu.memory_space<vmem>>
      %dma_start3A_138 = arith.constant 0 : i32
      %dma_start3A_139 = tpu.memref_slice %arg8[%dma_start3A_134, %dma_start3A_138] : memref<8x128xi32, #tpu.memory_space<vmem>> -> memref<1x128xi32, #tpu.memory_space<vmem>>
      %dma_start3A_140 = tpu.memref_squeeze %dma_start3A_139 : memref<1x128xi32, #tpu.memory_space<vmem>> -> memref<128xi32, #tpu.memory_space<vmem>>
      %dma_start3A_141 = arith.constant 0 : i32
      %dma_start3A_142 = arith.constant 0 : i32
      %dma_start3A_143 = tpu.memref_slice %arg12[%dma_start3A_141, %dma_start3A_142] : memref<10112x128xf32, #tpu.memory_space<vmem_shared>> -> memref<10112x128xf32, #tpu.memory_space<vmem_shared>>
      tpu.enqueue_indirect_dma source(%dma_start3A_137 : memref<128x128xf32, #tpu.memory_space<vmem>>) target(%dma_start3A_143 : memref<10112x128xf32, #tpu.memory_space<vmem_shared>>) offsets(%dma_start3A_140 : memref<128xi32, #tpu.memory_space<vmem>>) semaphore(%arg18 : memref<!tpu.dma_semaphore, #tpu.memory_space<semaphore_mem>>) {add = true}
      %dma_wait3A_144 = arith.constant 1 : i32
      %dma_wait3A_145 = arith.constant 128 : i32
      %dma_wait3A_146 = arith.constant 0 : i32
      %dma_wait3A_147 = tpu.memref_slice %arg11[%dma_wait3A_145, %dma_wait3A_146] : memref<256x128xf32, #tpu.memory_space<vmem>> -> memref<128x128xf32, #tpu.memory_space<vmem>>
      %dma_wait3A_148 = arith.constant 0 : i32
      %dma_wait3A_149 = tpu.memref_slice %arg8[%dma_wait3A_144, %dma_wait3A_148] : memref<8x128xi32, #tpu.memory_space<vmem>> -> memref<1x128xi32, #tpu.memory_space<vmem>>
      %dma_wait3A_150 = tpu.memref_squeeze %dma_wait3A_149 : memref<1x128xi32, #tpu.memory_space<vmem>> -> memref<128xi32, #tpu.memory_space<vmem>>
      %dma_wait3A_151 = arith.constant 0 : i32
      %dma_wait3A_152 = arith.constant 0 : i32
      %dma_wait3A_153 = tpu.memref_slice %arg12[%dma_wait3A_151, %dma_wait3A_152] : memref<10112x128xf32, #tpu.memory_space<vmem_shared>> -> memref<10112x128xf32, #tpu.memory_space<vmem_shared>>
      tpu.wait_indirect_dma semaphore(%arg18 : memref<!tpu.dma_semaphore, #tpu.memory_space<semaphore_mem>>) src(%dma_wait3A_147 : memref<128x128xf32, #tpu.memory_space<vmem>>) dst(%dma_wait3A_153 : memref<10112x128xf32, #tpu.memory_space<vmem_shared>>)
      %dma_start3A_154 = arith.constant 3 : i32
      %dma_start3A_155 = arith.constant 128 : i32
      %dma_start3A_156 = arith.constant 0 : i32
      %dma_start3A_157 = tpu.memref_slice %arg11[%dma_start3A_155, %dma_start3A_156] : memref<256x128xf32, #tpu.memory_space<vmem>> -> memref<128x128xf32, #tpu.memory_space<vmem>>
      %dma_start3A_158 = arith.constant 0 : i32
      %dma_start3A_159 = tpu.memref_slice %arg7[%dma_start3A_154, %dma_start3A_158] : memref<8x128xi32, #tpu.memory_space<vmem>> -> memref<1x128xi32, #tpu.memory_space<vmem>>
      %dma_start3A_160 = tpu.memref_squeeze %dma_start3A_159 : memref<1x128xi32, #tpu.memory_space<vmem>> -> memref<128xi32, #tpu.memory_space<vmem>>
      %dma_start3A_161 = arith.constant 0 : i32
      %dma_start3A_162 = arith.constant 0 : i32
      %dma_start3A_163 = tpu.memref_slice %arg2[%dma_start3A_161, %dma_start3A_162] : memref<10000x128xf32, #tpu.memory_space<hbm>> -> memref<10000x128xf32, #tpu.memory_space<hbm>>
      tpu.enqueue_indirect_dma source(%dma_start3A_163 : memref<10000x128xf32, #tpu.memory_space<hbm>>) target(%dma_start3A_157 : memref<128x128xf32, #tpu.memory_space<vmem>>) offsets(%dma_start3A_160 : memref<128xi32, #tpu.memory_space<vmem>>) semaphore(%arg16 : memref<!tpu.dma_semaphore, #tpu.memory_space<semaphore_mem>>)
      %dma_wait3A_164 = arith.constant 2 : i32
      %dma_wait3A_165 = arith.constant 0 : i32
      %dma_wait3A_166 = arith.constant 0 : i32
      %dma_wait3A_167 = tpu.memref_slice %arg11[%dma_wait3A_165, %dma_wait3A_166] : memref<256x128xf32, #tpu.memory_space<vmem>> -> memref<128x128xf32, #tpu.memory_space<vmem>>
      %dma_wait3A_168 = arith.constant 0 : i32
      %dma_wait3A_169 = tpu.memref_slice %arg7[%dma_wait3A_164, %dma_wait3A_168] : memref<8x128xi32, #tpu.memory_space<vmem>> -> memref<1x128xi32, #tpu.memory_space<vmem>>
      %dma_wait3A_170 = tpu.memref_squeeze %dma_wait3A_169 : memref<1x128xi32, #tpu.memory_space<vmem>> -> memref<128xi32, #tpu.memory_space<vmem>>
      %dma_wait3A_171 = arith.constant 0 : i32
      %dma_wait3A_172 = arith.constant 0 : i32
      %dma_wait3A_173 = tpu.memref_slice %arg2[%dma_wait3A_171, %dma_wait3A_172] : memref<10000x128xf32, #tpu.memory_space<hbm>> -> memref<10000x128xf32, #tpu.memory_space<hbm>>
      tpu.wait_indirect_dma semaphore(%arg15 : memref<!tpu.dma_semaphore, #tpu.memory_space<semaphore_mem>>) src(%dma_wait3A_173 : memref<10000x128xf32, #tpu.memory_space<hbm>>) dst(%dma_wait3A_167 : memref<128x128xf32, #tpu.memory_space<vmem>>)
      %dma_start3A_174 = arith.constant 2 : i32
      %dma_start3A_175 = arith.constant 0 : i32
      %dma_start3A_176 = arith.constant 0 : i32
      %dma_start3A_177 = tpu.memref_slice %arg11[%dma_start3A_175, %dma_start3A_176] : memref<256x128xf32, #tpu.memory_space<vmem>> -> memref<128x128xf32, #tpu.memory_space<vmem>>
      %dma_start3A_178 = arith.constant 0 : i32
      %dma_start3A_179 = tpu.memref_slice %arg8[%dma_start3A_174, %dma_start3A_178] : memref<8x128xi32, #tpu.memory_space<vmem>> -> memref<1x128xi32, #tpu.memory_space<vmem>>
      %dma_start3A_180 = tpu.memref_squeeze %dma_start3A_179 : memref<1x128xi32, #tpu.memory_space<vmem>> -> memref<128xi32, #tpu.memory_space<vmem>>
      %dma_start3A_181 = arith.constant 0 : i32
      %dma_start3A_182 = arith.constant 0 : i32
      %dma_start3A_183 = tpu.memref_slice %arg12[%dma_start3A_181, %dma_start3A_182] : memref<10112x128xf32, #tpu.memory_space<vmem_shared>> -> memref<10112x128xf32, #tpu.memory_space<vmem_shared>>
      tpu.enqueue_indirect_dma source(%dma_start3A_177 : memref<128x128xf32, #tpu.memory_space<vmem>>) target(%dma_start3A_183 : memref<10112x128xf32, #tpu.memory_space<vmem_shared>>) offsets(%dma_start3A_180 : memref<128xi32, #tpu.memory_space<vmem>>) semaphore(%arg17 : memref<!tpu.dma_semaphore, #tpu.memory_space<semaphore_mem>>) {add = true}
      %dma_wait3A_184 = arith.constant 2 : i32
      %dma_wait3A_185 = arith.constant 0 : i32
      %dma_wait3A_186 = arith.constant 0 : i32
      %dma_wait3A_187 = tpu.memref_slice %arg11[%dma_wait3A_185, %dma_wait3A_186] : memref<256x128xf32, #tpu.memory_space<vmem>> -> memref<128x128xf32, #tpu.memory_space<vmem>>
      %dma_wait3A_188 = arith.constant 0 : i32
      %dma_wait3A_189 = tpu.memref_slice %arg8[%dma_wait3A_184, %dma_wait3A_188] : memref<8x128xi32, #tpu.memory_space<vmem>> -> memref<1x128xi32, #tpu.memory_space<vmem>>
      %dma_wait3A_190 = tpu.memref_squeeze %dma_wait3A_189 : memref<1x128xi32, #tpu.memory_space<vmem>> -> memref<128xi32, #tpu.memory_space<vmem>>
      %dma_wait3A_191 = arith.constant 0 : i32
      %dma_wait3A_192 = arith.constant 0 : i32
      %dma_wait3A_193 = tpu.memref_slice %arg12[%dma_wait3A_191, %dma_wait3A_192] : memref<10112x128xf32, #tpu.memory_space<vmem_shared>> -> memref<10112x128xf32, #tpu.memory_space<vmem_shared>>
      tpu.wait_indirect_dma semaphore(%arg17 : memref<!tpu.dma_semaphore, #tpu.memory_space<semaphore_mem>>) src(%dma_wait3A_187 : memref<128x128xf32, #tpu.memory_space<vmem>>) dst(%dma_wait3A_193 : memref<10112x128xf32, #tpu.memory_space<vmem_shared>>)
      %dma_start3A_194 = arith.constant 4 : i32
      %dma_start3A_195 = arith.constant 0 : i32
      %dma_start3A_196 = arith.constant 0 : i32
      %dma_start3A_197 = tpu.memref_slice %arg11[%dma_start3A_195, %dma_start3A_196] : memref<256x128xf32, #tpu.memory_space<vmem>> -> memref<128x128xf32, #tpu.memory_space<vmem>>
      %dma_start3A_198 = arith.constant 0 : i32
      %dma_start3A_199 = tpu.memref_slice %arg7[%dma_start3A_194, %dma_start3A_198] : memref<8x128xi32, #tpu.memory_space<vmem>> -> memref<1x128xi32, #tpu.memory_space<vmem>>
      %dma_start3A_200 = tpu.memref_squeeze %dma_start3A_199 : memref<1x128xi32, #tpu.memory_space<vmem>> -> memref<128xi32, #tpu.memory_space<vmem>>
      %dma_start3A_201 = arith.constant 0 : i32
      %dma_start3A_202 = arith.constant 0 : i32
      %dma_start3A_203 = tpu.memref_slice %arg2[%dma_start3A_201, %dma_start3A_202] : memref<10000x128xf32, #tpu.memory_space<hbm>> -> memref<10000x128xf32, #tpu.memory_space<hbm>>
      tpu.enqueue_indirect_dma source(%dma_start3A_203 : memref<10000x128xf32, #tpu.memory_space<hbm>>) target(%dma_start3A_197 : memref<128x128xf32, #tpu.memory_space<vmem>>) offsets(%dma_start3A_200 : memref<128xi32, #tpu.memory_space<vmem>>) semaphore(%arg15 : memref<!tpu.dma_semaphore, #tpu.memory_space<semaphore_mem>>)
      %dma_wait3A_204 = arith.constant 3 : i32
      %dma_wait3A_205 = arith.constant 128 : i32
      %dma_wait3A_206 = arith.constant 0 : i32
      %dma_wait3A_207 = tpu.memref_slice %arg11[%dma_wait3A_205, %dma_wait3A_206] : memref<256x128xf32, #tpu.memory_space<vmem>> -> memref<128x128xf32, #tpu.memory_space<vmem>>
      %dma_wait3A_208 = arith.constant 0 : i32
      %dma_wait3A_209 = tpu.memref_slice %arg7[%dma_wait3A_204, %dma_wait3A_208] : memref<8x128xi32, #tpu.memory_space<vmem>> -> memref<1x128xi32, #tpu.memory_space<vmem>>
      %dma_wait3A_210 = tpu.memref_squeeze %dma_wait3A_209 : memref<1x128xi32, #tpu.memory_space<vmem>> -> memref<128xi32, #tpu.memory_space<vmem>>
      %dma_wait3A_211 = arith.constant 0 : i32
      %dma_wait3A_212 = arith.constant 0 : i32
      %dma_wait3A_213 = tpu.memref_slice %arg2[%dma_wait3A_211, %dma_wait3A_212] : memref<10000x128xf32, #tpu.memory_space<hbm>> -> memref<10000x128xf32, #tpu.memory_space<hbm>>
      tpu.wait_indirect_dma semaphore(%arg16 : memref<!tpu.dma_semaphore, #tpu.memory_space<semaphore_mem>>) src(%dma_wait3A_213 : memref<10000x128xf32, #tpu.memory_space<hbm>>) dst(%dma_wait3A_207 : memref<128x128xf32, #tpu.memory_space<vmem>>)
      %dma_start3A_214 = arith.constant 3 : i32
      %dma_start3A_215 = arith.constant 128 : i32
      %dma_start3A_216 = arith.constant 0 : i32
      %dma_start3A_217 = tpu.memref_slice %arg11[%dma_start3A_215, %dma_start3A_216] : memref<256x128xf32, #tpu.memory_space<vmem>> -> memref<128x128xf32, #tpu.memory_space<vmem>>
      %dma_start3A_218 = arith.constant 0 : i32
      %dma_start3A_219 = tpu.memref_slice %arg8[%dma_start3A_214, %dma_start3A_218] : memref<8x128xi32, #tpu.memory_space<vmem>> -> memref<1x128xi32, #tpu.memory_space<vmem>>
      %dma_start3A_220 = tpu.memref_squeeze %dma_start3A_219 : memref<1x128xi32, #tpu.memory_space<vmem>> -> memref<128xi32, #tpu.memory_space<vmem>>
      %dma_start3A_221 = arith.constant 0 : i32
      %dma_start3A_222 = arith.constant 0 : i32
      %dma_start3A_223 = tpu.memref_slice %arg12[%dma_start3A_221, %dma_start3A_222] : memref<10112x128xf32, #tpu.memory_space<vmem_shared>> -> memref<10112x128xf32, #tpu.memory_space<vmem_shared>>
      tpu.enqueue_indirect_dma source(%dma_start3A_217 : memref<128x128xf32, #tpu.memory_space<vmem>>) target(%dma_start3A_223 : memref<10112x128xf32, #tpu.memory_space<vmem_shared>>) offsets(%dma_start3A_220 : memref<128xi32, #tpu.memory_space<vmem>>) semaphore(%arg18 : memref<!tpu.dma_semaphore, #tpu.memory_space<semaphore_mem>>) {add = true}
      %dma_wait3A_224 = arith.constant 3 : i32
      %dma_wait3A_225 = arith.constant 128 : i32
      %dma_wait3A_226 = arith.constant 0 : i32
      %dma_wait3A_227 = tpu.memref_slice %arg11[%dma_wait3A_225, %dma_wait3A_226] : memref<256x128xf32, #tpu.memory_space<vmem>> -> memref<128x128xf32, #tpu.memory_space<vmem>>
      %dma_wait3A_228 = arith.constant 0 : i32
      %dma_wait3A_229 = tpu.memref_slice %arg8[%dma_wait3A_224, %dma_wait3A_228] : memref<8x128xi32, #tpu.memory_space<vmem>> -> memref<1x128xi32, #tpu.memory_space<vmem>>
      %dma_wait3A_230 = tpu.memref_squeeze %dma_wait3A_229 : memref<1x128xi32, #tpu.memory_space<vmem>> -> memref<128xi32, #tpu.memory_space<vmem>>
      %dma_wait3A_231 = arith.constant 0 : i32
      %dma_wait3A_232 = arith.constant 0 : i32
      %dma_wait3A_233 = tpu.memref_slice %arg12[%dma_wait3A_231, %dma_wait3A_232] : memref<10112x128xf32, #tpu.memory_space<vmem_shared>> -> memref<10112x128xf32, #tpu.memory_space<vmem_shared>>
      tpu.wait_indirect_dma semaphore(%arg18 : memref<!tpu.dma_semaphore, #tpu.memory_space<semaphore_mem>>) src(%dma_wait3A_227 : memref<128x128xf32, #tpu.memory_space<vmem>>) dst(%dma_wait3A_233 : memref<10112x128xf32, #tpu.memory_space<vmem_shared>>)
      %dma_start3A_234 = arith.constant 5 : i32
      %dma_start3A_235 = arith.constant 128 : i32
      %dma_start3A_236 = arith.constant 0 : i32
      %dma_start3A_237 = tpu.memref_slice %arg11[%dma_start3A_235, %dma_start3A_236] : memref<256x128xf32, #tpu.memory_space<vmem>> -> memref<128x128xf32, #tpu.memory_space<vmem>>
      %dma_start3A_238 = arith.constant 0 : i32
      %dma_start3A_239 = tpu.memref_slice %arg7[%dma_start3A_234, %dma_start3A_238] : memref<8x128xi32, #tpu.memory_space<vmem>> -> memref<1x128xi32, #tpu.memory_space<vmem>>
      %dma_start3A_240 = tpu.memref_squeeze %dma_start3A_239 : memref<1x128xi32, #tpu.memory_space<vmem>> -> memref<128xi32, #tpu.memory_space<vmem>>
      %dma_start3A_241 = arith.constant 0 : i32
      %dma_start3A_242 = arith.constant 0 : i32
      %dma_start3A_243 = tpu.memref_slice %arg2[%dma_start3A_241, %dma_start3A_242] : memref<10000x128xf32, #tpu.memory_space<hbm>> -> memref<10000x128xf32, #tpu.memory_space<hbm>>
      tpu.enqueue_indirect_dma source(%dma_start3A_243 : memref<10000x128xf32, #tpu.memory_space<hbm>>) target(%dma_start3A_237 : memref<128x128xf32, #tpu.memory_space<vmem>>) offsets(%dma_start3A_240 : memref<128xi32, #tpu.memory_space<vmem>>) semaphore(%arg16 : memref<!tpu.dma_semaphore, #tpu.memory_space<semaphore_mem>>)
      %dma_wait3A_244 = arith.constant 4 : i32
      %dma_wait3A_245 = arith.constant 0 : i32
      %dma_wait3A_246 = arith.constant 0 : i32
      %dma_wait3A_247 = tpu.memref_slice %arg11[%dma_wait3A_245, %dma_wait3A_246] : memref<256x128xf32, #tpu.memory_space<vmem>> -> memref<128x128xf32, #tpu.memory_space<vmem>>
      %dma_wait3A_248 = arith.constant 0 : i32
      %dma_wait3A_249 = tpu.memref_slice %arg7[%dma_wait3A_244, %dma_wait3A_248] : memref<8x128xi32, #tpu.memory_space<vmem>> -> memref<1x128xi32, #tpu.memory_space<vmem>>
      %dma_wait3A_250 = tpu.memref_squeeze %dma_wait3A_249 : memref<1x128xi32, #tpu.memory_space<vmem>> -> memref<128xi32, #tpu.memory_space<vmem>>
      %dma_wait3A_251 = arith.constant 0 : i32
      %dma_wait3A_252 = arith.constant 0 : i32
      %dma_wait3A_253 = tpu.memref_slice %arg2[%dma_wait3A_251, %dma_wait3A_252] : memref<10000x128xf32, #tpu.memory_space<hbm>> -> memref<10000x128xf32, #tpu.memory_space<hbm>>
      tpu.wait_indirect_dma semaphore(%arg15 : memref<!tpu.dma_semaphore, #tpu.memory_space<semaphore_mem>>) src(%dma_wait3A_253 : memref<10000x128xf32, #tpu.memory_space<hbm>>) dst(%dma_wait3A_247 : memref<128x128xf32, #tpu.memory_space<vmem>>)
      %dma_start3A_254 = arith.constant 4 : i32
      %dma_start3A_255 = arith.constant 0 : i32
      %dma_start3A_256 = arith.constant 0 : i32
      %dma_start3A_257 = tpu.memref_slice %arg11[%dma_start3A_255, %dma_start3A_256] : memref<256x128xf32, #tpu.memory_space<vmem>> -> memref<128x128xf32, #tpu.memory_space<vmem>>
      %dma_start3A_258 = arith.constant 0 : i32
      %dma_start3A_259 = tpu.memref_slice %arg8[%dma_start3A_254, %dma_start3A_258] : memref<8x128xi32, #tpu.memory_space<vmem>> -> memref<1x128xi32, #tpu.memory_space<vmem>>
      %dma_start3A_260 = tpu.memref_squeeze %dma_start3A_259 : memref<1x128xi32, #tpu.memory_space<vmem>> -> memref<128xi32, #tpu.memory_space<vmem>>
      %dma_start3A_261 = arith.constant 0 : i32
      %dma_start3A_262 = arith.constant 0 : i32
      %dma_start3A_263 = tpu.memref_slice %arg12[%dma_start3A_261, %dma_start3A_262] : memref<10112x128xf32, #tpu.memory_space<vmem_shared>> -> memref<10112x128xf32, #tpu.memory_space<vmem_shared>>
      tpu.enqueue_indirect_dma source(%dma_start3A_257 : memref<128x128xf32, #tpu.memory_space<vmem>>) target(%dma_start3A_263 : memref<10112x128xf32, #tpu.memory_space<vmem_shared>>) offsets(%dma_start3A_260 : memref<128xi32, #tpu.memory_space<vmem>>) semaphore(%arg17 : memref<!tpu.dma_semaphore, #tpu.memory_space<semaphore_mem>>) {add = true}
      %dma_wait3A_264 = arith.constant 4 : i32
      %dma_wait3A_265 = arith.constant 0 : i32
      %dma_wait3A_266 = arith.constant 0 : i32
      %dma_wait3A_267 = tpu.memref_slice %arg11[%dma_wait3A_265, %dma_wait3A_266] : memref<256x128xf32, #tpu.memory_space<vmem>> -> memref<128x128xf32, #tpu.memory_space<vmem>>
      %dma_wait3A_268 = arith.constant 0 : i32
      %dma_wait3A_269 = tpu.memref_slice %arg8[%dma_wait3A_264, %dma_wait3A_268] : memref<8x128xi32, #tpu.memory_space<vmem>> -> memref<1x128xi32, #tpu.memory_space<vmem>>
      %dma_wait3A_270 = tpu.memref_squeeze %dma_wait3A_269 : memref<1x128xi32, #tpu.memory_space<vmem>> -> memref<128xi32, #tpu.memory_space<vmem>>
      %dma_wait3A_271 = arith.constant 0 : i32
      %dma_wait3A_272 = arith.constant 0 : i32
      %dma_wait3A_273 = tpu.memref_slice %arg12[%dma_wait3A_271, %dma_wait3A_272] : memref<10112x128xf32, #tpu.memory_space<vmem_shared>> -> memref<10112x128xf32, #tpu.memory_space<vmem_shared>>
      tpu.wait_indirect_dma semaphore(%arg17 : memref<!tpu.dma_semaphore, #tpu.memory_space<semaphore_mem>>) src(%dma_wait3A_267 : memref<128x128xf32, #tpu.memory_space<vmem>>) dst(%dma_wait3A_273 : memref<10112x128xf32, #tpu.memory_space<vmem_shared>>)
      %dma_start3A_274 = arith.constant 6 : i32
      %dma_start3A_275 = arith.constant 0 : i32
      %dma_start3A_276 = arith.constant 0 : i32
      %dma_start3A_277 = tpu.memref_slice %arg11[%dma_start3A_275, %dma_start3A_276] : memref<256x128xf32, #tpu.memory_space<vmem>> -> memref<128x128xf32, #tpu.memory_space<vmem>>
      %dma_start3A_278 = arith.constant 0 : i32
      %dma_start3A_279 = tpu.memref_slice %arg7[%dma_start3A_274, %dma_start3A_278] : memref<8x128xi32, #tpu.memory_space<vmem>> -> memref<1x128xi32, #tpu.memory_space<vmem>>
      %dma_start3A_280 = tpu.memref_squeeze %dma_start3A_279 : memref<1x128xi32, #tpu.memory_space<vmem>> -> memref<128xi32, #tpu.memory_space<vmem>>
      %dma_start3A_281 = arith.constant 0 : i32
      %dma_start3A_282 = arith.constant 0 : i32
      %dma_start3A_283 = tpu.memref_slice %arg2[%dma_start3A_281, %dma_start3A_282] : memref<10000x128xf32, #tpu.memory_space<hbm>> -> memref<10000x128xf32, #tpu.memory_space<hbm>>
      tpu.enqueue_indirect_dma source(%dma_start3A_283 : memref<10000x128xf32, #tpu.memory_space<hbm>>) target(%dma_start3A_277 : memref<128x128xf32, #tpu.memory_space<vmem>>) offsets(%dma_start3A_280 : memref<128xi32, #tpu.memory_space<vmem>>) semaphore(%arg15 : memref<!tpu.dma_semaphore, #tpu.memory_space<semaphore_mem>>)
      %dma_wait3A_284 = arith.constant 5 : i32
      %dma_wait3A_285 = arith.constant 128 : i32
      %dma_wait3A_286 = arith.constant 0 : i32
      %dma_wait3A_287 = tpu.memref_slice %arg11[%dma_wait3A_285, %dma_wait3A_286] : memref<256x128xf32, #tpu.memory_space<vmem>> -> memref<128x128xf32, #tpu.memory_space<vmem>>
      %dma_wait3A_288 = arith.constant 0 : i32
      %dma_wait3A_289 = tpu.memref_slice %arg7[%dma_wait3A_284, %dma_wait3A_288] : memref<8x128xi32, #tpu.memory_space<vmem>> -> memref<1x128xi32, #tpu.memory_space<vmem>>
      %dma_wait3A_290 = tpu.memref_squeeze %dma_wait3A_289 : memref<1x128xi32, #tpu.memory_space<vmem>> -> memref<128xi32, #tpu.memory_space<vmem>>
      %dma_wait3A_291 = arith.constant 0 : i32
      %dma_wait3A_292 = arith.constant 0 : i32
      %dma_wait3A_293 = tpu.memref_slice %arg2[%dma_wait3A_291, %dma_wait3A_292] : memref<10000x128xf32, #tpu.memory_space<hbm>> -> memref<10000x128xf32, #tpu.memory_space<hbm>>
      tpu.wait_indirect_dma semaphore(%arg16 : memref<!tpu.dma_semaphore, #tpu.memory_space<semaphore_mem>>) src(%dma_wait3A_293 : memref<10000x128xf32, #tpu.memory_space<hbm>>) dst(%dma_wait3A_287 : memref<128x128xf32, #tpu.memory_space<vmem>>)
      %dma_start3A_294 = arith.constant 5 : i32
      %dma_start3A_295 = arith.constant 128 : i32
      %dma_start3A_296 = arith.constant 0 : i32
      %dma_start3A_297 = tpu.memref_slice %arg11[%dma_start3A_295, %dma_start3A_296] : memref<256x128xf32, #tpu.memory_space<vmem>> -> memref<128x128xf32, #tpu.memory_space<vmem>>
      %dma_start3A_298 = arith.constant 0 : i32
      %dma_start3A_299 = tpu.memref_slice %arg8[%dma_start3A_294, %dma_start3A_298] : memref<8x128xi32, #tpu.memory_space<vmem>> -> memref<1x128xi32, #tpu.memory_space<vmem>>
      %dma_start3A_300 = tpu.memref_squeeze %dma_start3A_299 : memref<1x128xi32, #tpu.memory_space<vmem>> -> memref<128xi32, #tpu.memory_space<vmem>>
      %dma_start3A_301 = arith.constant 0 : i32
      %dma_start3A_302 = arith.constant 0 : i32
      %dma_start3A_303 = tpu.memref_slice %arg12[%dma_start3A_301, %dma_start3A_302] : memref<10112x128xf32, #tpu.memory_space<vmem_shared>> -> memref<10112x128xf32, #tpu.memory_space<vmem_shared>>
      tpu.enqueue_indirect_dma source(%dma_start3A_297 : memref<128x128xf32, #tpu.memory_space<vmem>>) target(%dma_start3A_303 : memref<10112x128xf32, #tpu.memory_space<vmem_shared>>) offsets(%dma_start3A_300 : memref<128xi32, #tpu.memory_space<vmem>>) semaphore(%arg18 : memref<!tpu.dma_semaphore, #tpu.memory_space<semaphore_mem>>) {add = true}
      %dma_wait3A_304 = arith.constant 5 : i32
      %dma_wait3A_305 = arith.constant 128 : i32
      %dma_wait3A_306 = arith.constant 0 : i32
      %dma_wait3A_307 = tpu.memref_slice %arg11[%dma_wait3A_305, %dma_wait3A_306] : memref<256x128xf32, #tpu.memory_space<vmem>> -> memref<128x128xf32, #tpu.memory_space<vmem>>
      %dma_wait3A_308 = arith.constant 0 : i32
      %dma_wait3A_309 = tpu.memref_slice %arg8[%dma_wait3A_304, %dma_wait3A_308] : memref<8x128xi32, #tpu.memory_space<vmem>> -> memref<1x128xi32, #tpu.memory_space<vmem>>
      %dma_wait3A_310 = tpu.memref_squeeze %dma_wait3A_309 : memref<1x128xi32, #tpu.memory_space<vmem>> -> memref<128xi32, #tpu.memory_space<vmem>>
      %dma_wait3A_311 = arith.constant 0 : i32
      %dma_wait3A_312 = arith.constant 0 : i32
      %dma_wait3A_313 = tpu.memref_slice %arg12[%dma_wait3A_311, %dma_wait3A_312] : memref<10112x128xf32, #tpu.memory_space<vmem_shared>> -> memref<10112x128xf32, #tpu.memory_space<vmem_shared>>
      tpu.wait_indirect_dma semaphore(%arg18 : memref<!tpu.dma_semaphore, #tpu.memory_space<semaphore_mem>>) src(%dma_wait3A_307 : memref<128x128xf32, #tpu.memory_space<vmem>>) dst(%dma_wait3A_313 : memref<10112x128xf32, #tpu.memory_space<vmem_shared>>)
      %dma_start3A_314 = arith.constant 7 : i32
      %dma_start3A_315 = arith.constant 128 : i32
      %dma_start3A_316 = arith.constant 0 : i32
      %dma_start3A_317 = tpu.memref_slice %arg11[%dma_start3A_315, %dma_start3A_316] : memref<256x128xf32, #tpu.memory_space<vmem>> -> memref<128x128xf32, #tpu.memory_space<vmem>>
      %dma_start3A_318 = arith.constant 0 : i32
      %dma_start3A_319 = tpu.memref_slice %arg7[%dma_start3A_314, %dma_start3A_318] : memref<8x128xi32, #tpu.memory_space<vmem>> -> memref<1x128xi32, #tpu.memory_space<vmem>>
      %dma_start3A_320 = tpu.memref_squeeze %dma_start3A_319 : memref<1x128xi32, #tpu.memory_space<vmem>> -> memref<128xi32, #tpu.memory_space<vmem>>
      %dma_start3A_321 = arith.constant 0 : i32
      %dma_start3A_322 = arith.constant 0 : i32
      %dma_start3A_323 = tpu.memref_slice %arg2[%dma_start3A_321, %dma_start3A_322] : memref<10000x128xf32, #tpu.memory_space<hbm>> -> memref<10000x128xf32, #tpu.memory_space<hbm>>
      tpu.enqueue_indirect_dma source(%dma_start3A_323 : memref<10000x128xf32, #tpu.memory_space<hbm>>) target(%dma_start3A_317 : memref<128x128xf32, #tpu.memory_space<vmem>>) offsets(%dma_start3A_320 : memref<128xi32, #tpu.memory_space<vmem>>) semaphore(%arg16 : memref<!tpu.dma_semaphore, #tpu.memory_space<semaphore_mem>>)
      %dma_wait3A_324 = arith.constant 6 : i32
      %dma_wait3A_325 = arith.constant 0 : i32
      %dma_wait3A_326 = arith.constant 0 : i32
      %dma_wait3A_327 = tpu.memref_slice %arg11[%dma_wait3A_325, %dma_wait3A_326] : memref<256x128xf32, #tpu.memory_space<vmem>> -> memref<128x128xf32, #tpu.memory_space<vmem>>
      %dma_wait3A_328 = arith.constant 0 : i32
      %dma_wait3A_329 = tpu.memref_slice %arg7[%dma_wait3A_324, %dma_wait3A_328] : memref<8x128xi32, #tpu.memory_space<vmem>> -> memref<1x128xi32, #tpu.memory_space<vmem>>
      %dma_wait3A_330 = tpu.memref_squeeze %dma_wait3A_329 : memref<1x128xi32, #tpu.memory_space<vmem>> -> memref<128xi32, #tpu.memory_space<vmem>>
      %dma_wait3A_331 = arith.constant 0 : i32
      %dma_wait3A_332 = arith.constant 0 : i32
      %dma_wait3A_333 = tpu.memref_slice %arg2[%dma_wait3A_331, %dma_wait3A_332] : memref<10000x128xf32, #tpu.memory_space<hbm>> -> memref<10000x128xf32, #tpu.memory_space<hbm>>
      tpu.wait_indirect_dma semaphore(%arg15 : memref<!tpu.dma_semaphore, #tpu.memory_space<semaphore_mem>>) src(%dma_wait3A_333 : memref<10000x128xf32, #tpu.memory_space<hbm>>) dst(%dma_wait3A_327 : memref<128x128xf32, #tpu.memory_space<vmem>>)
      %dma_start3A_334 = arith.constant 6 : i32
      %dma_start3A_335 = arith.constant 0 : i32
      %dma_start3A_336 = arith.constant 0 : i32
      %dma_start3A_337 = tpu.memref_slice %arg11[%dma_start3A_335, %dma_start3A_336] : memref<256x128xf32, #tpu.memory_space<vmem>> -> memref<128x128xf32, #tpu.memory_space<vmem>>
      %dma_start3A_338 = arith.constant 0 : i32
      %dma_start3A_339 = tpu.memref_slice %arg8[%dma_start3A_334, %dma_start3A_338] : memref<8x128xi32, #tpu.memory_space<vmem>> -> memref<1x128xi32, #tpu.memory_space<vmem>>
      %dma_start3A_340 = tpu.memref_squeeze %dma_start3A_339 : memref<1x128xi32, #tpu.memory_space<vmem>> -> memref<128xi32, #tpu.memory_space<vmem>>
      %dma_start3A_341 = arith.constant 0 : i32
      %dma_start3A_342 = arith.constant 0 : i32
      %dma_start3A_343 = tpu.memref_slice %arg12[%dma_start3A_341, %dma_start3A_342] : memref<10112x128xf32, #tpu.memory_space<vmem_shared>> -> memref<10112x128xf32, #tpu.memory_space<vmem_shared>>
      tpu.enqueue_indirect_dma source(%dma_start3A_337 : memref<128x128xf32, #tpu.memory_space<vmem>>) target(%dma_start3A_343 : memref<10112x128xf32, #tpu.memory_space<vmem_shared>>) offsets(%dma_start3A_340 : memref<128xi32, #tpu.memory_space<vmem>>) semaphore(%arg17 : memref<!tpu.dma_semaphore, #tpu.memory_space<semaphore_mem>>) {add = true}
      %dma_wait3A_344 = arith.constant 7 : i32
      %dma_wait3A_345 = arith.constant 128 : i32
      %dma_wait3A_346 = arith.constant 0 : i32
      %dma_wait3A_347 = tpu.memref_slice %arg11[%dma_wait3A_345, %dma_wait3A_346] : memref<256x128xf32, #tpu.memory_space<vmem>> -> memref<128x128xf32, #tpu.memory_space<vmem>>
      %dma_wait3A_348 = arith.constant 0 : i32
      %dma_wait3A_349 = tpu.memref_slice %arg7[%dma_wait3A_344, %dma_wait3A_348] : memref<8x128xi32, #tpu.memory_space<vmem>> -> memref<1x128xi32, #tpu.memory_space<vmem>>
      %dma_wait3A_350 = tpu.memref_squeeze %dma_wait3A_349 : memref<1x128xi32, #tpu.memory_space<vmem>> -> memref<128xi32, #tpu.memory_space<vmem>>
      %dma_wait3A_351 = arith.constant 0 : i32
      %dma_wait3A_352 = arith.constant 0 : i32
      %dma_wait3A_353 = tpu.memref_slice %arg2[%dma_wait3A_351, %dma_wait3A_352] : memref<10000x128xf32, #tpu.memory_space<hbm>> -> memref<10000x128xf32, #tpu.memory_space<hbm>>
      tpu.wait_indirect_dma semaphore(%arg16 : memref<!tpu.dma_semaphore, #tpu.memory_space<semaphore_mem>>) src(%dma_wait3A_353 : memref<10000x128xf32, #tpu.memory_space<hbm>>) dst(%dma_wait3A_347 : memref<128x128xf32, #tpu.memory_space<vmem>>)
      %dma_start3A_354 = arith.constant 7 : i32
      %dma_start3A_355 = arith.constant 128 : i32
      %dma_start3A_356 = arith.constant 0 : i32
      %dma_start3A_357 = tpu.memref_slice %arg11[%dma_start3A_355, %dma_start3A_356] : memref<256x128xf32, #tpu.memory_space<vmem>> -> memref<128x128xf32, #tpu.memory_space<vmem>>
      %dma_start3A_358 = arith.constant 0 : i32
      %dma_start3A_359 = tpu.memref_slice %arg8[%dma_start3A_354, %dma_start3A_358] : memref<8x128xi32, #tpu.memory_space<vmem>> -> memref<1x128xi32, #tpu.memory_space<vmem>>
      %dma_start3A_360 = tpu.memref_squeeze %dma_start3A_359 : memref<1x128xi32, #tpu.memory_space<vmem>> -> memref<128xi32, #tpu.memory_space<vmem>>
      %dma_start3A_361 = arith.constant 0 : i32
      %dma_start3A_362 = arith.constant 0 : i32
      %dma_start3A_363 = tpu.memref_slice %arg12[%dma_start3A_361, %dma_start3A_362] : memref<10112x128xf32, #tpu.memory_space<vmem_shared>> -> memref<10112x128xf32, #tpu.memory_space<vmem_shared>>
      tpu.enqueue_indirect_dma source(%dma_start3A_357 : memref<128x128xf32, #tpu.memory_space<vmem>>) target(%dma_start3A_363 : memref<10112x128xf32, #tpu.memory_space<vmem_shared>>) offsets(%dma_start3A_360 : memref<128xi32, #tpu.memory_space<vmem>>) semaphore(%arg18 : memref<!tpu.dma_semaphore, #tpu.memory_space<semaphore_mem>>) {add = true}
      %dma_wait3A_364 = arith.constant 6 : i32
      %dma_wait3A_365 = arith.constant 0 : i32
      %dma_wait3A_366 = arith.constant 0 : i32
      %dma_wait3A_367 = tpu.memref_slice %arg11[%dma_wait3A_365, %dma_wait3A_366] : memref<256x128xf32, #tpu.memory_space<vmem>> -> memref<128x128xf32, #tpu.memory_space<vmem>>
      %dma_wait3A_368 = arith.constant 0 : i32
      %dma_wait3A_369 = tpu.memref_slice %arg8[%dma_wait3A_364, %dma_wait3A_368] : memref<8x128xi32, #tpu.memory_space<vmem>> -> memref<1x128xi32, #tpu.memory_space<vmem>>
      %dma_wait3A_370 = tpu.memref_squeeze %dma_wait3A_369 : memref<1x128xi32, #tpu.memory_space<vmem>> -> memref<128xi32, #tpu.memory_space<vmem>>
      %dma_wait3A_371 = arith.constant 0 : i32
      %dma_wait3A_372 = arith.constant 0 : i32
      %dma_wait3A_373 = tpu.memref_slice %arg12[%dma_wait3A_371, %dma_wait3A_372] : memref<10112x128xf32, #tpu.memory_space<vmem_shared>> -> memref<10112x128xf32, #tpu.memory_space<vmem_shared>>
      tpu.wait_indirect_dma semaphore(%arg17 : memref<!tpu.dma_semaphore, #tpu.memory_space<semaphore_mem>>) src(%dma_wait3A_367 : memref<128x128xf32, #tpu.memory_space<vmem>>) dst(%dma_wait3A_373 : memref<10112x128xf32, #tpu.memory_space<vmem_shared>>)
      %dma_wait3A_374 = arith.constant 7 : i32
      %dma_wait3A_375 = arith.constant 128 : i32
      %dma_wait3A_376 = arith.constant 0 : i32
      %dma_wait3A_377 = tpu.memref_slice %arg11[%dma_wait3A_375, %dma_wait3A_376] : memref<256x128xf32, #tpu.memory_space<vmem>> -> memref<128x128xf32, #tpu.memory_space<vmem>>
      %dma_wait3A_378 = arith.constant 0 : i32
      %dma_wait3A_379 = tpu.memref_slice %arg8[%dma_wait3A_374, %dma_wait3A_378] : memref<8x128xi32, #tpu.memory_space<vmem>> -> memref<1x128xi32, #tpu.memory_space<vmem>>
      %dma_wait3A_380 = tpu.memref_squeeze %dma_wait3A_379 : memref<1x128xi32, #tpu.memory_space<vmem>> -> memref<128xi32, #tpu.memory_space<vmem>>
      %dma_wait3A_381 = arith.constant 0 : i32
      %dma_wait3A_382 = arith.constant 0 : i32
      %dma_wait3A_383 = tpu.memref_slice %arg12[%dma_wait3A_381, %dma_wait3A_382] : memref<10112x128xf32, #tpu.memory_space<vmem_shared>> -> memref<10112x128xf32, #tpu.memory_space<vmem_shared>>
      tpu.wait_indirect_dma semaphore(%arg18 : memref<!tpu.dma_semaphore, #tpu.memory_space<semaphore_mem>>) src(%dma_wait3A_377 : memref<128x128xf32, #tpu.memory_space<vmem>>) dst(%dma_wait3A_383 : memref<10112x128xf32, #tpu.memory_space<vmem_shared>>)
      %add3A_384 = arith.constant 16 : i32
      %add3A_385 = arith.addi %add3A_61, %add3A_384 : i32
      %dma_start3A_386 = arith.constant 0 : i32
      %dma_start3A_387 = tpu.memref_slice %arg3[%add3A_385, %dma_start3A_386] : memref<2576x128xi32, #tpu.memory_space<hbm>> -> memref<8x128xi32, #tpu.memory_space<hbm>>
      %dma_start3A_388 = arith.constant 0 : i32
      %dma_start3A_389 = tpu.memref_slice %arg3[%add3A_385, %dma_start3A_388] : memref<2576x128xi32, #tpu.memory_space<hbm>> -> memref<8x128xi32, #tpu.memory_space<hbm>>
      tpu.enqueue_dma source(%dma_start3A_389 : memref<8x128xi32, #tpu.memory_space<hbm>>) target(%arg7 : memref<8x128xi32, #tpu.memory_space<vmem>>) target_semaphore(%arg13 : memref<!tpu.dma_semaphore, #tpu.memory_space<semaphore_mem>>)
      %add3A_390 = arith.constant 16 : i32
      %add3A_391 = arith.addi %add3A_61, %add3A_390 : i32
      %dma_start3A_392 = arith.constant 0 : i32
      %dma_start3A_393 = tpu.memref_slice %arg4[%add3A_391, %dma_start3A_392] : memref<2576x128xi32, #tpu.memory_space<hbm>> -> memref<8x128xi32, #tpu.memory_space<hbm>>
      %dma_start3A_394 = arith.constant 0 : i32
      %dma_start3A_395 = tpu.memref_slice %arg4[%add3A_391, %dma_start3A_394] : memref<2576x128xi32, #tpu.memory_space<hbm>> -> memref<8x128xi32, #tpu.memory_space<hbm>>
      tpu.enqueue_dma source(%dma_start3A_395 : memref<8x128xi32, #tpu.memory_space<hbm>>) target(%arg8 : memref<8x128xi32, #tpu.memory_space<vmem>>) target_semaphore(%arg13 : memref<!tpu.dma_semaphore, #tpu.memory_space<semaphore_mem>>)
      %add3A_396 = arith.constant 8 : i32
      %add3A_397 = arith.addi %add3A_61, %add3A_396 : i32
      %dma_wait3A_398 = arith.constant 0 : i32
      %dma_wait3A_399 = tpu.memref_slice %arg3[%add3A_397, %dma_wait3A_398] : memref<2576x128xi32, #tpu.memory_space<hbm>> -> memref<8x128xi32, #tpu.memory_space<hbm>>
      %dma_wait3A_400 = arith.constant 0 : i32
      %dma_wait3A_401 = tpu.memref_slice %arg3[%add3A_397, %dma_wait3A_400] : memref<2576x128xi32, #tpu.memory_space<hbm>> -> memref<8x128xi32, #tpu.memory_space<hbm>>
      tpu.wait_dma2 semaphore(%arg14 : memref<!tpu.dma_semaphore, #tpu.memory_space<semaphore_mem>>) src(%dma_wait3A_401 : memref<8x128xi32, #tpu.memory_space<hbm>>) dst(%arg9 : memref<8x128xi32, #tpu.memory_space<vmem>>)
      %dma_wait3A_402 = arith.constant 0 : i32
      %dma_wait3A_403 = tpu.memref_slice %arg4[%add3A_397, %dma_wait3A_402] : memref<2576x128xi32, #tpu.memory_space<hbm>> -> memref<8x128xi32, #tpu.memory_space<hbm>>
      %dma_wait3A_404 = arith.constant 0 : i32
      %dma_wait3A_405 = tpu.memref_slice %arg4[%add3A_397, %dma_wait3A_404] : memref<2576x128xi32, #tpu.memory_space<hbm>> -> memref<8x128xi32, #tpu.memory_space<hbm>>
      tpu.wait_dma2 semaphore(%arg14 : memref<!tpu.dma_semaphore, #tpu.memory_space<semaphore_mem>>) src(%dma_wait3A_405 : memref<8x128xi32, #tpu.memory_space<hbm>>) dst(%arg10 : memref<8x128xi32, #tpu.memory_space<vmem>>)
      %dma_start3A_406 = arith.constant 0 : i32
      %dma_start3A_407 = arith.constant 0 : i32
      %dma_start3A_408 = arith.constant 0 : i32
      %dma_start3A_409 = tpu.memref_slice %arg11[%dma_start3A_407, %dma_start3A_408] : memref<256x128xf32, #tpu.memory_space<vmem>> -> memref<128x128xf32, #tpu.memory_space<vmem>>
      %dma_start3A_410 = arith.constant 0 : i32
      %dma_start3A_411 = tpu.memref_slice %arg9[%dma_start3A_406, %dma_start3A_410] : memref<8x128xi32, #tpu.memory_space<vmem>> -> memref<1x128xi32, #tpu.memory_space<vmem>>
      %dma_start3A_412 = tpu.memref_squeeze %dma_start3A_411 : memref<1x128xi32, #tpu.memory_space<vmem>> -> memref<128xi32, #tpu.memory_space<vmem>>
      %dma_start3A_413 = arith.constant 0 : i32
      %dma_start3A_414 = arith.constant 0 : i32
      %dma_start3A_415 = tpu.memref_slice %arg2[%dma_start3A_413, %dma_start3A_414] : memref<10000x128xf32, #tpu.memory_space<hbm>> -> memref<10000x128xf32, #tpu.memory_space<hbm>>
      tpu.enqueue_indirect_dma source(%dma_start3A_415 : memref<10000x128xf32, #tpu.memory_space<hbm>>) target(%dma_start3A_409 : memref<128x128xf32, #tpu.memory_space<vmem>>) offsets(%dma_start3A_412 : memref<128xi32, #tpu.memory_space<vmem>>) semaphore(%arg15 : memref<!tpu.dma_semaphore, #tpu.memory_space<semaphore_mem>>)
      %dma_start3A_416 = arith.constant 1 : i32
      %dma_start3A_417 = arith.constant 128 : i32
      %dma_start3A_418 = arith.constant 0 : i32
      %dma_start3A_419 = tpu.memref_slice %arg11[%dma_start3A_417, %dma_start3A_418] : memref<256x128xf32, #tpu.memory_space<vmem>> -> memref<128x128xf32, #tpu.memory_space<vmem>>
      %dma_start3A_420 = arith.constant 0 : i32
      %dma_start3A_421 = tpu.memref_slice %arg9[%dma_start3A_416, %dma_start3A_420] : memref<8x128xi32, #tpu.memory_space<vmem>> -> memref<1x128xi32, #tpu.memory_space<vmem>>
      %dma_start3A_422 = tpu.memref_squeeze %dma_start3A_421 : memref<1x128xi32, #tpu.memory_space<vmem>> -> memref<128xi32, #tpu.memory_space<vmem>>
      %dma_start3A_423 = arith.constant 0 : i32
      %dma_start3A_424 = arith.constant 0 : i32
      %dma_start3A_425 = tpu.memref_slice %arg2[%dma_start3A_423, %dma_start3A_424] : memref<10000x128xf32, #tpu.memory_space<hbm>> -> memref<10000x128xf32, #tpu.memory_space<hbm>>
      tpu.enqueue_indirect_dma source(%dma_start3A_425 : memref<10000x128xf32, #tpu.memory_space<hbm>>) target(%dma_start3A_419 : memref<128x128xf32, #tpu.memory_space<vmem>>) offsets(%dma_start3A_422 : memref<128xi32, #tpu.memory_space<vmem>>) semaphore(%arg16 : memref<!tpu.dma_semaphore, #tpu.memory_space<semaphore_mem>>)
      %dma_wait3A_426 = arith.constant 0 : i32
      %dma_wait3A_427 = arith.constant 0 : i32
      %dma_wait3A_428 = arith.constant 0 : i32
      %dma_wait3A_429 = tpu.memref_slice %arg11[%dma_wait3A_427, %dma_wait3A_428] : memref<256x128xf32, #tpu.memory_space<vmem>> -> memref<128x128xf32, #tpu.memory_space<vmem>>
      %dma_wait3A_430 = arith.constant 0 : i32
      %dma_wait3A_431 = tpu.memref_slice %arg9[%dma_wait3A_426, %dma_wait3A_430] : memref<8x128xi32, #tpu.memory_space<vmem>> -> memref<1x128xi32, #tpu.memory_space<vmem>>
      %dma_wait3A_432 = tpu.memref_squeeze %dma_wait3A_431 : memref<1x128xi32, #tpu.memory_space<vmem>> -> memref<128xi32, #tpu.memory_space<vmem>>
      %dma_wait3A_433 = arith.constant 0 : i32
      %dma_wait3A_434 = arith.constant 0 : i32
      %dma_wait3A_435 = tpu.memref_slice %arg2[%dma_wait3A_433, %dma_wait3A_434] : memref<10000x128xf32, #tpu.memory_space<hbm>> -> memref<10000x128xf32, #tpu.memory_space<hbm>>
      tpu.wait_indirect_dma semaphore(%arg15 : memref<!tpu.dma_semaphore, #tpu.memory_space<semaphore_mem>>) src(%dma_wait3A_435 : memref<10000x128xf32, #tpu.memory_space<hbm>>) dst(%dma_wait3A_429 : memref<128x128xf32, #tpu.memory_space<vmem>>)
      %dma_start3A_436 = arith.constant 0 : i32
      %dma_start3A_437 = arith.constant 0 : i32
      %dma_start3A_438 = arith.constant 0 : i32
      %dma_start3A_439 = tpu.memref_slice %arg11[%dma_start3A_437, %dma_start3A_438] : memref<256x128xf32, #tpu.memory_space<vmem>> -> memref<128x128xf32, #tpu.memory_space<vmem>>
      %dma_start3A_440 = arith.constant 0 : i32
      %dma_start3A_441 = tpu.memref_slice %arg10[%dma_start3A_436, %dma_start3A_440] : memref<8x128xi32, #tpu.memory_space<vmem>> -> memref<1x128xi32, #tpu.memory_space<vmem>>
      %dma_start3A_442 = tpu.memref_squeeze %dma_start3A_441 : memref<1x128xi32, #tpu.memory_space<vmem>> -> memref<128xi32, #tpu.memory_space<vmem>>
      %dma_start3A_443 = arith.constant 0 : i32
      %dma_start3A_444 = arith.constant 0 : i32
      %dma_start3A_445 = tpu.memref_slice %arg12[%dma_start3A_443, %dma_start3A_444] : memref<10112x128xf32, #tpu.memory_space<vmem_shared>> -> memref<10112x128xf32, #tpu.memory_space<vmem_shared>>
      tpu.enqueue_indirect_dma source(%dma_start3A_439 : memref<128x128xf32, #tpu.memory_space<vmem>>) target(%dma_start3A_445 : memref<10112x128xf32, #tpu.memory_space<vmem_shared>>) offsets(%dma_start3A_442 : memref<128xi32, #tpu.memory_space<vmem>>) semaphore(%arg17 : memref<!tpu.dma_semaphore, #tpu.memory_space<semaphore_mem>>) {add = true}
      %dma_wait3A_446 = arith.constant 0 : i32
      %dma_wait3A_447 = arith.constant 0 : i32
      %dma_wait3A_448 = arith.constant 0 : i32
      %dma_wait3A_449 = tpu.memref_slice %arg11[%dma_wait3A_447, %dma_wait3A_448] : memref<256x128xf32, #tpu.memory_space<vmem>> -> memref<128x128xf32, #tpu.memory_space<vmem>>
      %dma_wait3A_450 = arith.constant 0 : i32
      %dma_wait3A_451 = tpu.memref_slice %arg10[%dma_wait3A_446, %dma_wait3A_450] : memref<8x128xi32, #tpu.memory_space<vmem>> -> memref<1x128xi32, #tpu.memory_space<vmem>>
      %dma_wait3A_452 = tpu.memref_squeeze %dma_wait3A_451 : memref<1x128xi32, #tpu.memory_space<vmem>> -> memref<128xi32, #tpu.memory_space<vmem>>
      %dma_wait3A_453 = arith.constant 0 : i32
      %dma_wait3A_454 = arith.constant 0 : i32
      %dma_wait3A_455 = tpu.memref_slice %arg12[%dma_wait3A_453, %dma_wait3A_454] : memref<10112x128xf32, #tpu.memory_space<vmem_shared>> -> memref<10112x128xf32, #tpu.memory_space<vmem_shared>>
      tpu.wait_indirect_dma semaphore(%arg17 : memref<!tpu.dma_semaphore, #tpu.memory_space<semaphore_mem>>) src(%dma_wait3A_449 : memref<128x128xf32, #tpu.memory_space<vmem>>) dst(%dma_wait3A_455 : memref<10112x128xf32, #tpu.memory_space<vmem_shared>>)
      %dma_start3A_456 = arith.constant 2 : i32
      %dma_start3A_457 = arith.constant 0 : i32
      %dma_start3A_458 = arith.constant 0 : i32
      %dma_start3A_459 = tpu.memref_slice %arg11[%dma_start3A_457, %dma_start3A_458] : memref<256x128xf32, #tpu.memory_space<vmem>> -> memref<128x128xf32, #tpu.memory_space<vmem>>
      %dma_start3A_460 = arith.constant 0 : i32
      %dma_start3A_461 = tpu.memref_slice %arg9[%dma_start3A_456, %dma_start3A_460] : memref<8x128xi32, #tpu.memory_space<vmem>> -> memref<1x128xi32, #tpu.memory_space<vmem>>
      %dma_start3A_462 = tpu.memref_squeeze %dma_start3A_461 : memref<1x128xi32, #tpu.memory_space<vmem>> -> memref<128xi32, #tpu.memory_space<vmem>>
      %dma_start3A_463 = arith.constant 0 : i32
      %dma_start3A_464 = arith.constant 0 : i32
      %dma_start3A_465 = tpu.memref_slice %arg2[%dma_start3A_463, %dma_start3A_464] : memref<10000x128xf32, #tpu.memory_space<hbm>> -> memref<10000x128xf32, #tpu.memory_space<hbm>>
      tpu.enqueue_indirect_dma source(%dma_start3A_465 : memref<10000x128xf32, #tpu.memory_space<hbm>>) target(%dma_start3A_459 : memref<128x128xf32, #tpu.memory_space<vmem>>) offsets(%dma_start3A_462 : memref<128xi32, #tpu.memory_space<vmem>>) semaphore(%arg15 : memref<!tpu.dma_semaphore, #tpu.memory_space<semaphore_mem>>)
      %dma_wait3A_466 = arith.constant 1 : i32
      %dma_wait3A_467 = arith.constant 128 : i32
      %dma_wait3A_468 = arith.constant 0 : i32
      %dma_wait3A_469 = tpu.memref_slice %arg11[%dma_wait3A_467, %dma_wait3A_468] : memref<256x128xf32, #tpu.memory_space<vmem>> -> memref<128x128xf32, #tpu.memory_space<vmem>>
      %dma_wait3A_470 = arith.constant 0 : i32
      %dma_wait3A_471 = tpu.memref_slice %arg9[%dma_wait3A_466, %dma_wait3A_470] : memref<8x128xi32, #tpu.memory_space<vmem>> -> memref<1x128xi32, #tpu.memory_space<vmem>>
      %dma_wait3A_472 = tpu.memref_squeeze %dma_wait3A_471 : memref<1x128xi32, #tpu.memory_space<vmem>> -> memref<128xi32, #tpu.memory_space<vmem>>
      %dma_wait3A_473 = arith.constant 0 : i32
      %dma_wait3A_474 = arith.constant 0 : i32
      %dma_wait3A_475 = tpu.memref_slice %arg2[%dma_wait3A_473, %dma_wait3A_474] : memref<10000x128xf32, #tpu.memory_space<hbm>> -> memref<10000x128xf32, #tpu.memory_space<hbm>>
      tpu.wait_indirect_dma semaphore(%arg16 : memref<!tpu.dma_semaphore, #tpu.memory_space<semaphore_mem>>) src(%dma_wait3A_475 : memref<10000x128xf32, #tpu.memory_space<hbm>>) dst(%dma_wait3A_469 : memref<128x128xf32, #tpu.memory_space<vmem>>)
      %dma_start3A_476 = arith.constant 1 : i32
      %dma_start3A_477 = arith.constant 128 : i32
      %dma_start3A_478 = arith.constant 0 : i32
      %dma_start3A_479 = tpu.memref_slice %arg11[%dma_start3A_477, %dma_start3A_478] : memref<256x128xf32, #tpu.memory_space<vmem>> -> memref<128x128xf32, #tpu.memory_space<vmem>>
      %dma_start3A_480 = arith.constant 0 : i32
      %dma_start3A_481 = tpu.memref_slice %arg10[%dma_start3A_476, %dma_start3A_480] : memref<8x128xi32, #tpu.memory_space<vmem>> -> memref<1x128xi32, #tpu.memory_space<vmem>>
      %dma_start3A_482 = tpu.memref_squeeze %dma_start3A_481 : memref<1x128xi32, #tpu.memory_space<vmem>> -> memref<128xi32, #tpu.memory_space<vmem>>
      %dma_start3A_483 = arith.constant 0 : i32
      %dma_start3A_484 = arith.constant 0 : i32
      %dma_start3A_485 = tpu.memref_slice %arg12[%dma_start3A_483, %dma_start3A_484] : memref<10112x128xf32, #tpu.memory_space<vmem_shared>> -> memref<10112x128xf32, #tpu.memory_space<vmem_shared>>
      tpu.enqueue_indirect_dma source(%dma_start3A_479 : memref<128x128xf32, #tpu.memory_space<vmem>>) target(%dma_start3A_485 : memref<10112x128xf32, #tpu.memory_space<vmem_shared>>) offsets(%dma_start3A_482 : memref<128xi32, #tpu.memory_space<vmem>>) semaphore(%arg18 : memref<!tpu.dma_semaphore, #tpu.memory_space<semaphore_mem>>) {add = true}
      %dma_wait3A_486 = arith.constant 1 : i32
      %dma_wait3A_487 = arith.constant 128 : i32
      %dma_wait3A_488 = arith.constant 0 : i32
      %dma_wait3A_489 = tpu.memref_slice %arg11[%dma_wait3A_487, %dma_wait3A_488] : memref<256x128xf32, #tpu.memory_space<vmem>> -> memref<128x128xf32, #tpu.memory_space<vmem>>
      %dma_wait3A_490 = arith.constant 0 : i32
      %dma_wait3A_491 = tpu.memref_slice %arg10[%dma_wait3A_486, %dma_wait3A_490] : memref<8x128xi32, #tpu.memory_space<vmem>> -> memref<1x128xi32, #tpu.memory_space<vmem>>
      %dma_wait3A_492 = tpu.memref_squeeze %dma_wait3A_491 : memref<1x128xi32, #tpu.memory_space<vmem>> -> memref<128xi32, #tpu.memory_space<vmem>>
      %dma_wait3A_493 = arith.constant 0 : i32
      %dma_wait3A_494 = arith.constant 0 : i32
      %dma_wait3A_495 = tpu.memref_slice %arg12[%dma_wait3A_493, %dma_wait3A_494] : memref<10112x128xf32, #tpu.memory_space<vmem_shared>> -> memref<10112x128xf32, #tpu.memory_space<vmem_shared>>
      tpu.wait_indirect_dma semaphore(%arg18 : memref<!tpu.dma_semaphore, #tpu.memory_space<semaphore_mem>>) src(%dma_wait3A_489 : memref<128x128xf32, #tpu.memory_space<vmem>>) dst(%dma_wait3A_495 : memref<10112x128xf32, #tpu.memory_space<vmem_shared>>)
      %dma_start3A_496 = arith.constant 3 : i32
      %dma_start3A_497 = arith.constant 128 : i32
      %dma_start3A_498 = arith.constant 0 : i32
      %dma_start3A_499 = tpu.memref_slice %arg11[%dma_start3A_497, %dma_start3A_498] : memref<256x128xf32, #tpu.memory_space<vmem>> -> memref<128x128xf32, #tpu.memory_space<vmem>>
      %dma_start3A_500 = arith.constant 0 : i32
      %dma_start3A_501 = tpu.memref_slice %arg9[%dma_start3A_496, %dma_start3A_500] : memref<8x128xi32, #tpu.memory_space<vmem>> -> memref<1x128xi32, #tpu.memory_space<vmem>>
      %dma_start3A_502 = tpu.memref_squeeze %dma_start3A_501 : memref<1x128xi32, #tpu.memory_space<vmem>> -> memref<128xi32, #tpu.memory_space<vmem>>
      %dma_start3A_503 = arith.constant 0 : i32
      %dma_start3A_504 = arith.constant 0 : i32
      %dma_start3A_505 = tpu.memref_slice %arg2[%dma_start3A_503, %dma_start3A_504] : memref<10000x128xf32, #tpu.memory_space<hbm>> -> memref<10000x128xf32, #tpu.memory_space<hbm>>
      tpu.enqueue_indirect_dma source(%dma_start3A_505 : memref<10000x128xf32, #tpu.memory_space<hbm>>) target(%dma_start3A_499 : memref<128x128xf32, #tpu.memory_space<vmem>>) offsets(%dma_start3A_502 : memref<128xi32, #tpu.memory_space<vmem>>) semaphore(%arg16 : memref<!tpu.dma_semaphore, #tpu.memory_space<semaphore_mem>>)
      %dma_wait3A_506 = arith.constant 2 : i32
      %dma_wait3A_507 = arith.constant 0 : i32
      %dma_wait3A_508 = arith.constant 0 : i32
      %dma_wait3A_509 = tpu.memref_slice %arg11[%dma_wait3A_507, %dma_wait3A_508] : memref<256x128xf32, #tpu.memory_space<vmem>> -> memref<128x128xf32, #tpu.memory_space<vmem>>
      %dma_wait3A_510 = arith.constant 0 : i32
      %dma_wait3A_511 = tpu.memref_slice %arg9[%dma_wait3A_506, %dma_wait3A_510] : memref<8x128xi32, #tpu.memory_space<vmem>> -> memref<1x128xi32, #tpu.memory_space<vmem>>
      %dma_wait3A_512 = tpu.memref_squeeze %dma_wait3A_511 : memref<1x128xi32, #tpu.memory_space<vmem>> -> memref<128xi32, #tpu.memory_space<vmem>>
      %dma_wait3A_513 = arith.constant 0 : i32
      %dma_wait3A_514 = arith.constant 0 : i32
      %dma_wait3A_515 = tpu.memref_slice %arg2[%dma_wait3A_513, %dma_wait3A_514] : memref<10000x128xf32, #tpu.memory_space<hbm>> -> memref<10000x128xf32, #tpu.memory_space<hbm>>
      tpu.wait_indirect_dma semaphore(%arg15 : memref<!tpu.dma_semaphore, #tpu.memory_space<semaphore_mem>>) src(%dma_wait3A_515 : memref<10000x128xf32, #tpu.memory_space<hbm>>) dst(%dma_wait3A_509 : memref<128x128xf32, #tpu.memory_space<vmem>>)
      %dma_start3A_516 = arith.constant 2 : i32
      %dma_start3A_517 = arith.constant 0 : i32
      %dma_start3A_518 = arith.constant 0 : i32
      %dma_start3A_519 = tpu.memref_slice %arg11[%dma_start3A_517, %dma_start3A_518] : memref<256x128xf32, #tpu.memory_space<vmem>> -> memref<128x128xf32, #tpu.memory_space<vmem>>
      %dma_start3A_520 = arith.constant 0 : i32
      %dma_start3A_521 = tpu.memref_slice %arg10[%dma_start3A_516, %dma_start3A_520] : memref<8x128xi32, #tpu.memory_space<vmem>> -> memref<1x128xi32, #tpu.memory_space<vmem>>
      %dma_start3A_522 = tpu.memref_squeeze %dma_start3A_521 : memref<1x128xi32, #tpu.memory_space<vmem>> -> memref<128xi32, #tpu.memory_space<vmem>>
      %dma_start3A_523 = arith.constant 0 : i32
      %dma_start3A_524 = arith.constant 0 : i32
      %dma_start3A_525 = tpu.memref_slice %arg12[%dma_start3A_523, %dma_start3A_524] : memref<10112x128xf32, #tpu.memory_space<vmem_shared>> -> memref<10112x128xf32, #tpu.memory_space<vmem_shared>>
      tpu.enqueue_indirect_dma source(%dma_start3A_519 : memref<128x128xf32, #tpu.memory_space<vmem>>) target(%dma_start3A_525 : memref<10112x128xf32, #tpu.memory_space<vmem_shared>>) offsets(%dma_start3A_522 : memref<128xi32, #tpu.memory_space<vmem>>) semaphore(%arg17 : memref<!tpu.dma_semaphore, #tpu.memory_space<semaphore_mem>>) {add = true}
      %dma_wait3A_526 = arith.constant 2 : i32
      %dma_wait3A_527 = arith.constant 0 : i32
      %dma_wait3A_528 = arith.constant 0 : i32
      %dma_wait3A_529 = tpu.memref_slice %arg11[%dma_wait3A_527, %dma_wait3A_528] : memref<256x128xf32, #tpu.memory_space<vmem>> -> memref<128x128xf32, #tpu.memory_space<vmem>>
      %dma_wait3A_530 = arith.constant 0 : i32
      %dma_wait3A_531 = tpu.memref_slice %arg10[%dma_wait3A_526, %dma_wait3A_530] : memref<8x128xi32, #tpu.memory_space<vmem>> -> memref<1x128xi32, #tpu.memory_space<vmem>>
      %dma_wait3A_532 = tpu.memref_squeeze %dma_wait3A_531 : memref<1x128xi32, #tpu.memory_space<vmem>> -> memref<128xi32, #tpu.memory_space<vmem>>
      %dma_wait3A_533 = arith.constant 0 : i32
      %dma_wait3A_534 = arith.constant 0 : i32
      %dma_wait3A_535 = tpu.memref_slice %arg12[%dma_wait3A_533, %dma_wait3A_534] : memref<10112x128xf32, #tpu.memory_space<vmem_shared>> -> memref<10112x128xf32, #tpu.memory_space<vmem_shared>>
      tpu.wait_indirect_dma semaphore(%arg17 : memref<!tpu.dma_semaphore, #tpu.memory_space<semaphore_mem>>) src(%dma_wait3A_529 : memref<128x128xf32, #tpu.memory_space<vmem>>) dst(%dma_wait3A_535 : memref<10112x128xf32, #tpu.memory_space<vmem_shared>>)
      %dma_start3A_536 = arith.constant 4 : i32
      %dma_start3A_537 = arith.constant 0 : i32
      %dma_start3A_538 = arith.constant 0 : i32
      %dma_start3A_539 = tpu.memref_slice %arg11[%dma_start3A_537, %dma_start3A_538] : memref<256x128xf32, #tpu.memory_space<vmem>> -> memref<128x128xf32, #tpu.memory_space<vmem>>
      %dma_start3A_540 = arith.constant 0 : i32
      %dma_start3A_541 = tpu.memref_slice %arg9[%dma_start3A_536, %dma_start3A_540] : memref<8x128xi32, #tpu.memory_space<vmem>> -> memref<1x128xi32, #tpu.memory_space<vmem>>
      %dma_start3A_542 = tpu.memref_squeeze %dma_start3A_541 : memref<1x128xi32, #tpu.memory_space<vmem>> -> memref<128xi32, #tpu.memory_space<vmem>>
      %dma_start3A_543 = arith.constant 0 : i32
      %dma_start3A_544 = arith.constant 0 : i32
      %dma_start3A_545 = tpu.memref_slice %arg2[%dma_start3A_543, %dma_start3A_544] : memref<10000x128xf32, #tpu.memory_space<hbm>> -> memref<10000x128xf32, #tpu.memory_space<hbm>>
      tpu.enqueue_indirect_dma source(%dma_start3A_545 : memref<10000x128xf32, #tpu.memory_space<hbm>>) target(%dma_start3A_539 : memref<128x128xf32, #tpu.memory_space<vmem>>) offsets(%dma_start3A_542 : memref<128xi32, #tpu.memory_space<vmem>>) semaphore(%arg15 : memref<!tpu.dma_semaphore, #tpu.memory_space<semaphore_mem>>)
      %dma_wait3A_546 = arith.constant 3 : i32
      %dma_wait3A_547 = arith.constant 128 : i32
      %dma_wait3A_548 = arith.constant 0 : i32
      %dma_wait3A_549 = tpu.memref_slice %arg11[%dma_wait3A_547, %dma_wait3A_548] : memref<256x128xf32, #tpu.memory_space<vmem>> -> memref<128x128xf32, #tpu.memory_space<vmem>>
      %dma_wait3A_550 = arith.constant 0 : i32
      %dma_wait3A_551 = tpu.memref_slice %arg9[%dma_wait3A_546, %dma_wait3A_550] : memref<8x128xi32, #tpu.memory_space<vmem>> -> memref<1x128xi32, #tpu.memory_space<vmem>>
      %dma_wait3A_552 = tpu.memref_squeeze %dma_wait3A_551 : memref<1x128xi32, #tpu.memory_space<vmem>> -> memref<128xi32, #tpu.memory_space<vmem>>
      %dma_wait3A_553 = arith.constant 0 : i32
      %dma_wait3A_554 = arith.constant 0 : i32
      %dma_wait3A_555 = tpu.memref_slice %arg2[%dma_wait3A_553, %dma_wait3A_554] : memref<10000x128xf32, #tpu.memory_space<hbm>> -> memref<10000x128xf32, #tpu.memory_space<hbm>>
      tpu.wait_indirect_dma semaphore(%arg16 : memref<!tpu.dma_semaphore, #tpu.memory_space<semaphore_mem>>) src(%dma_wait3A_555 : memref<10000x128xf32, #tpu.memory_space<hbm>>) dst(%dma_wait3A_549 : memref<128x128xf32, #tpu.memory_space<vmem>>)
      %dma_start3A_556 = arith.constant 3 : i32
      %dma_start3A_557 = arith.constant 128 : i32
      %dma_start3A_558 = arith.constant 0 : i32
      %dma_start3A_559 = tpu.memref_slice %arg11[%dma_start3A_557, %dma_start3A_558] : memref<256x128xf32, #tpu.memory_space<vmem>> -> memref<128x128xf32, #tpu.memory_space<vmem>>
      %dma_start3A_560 = arith.constant 0 : i32
      %dma_start3A_561 = tpu.memref_slice %arg10[%dma_start3A_556, %dma_start3A_560] : memref<8x128xi32, #tpu.memory_space<vmem>> -> memref<1x128xi32, #tpu.memory_space<vmem>>
      %dma_start3A_562 = tpu.memref_squeeze %dma_start3A_561 : memref<1x128xi32, #tpu.memory_space<vmem>> -> memref<128xi32, #tpu.memory_space<vmem>>
      %dma_start3A_563 = arith.constant 0 : i32
      %dma_start3A_564 = arith.constant 0 : i32
      %dma_start3A_565 = tpu.memref_slice %arg12[%dma_start3A_563, %dma_start3A_564] : memref<10112x128xf32, #tpu.memory_space<vmem_shared>> -> memref<10112x128xf32, #tpu.memory_space<vmem_shared>>
      tpu.enqueue_indirect_dma source(%dma_start3A_559 : memref<128x128xf32, #tpu.memory_space<vmem>>) target(%dma_start3A_565 : memref<10112x128xf32, #tpu.memory_space<vmem_shared>>) offsets(%dma_start3A_562 : memref<128xi32, #tpu.memory_space<vmem>>) semaphore(%arg18 : memref<!tpu.dma_semaphore, #tpu.memory_space<semaphore_mem>>) {add = true}
      %dma_wait3A_566 = arith.constant 3 : i32
      %dma_wait3A_567 = arith.constant 128 : i32
      %dma_wait3A_568 = arith.constant 0 : i32
      %dma_wait3A_569 = tpu.memref_slice %arg11[%dma_wait3A_567, %dma_wait3A_568] : memref<256x128xf32, #tpu.memory_space<vmem>> -> memref<128x128xf32, #tpu.memory_space<vmem>>
      %dma_wait3A_570 = arith.constant 0 : i32
      %dma_wait3A_571 = tpu.memref_slice %arg10[%dma_wait3A_566, %dma_wait3A_570] : memref<8x128xi32, #tpu.memory_space<vmem>> -> memref<1x128xi32, #tpu.memory_space<vmem>>
      %dma_wait3A_572 = tpu.memref_squeeze %dma_wait3A_571 : memref<1x128xi32, #tpu.memory_space<vmem>> -> memref<128xi32, #tpu.memory_space<vmem>>
      %dma_wait3A_573 = arith.constant 0 : i32
      %dma_wait3A_574 = arith.constant 0 : i32
      %dma_wait3A_575 = tpu.memref_slice %arg12[%dma_wait3A_573, %dma_wait3A_574] : memref<10112x128xf32, #tpu.memory_space<vmem_shared>> -> memref<10112x128xf32, #tpu.memory_space<vmem_shared>>
      tpu.wait_indirect_dma semaphore(%arg18 : memref<!tpu.dma_semaphore, #tpu.memory_space<semaphore_mem>>) src(%dma_wait3A_569 : memref<128x128xf32, #tpu.memory_space<vmem>>) dst(%dma_wait3A_575 : memref<10112x128xf32, #tpu.memory_space<vmem_shared>>)
      %dma_start3A_576 = arith.constant 5 : i32
      %dma_start3A_577 = arith.constant 128 : i32
      %dma_start3A_578 = arith.constant 0 : i32
      %dma_start3A_579 = tpu.memref_slice %arg11[%dma_start3A_577, %dma_start3A_578] : memref<256x128xf32, #tpu.memory_space<vmem>> -> memref<128x128xf32, #tpu.memory_space<vmem>>
      %dma_start3A_580 = arith.constant 0 : i32
      %dma_start3A_581 = tpu.memref_slice %arg9[%dma_start3A_576, %dma_start3A_580] : memref<8x128xi32, #tpu.memory_space<vmem>> -> memref<1x128xi32, #tpu.memory_space<vmem>>
      %dma_start3A_582 = tpu.memref_squeeze %dma_start3A_581 : memref<1x128xi32, #tpu.memory_space<vmem>> -> memref<128xi32, #tpu.memory_space<vmem>>
      %dma_start3A_583 = arith.constant 0 : i32
      %dma_start3A_584 = arith.constant 0 : i32
      %dma_start3A_585 = tpu.memref_slice %arg2[%dma_start3A_583, %dma_start3A_584] : memref<10000x128xf32, #tpu.memory_space<hbm>> -> memref<10000x128xf32, #tpu.memory_space<hbm>>
      tpu.enqueue_indirect_dma source(%dma_start3A_585 : memref<10000x128xf32, #tpu.memory_space<hbm>>) target(%dma_start3A_579 : memref<128x128xf32, #tpu.memory_space<vmem>>) offsets(%dma_start3A_582 : memref<128xi32, #tpu.memory_space<vmem>>) semaphore(%arg16 : memref<!tpu.dma_semaphore, #tpu.memory_space<semaphore_mem>>)
      %dma_wait3A_586 = arith.constant 4 : i32
      %dma_wait3A_587 = arith.constant 0 : i32
      %dma_wait3A_588 = arith.constant 0 : i32
      %dma_wait3A_589 = tpu.memref_slice %arg11[%dma_wait3A_587, %dma_wait3A_588] : memref<256x128xf32, #tpu.memory_space<vmem>> -> memref<128x128xf32, #tpu.memory_space<vmem>>
      %dma_wait3A_590 = arith.constant 0 : i32
      %dma_wait3A_591 = tpu.memref_slice %arg9[%dma_wait3A_586, %dma_wait3A_590] : memref<8x128xi32, #tpu.memory_space<vmem>> -> memref<1x128xi32, #tpu.memory_space<vmem>>
      %dma_wait3A_592 = tpu.memref_squeeze %dma_wait3A_591 : memref<1x128xi32, #tpu.memory_space<vmem>> -> memref<128xi32, #tpu.memory_space<vmem>>
      %dma_wait3A_593 = arith.constant 0 : i32
      %dma_wait3A_594 = arith.constant 0 : i32
      %dma_wait3A_595 = tpu.memref_slice %arg2[%dma_wait3A_593, %dma_wait3A_594] : memref<10000x128xf32, #tpu.memory_space<hbm>> -> memref<10000x128xf32, #tpu.memory_space<hbm>>
      tpu.wait_indirect_dma semaphore(%arg15 : memref<!tpu.dma_semaphore, #tpu.memory_space<semaphore_mem>>) src(%dma_wait3A_595 : memref<10000x128xf32, #tpu.memory_space<hbm>>) dst(%dma_wait3A_589 : memref<128x128xf32, #tpu.memory_space<vmem>>)
      %dma_start3A_596 = arith.constant 4 : i32
      %dma_start3A_597 = arith.constant 0 : i32
      %dma_start3A_598 = arith.constant 0 : i32
      %dma_start3A_599 = tpu.memref_slice %arg11[%dma_start3A_597, %dma_start3A_598] : memref<256x128xf32, #tpu.memory_space<vmem>> -> memref<128x128xf32, #tpu.memory_space<vmem>>
      %dma_start3A_600 = arith.constant 0 : i32
      %dma_start3A_601 = tpu.memref_slice %arg10[%dma_start3A_596, %dma_start3A_600] : memref<8x128xi32, #tpu.memory_space<vmem>> -> memref<1x128xi32, #tpu.memory_space<vmem>>
      %dma_start3A_602 = tpu.memref_squeeze %dma_start3A_601 : memref<1x128xi32, #tpu.memory_space<vmem>> -> memref<128xi32, #tpu.memory_space<vmem>>
      %dma_start3A_603 = arith.constant 0 : i32
      %dma_start3A_604 = arith.constant 0 : i32
      %dma_start3A_605 = tpu.memref_slice %arg12[%dma_start3A_603, %dma_start3A_604] : memref<10112x128xf32, #tpu.memory_space<vmem_shared>> -> memref<10112x128xf32, #tpu.memory_space<vmem_shared>>
      tpu.enqueue_indirect_dma source(%dma_start3A_599 : memref<128x128xf32, #tpu.memory_space<vmem>>) target(%dma_start3A_605 : memref<10112x128xf32, #tpu.memory_space<vmem_shared>>) offsets(%dma_start3A_602 : memref<128xi32, #tpu.memory_space<vmem>>) semaphore(%arg17 : memref<!tpu.dma_semaphore, #tpu.memory_space<semaphore_mem>>) {add = true}
      %dma_wait3A_606 = arith.constant 4 : i32
      %dma_wait3A_607 = arith.constant 0 : i32
      %dma_wait3A_608 = arith.constant 0 : i32
      %dma_wait3A_609 = tpu.memref_slice %arg11[%dma_wait3A_607, %dma_wait3A_608] : memref<256x128xf32, #tpu.memory_space<vmem>> -> memref<128x128xf32, #tpu.memory_space<vmem>>
      %dma_wait3A_610 = arith.constant 0 : i32
      %dma_wait3A_611 = tpu.memref_slice %arg10[%dma_wait3A_606, %dma_wait3A_610] : memref<8x128xi32, #tpu.memory_space<vmem>> -> memref<1x128xi32, #tpu.memory_space<vmem>>
      %dma_wait3A_612 = tpu.memref_squeeze %dma_wait3A_611 : memref<1x128xi32, #tpu.memory_space<vmem>> -> memref<128xi32, #tpu.memory_space<vmem>>
      %dma_wait3A_613 = arith.constant 0 : i32
      %dma_wait3A_614 = arith.constant 0 : i32
      %dma_wait3A_615 = tpu.memref_slice %arg12[%dma_wait3A_613, %dma_wait3A_614] : memref<10112x128xf32, #tpu.memory_space<vmem_shared>> -> memref<10112x128xf32, #tpu.memory_space<vmem_shared>>
      tpu.wait_indirect_dma semaphore(%arg17 : memref<!tpu.dma_semaphore, #tpu.memory_space<semaphore_mem>>) src(%dma_wait3A_609 : memref<128x128xf32, #tpu.memory_space<vmem>>) dst(%dma_wait3A_615 : memref<10112x128xf32, #tpu.memory_space<vmem_shared>>)
      %dma_start3A_616 = arith.constant 6 : i32
      %dma_start3A_617 = arith.constant 0 : i32
      %dma_start3A_618 = arith.constant 0 : i32
      %dma_start3A_619 = tpu.memref_slice %arg11[%dma_start3A_617, %dma_start3A_618] : memref<256x128xf32, #tpu.memory_space<vmem>> -> memref<128x128xf32, #tpu.memory_space<vmem>>
      %dma_start3A_620 = arith.constant 0 : i32
      %dma_start3A_621 = tpu.memref_slice %arg9[%dma_start3A_616, %dma_start3A_620] : memref<8x128xi32, #tpu.memory_space<vmem>> -> memref<1x128xi32, #tpu.memory_space<vmem>>
      %dma_start3A_622 = tpu.memref_squeeze %dma_start3A_621 : memref<1x128xi32, #tpu.memory_space<vmem>> -> memref<128xi32, #tpu.memory_space<vmem>>
      %dma_start3A_623 = arith.constant 0 : i32
      %dma_start3A_624 = arith.constant 0 : i32
      %dma_start3A_625 = tpu.memref_slice %arg2[%dma_start3A_623, %dma_start3A_624] : memref<10000x128xf32, #tpu.memory_space<hbm>> -> memref<10000x128xf32, #tpu.memory_space<hbm>>
      tpu.enqueue_indirect_dma source(%dma_start3A_625 : memref<10000x128xf32, #tpu.memory_space<hbm>>) target(%dma_start3A_619 : memref<128x128xf32, #tpu.memory_space<vmem>>) offsets(%dma_start3A_622 : memref<128xi32, #tpu.memory_space<vmem>>) semaphore(%arg15 : memref<!tpu.dma_semaphore, #tpu.memory_space<semaphore_mem>>)
      %dma_wait3A_626 = arith.constant 5 : i32
      %dma_wait3A_627 = arith.constant 128 : i32
      %dma_wait3A_628 = arith.constant 0 : i32
      %dma_wait3A_629 = tpu.memref_slice %arg11[%dma_wait3A_627, %dma_wait3A_628] : memref<256x128xf32, #tpu.memory_space<vmem>> -> memref<128x128xf32, #tpu.memory_space<vmem>>
      %dma_wait3A_630 = arith.constant 0 : i32
      %dma_wait3A_631 = tpu.memref_slice %arg9[%dma_wait3A_626, %dma_wait3A_630] : memref<8x128xi32, #tpu.memory_space<vmem>> -> memref<1x128xi32, #tpu.memory_space<vmem>>
      %dma_wait3A_632 = tpu.memref_squeeze %dma_wait3A_631 : memref<1x128xi32, #tpu.memory_space<vmem>> -> memref<128xi32, #tpu.memory_space<vmem>>
      %dma_wait3A_633 = arith.constant 0 : i32
      %dma_wait3A_634 = arith.constant 0 : i32
      %dma_wait3A_635 = tpu.memref_slice %arg2[%dma_wait3A_633, %dma_wait3A_634] : memref<10000x128xf32, #tpu.memory_space<hbm>> -> memref<10000x128xf32, #tpu.memory_space<hbm>>
      tpu.wait_indirect_dma semaphore(%arg16 : memref<!tpu.dma_semaphore, #tpu.memory_space<semaphore_mem>>) src(%dma_wait3A_635 : memref<10000x128xf32, #tpu.memory_space<hbm>>) dst(%dma_wait3A_629 : memref<128x128xf32, #tpu.memory_space<vmem>>)
      %dma_start3A_636 = arith.constant 5 : i32
      %dma_start3A_637 = arith.constant 128 : i32
      %dma_start3A_638 = arith.constant 0 : i32
      %dma_start3A_639 = tpu.memref_slice %arg11[%dma_start3A_637, %dma_start3A_638] : memref<256x128xf32, #tpu.memory_space<vmem>> -> memref<128x128xf32, #tpu.memory_space<vmem>>
      %dma_start3A_640 = arith.constant 0 : i32
      %dma_start3A_641 = tpu.memref_slice %arg10[%dma_start3A_636, %dma_start3A_640] : memref<8x128xi32, #tpu.memory_space<vmem>> -> memref<1x128xi32, #tpu.memory_space<vmem>>
      %dma_start3A_642 = tpu.memref_squeeze %dma_start3A_641 : memref<1x128xi32, #tpu.memory_space<vmem>> -> memref<128xi32, #tpu.memory_space<vmem>>
      %dma_start3A_643 = arith.constant 0 : i32
      %dma_start3A_644 = arith.constant 0 : i32
      %dma_start3A_645 = tpu.memref_slice %arg12[%dma_start3A_643, %dma_start3A_644] : memref<10112x128xf32, #tpu.memory_space<vmem_shared>> -> memref<10112x128xf32, #tpu.memory_space<vmem_shared>>
      tpu.enqueue_indirect_dma source(%dma_start3A_639 : memref<128x128xf32, #tpu.memory_space<vmem>>) target(%dma_start3A_645 : memref<10112x128xf32, #tpu.memory_space<vmem_shared>>) offsets(%dma_start3A_642 : memref<128xi32, #tpu.memory_space<vmem>>) semaphore(%arg18 : memref<!tpu.dma_semaphore, #tpu.memory_space<semaphore_mem>>) {add = true}
      %dma_wait3A_646 = arith.constant 5 : i32
      %dma_wait3A_647 = arith.constant 128 : i32
      %dma_wait3A_648 = arith.constant 0 : i32
      %dma_wait3A_649 = tpu.memref_slice %arg11[%dma_wait3A_647, %dma_wait3A_648] : memref<256x128xf32, #tpu.memory_space<vmem>> -> memref<128x128xf32, #tpu.memory_space<vmem>>
      %dma_wait3A_650 = arith.constant 0 : i32
      %dma_wait3A_651 = tpu.memref_slice %arg10[%dma_wait3A_646, %dma_wait3A_650] : memref<8x128xi32, #tpu.memory_space<vmem>> -> memref<1x128xi32, #tpu.memory_space<vmem>>
      %dma_wait3A_652 = tpu.memref_squeeze %dma_wait3A_651 : memref<1x128xi32, #tpu.memory_space<vmem>> -> memref<128xi32, #tpu.memory_space<vmem>>
      %dma_wait3A_653 = arith.constant 0 : i32
      %dma_wait3A_654 = arith.constant 0 : i32
      %dma_wait3A_655 = tpu.memref_slice %arg12[%dma_wait3A_653, %dma_wait3A_654] : memref<10112x128xf32, #tpu.memory_space<vmem_shared>> -> memref<10112x128xf32, #tpu.memory_space<vmem_shared>>
      tpu.wait_indirect_dma semaphore(%arg18 : memref<!tpu.dma_semaphore, #tpu.memory_space<semaphore_mem>>) src(%dma_wait3A_649 : memref<128x128xf32, #tpu.memory_space<vmem>>) dst(%dma_wait3A_655 : memref<10112x128xf32, #tpu.memory_space<vmem_shared>>)
      %dma_start3A_656 = arith.constant 7 : i32
      %dma_start3A_657 = arith.constant 128 : i32
      %dma_start3A_658 = arith.constant 0 : i32
      %dma_start3A_659 = tpu.memref_slice %arg11[%dma_start3A_657, %dma_start3A_658] : memref<256x128xf32, #tpu.memory_space<vmem>> -> memref<128x128xf32, #tpu.memory_space<vmem>>
      %dma_start3A_660 = arith.constant 0 : i32
      %dma_start3A_661 = tpu.memref_slice %arg9[%dma_start3A_656, %dma_start3A_660] : memref<8x128xi32, #tpu.memory_space<vmem>> -> memref<1x128xi32, #tpu.memory_space<vmem>>
      %dma_start3A_662 = tpu.memref_squeeze %dma_start3A_661 : memref<1x128xi32, #tpu.memory_space<vmem>> -> memref<128xi32, #tpu.memory_space<vmem>>
      %dma_start3A_663 = arith.constant 0 : i32
      %dma_start3A_664 = arith.constant 0 : i32
      %dma_start3A_665 = tpu.memref_slice %arg2[%dma_start3A_663, %dma_start3A_664] : memref<10000x128xf32, #tpu.memory_space<hbm>> -> memref<10000x128xf32, #tpu.memory_space<hbm>>
      tpu.enqueue_indirect_dma source(%dma_start3A_665 : memref<10000x128xf32, #tpu.memory_space<hbm>>) target(%dma_start3A_659 : memref<128x128xf32, #tpu.memory_space<vmem>>) offsets(%dma_start3A_662 : memref<128xi32, #tpu.memory_space<vmem>>) semaphore(%arg16 : memref<!tpu.dma_semaphore, #tpu.memory_space<semaphore_mem>>)
      %dma_wait3A_666 = arith.constant 6 : i32
      %dma_wait3A_667 = arith.constant 0 : i32
      %dma_wait3A_668 = arith.constant 0 : i32
      %dma_wait3A_669 = tpu.memref_slice %arg11[%dma_wait3A_667, %dma_wait3A_668] : memref<256x128xf32, #tpu.memory_space<vmem>> -> memref<128x128xf32, #tpu.memory_space<vmem>>
      %dma_wait3A_670 = arith.constant 0 : i32
      %dma_wait3A_671 = tpu.memref_slice %arg9[%dma_wait3A_666, %dma_wait3A_670] : memref<8x128xi32, #tpu.memory_space<vmem>> -> memref<1x128xi32, #tpu.memory_space<vmem>>
      %dma_wait3A_672 = tpu.memref_squeeze %dma_wait3A_671 : memref<1x128xi32, #tpu.memory_space<vmem>> -> memref<128xi32, #tpu.memory_space<vmem>>
      %dma_wait3A_673 = arith.constant 0 : i32
      %dma_wait3A_674 = arith.constant 0 : i32
      %dma_wait3A_675 = tpu.memref_slice %arg2[%dma_wait3A_673, %dma_wait3A_674] : memref<10000x128xf32, #tpu.memory_space<hbm>> -> memref<10000x128xf32, #tpu.memory_space<hbm>>
      tpu.wait_indirect_dma semaphore(%arg15 : memref<!tpu.dma_semaphore, #tpu.memory_space<semaphore_mem>>) src(%dma_wait3A_675 : memref<10000x128xf32, #tpu.memory_space<hbm>>) dst(%dma_wait3A_669 : memref<128x128xf32, #tpu.memory_space<vmem>>)
      %dma_start3A_676 = arith.constant 6 : i32
      %dma_start3A_677 = arith.constant 0 : i32
      %dma_start3A_678 = arith.constant 0 : i32
      %dma_start3A_679 = tpu.memref_slice %arg11[%dma_start3A_677, %dma_start3A_678] : memref<256x128xf32, #tpu.memory_space<vmem>> -> memref<128x128xf32, #tpu.memory_space<vmem>>
      %dma_start3A_680 = arith.constant 0 : i32
      %dma_start3A_681 = tpu.memref_slice %arg10[%dma_start3A_676, %dma_start3A_680] : memref<8x128xi32, #tpu.memory_space<vmem>> -> memref<1x128xi32, #tpu.memory_space<vmem>>
      %dma_start3A_682 = tpu.memref_squeeze %dma_start3A_681 : memref<1x128xi32, #tpu.memory_space<vmem>> -> memref<128xi32, #tpu.memory_space<vmem>>
      %dma_start3A_683 = arith.constant 0 : i32
      %dma_start3A_684 = arith.constant 0 : i32
      %dma_start3A_685 = tpu.memref_slice %arg12[%dma_start3A_683, %dma_start3A_684] : memref<10112x128xf32, #tpu.memory_space<vmem_shared>> -> memref<10112x128xf32, #tpu.memory_space<vmem_shared>>
      tpu.enqueue_indirect_dma source(%dma_start3A_679 : memref<128x128xf32, #tpu.memory_space<vmem>>) target(%dma_start3A_685 : memref<10112x128xf32, #tpu.memory_space<vmem_shared>>) offsets(%dma_start3A_682 : memref<128xi32, #tpu.memory_space<vmem>>) semaphore(%arg17 : memref<!tpu.dma_semaphore, #tpu.memory_space<semaphore_mem>>) {add = true}
      %dma_wait3A_686 = arith.constant 7 : i32
      %dma_wait3A_687 = arith.constant 128 : i32
      %dma_wait3A_688 = arith.constant 0 : i32
      %dma_wait3A_689 = tpu.memref_slice %arg11[%dma_wait3A_687, %dma_wait3A_688] : memref<256x128xf32, #tpu.memory_space<vmem>> -> memref<128x128xf32, #tpu.memory_space<vmem>>
      %dma_wait3A_690 = arith.constant 0 : i32
      %dma_wait3A_691 = tpu.memref_slice %arg9[%dma_wait3A_686, %dma_wait3A_690] : memref<8x128xi32, #tpu.memory_space<vmem>> -> memref<1x128xi32, #tpu.memory_space<vmem>>
      %dma_wait3A_692 = tpu.memref_squeeze %dma_wait3A_691 : memref<1x128xi32, #tpu.memory_space<vmem>> -> memref<128xi32, #tpu.memory_space<vmem>>
      %dma_wait3A_693 = arith.constant 0 : i32
      %dma_wait3A_694 = arith.constant 0 : i32
      %dma_wait3A_695 = tpu.memref_slice %arg2[%dma_wait3A_693, %dma_wait3A_694] : memref<10000x128xf32, #tpu.memory_space<hbm>> -> memref<10000x128xf32, #tpu.memory_space<hbm>>
      tpu.wait_indirect_dma semaphore(%arg16 : memref<!tpu.dma_semaphore, #tpu.memory_space<semaphore_mem>>) src(%dma_wait3A_695 : memref<10000x128xf32, #tpu.memory_space<hbm>>) dst(%dma_wait3A_689 : memref<128x128xf32, #tpu.memory_space<vmem>>)
      %dma_start3A_696 = arith.constant 7 : i32
      %dma_start3A_697 = arith.constant 128 : i32
      %dma_start3A_698 = arith.constant 0 : i32
      %dma_start3A_699 = tpu.memref_slice %arg11[%dma_start3A_697, %dma_start3A_698] : memref<256x128xf32, #tpu.memory_space<vmem>> -> memref<128x128xf32, #tpu.memory_space<vmem>>
      %dma_start3A_700 = arith.constant 0 : i32
      %dma_start3A_701 = tpu.memref_slice %arg10[%dma_start3A_696, %dma_start3A_700] : memref<8x128xi32, #tpu.memory_space<vmem>> -> memref<1x128xi32, #tpu.memory_space<vmem>>
      %dma_start3A_702 = tpu.memref_squeeze %dma_start3A_701 : memref<1x128xi32, #tpu.memory_space<vmem>> -> memref<128xi32, #tpu.memory_space<vmem>>
      %dma_start3A_703 = arith.constant 0 : i32
      %dma_start3A_704 = arith.constant 0 : i32
      %dma_start3A_705 = tpu.memref_slice %arg12[%dma_start3A_703, %dma_start3A_704] : memref<10112x128xf32, #tpu.memory_space<vmem_shared>> -> memref<10112x128xf32, #tpu.memory_space<vmem_shared>>
      tpu.enqueue_indirect_dma source(%dma_start3A_699 : memref<128x128xf32, #tpu.memory_space<vmem>>) target(%dma_start3A_705 : memref<10112x128xf32, #tpu.memory_space<vmem_shared>>) offsets(%dma_start3A_702 : memref<128xi32, #tpu.memory_space<vmem>>) semaphore(%arg18 : memref<!tpu.dma_semaphore, #tpu.memory_space<semaphore_mem>>) {add = true}
      %dma_wait3A_706 = arith.constant 6 : i32
      %dma_wait3A_707 = arith.constant 0 : i32
      %dma_wait3A_708 = arith.constant 0 : i32
      %dma_wait3A_709 = tpu.memref_slice %arg11[%dma_wait3A_707, %dma_wait3A_708] : memref<256x128xf32, #tpu.memory_space<vmem>> -> memref<128x128xf32, #tpu.memory_space<vmem>>
      %dma_wait3A_710 = arith.constant 0 : i32
      %dma_wait3A_711 = tpu.memref_slice %arg10[%dma_wait3A_706, %dma_wait3A_710] : memref<8x128xi32, #tpu.memory_space<vmem>> -> memref<1x128xi32, #tpu.memory_space<vmem>>
      %dma_wait3A_712 = tpu.memref_squeeze %dma_wait3A_711 : memref<1x128xi32, #tpu.memory_space<vmem>> -> memref<128xi32, #tpu.memory_space<vmem>>
      %dma_wait3A_713 = arith.constant 0 : i32
      %dma_wait3A_714 = arith.constant 0 : i32
      %dma_wait3A_715 = tpu.memref_slice %arg12[%dma_wait3A_713, %dma_wait3A_714] : memref<10112x128xf32, #tpu.memory_space<vmem_shared>> -> memref<10112x128xf32, #tpu.memory_space<vmem_shared>>
      tpu.wait_indirect_dma semaphore(%arg17 : memref<!tpu.dma_semaphore, #tpu.memory_space<semaphore_mem>>) src(%dma_wait3A_709 : memref<128x128xf32, #tpu.memory_space<vmem>>) dst(%dma_wait3A_715 : memref<10112x128xf32, #tpu.memory_space<vmem_shared>>)
      %dma_wait3A_716 = arith.constant 7 : i32
      %dma_wait3A_717 = arith.constant 128 : i32
      %dma_wait3A_718 = arith.constant 0 : i32
      %dma_wait3A_719 = tpu.memref_slice %arg11[%dma_wait3A_717, %dma_wait3A_718] : memref<256x128xf32, #tpu.memory_space<vmem>> -> memref<128x128xf32, #tpu.memory_space<vmem>>
      %dma_wait3A_720 = arith.constant 0 : i32
      %dma_wait3A_721 = tpu.memref_slice %arg10[%dma_wait3A_716, %dma_wait3A_720] : memref<8x128xi32, #tpu.memory_space<vmem>> -> memref<1x128xi32, #tpu.memory_space<vmem>>
      %dma_wait3A_722 = tpu.memref_squeeze %dma_wait3A_721 : memref<1x128xi32, #tpu.memory_space<vmem>> -> memref<128xi32, #tpu.memory_space<vmem>>
      %dma_wait3A_723 = arith.constant 0 : i32
      %dma_wait3A_724 = arith.constant 0 : i32
      %dma_wait3A_725 = tpu.memref_slice %arg12[%dma_wait3A_723, %dma_wait3A_724] : memref<10112x128xf32, #tpu.memory_space<vmem_shared>> -> memref<10112x128xf32, #tpu.memory_space<vmem_shared>>
      tpu.wait_indirect_dma semaphore(%arg18 : memref<!tpu.dma_semaphore, #tpu.memory_space<semaphore_mem>>) src(%dma_wait3A_719 : memref<128x128xf32, #tpu.memory_space<vmem>>) dst(%dma_wait3A_725 : memref<10112x128xf32, #tpu.memory_space<vmem_shared>>)
      %add3A_726 = arith.constant 16 : i32
      %add3A_727 = arith.addi %add3A_397, %add3A_726 : i32
      %dma_start3A_728 = arith.constant 0 : i32
      %dma_start3A_729 = tpu.memref_slice %arg3[%add3A_727, %dma_start3A_728] : memref<2576x128xi32, #tpu.memory_space<hbm>> -> memref<8x128xi32, #tpu.memory_space<hbm>>
      %dma_start3A_730 = arith.constant 0 : i32
      %dma_start3A_731 = tpu.memref_slice %arg3[%add3A_727, %dma_start3A_730] : memref<2576x128xi32, #tpu.memory_space<hbm>> -> memref<8x128xi32, #tpu.memory_space<hbm>>
      tpu.enqueue_dma source(%dma_start3A_731 : memref<8x128xi32, #tpu.memory_space<hbm>>) target(%arg9 : memref<8x128xi32, #tpu.memory_space<vmem>>) target_semaphore(%arg14 : memref<!tpu.dma_semaphore, #tpu.memory_space<semaphore_mem>>)
      %add3A_732 = arith.constant 16 : i32
      %add3A_733 = arith.addi %add3A_397, %add3A_732 : i32
      %dma_start3A_734 = arith.constant 0 : i32
      %dma_start3A_735 = tpu.memref_slice %arg4[%add3A_733, %dma_start3A_734] : memref<2576x128xi32, #tpu.memory_space<hbm>> -> memref<8x128xi32, #tpu.memory_space<hbm>>
      %dma_start3A_736 = arith.constant 0 : i32
      %dma_start3A_737 = tpu.memref_slice %arg4[%add3A_733, %dma_start3A_736] : memref<2576x128xi32, #tpu.memory_space<hbm>> -> memref<8x128xi32, #tpu.memory_space<hbm>>
      tpu.enqueue_dma source(%dma_start3A_737 : memref<8x128xi32, #tpu.memory_space<hbm>>) target(%arg10 : memref<8x128xi32, #tpu.memory_space<vmem>>) target_semaphore(%arg14 : memref<!tpu.dma_semaphore, #tpu.memory_space<semaphore_mem>>)
    }
    %scan3A_37 = arith.constant 5 : i32
    %dma_wait3A = arith.constant 0 : i32
    %dma_wait3A_38 = tpu.memref_slice %arg3[%mul3A_2, %dma_wait3A] : memref<2576x128xi32, #tpu.memory_space<hbm>> -> memref<8x128xi32, #tpu.memory_space<hbm>>
    %dma_wait3A_39 = arith.constant 0 : i32
    %dma_wait3A_40 = tpu.memref_slice %arg3[%mul3A_2, %dma_wait3A_39] : memref<2576x128xi32, #tpu.memory_space<hbm>> -> memref<8x128xi32, #tpu.memory_space<hbm>>
    tpu.wait_dma2 semaphore(%arg13 : memref<!tpu.dma_semaphore, #tpu.memory_space<semaphore_mem>>) src(%dma_wait3A_40 : memref<8x128xi32, #tpu.memory_space<hbm>>) dst(%arg7 : memref<8x128xi32, #tpu.memory_space<vmem>>)
    %dma_wait3A_41 = arith.constant 0 : i32
    %dma_wait3A_42 = tpu.memref_slice %arg4[%mul3A_2, %dma_wait3A_41] : memref<2576x128xi32, #tpu.memory_space<hbm>> -> memref<8x128xi32, #tpu.memory_space<hbm>>
    %dma_wait3A_43 = arith.constant 0 : i32
    %dma_wait3A_44 = tpu.memref_slice %arg4[%mul3A_2, %dma_wait3A_43] : memref<2576x128xi32, #tpu.memory_space<hbm>> -> memref<8x128xi32, #tpu.memory_space<hbm>>
    tpu.wait_dma2 semaphore(%arg13 : memref<!tpu.dma_semaphore, #tpu.memory_space<semaphore_mem>>) src(%dma_wait3A_44 : memref<8x128xi32, #tpu.memory_space<hbm>>) dst(%arg8 : memref<8x128xi32, #tpu.memory_space<vmem>>)
    %dma_wait3A_45 = arith.constant 0 : i32
    %dma_wait3A_46 = tpu.memref_slice %arg3[%mul3A_2, %dma_wait3A_45] : memref<2576x128xi32, #tpu.memory_space<hbm>> -> memref<8x128xi32, #tpu.memory_space<hbm>>
    %dma_wait3A_47 = arith.constant 0 : i32
    %dma_wait3A_48 = tpu.memref_slice %arg3[%mul3A_2, %dma_wait3A_47] : memref<2576x128xi32, #tpu.memory_space<hbm>> -> memref<8x128xi32, #tpu.memory_space<hbm>>
    tpu.wait_dma2 semaphore(%arg14 : memref<!tpu.dma_semaphore, #tpu.memory_space<semaphore_mem>>) src(%dma_wait3A_48 : memref<8x128xi32, #tpu.memory_space<hbm>>) dst(%arg9 : memref<8x128xi32, #tpu.memory_space<vmem>>)
    %dma_wait3A_49 = arith.constant 0 : i32
    %dma_wait3A_50 = tpu.memref_slice %arg4[%mul3A_2, %dma_wait3A_49] : memref<2576x128xi32, #tpu.memory_space<hbm>> -> memref<8x128xi32, #tpu.memory_space<hbm>>
    %dma_wait3A_51 = arith.constant 0 : i32
    %dma_wait3A_52 = tpu.memref_slice %arg4[%mul3A_2, %dma_wait3A_51] : memref<2576x128xi32, #tpu.memory_space<hbm>> -> memref<8x128xi32, #tpu.memory_space<hbm>>
    tpu.wait_dma2 semaphore(%arg14 : memref<!tpu.dma_semaphore, #tpu.memory_space<semaphore_mem>>) src(%dma_wait3A_52 : memref<8x128xi32, #tpu.memory_space<hbm>>) dst(%arg10 : memref<8x128xi32, #tpu.memory_space<vmem>>)
    %barrier3A_53 = arith.constant 0 : index
    tpu.barrier barrier_id(%barrier3A_53)
    "tpu.region"() ({
      %run_scoped3A = tpu.sem_alloc : memref<!tpu.dma_semaphore, #tpu.memory_space<semaphore_mem>>
      %dma_start3A_54 = arith.constant 0 : i32
      %dma_start3A_55 = arith.constant 0 : i32
      %dma_start3A_56 = tpu.memref_slice %arg6[%arg0, %dma_start3A_54, %dma_start3A_55] : memref<2x10112x128xf32, #tpu.memory_space<hbm>> -> memref<1x10112x128xf32, #tpu.memory_space<hbm>>
      %dma_start3A_57 = tpu.memref_squeeze %dma_start3A_56 : memref<1x10112x128xf32, #tpu.memory_space<hbm>> -> memref<10112x128xf32, #tpu.memory_space<hbm>>
      %dma_start3A_58 = arith.constant 0 : i32
      %dma_start3A_59 = tpu.memref_slice %dma_start3A_57[%mul3A_9, %dma_start3A_58] : memref<10112x128xf32, #tpu.memory_space<hbm>> -> memref<632x128xf32, #tpu.memory_space<hbm>>
      %dma_start3A_60 = arith.constant 0 : i32
      %dma_start3A_61 = tpu.memref_slice %arg12[%mul3A_9, %dma_start3A_60] : memref<10112x128xf32, #tpu.memory_space<vmem_shared>> -> memref<632x128xf32, #tpu.memory_space<vmem_shared>>
      tpu.enqueue_dma source(%dma_start3A_61 : memref<632x128xf32, #tpu.memory_space<vmem_shared>>) target(%dma_start3A_59 : memref<632x128xf32, #tpu.memory_space<hbm>>) target_semaphore(%run_scoped3A : memref<!tpu.dma_semaphore, #tpu.memory_space<semaphore_mem>>)
      %dma_wait3A_62 = arith.constant 0 : i32
      %dma_wait3A_63 = arith.constant 0 : i32
      %dma_wait3A_64 = tpu.memref_slice %arg6[%arg0, %dma_wait3A_62, %dma_wait3A_63] : memref<2x10112x128xf32, #tpu.memory_space<hbm>> -> memref<1x10112x128xf32, #tpu.memory_space<hbm>>
      %dma_wait3A_65 = tpu.memref_squeeze %dma_wait3A_64 : memref<1x10112x128xf32, #tpu.memory_space<hbm>> -> memref<10112x128xf32, #tpu.memory_space<hbm>>
      %dma_wait3A_66 = arith.constant 0 : i32
      %dma_wait3A_67 = tpu.memref_slice %dma_wait3A_65[%mul3A_9, %dma_wait3A_66] : memref<10112x128xf32, #tpu.memory_space<hbm>> -> memref<632x128xf32, #tpu.memory_space<hbm>>
      %dma_wait3A_68 = arith.constant 0 : i32
      %dma_wait3A_69 = tpu.memref_slice %arg12[%mul3A_9, %dma_wait3A_68] : memref<10112x128xf32, #tpu.memory_space<vmem_shared>> -> memref<632x128xf32, #tpu.memory_space<vmem_shared>>
      tpu.wait_dma2 semaphore(%run_scoped3A : memref<!tpu.dma_semaphore, #tpu.memory_space<semaphore_mem>>) src(%dma_wait3A_69 : memref<632x128xf32, #tpu.memory_space<vmem_shared>>) dst(%dma_wait3A_67 : memref<632x128xf32, #tpu.memory_space<hbm>>)
      tpu.yield
    }) : () -> ()
    return
  }
}

module attributes {stable_mosaic.version = 14 : i64} {
  func.func @_tc_pre_body(%arg0: i32, %arg1: memref<1000x128xf32, #tpu.memory_space<vmem>>, %arg2: memref<128x128xf32, #tpu.memory_space<vmem>>, %arg3: memref<1x128xf32, #tpu.memory_space<vmem>>, %arg4: memref<1000x128xf32, #tpu.memory_space<vmem>>) attributes {dimension_semantics = [#tpu.dimension_semantics<arbitrary>], iteration_bounds = array<i64: 10>, scalar_prefetch = 0 : i64, scratch_operands = 0 : i64, tpu.core_type = #tpu.core_type<tc>, window_params = [{transform_indices = @transform_0, window_bounds = array<i64: 1000, 128>}, {pipeline_mode = #tpu.pipeline_mode<synchronous>, transform_indices = @transform_1, window_bounds = array<i64: 128, 128>}, {pipeline_mode = #tpu.pipeline_mode<synchronous>, transform_indices = @transform_2, window_bounds = array<i64: 1, 128>}, {transform_indices = @transform_3, window_bounds = array<i64: 1000, 128>}]} {
    %get3A = arith.constant 0 : index
    %get3A_0 = arith.constant 0 : index
    %get3A_1 = vector.load %arg1[%get3A, %get3A_0] : memref<1000x128xf32, #tpu.memory_space<vmem>>, vector<1000x128xf32>
    %get3A_2 = arith.constant 0 : index
    %get3A_3 = arith.constant 0 : index
    %get3A_4 = vector.load %arg2[%get3A_2, %get3A_3] : memref<128x128xf32, #tpu.memory_space<vmem>>, vector<128x128xf32>
    %dot_general3A = arith.constant dense<0.000000e+00> : vector<1000x128xf32>
    %dot_general3A_5 = tpu.matmul %get3A_1, %get3A_4, %dot_general3A {dimension_numbers = #tpu.dot_dimension_numbers<[1], [0], [0], [1], [0, 0, 1, 1], [], []>, precision = #tpu.contract_precision<fp32>, transpose_lhs_hint = false} : vector<1000x128xf32>, vector<128x128xf32>, vector<1000x128xf32> -> vector<1000x128xf32>
    %get3A_6 = arith.constant 0 : index
    %get3A_7 = arith.constant 0 : index
    %get3A_8 = vector.load %arg3[%get3A_6, %get3A_7] : memref<1x128xf32, #tpu.memory_space<vmem>>, vector<1x128xf32>
    %add3A = vector.broadcast %get3A_8 : vector<1x128xf32> to vector<1000x128xf32>
    %add3A_9 = arith.addf %dot_general3A_5, %add3A : vector<1000x128xf32>
    %swap3A = arith.constant 0 : index
    %swap3A_10 = arith.constant 0 : index
    %swap3A_11 = vector.load %arg4[%swap3A, %swap3A_10] : memref<1000x128xf32, #tpu.memory_space<vmem>>, vector<1000x128xf32>
    tpu.vector_store %arg4[%swap3A, %swap3A_10], %add3A_9 {strides = array<i32>} : memref<1000x128xf32, #tpu.memory_space<vmem>>, vector<1000x128xf32>,
    return
  }
  func.func @transform_0(%arg0: i32) -> (i32, i32) {
    %c0_i32 = arith.constant 0 : i32
    %c0_i32_0 = arith.constant 0 : i32
    return %arg0, %c0_i32 : i32, i32
  }
  func.func @transform_1(%arg0: i32) -> (i32, i32) {
    %c0_i32 = arith.constant 0 : i32
    %c0_i32_0 = arith.constant 0 : i32
    %c0_i32_1 = arith.constant 0 : i32
    return %c0_i32, %c0_i32_0 : i32, i32
  }
  func.func @transform_2(%arg0: i32) -> (i32, i32) {
    %c0_i32 = arith.constant 0 : i32
    %c0_i32_0 = arith.constant 0 : i32
    %c0_i32_1 = arith.constant 0 : i32
    return %c0_i32, %c0_i32_0 : i32, i32
  }
  func.func @transform_3(%arg0: i32) -> (i32, i32) {
    %c0_i32 = arith.constant 0 : i32
    %c0_i32_0 = arith.constant 0 : i32
    return %arg0, %c0_i32 : i32, i32
  }
}

module attributes {stable_mosaic.version = 14 : i64} {
  func.func @_tc_post_body(%arg0: i32, %arg1: memref<1000x128xf32, #tpu.memory_space<vmem>>, %arg2: memref<2x1000x128xf32, #tpu.memory_space<vmem>>, %arg3: memref<2x1000x1xf32, #tpu.memory_space<vmem>>, %arg4: memref<128x128xf32, #tpu.memory_space<vmem>>, %arg5: memref<1000x128xf32, #tpu.memory_space<vmem>>) attributes {dimension_semantics = [#tpu.dimension_semantics<arbitrary>], iteration_bounds = array<i64: 10>, scalar_prefetch = 0 : i64, scratch_operands = 0 : i64, tpu.core_type = #tpu.core_type<tc>, window_params = [{transform_indices = @transform_0, window_bounds = array<i64: 1000, 128>}, {transform_indices = @transform_1, window_bounds = array<i64: 2, 1000, 128>}, {transform_indices = @transform_2, window_bounds = array<i64: 2, 1000, 1>}, {pipeline_mode = #tpu.pipeline_mode<synchronous>, transform_indices = @transform_3, window_bounds = array<i64: 128, 128>}, {transform_indices = @transform_4, window_bounds = array<i64: 1000, 128>}]} {
    %get3A = arith.constant 0 : index
    %get3A_0 = arith.constant 0 : index
    %get3A_1 = arith.constant 0 : index
    %get3A_2 = vector.load %arg2[%get3A, %get3A_0, %get3A_1] : memref<2x1000x128xf32, #tpu.memory_space<vmem>>, vector<1x1000x128xf32>
    %get3A_3 = vector.shape_cast %get3A_2 : vector<1x1000x128xf32> to vector<1000x128xf32>
    %get3A_4 = arith.constant 1 : index
    %get3A_5 = arith.constant 0 : index
    %get3A_6 = arith.constant 0 : index
    %get3A_7 = vector.load %arg2[%get3A_4, %get3A_5, %get3A_6] : memref<2x1000x128xf32, #tpu.memory_space<vmem>>, vector<1x1000x128xf32>
    %get3A_8 = vector.shape_cast %get3A_7 : vector<1x1000x128xf32> to vector<1000x128xf32>
    %add3A = arith.addf %get3A_3, %get3A_8 : vector<1000x128xf32>
    %get3A_9 = arith.constant 0 : index
    %get3A_10 = arith.constant 0 : index
    %get3A_11 = arith.constant 0 : index
    %get3A_12 = vector.load %arg3[%get3A_9, %get3A_10, %get3A_11] : memref<2x1000x1xf32, #tpu.memory_space<vmem>>, vector<1x1000x1xf32>
    %get3A_13 = vector.shape_cast %get3A_12 : vector<1x1000x1xf32> to vector<1000x1xf32>
    %get3A_14 = arith.constant 1 : index
    %get3A_15 = arith.constant 0 : index
    %get3A_16 = arith.constant 0 : index
    %get3A_17 = vector.load %arg3[%get3A_14, %get3A_15, %get3A_16] : memref<2x1000x1xf32, #tpu.memory_space<vmem>>, vector<1x1000x1xf32>
    %get3A_18 = vector.shape_cast %get3A_17 : vector<1x1000x1xf32> to vector<1000x1xf32>
    %add3A_19 = arith.addf %get3A_13, %get3A_18 : vector<1000x1xf32>
    %max3A = arith.constant 1.000000e+00 : f32
    %max3A_20 = vector.broadcast %max3A : f32 to vector<1000x1xf32>
    %max3A_21 = arith.maximumf %add3A_19, %max3A_20 : vector<1000x1xf32>
    %div3A = vector.broadcast %max3A_21 : vector<1000x1xf32> to vector<1000x128xf32>
    %div3A_22 = arith.divf %add3A, %div3A : vector<1000x128xf32>
    %get3A_23 = arith.constant 0 : index
    %get3A_24 = arith.constant 0 : index
    %get3A_25 = vector.load %arg1[%get3A_23, %get3A_24] : memref<1000x128xf32, #tpu.memory_space<vmem>>, vector<1000x128xf32>
    %get3A_26 = arith.constant 0 : index
    %get3A_27 = arith.constant 0 : index
    %get3A_28 = vector.load %arg4[%get3A_26, %get3A_27] : memref<128x128xf32, #tpu.memory_space<vmem>>, vector<128x128xf32>
    %dot_general3A = arith.constant dense<0.000000e+00> : vector<1000x128xf32>
    %dot_general3A_29 = tpu.matmul %div3A_22, %get3A_28, %dot_general3A {dimension_numbers = #tpu.dot_dimension_numbers<[1], [0], [0], [1], [0, 0, 1, 1], [], []>, precision = #tpu.contract_precision<fp32>, transpose_lhs_hint = false} : vector<1000x128xf32>, vector<128x128xf32>, vector<1000x128xf32> -> vector<1000x128xf32>
    %add3A_30 = arith.addf %get3A_25, %dot_general3A_29 : vector<1000x128xf32>
    %max3A_31 = arith.constant 0.000000e+00 : f32
    %max3A_32 = vector.broadcast %max3A_31 : f32 to vector<1000x128xf32>
    %max3A_33 = arith.maximumf %add3A_30, %max3A_32 : vector<1000x128xf32>
    %swap3A = arith.constant 0 : index
    %swap3A_34 = arith.constant 0 : index
    %swap3A_35 = vector.load %arg5[%swap3A, %swap3A_34] : memref<1000x128xf32, #tpu.memory_space<vmem>>, vector<1000x128xf32>
    tpu.vector_store %arg5[%swap3A, %swap3A_34], %max3A_33 {strides = array<i32>} : memref<1000x128xf32, #tpu.memory_space<vmem>>, vector<1000x128xf32>,
    return
  }
  func.func @transform_0(%arg0: i32) -> (i32, i32) {
    %c0_i32 = arith.constant 0 : i32
    %c0_i32_0 = arith.constant 0 : i32
    return %arg0, %c0_i32 : i32, i32
  }
  func.func @transform_1(%arg0: i32) -> (i32, i32, i32) {
    %c0_i32 = arith.constant 0 : i32
    %c0_i32_0 = arith.constant 0 : i32
    %c0_i32_1 = arith.constant 0 : i32
    return %c0_i32, %arg0, %c0_i32_0 : i32, i32, i32
  }
  func.func @transform_2(%arg0: i32) -> (i32, i32, i32) {
    %c0_i32 = arith.constant 0 : i32
    %c0_i32_0 = arith.constant 0 : i32
    %c0_i32_1 = arith.constant 0 : i32
    return %c0_i32, %arg0, %c0_i32_0 : i32, i32, i32
  }
  func.func @transform_3(%arg0: i32) -> (i32, i32) {
    %c0_i32 = arith.constant 0 : i32
    %c0_i32_0 = arith.constant 0 : i32
    %c0_i32_1 = arith.constant 0 : i32
    return %c0_i32, %c0_i32_0 : i32, i32
  }
  func.func @transform_4(%arg0: i32) -> (i32, i32) {
    %c0_i32 = arith.constant 0 : i32
    %c0_i32_0 = arith.constant 0 : i32
    return %arg0, %c0_i32 : i32, i32
  }
}

module attributes {stable_mosaic.version = 14 : i64} {
  func.func @_tc_post_body(%arg0: i32, %arg1: memref<1000x128xf32, #tpu.memory_space<vmem>>, %arg2: memref<2x1000x128xf32, #tpu.memory_space<vmem>>, %arg3: memref<2x1000x1xf32, #tpu.memory_space<vmem>>, %arg4: memref<128x128xf32, #tpu.memory_space<vmem>>, %arg5: memref<1000x128xf32, #tpu.memory_space<vmem>>) attributes {dimension_semantics = [#tpu.dimension_semantics<arbitrary>], iteration_bounds = array<i64: 10>, scalar_prefetch = 0 : i64, scratch_operands = 0 : i64, tpu.core_type = #tpu.core_type<tc>, window_params = [{transform_indices = @transform_0, window_bounds = array<i64: 1000, 128>}, {transform_indices = @transform_1, window_bounds = array<i64: 2, 1000, 128>}, {transform_indices = @transform_2, window_bounds = array<i64: 2, 1000, 1>}, {pipeline_mode = #tpu.pipeline_mode<synchronous>, transform_indices = @transform_3, window_bounds = array<i64: 128, 128>}, {transform_indices = @transform_4, window_bounds = array<i64: 1000, 128>}]} {
    %get3A = arith.constant 0 : index
    %get3A_0 = arith.constant 0 : index
    %get3A_1 = arith.constant 0 : index
    %get3A_2 = vector.load %arg2[%get3A, %get3A_0, %get3A_1] : memref<2x1000x128xf32, #tpu.memory_space<vmem>>, vector<1x1000x128xf32>
    %get3A_3 = vector.shape_cast %get3A_2 : vector<1x1000x128xf32> to vector<1000x128xf32>
    %get3A_4 = arith.constant 1 : index
    %get3A_5 = arith.constant 0 : index
    %get3A_6 = arith.constant 0 : index
    %get3A_7 = vector.load %arg2[%get3A_4, %get3A_5, %get3A_6] : memref<2x1000x128xf32, #tpu.memory_space<vmem>>, vector<1x1000x128xf32>
    %get3A_8 = vector.shape_cast %get3A_7 : vector<1x1000x128xf32> to vector<1000x128xf32>
    %add3A = arith.addf %get3A_3, %get3A_8 : vector<1000x128xf32>
    %get3A_9 = arith.constant 0 : index
    %get3A_10 = arith.constant 0 : index
    %get3A_11 = arith.constant 0 : index
    %get3A_12 = vector.load %arg3[%get3A_9, %get3A_10, %get3A_11] : memref<2x1000x1xf32, #tpu.memory_space<vmem>>, vector<1x1000x1xf32>
    %get3A_13 = vector.shape_cast %get3A_12 : vector<1x1000x1xf32> to vector<1000x1xf32>
    %get3A_14 = arith.constant 1 : index
    %get3A_15 = arith.constant 0 : index
    %get3A_16 = arith.constant 0 : index
    %get3A_17 = vector.load %arg3[%get3A_14, %get3A_15, %get3A_16] : memref<2x1000x1xf32, #tpu.memory_space<vmem>>, vector<1x1000x1xf32>
    %get3A_18 = vector.shape_cast %get3A_17 : vector<1x1000x1xf32> to vector<1000x1xf32>
    %add3A_19 = arith.addf %get3A_13, %get3A_18 : vector<1000x1xf32>
    %max3A = arith.constant 1.000000e+00 : f32
    %max3A_20 = vector.broadcast %max3A : f32 to vector<1000x1xf32>
    %max3A_21 = arith.maximumf %add3A_19, %max3A_20 : vector<1000x1xf32>
    %div3A = vector.broadcast %max3A_21 : vector<1000x1xf32> to vector<1000x128xf32>
    %div3A_22 = arith.divf %add3A, %div3A : vector<1000x128xf32>
    %get3A_23 = arith.constant 0 : index
    %get3A_24 = arith.constant 0 : index
    %get3A_25 = vector.load %arg1[%get3A_23, %get3A_24] : memref<1000x128xf32, #tpu.memory_space<vmem>>, vector<1000x128xf32>
    %get3A_26 = arith.constant 0 : index
    %get3A_27 = arith.constant 0 : index
    %get3A_28 = vector.load %arg4[%get3A_26, %get3A_27] : memref<128x128xf32, #tpu.memory_space<vmem>>, vector<128x128xf32>
    %dot_general3A = arith.constant dense<0.000000e+00> : vector<1000x128xf32>
    %dot_general3A_29 = tpu.matmul %div3A_22, %get3A_28, %dot_general3A {dimension_numbers = #tpu.dot_dimension_numbers<[1], [0], [0], [1], [0, 0, 1, 1], [], []>, precision = #tpu.contract_precision<fp32>, transpose_lhs_hint = false} : vector<1000x128xf32>, vector<128x128xf32>, vector<1000x128xf32> -> vector<1000x128xf32>
    %add3A_30 = arith.addf %get3A_25, %dot_general3A_29 : vector<1000x128xf32>
    %swap3A = arith.constant 0 : index
    %swap3A_31 = arith.constant 0 : index
    %swap3A_32 = vector.load %arg5[%swap3A, %swap3A_31] : memref<1000x128xf32, #tpu.memory_space<vmem>>, vector<1000x128xf32>
    tpu.vector_store %arg5[%swap3A, %swap3A_31], %add3A_30 {strides = array<i32>} : memref<1000x128xf32, #tpu.memory_space<vmem>>, vector<1000x128xf32>,
    return
  }
  func.func @transform_0(%arg0: i32) -> (i32, i32) {
    %c0_i32 = arith.constant 0 : i32
    %c0_i32_0 = arith.constant 0 : i32
    return %arg0, %c0_i32 : i32, i32
  }
  func.func @transform_1(%arg0: i32) -> (i32, i32, i32) {
    %c0_i32 = arith.constant 0 : i32
    %c0_i32_0 = arith.constant 0 : i32
    %c0_i32_1 = arith.constant 0 : i32
    return %c0_i32, %arg0, %c0_i32_0 : i32, i32, i32
  }
  func.func @transform_2(%arg0: i32) -> (i32, i32, i32) {
    %c0_i32 = arith.constant 0 : i32
    %c0_i32_0 = arith.constant 0 : i32
    %c0_i32_1 = arith.constant 0 : i32
    return %c0_i32, %arg0, %c0_i32_0 : i32, i32, i32
  }
  func.func @transform_3(%arg0: i32) -> (i32, i32) {
    %c0_i32 = arith.constant 0 : i32
    %c0_i32_0 = arith.constant 0 : i32
    %c0_i32_1 = arith.constant 0 : i32
    return %c0_i32, %c0_i32_0 : i32, i32
  }
  func.func @transform_4(%arg0: i32) -> (i32, i32) {
    %c0_i32 = arith.constant 0 : i32
    %c0_i32_0 = arith.constant 0 : i32
    return %arg0, %c0_i32 : i32, i32
  }
}

</mosaic_0001>

<sc_bundles>
// kernel: kernel.11.cloned.1.call-start
scs
__scs_entry_jumppad:
0x0: {  	(pc) =	sbr.rel $0x88, $3  }
0x1: {  	(tag) =	ssettag $0x0;
	lr =	simm.s32 $0x1  }
0x2: {  	[smem:$0x3F9B] =	sst lr;
	_ =	strace $0xD0000000  }
0x3: {  	_ = 	snop  }
0x4: {  	_ = 	snop  }
0x5: {  	_ = 	snop  }
0x6: {  	_ = 	snop  }
0x7: {  	_ = 	snop  }
__scs_overlays_trampoline_lowered:
0x8: {  	[smem:$0x3FAA] =	sst s0  }
0x9: {  	[smem:$0x3FAB] =	sst s1  }
0xa: {  	[smem:$0x3FAC] =	sst s2  }
0xb: {  	[smem:$0x3FAD] =	sst s3  }
0xc: {  	[smem:$0x3FAE] =	sst s4  }
0xd: {  	[smem:$0x3FAF] =	sst s5  }
0xe: {  	[smem:$0x3FB0] =	sst s6  }
0xf: {  	[smem:$0x3FB1] =	sst s7  }
0x10: {  	[smem:$0x3FB2] =	sst s8  }
0x11: {  	[smem:$0x3FB3] =	sst s9;
	s0 =	simm.s32 @!p0 $0x0  }
0x12: {  	s1 =	sld [smem:$0x3F99];
	s0 =	simm.s32 @p0 $0x1  }
0x13: {  	[smem:$0x3FB4] =	sst s0;
	s0 =	simm.s32 @!p1 $0x0  }
0x14: {  	s2 =	sld [smem:$0x3F98];
	s0 =	simm.s32 @p1 $0x1  }
0x15: {  	[smem:$0x3FB5] =	sst s0;
	s0 =	simm.s32 @!p2 $0x0  }
0x16: {  	s3 =	sld [smem:$0x3FDB];
	s0 =	simm.s32 @p2 $0x1  }
0x17: {  	s4 =	simm.s32 $0x1BF5;
	[smem:$0x3FB7] =	sst s0  }
0x18: {  	s0 =	sld [smem:$0x3F9A];
	_ =	swait.ge [sflag:s4], $0x0  }
0x19: {  	s7 =	sld [smem:$0x3F9B]  }
0x1a: {  	s8 =	sadd.s32 $0xFFFFE003, lr  }
0x1b: {  	s9 =	sadd.s32 $0xFFFFFEF7, lr;
	s5 =	simm.s32 $0xFFFFFFFF;
	p2 =	slt.u32 s8, $0xFFFFF086  }
0x1c: {  	p1 =	slt.u32 s9, $0xF7A;
	s5 =	simm.s32 @!p2 $0x0  }
0x1d: {  	s5 =	simm.s32 @p1 $0x1;
	p0 =	seq.s32 s7, s2  }
0x1e: {  	s7 =	smul.u32 @!p0 $0xF7A, s2;
	p2 =	seq.s32 @!p0 s5, $0x0  }
0x1f: {  	s9 =	smul.u32 $0xF7A, s1;
	s8 =	simm.s32 @!p0 $0x1BF5;
	p2 =	por !p2, p0  }
0x20: {  	[sflag:s8] =	ssyncset.s32 @!p0 $0xFFFFF086;
	s6 =	sadd.s32 @!p0 s3, s7;
	s7 =	simm.s32 @!p0 $0x108  }
0x21: {  	s3 =	sadd.s32 s3, s9;
	s6 =	sadd.s32 @!p0 $0x88, s6;
	s7 =	simm.s32 @p2 $0x1082  }
0x22: {  	[simem:s7], [sflag:s8] =	dma.local @!p0 [hbm:s6], $0xF7A  }
0x23: {  	s9 =	sor.u32 $0xD0000000, s2;
	s6 =	simm.s32 $0x108;
	_ =	swait.ge @!p0 [sflag:s8], $0x0  }
0x24: {  	s3 =	sadd.s32 $0x88, s3;
	s6 =	simm.s32 @!p1 $0x1082;
	[sflag:s4] =	ssyncset.s32 $0xFFFFF086  }
0x25: {  	[simem:s6], [sflag:s4] =	dma.local [hbm:s3], $0xF7A  }
0x26: {  	[smem:$0x3F9B] =	sst s1;
	(tag) =	ssettag s2;
	_ =	strace s9  }
0x27: {  	s1 =	sld [smem:$0x3FAB]  }
0x28: {  	s2 =	sld [smem:$0x3FAC]  }
0x29: {  	s4 =	sld [smem:$0x3FAE]  }
0x2a: {  	p0 =	seq.s32 s5, $0x0;
	s5 =	sld [smem:$0x3FAF]  }
0x2b: {  	s6 =	sld [smem:$0x3FB0]  }
0x2c: {  	s7 =	sld [smem:$0x3FB1]  }
0x2d: {  	s3 =	simm.s32 $0x108;
	s8 =	sld [smem:$0x3FB2]  }
0x2e: {  	s3 =	simm.s32 @!p0 $0x1082;
	s9 =	sld [smem:$0x3FB3]  }
0x2f: {  	lr =	sadd.s32 s0, s3;
	s0 =	sld [smem:$0x3FAA]  }
0x30: {  	s3 =	sld [smem:$0x3FAD]  }
0x31: {  	[smem:$0x3FB6] =	sst s10  }
0x32: {  	s10 =	sld [smem:$0x3FB4];
	_ =	sdelay $0x3  }
0x33: {  	p0 =	seq.s32 s10, $0x1;
	s10 =	sld [smem:$0x3FB6];
	_ =	sdelay $0x3  }
0x34: {  	[smem:$0x3FB6] =	sst s10  }
0x35: {  	s10 =	sld [smem:$0x3FB5];
	_ =	sdelay $0x3  }
0x36: {  	p1 =	seq.s32 s10, $0x1;
	s10 =	sld [smem:$0x3FB6];
	_ =	sdelay $0x3  }
0x37: {  	[smem:$0x3FB6] =	sst s10  }
0x38: {  	s10 =	sld [smem:$0x3FB7]  }
0x39: {  	_ = 	snop;
	(pc) =	sbr.ind lr, $3  }
0x3a: {  	_ = 	snop  }
0x3b: {  	_ = 	snop  }
0x3c: {  	p2 =	seq.s32 s10, $0x1;
	s10 =	sld [smem:$0x3FB6]  }
0x3d: {  	_ =	shalt  }
0x3e: {  	_ =	shalt  }
0x3f: {  	_ =	shalt  }
0x40: {  	_ =	shalt  }
0x41: {  	_ =	shalt  }
0x42: {  	_ =	shalt  }
0x43: {  	_ =	shalt  }
0x44: {  	_ =	shalt  }
0x45: {  	_ =	shalt  }
0x46: {  	_ =	shalt  }
0x47: {  	_ =	shalt  }
0x48: {  	_ =	shalt  }
0x49: {  	_ =	shalt  }
0x4a: {  	_ =	shalt  }
0x4b: {  	_ =	shalt  }
0x4c: {  	_ =	shalt  }
0x4d: {  	_ =	shalt  }
0x4e: {  	_ =	shalt  }
0x4f: {  	_ =	shalt  }
0x50: {  	_ =	shalt  }
0x51: {  	_ =	shalt  }
0x52: {  	_ =	shalt  }
0x53: {  	_ =	shalt  }
0x54: {  	_ =	shalt  }
0x55: {  	_ =	shalt  }
0x56: {  	_ =	shalt  }
0x57: {  	_ =	shalt  }
0x58: {  	_ =	shalt  }
0x59: {  	_ =	shalt  }
0x5a: {  	_ =	shalt  }
0x5b: {  	_ =	shalt  }
0x5c: {  	_ =	shalt  }
0x5d: {  	_ =	shalt  }
0x5e: {  	_ =	shalt  }
0x5f: {  	_ =	shalt  }
0x60: {  	_ =	shalt  }
0x61: {  	_ =	shalt  }
0x62: {  	_ =	shalt  }
0x63: {  	_ =	shalt  }
0x64: {  	_ =	shalt  }
0x65: {  	_ =	shalt  }
0x66: {  	_ =	shalt  }
0x67: {  	_ =	shalt  }
0x68: {  	_ =	shalt  }
0x69: {  	_ =	shalt  }
0x6a: {  	_ =	shalt  }
0x6b: {  	_ =	shalt  }
0x6c: {  	_ =	shalt  }
0x6d: {  	_ =	shalt  }
0x6e: {  	_ =	shalt  }
0x6f: {  	_ =	shalt  }
0x70: {  	_ =	shalt  }
0x71: {  	_ =	shalt  }
0x72: {  	_ =	shalt  }
0x73: {  	_ =	shalt  }
0x74: {  	_ =	shalt  }
0x75: {  	_ =	shalt  }
0x76: {  	_ =	shalt  }
0x77: {  	_ =	shalt  }
0x78: {  	_ =	shalt  }
0x79: {  	_ =	shalt  }
0x7a: {  	_ =	shalt  }
0x7b: {  	_ =	shalt  }
0x7c: {  	_ =	shalt  }
0x7d: {  	_ =	shalt  }
0x7e: {  	_ =	shalt  }
0x7f: {  	_ =	shalt  }
0x80: {  	_ =	shalt  }
0x81: {  	_ =	shalt  }
0x82: {  	_ =	shalt  }
0x83: {  	_ =	shalt  }
0x84: {  	_ =	shalt  }
0x85: {  	_ =	shalt  }
0x86: {  	_ =	shalt  }
0x87: {  	_ =	shalt  }
.Lfunc_end0:
.L_simem_size_0:
called_computation.1_lowered:
.L_overlay_start_0:
0x88: {  	s2 =	sld [smem:$0x3FD9]  }
0x89: {  	s3 =	sld [smem:$0x3FFE];
	_ =	sdelay $0x1  }
0x8a: {  	s1 =	srdreg.scid  }
0x8b: {  	s0 =	sand.u32 $0x1, s1  }
0x8c: {  	s17 =	sshll.u32 s0, $0xA;
	s2 =	sadd.s32 s3, s2  }
0x8d: {  	s2 =	sadd.s32 s2, s17  }
0x8e: {  	[smem:$0x3FC2] =	sst s2  }
0x8f: {  	_ = 	snop  }
0x90: {  	s2 =	sld [smem:$0x3FD0];
	(tm) =	ssettm $0x1  }
0x91: {  	s18 =	sld [smem:$0x3FFB];
	_ =	sdelay $0x3  }
0x92: {  	_ =	strace s18  }
0x93: {  	s3 =	sld [smem:$0x3FFC];
	_ =	sdelay $0x3  }
0x94: {  	_ =	strace s3  }
0x95: {  	s3 =	sld [smem:$0x3FFD];
	_ =	sdelay $0x3  }
0x96: {  	_ =	strace s3  }
0x97: {  	_ =	strace $0x8FFFFFFF  }
0x98: {  	s19 =	sld [smem:$0x3FDB];
	_ =	sdelay $0x1  }
0x99: {  	s4 =	simm.s32 $_scs_section_size  }
0x9a: {  	s5 =	simm.s32 $_size__tile_overlayer_lowered;
	s6 =	simm.s32 $_tile_overlayer_lowered  }
0x9b: {  	s22 =	simm.s32 $0x1BFF;
	s21 =	sshll.u32 s6, $0x1;
	s3 =	sadd.s32 s4, s19  }
0x9c: {  	s7 =	simm.s32 $0x0;
	s20 =	sshll.u32 s5, $0x1;
	s5 =	sadd.s32 s21, s3  }
0x9d: {  	[timem:s7], [sflag:s22] =	dma.local [hbm:s5], s20  }
0x9e: {  	_ =	swait.ge [sflag:s22], s20  }
0x9f: {  	s4 =	ssub.s32 $0x0, s20;
	[sflag:s22] =	ssyncset.done $0x0  }
0xa0: {  	[sflag:s22] =	ssyncadd.s32 s4;
	_ =	sdelay $0x1  }
0xa1: {  	s23 =	simm.s32 $0x1B8B  }
0xa2: {  	_ =	swait.ge [sflag:s23], $0x1  }
0xa3: {  	[sflag:s23] =	ssyncset.done $0x0  }
0xa4: {  	s25 =	simm.s32 $0x1B8E;
	s24 =	sld [smem:$0x3FFE];
	[sflag:s23] =	ssyncadd.s32 $0xFFFFFFFF  }
0xa5: {  	s26 =	simm.s32 $execute0_lowered;
	[smem:$0x3FD2] =	sst s25  }
0xa6: {  	s5 =	sshll.u32 s26, $0x1;
	_ =	strace $0x80000049;
	[dreg:$0x1] =	wrdreg $0xFFFFFFFF  }
0xa7: {  	s28 =	simm.s32 $_size_execute0_lowered;
	s3 =	sadd.s32 s3, s5;
	[dreg:$0x0] =	wrdreg $0x0  }
0xa8: {  	s5 =	sshll.u32 s28, $0x1;
	[dreg:$0x2] =	wrdreg s3  }
0xa9: {  	[dreg:$0x3] =	wrdreg s5  }
0xaa: {  	[dreg:$0x4] =	wrdreg $0xC0  }
0xab: {  	_ =	task [dreg:s7], $0x5FFFF  }
0xac: {  	[dreg:$0x1] =	wrdreg $0xFFFFFFFF  }
0xad: {  	[dreg:$0x0] =	wrdreg $0x60  }
0xae: {  	[dreg:$0x2] =	wrdreg s2  }
0xaf: {  	[dreg:$0x3] =	wrdreg s24  }
0xb0: {  	[dreg:$0x4] =	wrdreg $0x90000  }
0xb1: {  	[dreg:$0x5] =	wrdreg $0x9  }
0xb2: {  	_ =	task.clear_ibuf [dreg:s7], $0x6FFFF;
	_ =	strace $0x90000049  }
0xb3: {  	s29 =	simm.s32 $0x9;
	_ =	strace $0x8000004B  }
0xb4: {  	_ =	swait.ge [sflag:s29], $0x1  }
0xb5: {  	[sflag:s29] =	ssyncadd.s32 $0xFFFFFFFF  }
0xb6: {  	_ =	strace $0x9000004B  }
0xb7: {  	_ =	sfence  }
0xb8: {  	s30 =	sld [smem:$0x0];
	_ =	sdelay $0x2  }
0xb9: {  	s31 =	sshll.u32 s1, $0xD;
	s1 =	sshrl.u32 s1, $0x2  }
0xba: {  	s3 =	sand.u32 $0x4000, s31;
	s1 =	sadd.s32 s1, s30  }
0xbb: {  	s0 =	sor.u32 s3, s0;
	s1 =	sshll.u32 s1, $0x11  }
0xbc: {  	s0 =	sor.u32 s1, s0  }
0xbd: {  	s0 =	sadd.s32 $0x8F2B, s0  }
0xbe: {  	[sflag:s0] =	ssyncadd.remote.s32 $0x1  }
0xbf: {  	_ =	sfence.sel $0xFFFF  }
0xc0: {  	[dreg:$0x0] =	wrdreg $0xFFFFFFFF;
	(pc) =	sbr.abs _section_cstart, $3  }
0xc1: {  	[dreg:$0x1] =	wrdreg $0xFFFFFFFF  }
0xc2: {  	_ =	task.clear_ibuf [dreg:s7], $0x2FFFF;
	_ =	strace $0x9FFFFFFF  }
0xc3: {  	(tm) =	ssettm $0x7FFFFFFF  }
tec
execute0_lowered:
.L_overlay_start_1:
0x0: {  	(tag) =	ssettag $0x1  }
0x1: {  	s1 =	rddreg [dreg:$0x0]  }
0x2: {  	s0 =	rddreg [dreg:$0x1]  }
0x3: {  	s2 =	rddreg [dreg:$0x2];
	s3 =	simm.s32 $0x0  }
0x4: {  	s4 =	srdreg.scid;
	s11 =	stileid.u32;
	s18 =	simm.s32 $0x100  }
0x5: {  	s19 =	simm.s32 $0x480;
	s21 =	simm.s32 $0x180;
	s23 =	simm.s32 $0x500  }
0x6: {  	s25 =	simm.s32 $0x200;
	s28 =	simm.s32 $0x2;
	s29 =	simm.s32 $0xA00  }
0x7: {  	s30 =	simm.s32 $0xD80;
	s31 =	simm.s32 $0xA80;
	[smem:$0x7FF] =	sst s3  }
0x8: {  	s5 =	sadd.s32 $0x2400, s0;
	_ =	strace $0x8000004A;
	[dreg:$0x6] =	wrdreg s18  }
0x9: {  	s4 =	sand.u32 $0x1, s4;
	s10 =	smul.u32 $0x4F000, s11;
	[dreg:$0x7] =	wrdreg s19  }
0xa: {  	s8 =	sadd.s32 $0xC600, s0;
	s14 =	smul.u32 $0x500, s11;
	[dreg:$0x8] =	wrdreg s21  }
0xb: {  	s6 =	smul.u32 $0x27800, s4;
	s7 =	ssub.s32 $0x2, s4;
	[dreg:$0x9] =	wrdreg s23  }
0xc: {  	s26 =	smul.u32 $0x5000, s4;
	[dreg:$0xa] =	wrdreg s25;
	s18 =	simm.s32 $0x680  }
0xd: {  	s4 =	sshll.u32 s4, $0x4;
	s19 =	simm.s32 $0x380;
	[dreg:$0xf] =	wrdreg s18  }
0xe: {  	s21 =	simm.s32 $0x780;
	s23 =	simm.s32 $0x900;
	[dreg:$0x10] =	wrdreg s19  }
0xf: {  	s25 =	simm.s32 $0x980;
	s9 =	sshrl.u32 s7, $0x1;
	[dreg:$0x12] =	wrdreg s21  }
0x10: {  	s13 =	sshrl.u32 s10, $0x2;
	s4 =	sor.u32 s11, s4;
	[dreg:$0x14] =	wrdreg s23  }
0x11: {  	s10 =	simm.s32 $0x600;
	s18 =	simm.s32 $0x800;
	[dreg:$0x16] =	wrdreg s25  }
0x12: {  	s0 =	sadd.s32 s6, s0;
	s6 =	ssub.s32 s7, s9;
	s15 =	sadd.s32 s26, s5  }
0x13: {  	s7 =	sadd.s32 s26, s8;
	s26 =	simm.s32 $0x580;
	[dreg:$0xd] =	wrdreg s10  }
0x14: {  	s19 =	simm.s32 $0xC00;
	s13 =	sadd.s32 s13, s2;
	[dreg:$0xb] =	wrdreg s26  }
0x15: {  	s21 =	simm.s32 $0x5000;
	s12 =	sadd.s32 $0x4000, s13;
	[dreg:$0x18] =	wrdreg s13  }
0x16: {  	s23 =	simm.s32 $0x5;
	s16 =	sadd.s32 $0x8000, s13;
	[dreg:$0x19] =	wrdreg s12  }
0x17: {  	s25 =	simm.s32 $0x4;
	s9 =	sadd.s32 s14, s15;
	[dreg:$0x1a] =	wrdreg s16  }
0x18: {  	s4 =	smul.u32 $0x500, s4;
	s17 =	sadd.s32 $0xC000, s13;
	[dreg:$0x4] =	wrdreg s9  }
0x19: {  	s7 =	sadd.s32 s14, s7;
	s20 =	sadd.s32 $0x10000, s13;
	[dreg:$0x1b] =	wrdreg s17  }
0x1a: {  	s0 =	sadd.s32 $0x16A00, s0;
	s14 =	smul.u32 $0x2780, s11;
	[dreg:$0x5] =	wrdreg s7  }
0x1b: {  	s6 =	smax.u32 s6, $0x1;
	s15 =	simm.s32 $0x1000;
	[dreg:$0x1c] =	wrdreg s20  }
0x1c: {  	s26 =	simm.s32 $0xD00;
	s11 =	simm.s32 $0x0;
	[smem:$0x7FC] =	sst s6  }
0x1d: {  	s22 =	sadd.s32 s5, s4;
	s24 =	sadd.s32 s8, s4;
	[dreg:$0x17] =	wrdreg s26  }
0x1e: {  	s4 =	sor.u32 $0x80, s4;
	s9 =	simm.s32 $0x280;
	[dreg:$0x1d] =	wrdreg s22  }
0x1f: {  	s12 =	simm.s32 $0x300;
	s20 =	simm.s32 $0x700;
	[dreg:$0x1e] =	wrdreg s24  }
0x20: {  	s16 =	simm.s32 $0x7;
	s17 =	simm.s32 $0x400;
	[dreg:$0xc] =	wrdreg s9  }
0x21: {  	s26 =	simm.s32 $0x6;
	s6 =	simm.s32 $0xE80;
	[dreg:$0xe] =	wrdreg s12  }
0x22: {  	s7 =	simm.s32 $0xB80;
	s5 =	sadd.s32 s5, s4;
	[dreg:$0x11] =	wrdreg s20  }
0x23: {  	s4 =	sadd.s32 s8, s4;
	s22 =	simm.s32 $0x880;
	[dreg:$0x1f] =	wrdreg s5  }
0x24: {  	s24 =	simm.s32 $0xC80;
	s20 =	simm.s32 $0x80;
	[smem:$0x7FB] =	sst s4  }
0x25: {  	s0 =	sadd.s32 s14, s0;
	s8 =	simm.s32 $0xF00;
	[dreg:$0x13] =	wrdreg s22  }
0x26: {  	s9 =	simm.s32 $0xF80;
	[dreg:$0x15] =	wrdreg s24;
	s22 =	simm.s32 $0x3  }
0x27: {  	v0 =	vimm.f32 $0.0e+00;
	[smem:$0x7FD] =	sst s0;
	s0 =	simm.s32 $0xE00;
	s4 =	simm.s32 $0xB00  }
.LBB2_1:
0x28: {  	s5 =	simm.s32 $0x0;
	s12 =	simm.s32 $0x200  }
.LBB2_2:
0x29: {  	p0 =	sne.s32 s12, $0xFE00;
	[tilespmem:s5+$0x1070] =	vst v0  }
0x2a: {  	[tilespmem:s5+$0x1000] =	vst v0  }
0x2b: {  	[tilespmem:s5+$0x1010] =	vst v0  }
.Ltmp0:
0x2c: {  	[tilespmem:s5+$0x1020] =	vst v0;
	(pc) =	sbr.rel @p0 .LBB2_2-.Ltmp0, $4  }
0x2d: {  	[tilespmem:s5+$0x1030] =	vst v0  }
0x2e: {  	[tilespmem:s5+$0x1040] =	vst v0  }
0x2f: {  	[tilespmem:s5+$0x1050] =	vst v0  }
0x30: {  	[tilespmem:s5+$0x1060] =	vst v0;
	s5 =	sshra.s32 s12, $0x2;
	s12 =	sadd.s32 $0x200, s12  }
0x31: {  	[tilespmem:s5+$0x1070] =	vst v0  }
0x32: {  	[tilespmem:s5+$0x1000] =	vst v0  }
0x33: {  	[tilespmem:s5+$0x1010] =	vst v0  }
0x34: {  	[tilespmem:s5+$0x1020] =	vst v0  }
0x35: {  	[tilespmem:s5+$0x1030] =	vst v0  }
0x36: {  	[tilespmem:s5+$0x1040] =	vst v0  }
0x37: {  	[tilespmem:s5+$0x1050] =	vst v0  }
0x38: {  	[tilespmem:s5+$0x1060] =	vst v0  }
0x39: {  	[spmem:s13] =	stream.linear.scatter [tilespmem:s15], [sflag:$0x7], $0x4000, $0x38;
	[tilespmem:$0x1CC00] =	vst v63  }
0x3a: {  	_ =	swait.ge [sflag:s16], $0x4000  }
0x3b: {  	[sflag:s16] =	ssyncset.done $0x0  }
0x3c: {  	s13 =	rddreg [dreg:$0x19];
	[sflag:s16] =	ssyncadd.s32 $0xFFFFC000  }
0x3d: {  	[spmem:s13] =	stream.linear.scatter [tilespmem:s15], [sflag:$0x7], $0x4000, $0x38;
	[tilespmem:$0x1CC00] =	vst v63  }
0x3e: {  	_ =	swait.ge [sflag:s16], $0x4000  }
0x3f: {  	[sflag:s16] =	ssyncset.done $0x0  }
0x40: {  	s14 =	rddreg [dreg:$0x1a];
	[sflag:s16] =	ssyncadd.s32 $0xFFFFC000  }
0x41: {  	[spmem:s14] =	stream.linear.scatter [tilespmem:s15], [sflag:$0x7], $0x4000, $0x38;
	[tilespmem:$0x1CC00] =	vst v63  }
0x42: {  	_ =	swait.ge [sflag:s16], $0x4000  }
0x43: {  	[sflag:s16] =	ssyncset.done $0x0  }
0x44: {  	s24 =	rddreg [dreg:$0x1b];
	[sflag:s16] =	ssyncadd.s32 $0xFFFFC000  }
0x45: {  	[spmem:s24] =	stream.linear.scatter [tilespmem:s15], [sflag:$0x7], $0x4000, $0x38;
	[tilespmem:$0x1CC00] =	vst v63  }
0x46: {  	_ =	swait.ge [sflag:s16], $0x4000  }
0x47: {  	[sflag:s16] =	ssyncset.done $0x0  }
0x48: {  	s10 =	rddreg [dreg:$0x1c];
	[sflag:s16] =	ssyncadd.s32 $0xFFFFC000  }
0x49: {  	[spmem:s10] =	stream.linear.scatter [tilespmem:s15], [sflag:$0x7], $0x3C00, $0x38;
	[tilespmem:$0x1CC00] =	vst v63  }
0x4a: {  	_ =	swait.ge [sflag:s16], $0x3C00  }
0x4b: {  	[sflag:s16] =	ssyncset.done $0x0  }
0x4c: {  	[sflag:s16] =	ssyncadd.s32 $0xFFFFC400  }
0x4d: {  	[bflag:$0x0] =	sbarrier.arrive $0xFFFF  }
0x4e: {  	s12 =	simm.s32 $0x0;
	s10 =	rddreg [dreg:$0x1d]  }
0x4f: {  	[tilespmem:s12], [sflag:$0x7] =	stream.linear.gather [hbm4b:s10+s12], $0x400, $0x38;
	[tilespmem:$0x1CC00] =	vst v63  }
0x50: {  	_ =	swait.ge [sflag:s16], $0x400  }
0x51: {  	[sflag:s16] =	ssyncset.done $0x0  }
0x52: {  	s13 =	rddreg [dreg:$0x1e];
	[sflag:s16] =	ssyncadd.s32 $0xFFFFFC00  }
0x53: {  	[tilespmem:s17], [sflag:$0x7] =	stream.linear.gather [hbm4b:s13+s12], $0x400, $0x38;
	[tilespmem:$0x1CC00] =	vst v63  }
0x54: {  	_ =	swait.ge [sflag:s16], $0x400  }
0x55: {  	p0 =	por $0x1, $0x1;
	[sflag:s16] =	ssyncset.done $0x0;
	s14 =	rddreg [dreg:$0x1f]  }
0x56: {  	p0 =	por p0, p0;
	s24 =	sld [smem:$0x7FB];
	[sflag:s16] =	ssyncadd.s32 $0xFFFFFC00  }
0x57: {  	[tilespmem:s18], [sflag:$0x2] =	stream.linear.gather [hbm4b:s14+s12], $0x400, $0x38;
	[tilespmem:$0x1CC00] =	vst v63  }
0x58: {  	s5 =	simm.s32 @!p0 $0x1  }
0x59: {  	[tilespmem:s19], [sflag:$0x2] =	stream.linear.gather [hbm4b:s24+s12], $0x400, $0x38;
	[tilespmem:$0x1CC00] =	vst v63  }
0x5a: {  	_ =	swait.ge @!p0 [sflag:s5], $0x400  }
0x5b: {  	[sflag:s5] =	ssyncset.done @!p0 $0x0  }
0x5c: {  	[sflag:s5] =	ssyncadd.s32 @!p0 $0xFFFFFC00  }
0x5d: {  	_ =	swait.ge @!p0 [sflag:s5], $0x400  }
0x5e: {  	[sflag:s5] =	ssyncset.done @!p0 $0x0  }
0x5f: {  	[sflag:s5] =	ssyncadd.s32 @!p0 $0xFFFFFC00  }
0x60: {  	[tilespmem:s15], [sflag:$0x3] =	stream.indirect.gather [hbm4b:s1+s20], $0x80, s3, s20, $0xb8;
	[tilespmem:$0x1CC00] =	vst v63  }
0x61: {  	_ = 	snop  }
0x62: {  	[tilespmem:s21], [sflag:$0x4] =	stream.indirect.gather [hbm4b:s1+s20], $0x80, s20, s20, $0xb8;
	[tilespmem:$0x1CC00] =	vst v63  }
0x63: {  	_ =	swait.ge [sflag:s22], $0x4000  }
0x64: {  	[sflag:s22] =	ssyncset.done $0x0  }
0x65: {  	[sflag:s22] =	ssyncadd.s32 $0xFFFFC000  }
0x66: {  	[spmem:s2] =	stream.indirect.scatter.add.f32 [tilespmem:s15], [sflag:$0x5], $0x80, s17, s20, $0xb8;
	[tilespmem:$0x1CC00] =	vst v63  }
0x67: {  	_ =	swait.ge [sflag:s23], $0x4000  }
0x68: {  	[sflag:s23] =	ssyncset.done $0x0  }
0x69: {  	s12 =	rddreg [dreg:$0x6];
	[sflag:s23] =	ssyncadd.s32 $0xFFFFC000  }
0x6a: {  	[tilespmem:s15], [sflag:$0x3] =	stream.indirect.gather [hbm4b:s1+s20], $0x80, s12, s20, $0xb8;
	[tilespmem:$0x1CC00] =	vst v63  }
0x6b: {  	_ =	swait.ge [sflag:s25], $0x4000  }
0x6c: {  	[sflag:s25] =	ssyncset.done $0x0  }
0x6d: {  	s13 =	rddreg [dreg:$0x7];
	[sflag:s25] =	ssyncadd.s32 $0xFFFFC000  }
0x6e: {  	[spmem:s2] =	stream.indirect.scatter.add.f32 [tilespmem:s21], [sflag:$0x6], $0x80, s13, s20, $0xb8;
	[tilespmem:$0x1CC00] =	vst v63  }
0x6f: {  	_ =	swait.ge [sflag:s26], $0x4000  }
0x70: {  	[sflag:s26] =	ssyncset.done $0x0  }
0x71: {  	s14 =	rddreg [dreg:$0x8];
	[sflag:s26] =	ssyncadd.s32 $0xFFFFC000  }
0x72: {  	[tilespmem:s21], [sflag:$0x4] =	stream.indirect.gather [hbm4b:s1+s20], $0x80, s14, s20, $0xb8;
	[tilespmem:$0x1CC00] =	vst v63  }
0x73: {  	_ =	swait.ge [sflag:s22], $0x4000  }
0x74: {  	[sflag:s22] =	ssyncset.done $0x0  }
0x75: {  	s24 =	rddreg [dreg:$0x9];
	[sflag:s22] =	ssyncadd.s32 $0xFFFFC000  }
0x76: {  	[spmem:s2] =	stream.indirect.scatter.add.f32 [tilespmem:s15], [sflag:$0x5], $0x80, s24, s20, $0xb8;
	[tilespmem:$0x1CC00] =	vst v63  }
0x77: {  	_ =	swait.ge [sflag:s23], $0x4000  }
0x78: {  	[sflag:s23] =	ssyncset.done $0x0  }
0x79: {  	s10 =	rddreg [dreg:$0xa];
	[sflag:s23] =	ssyncadd.s32 $0xFFFFC000  }
0x7a: {  	[tilespmem:s15], [sflag:$0x3] =	stream.indirect.gather [hbm4b:s1+s20], $0x80, s10, s20, $0xb8;
	[tilespmem:$0x1CC00] =	vst v63  }
0x7b: {  	_ =	swait.ge [sflag:s25], $0x4000  }
0x7c: {  	[sflag:s25] =	ssyncset.done $0x0  }
0x7d: {  	s12 =	rddreg [dreg:$0xb];
	[sflag:s25] =	ssyncadd.s32 $0xFFFFC000  }
0x7e: {  	[spmem:s2] =	stream.indirect.scatter.add.f32 [tilespmem:s21], [sflag:$0x6], $0x80, s12, s20, $0xb8;
	[tilespmem:$0x1CC00] =	vst v63  }
0x7f: {  	_ =	swait.ge [sflag:s26], $0x4000  }
0x80: {  	[sflag:s26] =	ssyncset.done $0x0  }
0x81: {  	s13 =	rddreg [dreg:$0xc];
	[sflag:s26] =	ssyncadd.s32 $0xFFFFC000  }
0x82: {  	[tilespmem:s21], [sflag:$0x4] =	stream.indirect.gather [hbm4b:s1+s20], $0x80, s13, s20, $0xb8;
	[tilespmem:$0x1CC00] =	vst v63  }
0x83: {  	_ =	swait.ge [sflag:s22], $0x4000  }
0x84: {  	[sflag:s22] =	ssyncset.done $0x0  }
0x85: {  	s14 =	rddreg [dreg:$0xd];
	[sflag:s22] =	ssyncadd.s32 $0xFFFFC000  }
0x86: {  	[spmem:s2] =	stream.indirect.scatter.add.f32 [tilespmem:s15], [sflag:$0x5], $0x80, s14, s20, $0xb8;
	[tilespmem:$0x1CC00] =	vst v63  }
0x87: {  	_ =	swait.ge [sflag:s23], $0x4000  }
0x88: {  	[sflag:s23] =	ssyncset.done $0x0  }
0x89: {  	s24 =	rddreg [dreg:$0xe];
	[sflag:s23] =	ssyncadd.s32 $0xFFFFC000  }
0x8a: {  	[tilespmem:s15], [sflag:$0x3] =	stream.indirect.gather [hbm4b:s1+s20], $0x80, s24, s20, $0xb8;
	[tilespmem:$0x1CC00] =	vst v63  }
0x8b: {  	_ =	swait.ge [sflag:s25], $0x4000  }
0x8c: {  	[sflag:s25] =	ssyncset.done $0x0  }
0x8d: {  	s10 =	rddreg [dreg:$0xf];
	[sflag:s25] =	ssyncadd.s32 $0xFFFFC000  }
0x8e: {  	[spmem:s2] =	stream.indirect.scatter.add.f32 [tilespmem:s21], [sflag:$0x6], $0x80, s10, s20, $0xb8;
	[tilespmem:$0x1CC00] =	vst v63  }
0x8f: {  	_ =	swait.ge [sflag:s26], $0x4000  }
0x90: {  	[sflag:s26] =	ssyncset.done $0x0  }
0x91: {  	s12 =	rddreg [dreg:$0x10];
	[sflag:s26] =	ssyncadd.s32 $0xFFFFC000  }
0x92: {  	[tilespmem:s21], [sflag:$0x4] =	stream.indirect.gather [hbm4b:s1+s20], $0x80, s12, s20, $0xb8;
	[tilespmem:$0x1CC00] =	vst v63  }
0x93: {  	_ =	swait.ge [sflag:s22], $0x4000  }
0x94: {  	[sflag:s22] =	ssyncset.done $0x0  }
0x95: {  	s13 =	rddreg [dreg:$0x11];
	[sflag:s22] =	ssyncadd.s32 $0xFFFFC000  }
0x96: {  	[spmem:s2] =	stream.indirect.scatter.add.f32 [tilespmem:s15], [sflag:$0x5], $0x80, s13, s20, $0xb8;
	[tilespmem:$0x1CC00] =	vst v63  }
0x97: {  	_ =	swait.ge [sflag:s25], $0x4000  }
0x98: {  	[sflag:s25] =	ssyncset.done $0x0  }
0x99: {  	s14 =	rddreg [dreg:$0x12];
	[sflag:s25] =	ssyncadd.s32 $0xFFFFC000  }
0x9a: {  	[spmem:s2] =	stream.indirect.scatter.add.f32 [tilespmem:s21], [sflag:$0x6], $0x80, s14, s20, $0xb8;
	[tilespmem:$0x1CC00] =	vst v63  }
0x9b: {  	_ =	swait.ge [sflag:s23], $0x4000  }
0x9c: {  	[sflag:s23] =	ssyncset.done $0x0  }
0x9d: {  	[sflag:s23] =	ssyncadd.s32 $0xFFFFC000  }
0x9e: {  	_ =	swait.ge [sflag:s26], $0x4000  }
0x9f: {  	s24 =	rddreg [dreg:$0x4]  }
0xa0: {  	[sflag:s26] =	ssyncset.done $0x0;
	s12 =	sadd.s32 $0x0, s24  }
0xa1: {  	s10 =	rddreg [dreg:$0x5];
	[sflag:s26] =	ssyncadd.s32 $0xFFFFC000;
	s5 =	sadd.s32 $0x100, s12  }
0xa2: {  	[tilespmem:s3], [sflag:$0x1] =	stream.linear.gather [hbm4b:s5+s3], $0x400, $0x38;
	[tilespmem:$0x1CC00] =	vst v63  }
0xa3: {  	s5 =	sadd.s32 $0x0, s10  }
0xa4: {  	s13 =	sadd.s32 $0x100, s5  }
0xa5: {  	[tilespmem:s17], [sflag:$0x1] =	stream.linear.gather [hbm4b:s13+s3], $0x400, $0x38;
	[tilespmem:$0x1CC00] =	vst v63  }
0xa6: {  	_ =	swait.ge [sflag:s28], $0x400  }
0xa7: {  	[sflag:s28] =	ssyncset.done $0x0  }
0xa8: {  	[sflag:s28] =	ssyncadd.s32 $0xFFFFFC00  }
0xa9: {  	_ =	swait.ge [sflag:s28], $0x400  }
0xaa: {  	[sflag:s28] =	ssyncset.done $0x0  }
0xab: {  	[sflag:s28] =	ssyncadd.s32 $0xFFFFFC00  }
0xac: {  	[tilespmem:s15], [sflag:$0x3] =	stream.indirect.gather [hbm4b:s1+s20], $0x80, s18, s20, $0xb8;
	[tilespmem:$0x1CC00] =	vst v63  }
0xad: {  	s14 =	rddreg [dreg:$0x13]  }
0xae: {  	[tilespmem:s21], [sflag:$0x4] =	stream.indirect.gather [hbm4b:s1+s20], $0x80, s14, s20, $0xb8;
	[tilespmem:$0x1CC00] =	vst v63  }
0xaf: {  	_ =	swait.ge [sflag:s22], $0x4000  }
0xb0: {  	[sflag:s22] =	ssyncset.done $0x0  }
0xb1: {  	[sflag:s22] =	ssyncadd.s32 $0xFFFFC000  }
0xb2: {  	[spmem:s2] =	stream.indirect.scatter.add.f32 [tilespmem:s15], [sflag:$0x5], $0x80, s19, s20, $0xb8;
	[tilespmem:$0x1CC00] =	vst v63  }
0xb3: {  	_ =	swait.ge [sflag:s23], $0x4000  }
0xb4: {  	[sflag:s23] =	ssyncset.done $0x0  }
0xb5: {  	s24 =	rddreg [dreg:$0x14];
	[sflag:s23] =	ssyncadd.s32 $0xFFFFC000  }
0xb6: {  	[tilespmem:s15], [sflag:$0x3] =	stream.indirect.gather [hbm4b:s1+s20], $0x80, s24, s20, $0xb8;
	[tilespmem:$0x1CC00] =	vst v63  }
0xb7: {  	_ =	swait.ge [sflag:s25], $0x4000  }
0xb8: {  	[sflag:s25] =	ssyncset.done $0x0  }
0xb9: {  	s10 =	rddreg [dreg:$0x15];
	[sflag:s25] =	ssyncadd.s32 $0xFFFFC000  }
0xba: {  	[spmem:s2] =	stream.indirect.scatter.add.f32 [tilespmem:s21], [sflag:$0x6], $0x80, s10, s20, $0xb8;
	[tilespmem:$0x1CC00] =	vst v63  }
0xbb: {  	_ =	swait.ge [sflag:s26], $0x4000  }
0xbc: {  	[sflag:s26] =	ssyncset.done $0x0  }
0xbd: {  	s14 =	rddreg [dreg:$0x16];
	[sflag:s26] =	ssyncadd.s32 $0xFFFFC000  }
0xbe: {  	[tilespmem:s21], [sflag:$0x4] =	stream.indirect.gather [hbm4b:s1+s20], $0x80, s14, s20, $0xb8;
	[tilespmem:$0x1CC00] =	vst v63  }
0xbf: {  	_ =	swait.ge [sflag:s22], $0x4000  }
0xc0: {  	[sflag:s22] =	ssyncset.done $0x0  }
0xc1: {  	s24 =	rddreg [dreg:$0x17];
	[sflag:s22] =	ssyncadd.s32 $0xFFFFC000  }
0xc2: {  	[spmem:s2] =	stream.indirect.scatter.add.f32 [tilespmem:s15], [sflag:$0x5], $0x80, s24, s20, $0xb8;
	[tilespmem:$0x1CC00] =	vst v63  }
0xc3: {  	_ =	swait.ge [sflag:s23], $0x4000  }
0xc4: {  	[sflag:s23] =	ssyncset.done $0x0  }
0xc5: {  	[sflag:s23] =	ssyncadd.s32 $0xFFFFC000  }
0xc6: {  	[tilespmem:s15], [sflag:$0x3] =	stream.indirect.gather [hbm4b:s1+s20], $0x80, s29, s20, $0xb8;
	[tilespmem:$0x1CC00] =	vst v63  }
0xc7: {  	_ =	swait.ge [sflag:s25], $0x4000  }
0xc8: {  	[sflag:s25] =	ssyncset.done $0x0  }
0xc9: {  	[sflag:s25] =	ssyncadd.s32 $0xFFFFC000  }
0xca: {  	[spmem:s2] =	stream.indirect.scatter.add.f32 [tilespmem:s21], [sflag:$0x6], $0x80, s30, s20, $0xb8;
	[tilespmem:$0x1CC00] =	vst v63  }
0xcb: {  	_ =	swait.ge [sflag:s26], $0x4000  }
0xcc: {  	[sflag:s26] =	ssyncset.done $0x0  }
0xcd: {  	[sflag:s26] =	ssyncadd.s32 $0xFFFFC000  }
0xce: {  	[tilespmem:s21], [sflag:$0x4] =	stream.indirect.gather [hbm4b:s1+s20], $0x80, s31, s20, $0xb8;
	[tilespmem:$0x1CC00] =	vst v63  }
0xcf: {  	_ =	swait.ge [sflag:s22], $0x4000  }
0xd0: {  	[sflag:s22] =	ssyncset.done $0x0  }
0xd1: {  	[sflag:s22] =	ssyncadd.s32 $0xFFFFC000  }
0xd2: {  	[spmem:s2] =	stream.indirect.scatter.add.f32 [tilespmem:s15], [sflag:$0x5], $0x80, s0, s20, $0xb8;
	[tilespmem:$0x1CC00] =	vst v63  }
0xd3: {  	_ =	swait.ge [sflag:s23], $0x4000  }
0xd4: {  	[sflag:s23] =	ssyncset.done $0x0  }
0xd5: {  	[sflag:s23] =	ssyncadd.s32 $0xFFFFC000  }
0xd6: {  	[tilespmem:s15], [sflag:$0x3] =	stream.indirect.gather [hbm4b:s1+s20], $0x80, s4, s20, $0xb8;
	[tilespmem:$0x1CC00] =	vst v63  }
0xd7: {  	_ =	swait.ge [sflag:s25], $0x4000  }
0xd8: {  	[sflag:s25] =	ssyncset.done $0x0  }
0xd9: {  	[sflag:s25] =	ssyncadd.s32 $0xFFFFC000  }
0xda: {  	[spmem:s2] =	stream.indirect.scatter.add.f32 [tilespmem:s21], [sflag:$0x6], $0x80, s6, s20, $0xb8;
	[tilespmem:$0x1CC00] =	vst v63  }
0xdb: {  	_ =	swait.ge [sflag:s26], $0x4000  }
0xdc: {  	[sflag:s26] =	ssyncset.done $0x0  }
0xdd: {  	[sflag:s26] =	ssyncadd.s32 $0xFFFFC000  }
0xde: {  	[tilespmem:s21], [sflag:$0x4] =	stream.indirect.gather [hbm4b:s1+s20], $0x80, s7, s20, $0xb8;
	[tilespmem:$0x1CC00] =	vst v63  }
0xdf: {  	_ =	swait.ge [sflag:s22], $0x4000  }
0xe0: {  	[sflag:s22] =	ssyncset.done $0x0  }
0xe1: {  	[sflag:s22] =	ssyncadd.s32 $0xFFFFC000  }
0xe2: {  	[spmem:s2] =	stream.indirect.scatter.add.f32 [tilespmem:s15], [sflag:$0x5], $0x80, s8, s20, $0xb8;
	[tilespmem:$0x1CC00] =	vst v63  }
0xe3: {  	_ =	swait.ge [sflag:s25], $0x4000  }
0xe4: {  	[sflag:s25] =	ssyncset.done $0x0  }
0xe5: {  	[sflag:s25] =	ssyncadd.s32 $0xFFFFC000  }
0xe6: {  	[spmem:s2] =	stream.indirect.scatter.add.f32 [tilespmem:s21], [sflag:$0x6], $0x80, s9, s20, $0xb8;
	[tilespmem:$0x1CC00] =	vst v63  }
0xe7: {  	_ =	swait.ge [sflag:s23], $0x4000  }
0xe8: {  	[sflag:s23] =	ssyncset.done $0x0  }
0xe9: {  	[sflag:s23] =	ssyncadd.s32 $0xFFFFC000  }
0xea: {  	_ =	swait.ge [sflag:s26], $0x4000  }
0xeb: {  	p6 =	por $0x0, $0x0;
	[sflag:s26] =	ssyncset.done $0x0  }
0xec: {  	p0 =	por p6, p6;
	s12 =	sadd.s32 $0x180, s12;
	[sflag:s26] =	ssyncadd.s32 $0xFFFFC000  }
0xed: {  	[tilespmem:s18], [sflag:$0x2] =	stream.linear.gather [hbm4b:s12+s3], $0x400, $0x38;
	[tilespmem:$0x1CC00] =	vst v63  }
0xee: {  	s5 =	sadd.s32 $0x180, s5;
	s13 =	simm.s32 $0x200;
	s12 =	simm.s32 $0x100  }
.LBB2_4:
0xef: {  	s24 =	simm.s32 @!p0 $0x1  }
0xf0: {  	[tilespmem:s19], [sflag:$0x2] =	stream.linear.gather [hbm4b:s5+s3], $0x400, $0x38;
	[tilespmem:$0x1CC00] =	vst v63  }
0xf1: {  	_ =	swait.ge @!p0 [sflag:s24], $0x400  }
0xf2: {  	[sflag:s24] =	ssyncset.done @!p0 $0x0  }
0xf3: {  	[sflag:s24] =	ssyncadd.s32 @!p0 $0xFFFFFC00  }
0xf4: {  	_ =	swait.ge @!p0 [sflag:s24], $0x400  }
0xf5: {  	[sflag:s24] =	ssyncset.done @!p0 $0x0  }
0xf6: {  	[sflag:s24] =	ssyncadd.s32 @!p0 $0xFFFFFC00  }
0xf7: {  	[tilespmem:s15], [sflag:$0x3] =	stream.indirect.gather [hbm4b:s1+s20], $0x80, s3, s20, $0xb8;
	[tilespmem:$0x1CC00] =	vst v63  }
0xf8: {  	_ = 	snop  }
0xf9: {  	[tilespmem:s21], [sflag:$0x4] =	stream.indirect.gather [hbm4b:s1+s20], $0x80, s20, s20, $0xb8;
	[tilespmem:$0x1CC00] =	vst v63  }
0xfa: {  	_ =	swait.ge [sflag:s22], $0x4000  }
0xfb: {  	[sflag:s22] =	ssyncset.done $0x0  }
0xfc: {  	[sflag:s22] =	ssyncadd.s32 $0xFFFFC000  }
0xfd: {  	[spmem:s2] =	stream.indirect.scatter.add.f32 [tilespmem:s15], [sflag:$0x5], $0x80, s17, s20, $0xb8;
	[tilespmem:$0x1CC00] =	vst v63  }
0xfe: {  	_ =	swait.ge [sflag:s23], $0x4000  }
0xff: {  	[sflag:s23] =	ssyncset.done $0x0  }
0x100: {  	s10 =	rddreg [dreg:$0x6];
	[sflag:s23] =	ssyncadd.s32 $0xFFFFC000  }
0x101: {  	[tilespmem:s15], [sflag:$0x3] =	stream.indirect.gather [hbm4b:s1+s20], $0x80, s10, s20, $0xb8;
	[tilespmem:$0x1CC00] =	vst v63  }
0x102: {  	_ =	swait.ge [sflag:s25], $0x4000  }
0x103: {  	[sflag:s25] =	ssyncset.done $0x0  }
0x104: {  	s24 =	rddreg [dreg:$0x7];
	[sflag:s25] =	ssyncadd.s32 $0xFFFFC000  }
0x105: {  	[spmem:s2] =	stream.indirect.scatter.add.f32 [tilespmem:s21], [sflag:$0x6], $0x80, s24, s20, $0xb8;
	[tilespmem:$0x1CC00] =	vst v63  }
0x106: {  	_ =	swait.ge [sflag:s26], $0x4000  }
0x107: {  	[sflag:s26] =	ssyncset.done $0x0  }
0x108: {  	s10 =	rddreg [dreg:$0x8];
	[sflag:s26] =	ssyncadd.s32 $0xFFFFC000  }
0x109: {  	[tilespmem:s21], [sflag:$0x4] =	stream.indirect.gather [hbm4b:s1+s20], $0x80, s10, s20, $0xb8;
	[tilespmem:$0x1CC00] =	vst v63  }
0x10a: {  	_ =	swait.ge [sflag:s22], $0x4000  }
0x10b: {  	[sflag:s22] =	ssyncset.done $0x0  }
0x10c: {  	s24 =	rddreg [dreg:$0x9];
	[sflag:s22] =	ssyncadd.s32 $0xFFFFC000  }
0x10d: {  	[spmem:s2] =	stream.indirect.scatter.add.f32 [tilespmem:s15], [sflag:$0x5], $0x80, s24, s20, $0xb8;
	[tilespmem:$0x1CC00] =	vst v63  }
0x10e: {  	_ =	swait.ge [sflag:s23], $0x4000  }
0x10f: {  	[sflag:s23] =	ssyncset.done $0x0  }
0x110: {  	s10 =	rddreg [dreg:$0xa];
	[sflag:s23] =	ssyncadd.s32 $0xFFFFC000  }
0x111: {  	[tilespmem:s15], [sflag:$0x3] =	stream.indirect.gather [hbm4b:s1+s20], $0x80, s10, s20, $0xb8;
	[tilespmem:$0x1CC00] =	vst v63  }
0x112: {  	_ =	swait.ge [sflag:s25], $0x4000  }
0x113: {  	[sflag:s25] =	ssyncset.done $0x0  }
0x114: {  	s24 =	rddreg [dreg:$0xb];
	[sflag:s25] =	ssyncadd.s32 $0xFFFFC000  }
0x115: {  	[spmem:s2] =	stream.indirect.scatter.add.f32 [tilespmem:s21], [sflag:$0x6], $0x80, s24, s20, $0xb8;
	[tilespmem:$0x1CC00] =	vst v63  }
0x116: {  	_ =	swait.ge [sflag:s26], $0x4000  }
0x117: {  	[sflag:s26] =	ssyncset.done $0x0  }
0x118: {  	s10 =	rddreg [dreg:$0xc];
	[sflag:s26] =	ssyncadd.s32 $0xFFFFC000  }
0x119: {  	[tilespmem:s21], [sflag:$0x4] =	stream.indirect.gather [hbm4b:s1+s20], $0x80, s10, s20, $0xb8;
	[tilespmem:$0x1CC00] =	vst v63  }
0x11a: {  	_ =	swait.ge [sflag:s22], $0x4000  }
0x11b: {  	[sflag:s22] =	ssyncset.done $0x0  }
0x11c: {  	s24 =	rddreg [dreg:$0xd];
	[sflag:s22] =	ssyncadd.s32 $0xFFFFC000  }
0x11d: {  	[spmem:s2] =	stream.indirect.scatter.add.f32 [tilespmem:s15], [sflag:$0x5], $0x80, s24, s20, $0xb8;
	[tilespmem:$0x1CC00] =	vst v63  }
0x11e: {  	_ =	swait.ge [sflag:s23], $0x4000  }
0x11f: {  	[sflag:s23] =	ssyncset.done $0x0  }
0x120: {  	s10 =	rddreg [dreg:$0xe];
	[sflag:s23] =	ssyncadd.s32 $0xFFFFC000  }
0x121: {  	[tilespmem:s15], [sflag:$0x3] =	stream.indirect.gather [hbm4b:s1+s20], $0x80, s10, s20, $0xb8;
	[tilespmem:$0x1CC00] =	vst v63  }
0x122: {  	_ =	swait.ge [sflag:s25], $0x4000  }
0x123: {  	[sflag:s25] =	ssyncset.done $0x0  }
0x124: {  	s24 =	rddreg [dreg:$0xf];
	[sflag:s25] =	ssyncadd.s32 $0xFFFFC000  }
0x125: {  	[spmem:s2] =	stream.indirect.scatter.add.f32 [tilespmem:s21], [sflag:$0x6], $0x80, s24, s20, $0xb8;
	[tilespmem:$0x1CC00] =	vst v63  }
0x126: {  	_ =	swait.ge [sflag:s26], $0x4000  }
0x127: {  	[sflag:s26] =	ssyncset.done $0x0  }
0x128: {  	s10 =	rddreg [dreg:$0x10];
	[sflag:s26] =	ssyncadd.s32 $0xFFFFC000  }
0x129: {  	[tilespmem:s21], [sflag:$0x4] =	stream.indirect.gather [hbm4b:s1+s20], $0x80, s10, s20, $0xb8;
	[tilespmem:$0x1CC00] =	vst v63  }
0x12a: {  	_ =	swait.ge [sflag:s22], $0x4000  }
0x12b: {  	[sflag:s22] =	ssyncset.done $0x0  }
0x12c: {  	s24 =	rddreg [dreg:$0x11];
	[sflag:s22] =	ssyncadd.s32 $0xFFFFC000  }
0x12d: {  	[spmem:s2] =	stream.indirect.scatter.add.f32 [tilespmem:s15], [sflag:$0x5], $0x80, s24, s20, $0xb8;
	[tilespmem:$0x1CC00] =	vst v63  }
0x12e: {  	_ =	swait.ge [sflag:s25], $0x4000  }
0x12f: {  	[sflag:s25] =	ssyncset.done $0x0  }
0x130: {  	s10 =	rddreg [dreg:$0x12];
	[sflag:s25] =	ssyncadd.s32 $0xFFFFC000  }
0x131: {  	[spmem:s2] =	stream.indirect.scatter.add.f32 [tilespmem:s21], [sflag:$0x6], $0x80, s10, s20, $0xb8;
	[tilespmem:$0x1CC00] =	vst v63  }
0x132: {  	_ =	swait.ge [sflag:s23], $0x4000  }
0x133: {  	[sflag:s23] =	ssyncset.done $0x0  }
0x134: {  	[sflag:s23] =	ssyncadd.s32 $0xFFFFC000  }
0x135: {  	_ =	swait.ge [sflag:s26], $0x4000  }
0x136: {  	s24 =	rddreg [dreg:$0x4]  }
0x137: {  	[sflag:s26] =	ssyncset.done $0x0;
	s24 =	sadd.s32 s12, s24  }
0x138: {  	s10 =	rddreg [dreg:$0x5];
	[sflag:s26] =	ssyncadd.s32 $0xFFFFC000;
	s5 =	sadd.s32 $0x100, s24  }
0x139: {  	[tilespmem:s3], [sflag:$0x1] =	stream.linear.gather [hbm4b:s5+s3], $0x400, $0x38;
	[tilespmem:$0x1CC00] =	vst v63  }
0x13a: {  	s5 =	sadd.s32 s12, s10  }
0x13b: {  	s10 =	sadd.s32 $0x100, s5  }
0x13c: {  	[tilespmem:s17], [sflag:$0x1] =	stream.linear.gather [hbm4b:s10+s3], $0x400, $0x38;
	[tilespmem:$0x1CC00] =	vst v63  }
0x13d: {  	_ =	swait.ge [sflag:s28], $0x400  }
0x13e: {  	[sflag:s28] =	ssyncset.done $0x0  }
0x13f: {  	[sflag:s28] =	ssyncadd.s32 $0xFFFFFC00  }
0x140: {  	_ =	swait.ge [sflag:s28], $0x400  }
0x141: {  	[sflag:s28] =	ssyncset.done $0x0  }
0x142: {  	s14 =	smov.u32 s13;
	[sflag:s28] =	ssyncadd.s32 $0xFFFFFC00  }
0x143: {  	[tilespmem:s15], [sflag:$0x3] =	stream.indirect.gather [hbm4b:s1+s20], $0x80, s18, s20, $0xb8;
	[tilespmem:$0x1CC00] =	vst v63  }
0x144: {  	s12 =	smov.u32 s14;
	s14 =	rddreg [dreg:$0x13]  }
0x145: {  	[tilespmem:s21], [sflag:$0x4] =	stream.indirect.gather [hbm4b:s1+s20], $0x80, s14, s20, $0xb8;
	[tilespmem:$0x1CC00] =	vst v63  }
0x146: {  	_ =	swait.ge [sflag:s22], $0x4000  }
0x147: {  	[sflag:s22] =	ssyncset.done $0x0  }
0x148: {  	[sflag:s22] =	ssyncadd.s32 $0xFFFFC000  }
0x149: {  	[spmem:s2] =	stream.indirect.scatter.add.f32 [tilespmem:s15], [sflag:$0x5], $0x80, s19, s20, $0xb8;
	[tilespmem:$0x1CC00] =	vst v63  }
0x14a: {  	_ =	swait.ge [sflag:s23], $0x4000  }
0x14b: {  	[sflag:s23] =	ssyncset.done $0x0  }
0x14c: {  	s14 =	rddreg [dreg:$0x14];
	[sflag:s23] =	ssyncadd.s32 $0xFFFFC000  }
0x14d: {  	[tilespmem:s15], [sflag:$0x3] =	stream.indirect.gather [hbm4b:s1+s20], $0x80, s14, s20, $0xb8;
	[tilespmem:$0x1CC00] =	vst v63  }
0x14e: {  	_ =	swait.ge [sflag:s25], $0x4000  }
0x14f: {  	[sflag:s25] =	ssyncset.done $0x0  }
0x150: {  	s14 =	rddreg [dreg:$0x15];
	[sflag:s25] =	ssyncadd.s32 $0xFFFFC000  }
0x151: {  	[spmem:s2] =	stream.indirect.scatter.add.f32 [tilespmem:s21], [sflag:$0x6], $0x80, s14, s20, $0xb8;
	[tilespmem:$0x1CC00] =	vst v63  }
0x152: {  	_ =	swait.ge [sflag:s26], $0x4000  }
0x153: {  	[sflag:s26] =	ssyncset.done $0x0  }
0x154: {  	s14 =	rddreg [dreg:$0x16];
	[sflag:s26] =	ssyncadd.s32 $0xFFFFC000  }
0x155: {  	[tilespmem:s21], [sflag:$0x4] =	stream.indirect.gather [hbm4b:s1+s20], $0x80, s14, s20, $0xb8;
	[tilespmem:$0x1CC00] =	vst v63  }
0x156: {  	_ =	swait.ge [sflag:s22], $0x4000  }
0x157: {  	[sflag:s22] =	ssyncset.done $0x0  }
0x158: {  	s14 =	rddreg [dreg:$0x17];
	[sflag:s22] =	ssyncadd.s32 $0xFFFFC000  }
0x159: {  	[spmem:s2] =	stream.indirect.scatter.add.f32 [tilespmem:s15], [sflag:$0x5], $0x80, s14, s20, $0xb8;
	[tilespmem:$0x1CC00] =	vst v63  }
0x15a: {  	_ =	swait.ge [sflag:s23], $0x4000  }
0x15b: {  	[sflag:s23] =	ssyncset.done $0x0  }
0x15c: {  	[sflag:s23] =	ssyncadd.s32 $0xFFFFC000  }
0x15d: {  	[tilespmem:s15], [sflag:$0x3] =	stream.indirect.gather [hbm4b:s1+s20], $0x80, s29, s20, $0xb8;
	[tilespmem:$0x1CC00] =	vst v63  }
0x15e: {  	_ =	swait.ge [sflag:s25], $0x4000  }
0x15f: {  	[sflag:s25] =	ssyncset.done $0x0  }
0x160: {  	[sflag:s25] =	ssyncadd.s32 $0xFFFFC000  }
0x161: {  	[spmem:s2] =	stream.indirect.scatter.add.f32 [tilespmem:s21], [sflag:$0x6], $0x80, s30, s20, $0xb8;
	[tilespmem:$0x1CC00] =	vst v63  }
0x162: {  	_ =	swait.ge [sflag:s26], $0x4000  }
0x163: {  	[sflag:s26] =	ssyncset.done $0x0  }
0x164: {  	[sflag:s26] =	ssyncadd.s32 $0xFFFFC000  }
0x165: {  	[tilespmem:s21], [sflag:$0x4] =	stream.indirect.gather [hbm4b:s1+s20], $0x80, s31, s20, $0xb8;
	[tilespmem:$0x1CC00] =	vst v63  }
0x166: {  	_ =	swait.ge [sflag:s22], $0x4000  }
0x167: {  	[sflag:s22] =	ssyncset.done $0x0  }
0x168: {  	[sflag:s22] =	ssyncadd.s32 $0xFFFFC000  }
0x169: {  	[spmem:s2] =	stream.indirect.scatter.add.f32 [tilespmem:s15], [sflag:$0x5], $0x80, s0, s20, $0xb8;
	[tilespmem:$0x1CC00] =	vst v63  }
0x16a: {  	_ =	swait.ge [sflag:s23], $0x4000  }
0x16b: {  	[sflag:s23] =	ssyncset.done $0x0  }
0x16c: {  	[sflag:s23] =	ssyncadd.s32 $0xFFFFC000  }
0x16d: {  	[tilespmem:s15], [sflag:$0x3] =	stream.indirect.gather [hbm4b:s1+s20], $0x80, s4, s20, $0xb8;
	[tilespmem:$0x1CC00] =	vst v63  }
0x16e: {  	_ =	swait.ge [sflag:s25], $0x4000  }
0x16f: {  	[sflag:s25] =	ssyncset.done $0x0  }
0x170: {  	[sflag:s25] =	ssyncadd.s32 $0xFFFFC000  }
0x171: {  	[spmem:s2] =	stream.indirect.scatter.add.f32 [tilespmem:s21], [sflag:$0x6], $0x80, s6, s20, $0xb8;
	[tilespmem:$0x1CC00] =	vst v63  }
0x172: {  	_ =	swait.ge [sflag:s26], $0x4000  }
0x173: {  	[sflag:s26] =	ssyncset.done $0x0  }
0x174: {  	[sflag:s26] =	ssyncadd.s32 $0xFFFFC000  }
0x175: {  	[tilespmem:s21], [sflag:$0x4] =	stream.indirect.gather [hbm4b:s1+s20], $0x80, s7, s20, $0xb8;
	[tilespmem:$0x1CC00] =	vst v63  }
0x176: {  	_ =	swait.ge [sflag:s22], $0x4000  }
0x177: {  	[sflag:s22] =	ssyncset.done $0x0  }
0x178: {  	[sflag:s22] =	ssyncadd.s32 $0xFFFFC000  }
0x179: {  	[spmem:s2] =	stream.indirect.scatter.add.f32 [tilespmem:s15], [sflag:$0x5], $0x80, s8, s20, $0xb8;
	[tilespmem:$0x1CC00] =	vst v63  }
0x17a: {  	_ =	swait.ge [sflag:s25], $0x4000  }
0x17b: {  	[sflag:s25] =	ssyncset.done $0x0  }
0x17c: {  	[sflag:s25] =	ssyncadd.s32 $0xFFFFC000  }
0x17d: {  	[spmem:s2] =	stream.indirect.scatter.add.f32 [tilespmem:s21], [sflag:$0x6], $0x80, s9, s20, $0xb8;
	[tilespmem:$0x1CC00] =	vst v63  }
0x17e: {  	p2 =	seq.s32 s13, $0x0;
	s13 =	sadd.s32 $0x100, s13;
	_ =	swait.ge [sflag:s23], $0x4000  }
0x17f: {  	p1 =	sne.s32 s13, $0x500;
	[sflag:s23] =	ssyncset.done $0x0  }
.Ltmp1:
0x180: {  	[sflag:s23] =	ssyncadd.s32 $0xFFFFC000;
	(pc) =	sbr.rel @p1 .LBB2_4-.Ltmp1, $4  }
0x181: {  	_ =	swait.ge [sflag:s26], $0x4000  }
0x182: {  	p0 =	por p2, p2;
	[sflag:s26] =	ssyncset.done $0x0  }
0x183: {  	s24 =	sadd.s32 $0x180, s24;
	s5 =	sadd.s32 $0x180, s5;
	[sflag:s26] =	ssyncadd.s32 $0xFFFFC000  }
0x184: {  	[tilespmem:s18], [sflag:$0x2] =	stream.linear.gather [hbm4b:s24+s3], $0x400, $0x38;
	[tilespmem:$0x1CC00] =	vst v63  }
0x185: {  	s10 =	simm.s32 @!p0 $0x1  }
0x186: {  	[tilespmem:s19], [sflag:$0x2] =	stream.linear.gather [hbm4b:s5+s3], $0x400, $0x38;
	[tilespmem:$0x1CC00] =	vst v63  }
0x187: {  	_ =	swait.ge @!p0 [sflag:s10], $0x400  }
0x188: {  	[sflag:s10] =	ssyncset.done @!p0 $0x0  }
0x189: {  	[sflag:s10] =	ssyncadd.s32 @!p0 $0xFFFFFC00  }
0x18a: {  	_ =	swait.ge @!p0 [sflag:s10], $0x400  }
0x18b: {  	[sflag:s10] =	ssyncset.done @!p0 $0x0  }
0x18c: {  	[sflag:s10] =	ssyncadd.s32 @!p0 $0xFFFFFC00  }
0x18d: {  	[tilespmem:s15], [sflag:$0x3] =	stream.indirect.gather [hbm4b:s1+s20], $0x80, s3, s20, $0xb8;
	[tilespmem:$0x1CC00] =	vst v63  }
0x18e: {  	_ = 	snop  }
0x18f: {  	[tilespmem:s21], [sflag:$0x4] =	stream.indirect.gather [hbm4b:s1+s20], $0x80, s20, s20, $0xb8;
	[tilespmem:$0x1CC00] =	vst v63  }
0x190: {  	_ =	swait.ge [sflag:s22], $0x4000  }
0x191: {  	[sflag:s22] =	ssyncset.done $0x0  }
0x192: {  	[sflag:s22] =	ssyncadd.s32 $0xFFFFC000  }
0x193: {  	[spmem:s2] =	stream.indirect.scatter.add.f32 [tilespmem:s15], [sflag:$0x5], $0x80, s17, s20, $0xb8;
	[tilespmem:$0x1CC00] =	vst v63  }
0x194: {  	_ =	swait.ge [sflag:s23], $0x4000  }
0x195: {  	[sflag:s23] =	ssyncset.done $0x0  }
0x196: {  	s10 =	rddreg [dreg:$0x6];
	[sflag:s23] =	ssyncadd.s32 $0xFFFFC000  }
0x197: {  	[tilespmem:s15], [sflag:$0x3] =	stream.indirect.gather [hbm4b:s1+s20], $0x80, s10, s20, $0xb8;
	[tilespmem:$0x1CC00] =	vst v63  }
0x198: {  	_ =	swait.ge [sflag:s25], $0x4000  }
0x199: {  	[sflag:s25] =	ssyncset.done $0x0  }
0x19a: {  	s13 =	rddreg [dreg:$0x7];
	[sflag:s25] =	ssyncadd.s32 $0xFFFFC000  }
0x19b: {  	[spmem:s2] =	stream.indirect.scatter.add.f32 [tilespmem:s21], [sflag:$0x6], $0x80, s13, s20, $0xb8;
	[tilespmem:$0x1CC00] =	vst v63  }
0x19c: {  	_ =	swait.ge [sflag:s26], $0x4000  }
0x19d: {  	[sflag:s26] =	ssyncset.done $0x0  }
0x19e: {  	s14 =	rddreg [dreg:$0x8];
	[sflag:s26] =	ssyncadd.s32 $0xFFFFC000  }
0x19f: {  	[tilespmem:s21], [sflag:$0x4] =	stream.indirect.gather [hbm4b:s1+s20], $0x80, s14, s20, $0xb8;
	[tilespmem:$0x1CC00] =	vst v63  }
0x1a0: {  	_ =	swait.ge [sflag:s22], $0x4000  }
0x1a1: {  	[sflag:s22] =	ssyncset.done $0x0  }
0x1a2: {  	s24 =	rddreg [dreg:$0x9];
	[sflag:s22] =	ssyncadd.s32 $0xFFFFC000  }
0x1a3: {  	[spmem:s2] =	stream.indirect.scatter.add.f32 [tilespmem:s15], [sflag:$0x5], $0x80, s24, s20, $0xb8;
	[tilespmem:$0x1CC00] =	vst v63  }
0x1a4: {  	_ =	swait.ge [sflag:s23], $0x4000  }
0x1a5: {  	[sflag:s23] =	ssyncset.done $0x0  }
0x1a6: {  	s10 =	rddreg [dreg:$0xa];
	[sflag:s23] =	ssyncadd.s32 $0xFFFFC000  }
0x1a7: {  	[tilespmem:s15], [sflag:$0x3] =	stream.indirect.gather [hbm4b:s1+s20], $0x80, s10, s20, $0xb8;
	[tilespmem:$0x1CC00] =	vst v63  }
0x1a8: {  	_ =	swait.ge [sflag:s25], $0x4000  }
0x1a9: {  	[sflag:s25] =	ssyncset.done $0x0  }
0x1aa: {  	s13 =	rddreg [dreg:$0xb];
	[sflag:s25] =	ssyncadd.s32 $0xFFFFC000  }
0x1ab: {  	[spmem:s2] =	stream.indirect.scatter.add.f32 [tilespmem:s21], [sflag:$0x6], $0x80, s13, s20, $0xb8;
	[tilespmem:$0x1CC00] =	vst v63  }
0x1ac: {  	_ =	swait.ge [sflag:s26], $0x4000  }
0x1ad: {  	[sflag:s26] =	ssyncset.done $0x0  }
0x1ae: {  	s14 =	rddreg [dreg:$0xc];
	[sflag:s26] =	ssyncadd.s32 $0xFFFFC000  }
0x1af: {  	[tilespmem:s21], [sflag:$0x4] =	stream.indirect.gather [hbm4b:s1+s20], $0x80, s14, s20, $0xb8;
	[tilespmem:$0x1CC00] =	vst v63  }
0x1b0: {  	_ =	swait.ge [sflag:s22], $0x4000  }
0x1b1: {  	[sflag:s22] =	ssyncset.done $0x0  }
0x1b2: {  	s24 =	rddreg [dreg:$0xd];
	[sflag:s22] =	ssyncadd.s32 $0xFFFFC000  }
0x1b3: {  	[spmem:s2] =	stream.indirect.scatter.add.f32 [tilespmem:s15], [sflag:$0x5], $0x80, s24, s20, $0xb8;
	[tilespmem:$0x1CC00] =	vst v63  }
0x1b4: {  	_ =	swait.ge [sflag:s23], $0x4000  }
0x1b5: {  	[sflag:s23] =	ssyncset.done $0x0  }
0x1b6: {  	s10 =	rddreg [dreg:$0xe];
	[sflag:s23] =	ssyncadd.s32 $0xFFFFC000  }
0x1b7: {  	[tilespmem:s15], [sflag:$0x3] =	stream.indirect.gather [hbm4b:s1+s20], $0x80, s10, s20, $0xb8;
	[tilespmem:$0x1CC00] =	vst v63  }
0x1b8: {  	_ =	swait.ge [sflag:s25], $0x4000  }
0x1b9: {  	[sflag:s25] =	ssyncset.done $0x0  }
0x1ba: {  	s13 =	rddreg [dreg:$0xf];
	[sflag:s25] =	ssyncadd.s32 $0xFFFFC000  }
0x1bb: {  	[spmem:s2] =	stream.indirect.scatter.add.f32 [tilespmem:s21], [sflag:$0x6], $0x80, s13, s20, $0xb8;
	[tilespmem:$0x1CC00] =	vst v63  }
0x1bc: {  	_ =	swait.ge [sflag:s26], $0x4000  }
0x1bd: {  	[sflag:s26] =	ssyncset.done $0x0  }
0x1be: {  	s14 =	rddreg [dreg:$0x10];
	[sflag:s26] =	ssyncadd.s32 $0xFFFFC000  }
0x1bf: {  	[tilespmem:s21], [sflag:$0x4] =	stream.indirect.gather [hbm4b:s1+s20], $0x80, s14, s20, $0xb8;
	[tilespmem:$0x1CC00] =	vst v63  }
0x1c0: {  	_ =	swait.ge [sflag:s22], $0x4000  }
0x1c1: {  	[sflag:s22] =	ssyncset.done $0x0  }
0x1c2: {  	s24 =	rddreg [dreg:$0x11];
	[sflag:s22] =	ssyncadd.s32 $0xFFFFC000  }
0x1c3: {  	[spmem:s2] =	stream.indirect.scatter.add.f32 [tilespmem:s15], [sflag:$0x5], $0x80, s24, s20, $0xb8;
	[tilespmem:$0x1CC00] =	vst v63  }
0x1c4: {  	_ =	swait.ge [sflag:s25], $0x4000  }
0x1c5: {  	[sflag:s25] =	ssyncset.done $0x0  }
0x1c6: {  	s10 =	rddreg [dreg:$0x12];
	[sflag:s25] =	ssyncadd.s32 $0xFFFFC000  }
0x1c7: {  	[spmem:s2] =	stream.indirect.scatter.add.f32 [tilespmem:s21], [sflag:$0x6], $0x80, s10, s20, $0xb8;
	[tilespmem:$0x1CC00] =	vst v63  }
0x1c8: {  	_ =	swait.ge [sflag:s23], $0x4000  }
0x1c9: {  	[sflag:s23] =	ssyncset.done $0x0  }
0x1ca: {  	[sflag:s23] =	ssyncadd.s32 $0xFFFFC000  }
0x1cb: {  	_ =	swait.ge [sflag:s26], $0x4000  }
0x1cc: {  	s13 =	rddreg [dreg:$0x4]  }
0x1cd: {  	s14 =	rddreg [dreg:$0x5];
	[sflag:s26] =	ssyncset.done $0x0;
	s5 =	sadd.s32 s12, s13  }
0x1ce: {  	[sflag:s26] =	ssyncadd.s32 $0xFFFFC000;
	s12 =	sadd.s32 s12, s14;
	s13 =	sadd.s32 $0x100, s5  }
0x1cf: {  	[tilespmem:s3], [sflag:$0x1] =	stream.linear.gather [hbm4b:s13+s3], $0x400, $0x38;
	[tilespmem:$0x1CC00] =	vst v63  }
0x1d0: {  	s10 =	sadd.s32 $0x100, s12  }
0x1d1: {  	[tilespmem:s17], [sflag:$0x1] =	stream.linear.gather [hbm4b:s10+s3], $0x400, $0x38;
	[tilespmem:$0x1CC00] =	vst v63  }
0x1d2: {  	_ =	swait.ge [sflag:s28], $0x400  }
0x1d3: {  	[sflag:s28] =	ssyncset.done $0x0  }
0x1d4: {  	[sflag:s28] =	ssyncadd.s32 $0xFFFFFC00  }
0x1d5: {  	_ =	swait.ge [sflag:s28], $0x400  }
0x1d6: {  	[sflag:s28] =	ssyncset.done $0x0  }
0x1d7: {  	[sflag:s28] =	ssyncadd.s32 $0xFFFFFC00  }
0x1d8: {  	[tilespmem:s15], [sflag:$0x3] =	stream.indirect.gather [hbm4b:s1+s20], $0x80, s18, s20, $0xb8;
	[tilespmem:$0x1CC00] =	vst v63  }
0x1d9: {  	s24 =	rddreg [dreg:$0x13]  }
0x1da: {  	[tilespmem:s21], [sflag:$0x4] =	stream.indirect.gather [hbm4b:s1+s20], $0x80, s24, s20, $0xb8;
	[tilespmem:$0x1CC00] =	vst v63  }
0x1db: {  	_ =	swait.ge [sflag:s22], $0x4000  }
0x1dc: {  	[sflag:s22] =	ssyncset.done $0x0  }
0x1dd: {  	[sflag:s22] =	ssyncadd.s32 $0xFFFFC000  }
0x1de: {  	[spmem:s2] =	stream.indirect.scatter.add.f32 [tilespmem:s15], [sflag:$0x5], $0x80, s19, s20, $0xb8;
	[tilespmem:$0x1CC00] =	vst v63  }
0x1df: {  	_ =	swait.ge [sflag:s23], $0x4000  }
0x1e0: {  	[sflag:s23] =	ssyncset.done $0x0  }
0x1e1: {  	s13 =	rddreg [dreg:$0x14];
	[sflag:s23] =	ssyncadd.s32 $0xFFFFC000  }
0x1e2: {  	[tilespmem:s15], [sflag:$0x3] =	stream.indirect.gather [hbm4b:s1+s20], $0x80, s13, s20, $0xb8;
	[tilespmem:$0x1CC00] =	vst v63  }
0x1e3: {  	_ =	swait.ge [sflag:s25], $0x4000  }
0x1e4: {  	[sflag:s25] =	ssyncset.done $0x0  }
0x1e5: {  	s14 =	rddreg [dreg:$0x15];
	[sflag:s25] =	ssyncadd.s32 $0xFFFFC000  }
0x1e6: {  	[spmem:s2] =	stream.indirect.scatter.add.f32 [tilespmem:s21], [sflag:$0x6], $0x80, s14, s20, $0xb8;
	[tilespmem:$0x1CC00] =	vst v63  }
0x1e7: {  	_ =	swait.ge [sflag:s26], $0x4000  }
0x1e8: {  	[sflag:s26] =	ssyncset.done $0x0  }
0x1e9: {  	s24 =	rddreg [dreg:$0x16];
	[sflag:s26] =	ssyncadd.s32 $0xFFFFC000  }
0x1ea: {  	[tilespmem:s21], [sflag:$0x4] =	stream.indirect.gather [hbm4b:s1+s20], $0x80, s24, s20, $0xb8;
	[tilespmem:$0x1CC00] =	vst v63  }
0x1eb: {  	_ =	swait.ge [sflag:s22], $0x4000  }
0x1ec: {  	[sflag:s22] =	ssyncset.done $0x0  }
0x1ed: {  	s13 =	rddreg [dreg:$0x17];
	[sflag:s22] =	ssyncadd.s32 $0xFFFFC000  }
0x1ee: {  	[spmem:s2] =	stream.indirect.scatter.add.f32 [tilespmem:s15], [sflag:$0x5], $0x80, s13, s20, $0xb8;
	[tilespmem:$0x1CC00] =	vst v63  }
0x1ef: {  	_ =	swait.ge [sflag:s23], $0x4000  }
0x1f0: {  	[sflag:s23] =	ssyncset.done $0x0  }
0x1f1: {  	[sflag:s23] =	ssyncadd.s32 $0xFFFFC000  }
0x1f2: {  	[tilespmem:s15], [sflag:$0x3] =	stream.indirect.gather [hbm4b:s1+s20], $0x80, s29, s20, $0xb8;
	[tilespmem:$0x1CC00] =	vst v63  }
0x1f3: {  	_ =	swait.ge [sflag:s25], $0x4000  }
0x1f4: {  	[sflag:s25] =	ssyncset.done $0x0  }
0x1f5: {  	[sflag:s25] =	ssyncadd.s32 $0xFFFFC000  }
0x1f6: {  	[spmem:s2] =	stream.indirect.scatter.add.f32 [tilespmem:s21], [sflag:$0x6], $0x80, s30, s20, $0xb8;
	[tilespmem:$0x1CC00] =	vst v63  }
0x1f7: {  	_ =	swait.ge [sflag:s26], $0x4000  }
0x1f8: {  	[sflag:s26] =	ssyncset.done $0x0  }
0x1f9: {  	[sflag:s26] =	ssyncadd.s32 $0xFFFFC000  }
0x1fa: {  	[tilespmem:s21], [sflag:$0x4] =	stream.indirect.gather [hbm4b:s1+s20], $0x80, s31, s20, $0xb8;
	[tilespmem:$0x1CC00] =	vst v63  }
0x1fb: {  	_ =	swait.ge [sflag:s22], $0x4000  }
0x1fc: {  	[sflag:s22] =	ssyncset.done $0x0  }
0x1fd: {  	[sflag:s22] =	ssyncadd.s32 $0xFFFFC000  }
0x1fe: {  	[spmem:s2] =	stream.indirect.scatter.add.f32 [tilespmem:s15], [sflag:$0x5], $0x80, s0, s20, $0xb8;
	[tilespmem:$0x1CC00] =	vst v63  }
0x1ff: {  	_ =	swait.ge [sflag:s23], $0x4000  }
0x200: {  	[sflag:s23] =	ssyncset.done $0x0  }
0x201: {  	[sflag:s23] =	ssyncadd.s32 $0xFFFFC000  }
0x202: {  	[tilespmem:s15], [sflag:$0x3] =	stream.indirect.gather [hbm4b:s1+s20], $0x80, s4, s20, $0xb8;
	[tilespmem:$0x1CC00] =	vst v63  }
0x203: {  	_ =	swait.ge [sflag:s25], $0x4000  }
0x204: {  	[sflag:s25] =	ssyncset.done $0x0  }
0x205: {  	[sflag:s25] =	ssyncadd.s32 $0xFFFFC000  }
0x206: {  	[spmem:s2] =	stream.indirect.scatter.add.f32 [tilespmem:s21], [sflag:$0x6], $0x80, s6, s20, $0xb8;
	[tilespmem:$0x1CC00] =	vst v63  }
0x207: {  	_ =	swait.ge [sflag:s26], $0x4000  }
0x208: {  	[sflag:s26] =	ssyncset.done $0x0  }
0x209: {  	[sflag:s26] =	ssyncadd.s32 $0xFFFFC000  }
0x20a: {  	[tilespmem:s21], [sflag:$0x4] =	stream.indirect.gather [hbm4b:s1+s20], $0x80, s7, s20, $0xb8;
	[tilespmem:$0x1CC00] =	vst v63  }
0x20b: {  	_ =	swait.ge [sflag:s22], $0x4000  }
0x20c: {  	[sflag:s22] =	ssyncset.done $0x0  }
0x20d: {  	[sflag:s22] =	ssyncadd.s32 $0xFFFFC000  }
0x20e: {  	[spmem:s2] =	stream.indirect.scatter.add.f32 [tilespmem:s15], [sflag:$0x5], $0x80, s8, s20, $0xb8;
	[tilespmem:$0x1CC00] =	vst v63  }
0x20f: {  	_ =	swait.ge [sflag:s25], $0x4000  }
0x210: {  	[sflag:s25] =	ssyncset.done $0x0  }
0x211: {  	[sflag:s25] =	ssyncadd.s32 $0xFFFFC000  }
0x212: {  	[spmem:s2] =	stream.indirect.scatter.add.f32 [tilespmem:s21], [sflag:$0x6], $0x80, s9, s20, $0xb8;
	[tilespmem:$0x1CC00] =	vst v63  }
0x213: {  	_ =	swait.ge [sflag:s23], $0x4000  }
0x214: {  	[sflag:s23] =	ssyncset.done $0x0  }
0x215: {  	[sflag:s23] =	ssyncadd.s32 $0xFFFFC000  }
0x216: {  	_ =	swait.ge [sflag:s26], $0x4000  }
0x217: {  	[sflag:s26] =	ssyncset.done $0x0  }
0x218: {  	s5 =	sadd.s32 $0x180, s5;
	[sflag:s26] =	ssyncadd.s32 $0xFFFFC000  }
0x219: {  	[tilespmem:s18], [sflag:$0x2] =	stream.linear.gather [hbm4b:s5+s3], $0x400, $0x38;
	[tilespmem:$0x1CC00] =	vst v63  }
0x21a: {  	s14 =	sadd.s32 $0x180, s12;
	s24 =	simm.s32 $0x1  }
0x21b: {  	[tilespmem:s19], [sflag:$0x2] =	stream.linear.gather [hbm4b:s14+s3], $0x400, $0x38;
	[tilespmem:$0x1CC00] =	vst v63  }
0x21c: {  	_ =	swait.ge [sflag:s24], $0x400  }
0x21d: {  	[sflag:s24] =	ssyncset.done $0x0  }
0x21e: {  	[sflag:s24] =	ssyncadd.s32 $0xFFFFFC00  }
0x21f: {  	_ =	swait.ge [sflag:s24], $0x400  }
0x220: {  	[sflag:s24] =	ssyncset.done $0x0  }
0x221: {  	[sflag:s24] =	ssyncadd.s32 $0xFFFFFC00  }
0x222: {  	_ =	swait.ge [sflag:s28], $0x400  }
0x223: {  	[sflag:s28] =	ssyncset.done $0x0  }
0x224: {  	[sflag:s28] =	ssyncadd.s32 $0xFFFFFC00  }
0x225: {  	_ =	swait.ge [sflag:s28], $0x400  }
0x226: {  	[sflag:s28] =	ssyncset.done $0x0  }
0x227: {  	[sflag:s28] =	ssyncadd.s32 $0xFFFFFC00  }
0x228: {  	[bflag:$0x0] =	sbarrier.arrive $0xFFFF  }
0x229: {  	s10 =	stileid.u32;
	s14 =	sld [smem:$0x7FD]  }
0x22a: {  	s5 =	sshll.u32 s10, $0x6;
	s13 =	rddreg [dreg:$0x18]  }
0x22b: {  	s5 =	sor.u32 $0x1C07, s5;
	s12 =	sshrl.u32 s13, $0x3  }
0x22c: {  	[hbm:s14], [sflag:s5] =	dma.local [spmem:s12], $0x2780  }
0x22d: {  	_ =	swait.ge [sflag:s16], $0x2780  }
0x22e: {  	s24 =	sld [smem:$0x7FC];
	_ =	sdelay $0x1  }
0x22f: {  	s11 =	sadd.s32 $0x1, s11  }
0x230: {  	p0 =	sne.s32 s11, s24  }
.Ltmp2:
0x231: {  	_ = 	snop;
	(pc) =	sbr.rel @p0 .LBB2_1-.Ltmp2, $3  }
0x232: {  	_ =	sdelay $0x1  }
0x233: {  	[sflag:s16] =	ssyncset.done $0x0  }
0x234: {  	[sflag:s16] =	ssyncadd.s32 $0xFFFFD880  }
0x235: {  	_ =	sfence.sel $0x180000  }
0x236: {  	[bflag:$0x0] =	sbarrier.arrive $0xFFFF  }
0x237: {  	_ =	strace $0x9000004A  }
0x238: {  	s0 =	stileid.u32;
	[bflag:$0x2] =	sbarrier.arrive $0xFFFF  }
0x239: {  	p0 =	sne.s32 s0, $0x0;
	s0 =	rddreg [dreg:$0x3]  }
0x23a: {  	s0 =	sadd.s32 @!p0 $0x100000, s0  }
0x23b: {  	[sflag:s0] =	ssyncadd.tile.s32 @!p0 $0x1;
	_ =	shalt  }
.Lfunc_end2:
_tile_overlayer_lowered:
.L_overlay_start_2:
0x23c: {  	(tag) =	ssettag $0x2  }
0x23d: {  	s0 =	rddreg [dreg:$0x0];
	s2 =	stileid.u32  }
0x23e: {  	s1 =	rddreg [dreg:$0x1];
	p0 =	sne.s32 s2, $0x0  }
0x23f: {  	s3 =	rddreg [dreg:$0x2];
	[bflag:$0x3] =	sbarrier.arrive $0xFFFF;
	s2 =	simm.s32 @!p0 $0x1C07  }
0x240: {  	[timem:s3], [sflag:s2] =	dma.local @!p0 [hbm:s0], s1  }
0x241: {  	s0 =	simm.s32 @!p0 $0x7  }
0x242: {  	_ =	swait.ge @!p0 [sflag:s0], s1  }
0x243: {  	s1 =	ssub.s32 @!p0 $0x0, s1;
	[sflag:s0] =	ssyncset.done @!p0 $0x0  }
0x244: {  	[sflag:s0] =	ssyncadd.s32 @!p0 s1  }
0x245: {  	[bflag:$0x3] =	sbarrier.arrive $0xFFFF  }
0x246: {  	_ =	shalt  }

// kernel: kernel.8.cloned.1.call-start
scs
__scs_entry_jumppad:
0x0: {  	(pc) =	sbr.rel $0x88, $3  }
0x1: {  	(tag) =	ssettag $0x0;
	lr =	simm.s32 $0x1  }
0x2: {  	[smem:$0x3F9B] =	sst lr;
	_ =	strace $0xD0000000  }
0x3: {  	_ = 	snop  }
0x4: {  	_ = 	snop  }
0x5: {  	_ = 	snop  }
0x6: {  	_ = 	snop  }
0x7: {  	_ = 	snop  }
__scs_overlays_trampoline_lowered:
0x8: {  	[smem:$0x3FAA] =	sst s0  }
0x9: {  	[smem:$0x3FAB] =	sst s1  }
0xa: {  	[smem:$0x3FAC] =	sst s2  }
0xb: {  	[smem:$0x3FAD] =	sst s3  }
0xc: {  	[smem:$0x3FAE] =	sst s4  }
0xd: {  	[smem:$0x3FAF] =	sst s5  }
0xe: {  	[smem:$0x3FB0] =	sst s6  }
0xf: {  	[smem:$0x3FB1] =	sst s7  }
0x10: {  	[smem:$0x3FB2] =	sst s8  }
0x11: {  	[smem:$0x3FB3] =	sst s9;
	s0 =	simm.s32 @!p0 $0x0  }
0x12: {  	s1 =	sld [smem:$0x3F99];
	s0 =	simm.s32 @p0 $0x1  }
0x13: {  	[smem:$0x3FB4] =	sst s0;
	s0 =	simm.s32 @!p1 $0x0  }
0x14: {  	s2 =	sld [smem:$0x3F98];
	s0 =	simm.s32 @p1 $0x1  }
0x15: {  	[smem:$0x3FB5] =	sst s0;
	s0 =	simm.s32 @!p2 $0x0  }
0x16: {  	s3 =	sld [smem:$0x3FDB];
	s0 =	simm.s32 @p2 $0x1  }
0x17: {  	s4 =	simm.s32 $0x1BF5;
	[smem:$0x3FB7] =	sst s0  }
0x18: {  	s0 =	sld [smem:$0x3F9A];
	_ =	swait.ge [sflag:s4], $0x0  }
0x19: {  	s7 =	sld [smem:$0x3F9B]  }
0x1a: {  	s8 =	sadd.s32 $0xFFFFE003, lr  }
0x1b: {  	s9 =	sadd.s32 $0xFFFFFEF7, lr;
	s5 =	simm.s32 $0xFFFFFFFF;
	p2 =	slt.u32 s8, $0xFFFFF086  }
0x1c: {  	p1 =	slt.u32 s9, $0xF7A;
	s5 =	simm.s32 @!p2 $0x0  }
0x1d: {  	s5 =	simm.s32 @p1 $0x1;
	p0 =	seq.s32 s7, s2  }
0x1e: {  	s7 =	smul.u32 @!p0 $0xF7A, s2;
	p2 =	seq.s32 @!p0 s5, $0x0  }
0x1f: {  	s9 =	smul.u32 $0xF7A, s1;
	s8 =	simm.s32 @!p0 $0x1BF5;
	p2 =	por !p2, p0  }
0x20: {  	[sflag:s8] =	ssyncset.s32 @!p0 $0xFFFFF086;
	s6 =	sadd.s32 @!p0 s3, s7;
	s7 =	simm.s32 @!p0 $0x108  }
0x21: {  	s3 =	sadd.s32 s3, s9;
	s6 =	sadd.s32 @!p0 $0x88, s6;
	s7 =	simm.s32 @p2 $0x1082  }
0x22: {  	[simem:s7], [sflag:s8] =	dma.local @!p0 [hbm:s6], $0xF7A  }
0x23: {  	s9 =	sor.u32 $0xD0000000, s2;
	s6 =	simm.s32 $0x108;
	_ =	swait.ge @!p0 [sflag:s8], $0x0  }
0x24: {  	s3 =	sadd.s32 $0x88, s3;
	s6 =	simm.s32 @!p1 $0x1082;
	[sflag:s4] =	ssyncset.s32 $0xFFFFF086  }
0x25: {  	[simem:s6], [sflag:s4] =	dma.local [hbm:s3], $0xF7A  }
0x26: {  	[smem:$0x3F9B] =	sst s1;
	(tag) =	ssettag s2;
	_ =	strace s9  }
0x27: {  	s1 =	sld [smem:$0x3FAB]  }
0x28: {  	s2 =	sld [smem:$0x3FAC]  }
0x29: {  	s4 =	sld [smem:$0x3FAE]  }
0x2a: {  	p0 =	seq.s32 s5, $0x0;
	s5 =	sld [smem:$0x3FAF]  }
0x2b: {  	s6 =	sld [smem:$0x3FB0]  }
0x2c: {  	s7 =	sld [smem:$0x3FB1]  }
0x2d: {  	s3 =	simm.s32 $0x108;
	s8 =	sld [smem:$0x3FB2]  }
0x2e: {  	s3 =	simm.s32 @!p0 $0x1082;
	s9 =	sld [smem:$0x3FB3]  }
0x2f: {  	lr =	sadd.s32 s0, s3;
	s0 =	sld [smem:$0x3FAA]  }
0x30: {  	s3 =	sld [smem:$0x3FAD]  }
0x31: {  	[smem:$0x3FB6] =	sst s10  }
0x32: {  	s10 =	sld [smem:$0x3FB4];
	_ =	sdelay $0x3  }
0x33: {  	p0 =	seq.s32 s10, $0x1;
	s10 =	sld [smem:$0x3FB6];
	_ =	sdelay $0x3  }
0x34: {  	[smem:$0x3FB6] =	sst s10  }
0x35: {  	s10 =	sld [smem:$0x3FB5];
	_ =	sdelay $0x3  }
0x36: {  	p1 =	seq.s32 s10, $0x1;
	s10 =	sld [smem:$0x3FB6];
	_ =	sdelay $0x3  }
0x37: {  	[smem:$0x3FB6] =	sst s10  }
0x38: {  	s10 =	sld [smem:$0x3FB7]  }
0x39: {  	_ = 	snop;
	(pc) =	sbr.ind lr, $3  }
0x3a: {  	_ = 	snop  }
0x3b: {  	_ = 	snop  }
0x3c: {  	p2 =	seq.s32 s10, $0x1;
	s10 =	sld [smem:$0x3FB6]  }
0x3d: {  	_ =	shalt  }
0x3e: {  	_ =	shalt  }
0x3f: {  	_ =	shalt  }
0x40: {  	_ =	shalt  }
0x41: {  	_ =	shalt  }
0x42: {  	_ =	shalt  }
0x43: {  	_ =	shalt  }
0x44: {  	_ =	shalt  }
0x45: {  	_ =	shalt  }
0x46: {  	_ =	shalt  }
0x47: {  	_ =	shalt  }
0x48: {  	_ =	shalt  }
0x49: {  	_ =	shalt  }
0x4a: {  	_ =	shalt  }
0x4b: {  	_ =	shalt  }
0x4c: {  	_ =	shalt  }
0x4d: {  	_ =	shalt  }
0x4e: {  	_ =	shalt  }
0x4f: {  	_ =	shalt  }
0x50: {  	_ =	shalt  }
0x51: {  	_ =	shalt  }
0x52: {  	_ =	shalt  }
0x53: {  	_ =	shalt  }
0x54: {  	_ =	shalt  }
0x55: {  	_ =	shalt  }
0x56: {  	_ =	shalt  }
0x57: {  	_ =	shalt  }
0x58: {  	_ =	shalt  }
0x59: {  	_ =	shalt  }
0x5a: {  	_ =	shalt  }
0x5b: {  	_ =	shalt  }
0x5c: {  	_ =	shalt  }
0x5d: {  	_ =	shalt  }
0x5e: {  	_ =	shalt  }
0x5f: {  	_ =	shalt  }
0x60: {  	_ =	shalt  }
0x61: {  	_ =	shalt  }
0x62: {  	_ =	shalt  }
0x63: {  	_ =	shalt  }
0x64: {  	_ =	shalt  }
0x65: {  	_ =	shalt  }
0x66: {  	_ =	shalt  }
0x67: {  	_ =	shalt  }
0x68: {  	_ =	shalt  }
0x69: {  	_ =	shalt  }
0x6a: {  	_ =	shalt  }
0x6b: {  	_ =	shalt  }
0x6c: {  	_ =	shalt  }
0x6d: {  	_ =	shalt  }
0x6e: {  	_ =	shalt  }
0x6f: {  	_ =	shalt  }
0x70: {  	_ =	shalt  }
0x71: {  	_ =	shalt  }
0x72: {  	_ =	shalt  }
0x73: {  	_ =	shalt  }
0x74: {  	_ =	shalt  }
0x75: {  	_ =	shalt  }
0x76: {  	_ =	shalt  }
0x77: {  	_ =	shalt  }
0x78: {  	_ =	shalt  }
0x79: {  	_ =	shalt  }
0x7a: {  	_ =	shalt  }
0x7b: {  	_ =	shalt  }
0x7c: {  	_ =	shalt  }
0x7d: {  	_ =	shalt  }
0x7e: {  	_ =	shalt  }
0x7f: {  	_ =	shalt  }
0x80: {  	_ =	shalt  }
0x81: {  	_ =	shalt  }
0x82: {  	_ =	shalt  }
0x83: {  	_ =	shalt  }
0x84: {  	_ =	shalt  }
0x85: {  	_ =	shalt  }
0x86: {  	_ =	shalt  }
0x87: {  	_ =	shalt  }
.Lfunc_end0:
.L_simem_size_0:
called_computation_lowered:
.L_overlay_start_0:
0x88: {  	s2 =	sld [smem:$0x3FD9]  }
0x89: {  	s3 =	sld [smem:$0x3FFE];
	_ =	sdelay $0x1  }
0x8a: {  	s1 =	srdreg.scid  }
0x8b: {  	s0 =	sand.u32 $0x1, s1  }
0x8c: {  	s17 =	sshll.u32 s0, $0xA;
	s2 =	sadd.s32 s3, s2  }
0x8d: {  	s2 =	sadd.s32 s2, s17  }
0x8e: {  	[smem:$0x3FC2] =	sst s2  }
0x8f: {  	_ = 	snop  }
0x90: {  	s2 =	sld [smem:$0x3FC9]  }
0x91: {  	s18 =	sld [smem:$0x3FD0];
	(tm) =	ssettm $0x1  }
0x92: {  	s4 =	sld [smem:$0x3FFB];
	_ =	sdelay $0x3  }
0x93: {  	_ =	strace s4  }
0x94: {  	s4 =	sld [smem:$0x3FFC];
	_ =	sdelay $0x3  }
0x95: {  	_ =	strace s4  }
0x96: {  	s4 =	sld [smem:$0x3FFD];
	_ =	sdelay $0x3  }
0x97: {  	_ =	strace s4  }
0x98: {  	_ =	strace $0x8FFFFFFF  }
0x99: {  	s19 =	sld [smem:$0x3FDB];
	_ =	sdelay $0x1  }
0x9a: {  	s5 =	simm.s32 $_scs_section_size  }
0x9b: {  	s6 =	simm.s32 $_size__tile_overlayer_lowered;
	s7 =	simm.s32 $_tile_overlayer_lowered  }
0x9c: {  	s22 =	simm.s32 $0x1BFF;
	s21 =	sshll.u32 s7, $0x1;
	s4 =	sadd.s32 s5, s19  }
0x9d: {  	s8 =	simm.s32 $0x0;
	s20 =	sshll.u32 s6, $0x1;
	s6 =	sadd.s32 s21, s4  }
0x9e: {  	[timem:s8], [sflag:s22] =	dma.local [hbm:s6], s20  }
0x9f: {  	_ =	swait.ge [sflag:s22], s20  }
0xa0: {  	s5 =	ssub.s32 $0x0, s20;
	[sflag:s22] =	ssyncset.done $0x0  }
0xa1: {  	[sflag:s22] =	ssyncadd.s32 s5;
	_ =	sdelay $0x1  }
0xa2: {  	s23 =	simm.s32 $0x1B8B  }
0xa3: {  	_ =	swait.ge [sflag:s23], $0x1  }
0xa4: {  	[sflag:s23] =	ssyncset.done $0x0  }
0xa5: {  	s25 =	simm.s32 $0x1B8E;
	s24 =	sld [smem:$0x3FFE];
	[sflag:s23] =	ssyncadd.s32 $0xFFFFFFFF  }
0xa6: {  	s26 =	simm.s32 $execute0_lowered;
	[smem:$0x3FD2] =	sst s25  }
0xa7: {  	s6 =	sshll.u32 s26, $0x1;
	_ =	strace $0x80000046;
	[dreg:$0x1] =	wrdreg $0xFFFFFFFF  }
0xa8: {  	s28 =	simm.s32 $_size_execute0_lowered;
	s4 =	sadd.s32 s4, s6;
	[dreg:$0x0] =	wrdreg $0x0  }
0xa9: {  	s6 =	sshll.u32 s28, $0x1;
	[dreg:$0x2] =	wrdreg s4  }
0xaa: {  	[dreg:$0x3] =	wrdreg s6  }
0xab: {  	[dreg:$0x4] =	wrdreg $0xC0  }
0xac: {  	_ =	task [dreg:s8], $0x5FFFF  }
0xad: {  	[dreg:$0x1] =	wrdreg $0xFFFFFFFF  }
0xae: {  	[dreg:$0x0] =	wrdreg $0x60  }
0xaf: {  	[dreg:$0x2] =	wrdreg s2  }
0xb0: {  	[dreg:$0x3] =	wrdreg s24  }
0xb1: {  	[dreg:$0x4] =	wrdreg s18  }
0xb2: {  	[dreg:$0x5] =	wrdreg $0xB8800  }
0xb3: {  	[dreg:$0x6] =	wrdreg $0x1F4800  }
0xb4: {  	[dreg:$0x7] =	wrdreg $0x9  }
0xb5: {  	_ =	task.clear_ibuf [dreg:s8], $0x8FFFF;
	_ =	strace $0x90000046  }
0xb6: {  	s29 =	simm.s32 $0x9;
	_ =	strace $0x80000048  }
0xb7: {  	_ =	swait.ge [sflag:s29], $0x1  }
0xb8: {  	[sflag:s29] =	ssyncadd.s32 $0xFFFFFFFF  }
0xb9: {  	_ =	strace $0x90000048  }
0xba: {  	_ =	sfence  }
0xbb: {  	s30 =	sld [smem:$0x0];
	_ =	sdelay $0x2  }
0xbc: {  	s31 =	sshll.u32 s1, $0xD;
	s1 =	sshrl.u32 s1, $0x2  }
0xbd: {  	s3 =	sand.u32 $0x4000, s31;
	s1 =	sadd.s32 s1, s30  }
0xbe: {  	s0 =	sor.u32 s3, s0;
	s1 =	sshll.u32 s1, $0x11  }
0xbf: {  	s0 =	sor.u32 s1, s0  }
0xc0: {  	s0 =	sadd.s32 $0x8F2B, s0  }
0xc1: {  	[sflag:s0] =	ssyncadd.remote.s32 $0x1  }
0xc2: {  	_ =	sfence.sel $0xFFFF  }
0xc3: {  	[dreg:$0x0] =	wrdreg $0xFFFFFFFF;
	(pc) =	sbr.abs _section_cstart, $3  }
0xc4: {  	[dreg:$0x1] =	wrdreg $0xFFFFFFFF  }
0xc5: {  	_ =	task.clear_ibuf [dreg:s8], $0x2FFFF;
	_ =	strace $0x9FFFFFFF  }
0xc6: {  	(tm) =	ssettm $0x7FFFFFFF  }
0xc7: {  	_ =	shalt  }
tec
execute0_lowered:
.L_overlay_start_1:
0x0: {  	(tag) =	ssettag $0x1  }
0x1: {  	s1 =	rddreg [dreg:$0x0]  }
0x2: {  	s5 =	rddreg [dreg:$0x1]  }
0x3: {  	s0 =	rddreg [dreg:$0x2]  }
0x4: {  	s2 =	rddreg [dreg:$0x3]  }
0x5: {  	s24 =	rddreg [dreg:$0x4];
	s4 =	simm.s32 $0x0  }
0x6: {  	s6 =	srdreg.scid;
	s3 =	stileid.u32;
	s25 =	simm.s32 $0x100  }
0x7: {  	s16 =	simm.s32 $0x180;
	s18 =	simm.s32 $0x500;
	[smem:$0x7FF] =	sst s4  }
0x8: {  	s6 =	sand.u32 $0x1, s6;
	s8 =	sadd.s32 $0x2400, s5;
	s10 =	sadd.s32 $0x16800, s5  }
0x9: {  	s19 =	smul.u32 $0x4F000, s3;
	_ =	strace $0x80000047;
	[dreg:$0x1b] =	wrdreg s10  }
0xa: {  	s9 =	sadd.s32 $0xC600, s5;
	s7 =	smul.u32 $0x27800, s6;
	[dreg:$0x8] =	wrdreg s25  }
0xb: {  	s20 =	ssub.s32 $0x2, s6;
	s11 =	smul.u32 $0x5000, s6;
	[dreg:$0xa] =	wrdreg s16  }
0xc: {  	s13 =	sshll.u32 s6, $0x4;
	[dreg:$0xb] =	wrdreg s18;
	s25 =	simm.s32 $0x280  }
0xd: {  	s6 =	smul.u32 $0x500, s6;
	s18 =	simm.s32 $0x880;
	s12 =	sshrl.u32 s20, $0x1  }
0xe: {  	s13 =	sor.u32 s3, s13;
	s10 =	sshrl.u32 s19, $0x2;
	[dreg:$0xe] =	wrdreg s25  }
0xf: {  	[dreg:$0x15] =	wrdreg s18;
	s25 =	simm.s32 $0xA00;
	s5 =	sadd.s32 s7, s5  }
0x10: {  	s12 =	ssub.s32 s20, s12;
	s20 =	simm.s32 $0x200;
	[dreg:$0x1a] =	wrdreg s25  }
0x11: {  	s7 =	sadd.s32 s10, s2;
	s10 =	simm.s32 $0x300;
	[dreg:$0xc] =	wrdreg s20  }
0x12: {  	s17 =	smul.u32 $0x500, s13;
	s13 =	simm.s32 $0x680;
	[dreg:$0x10] =	wrdreg s10  }
0x13: {  	s14 =	smul.u32 $0x500, s3;
	s0 =	sadd.s32 s0, s6;
	[dreg:$0x11] =	wrdreg s13  }
0x14: {  	s28 =	simm.s32 $0x9080;
	s21 =	sadd.s32 s11, s8;
	[smem:$0x7FB] =	sst s0  }
0x15: {  	s29 =	simm.s32 $0x3;
	s15 =	sadd.s32 s14, s21;
	[dreg:$0x1c] =	wrdreg s7  }
0x16: {  	s11 =	sadd.s32 s11, s9;
	s23 =	sadd.s32 $0x4000, s7;
	[dreg:$0x6] =	wrdreg s15  }
0x17: {  	s30 =	simm.s32 $0x5;
	s22 =	sadd.s32 s14, s11;
	[dreg:$0x1d] =	wrdreg s23  }
0x18: {  	s31 =	simm.s32 $0x4;
	s26 =	sadd.s32 $0x8000, s7;
	[dreg:$0x7] =	wrdreg s22  }
0x19: {  	p0 =	sne.s32 s3, $0x0;
	s14 =	simm.s32 $0x480;
	[dreg:$0x1e] =	wrdreg s26  }
0x1a: {  	s16 =	smul.u32 $0x2780, s3;
	s19 =	sadd.s32 $0x10000, s7;
	[dreg:$0x9] =	wrdreg s14  }
0x1b: {  	s18 =	simm.s32 $0x1000;
	s20 =	simm.s32 $0x900;
	[smem:$0x7F6] =	sst s19  }
0x1c: {  	s25 =	simm.s32 $0x80;
	s15 =	sadd.s32 $0xC000, s7;
	[dreg:$0x16] =	wrdreg s20  }
0x1d: {  	s6 =	simm.s32 $0xD80;
	s21 =	sadd.s32 s8, s17;
	[dreg:$0x1f] =	wrdreg s15  }
0x1e: {  	s5 =	sadd.s32 $0x16A00, s5;
	s23 =	sadd.s32 s9, s17;
	[smem:$0x7F7] =	sst s21  }
0x1f: {  	s0 =	simm.s32 $0x6;
	s22 =	simm.s32 $0x580;
	[smem:$0x7F8] =	sst s23  }
0x20: {  	s10 =	simm.s32 $0xB00;
	s26 =	simm.s32 $0x600;
	[dreg:$0xd] =	wrdreg s22  }
0x21: {  	s13 =	simm.s32 $0xF00;
	s14 =	simm.s32 $0x380;
	[dreg:$0xf] =	wrdreg s26  }
0x22: {  	s11 =	sor.u32 $0x80, s17;
	s17 =	simm.s32 $0x780;
	[dreg:$0x12] =	wrdreg s14  }
0x23: {  	s19 =	smax.u32 s12, $0x1;
	s12 =	simm.s32 $0xB80;
	[dreg:$0x14] =	wrdreg s17  }
0x24: {  	s8 =	sadd.s32 s8, s11;
	s9 =	sadd.s32 s9, s11;
	[smem:$0x7FC] =	sst s19  }
0x25: {  	s15 =	simm.s32 $0x700;
	s21 =	simm.s32 $0xC80;
	[smem:$0x7F9] =	sst s8  }
0x26: {  	s19 =	simm.s32 $0x7;
	s22 =	simm.s32 $0x980;
	[smem:$0x7FA] =	sst s9  }
0x27: {  	s23 =	simm.s32 $0xD00;
	s26 =	sadd.s32 s16, s5;
	[dreg:$0x13] =	wrdreg s15  }
0x28: {  	s5 =	simm.s32 $0x2;
	s11 =	simm.s32 $0xE80;
	[dreg:$0x17] =	wrdreg s21  }
0x29: {  	s14 =	simm.s32 $0xF80;
	s16 =	simm.s32 $0x0;
	[dreg:$0x18] =	wrdreg s22  }
0x2a: {  	[dreg:$0x19] =	wrdreg s23;
	s21 =	simm.s32 $0x400;
	s22 =	simm.s32 $0x800  }
0x2b: {  	s23 =	simm.s32 $0xC00;
	[smem:$0x7FD] =	sst s26;
	s26 =	simm.s32 $0x5000  }
0x2c: {  	v0 =	vimm.f32 $0.0e+00;
	v1 =	vimm.f32 $1.000000000e+00;
	s8 =	simm.s32 $0xA80;
	s9 =	simm.s32 $0xE00;
	s15 =	simm.s32 $0x1  }
.LBB2_1:
0x2d: {  	s17 =	simm.s32 $0x0;
	s20 =	simm.s32 $0x200  }
.LBB2_2:
0x2e: {  	p1 =	sne.s32 s20, $0xFE00;
	[tilespmem:s17+$0x1070] =	vst v0  }
0x2f: {  	[tilespmem:s17+$0x1000] =	vst v0  }
0x30: {  	[tilespmem:s17+$0x1010] =	vst v0  }
.Ltmp0:
0x31: {  	[tilespmem:s17+$0x1020] =	vst v0;
	(pc) =	sbr.rel @p1 .LBB2_2-.Ltmp0, $4  }
0x32: {  	[tilespmem:s17+$0x1030] =	vst v0  }
0x33: {  	[tilespmem:s17+$0x1040] =	vst v0  }
0x34: {  	[tilespmem:s17+$0x1050] =	vst v0  }
0x35: {  	[tilespmem:s17+$0x1060] =	vst v0;
	s17 =	sshra.s32 s20, $0x2;
	s20 =	sadd.s32 $0x200, s20  }
0x36: {  	[tilespmem:s17+$0x1070] =	vst v0  }
0x37: {  	[tilespmem:s17+$0x1000] =	vst v0  }
0x38: {  	[tilespmem:s17+$0x1010] =	vst v0  }
0x39: {  	[tilespmem:s17+$0x1020] =	vst v0  }
0x3a: {  	[tilespmem:s17+$0x1030] =	vst v0  }
0x3b: {  	[tilespmem:s17+$0x1040] =	vst v0  }
0x3c: {  	[tilespmem:s17+$0x1050] =	vst v0  }
0x3d: {  	[tilespmem:s17+$0x1060] =	vst v0  }
0x3e: {  	[spmem:s7] =	stream.linear.scatter [tilespmem:s18], [sflag:$0x7], $0x4000, $0x38;
	[tilespmem:$0x1F700] =	vst v63  }
0x3f: {  	_ =	swait.ge [sflag:s19], $0x4000  }
0x40: {  	[sflag:s19] =	ssyncset.done $0x0  }
0x41: {  	s3 =	rddreg [dreg:$0x1d];
	[sflag:s19] =	ssyncadd.s32 $0xFFFFC000  }
0x42: {  	[spmem:s3] =	stream.linear.scatter [tilespmem:s18], [sflag:$0x7], $0x4000, $0x38;
	[tilespmem:$0x1F700] =	vst v63  }
0x43: {  	_ =	swait.ge [sflag:s19], $0x4000  }
0x44: {  	[sflag:s19] =	ssyncset.done $0x0  }
0x45: {  	s7 =	rddreg [dreg:$0x1e];
	[sflag:s19] =	ssyncadd.s32 $0xFFFFC000  }
0x46: {  	[spmem:s7] =	stream.linear.scatter [tilespmem:s18], [sflag:$0x7], $0x4000, $0x38;
	[tilespmem:$0x1F700] =	vst v63  }
0x47: {  	_ =	swait.ge [sflag:s19], $0x4000  }
0x48: {  	[sflag:s19] =	ssyncset.done $0x0  }
0x49: {  	s17 =	rddreg [dreg:$0x1f];
	[sflag:s19] =	ssyncadd.s32 $0xFFFFC000  }
0x4a: {  	[spmem:s17] =	stream.linear.scatter [tilespmem:s18], [sflag:$0x7], $0x4000, $0x38;
	[tilespmem:$0x1F700] =	vst v63  }
0x4b: {  	_ =	swait.ge [sflag:s19], $0x4000  }
0x4c: {  	s20 =	sld [smem:$0x7F6]  }
0x4d: {  	[sflag:s19] =	ssyncset.done $0x0  }
0x4e: {  	[sflag:s19] =	ssyncadd.s32 $0xFFFFC000  }
0x4f: {  	[spmem:s20] =	stream.linear.scatter [tilespmem:s18], [sflag:$0x7], $0x3C00, $0x38;
	[tilespmem:$0x1F700] =	vst v63  }
0x50: {  	_ =	swait.ge [sflag:s19], $0x3C00  }
0x51: {  	[sflag:s19] =	ssyncset.done $0x0  }
0x52: {  	s17 =	simm.s32 $0x0;
	s20 =	simm.s32 $0x200;
	[sflag:s19] =	ssyncadd.s32 $0xFFFFC400  }
.LBB2_4:
0x53: {  	p1 =	sne.s32 s20, $0x9E00;
	[tilespmem:s17+$0x90F0] =	vst v0  }
0x54: {  	[tilespmem:s17+$0x9080] =	vst v0  }
0x55: {  	[tilespmem:s17+$0x9090] =	vst v0  }
.Ltmp1:
0x56: {  	[tilespmem:s17+$0x90A0] =	vst v0;
	(pc) =	sbr.rel @p1 .LBB2_4-.Ltmp1, $4  }
0x57: {  	[tilespmem:s17+$0x90B0] =	vst v0  }
0x58: {  	[tilespmem:s17+$0x90C0] =	vst v0  }
0x59: {  	[tilespmem:s17+$0x90D0] =	vst v0  }
0x5a: {  	[tilespmem:s17+$0x90E0] =	vst v0;
	s17 =	sshra.s32 s20, $0x2;
	s20 =	sadd.s32 $0x200, s20  }
0x5b: {  	[tilespmem:s17+$0x90F0] =	vst v0  }
0x5c: {  	[tilespmem:s17+$0x9080] =	vst v0  }
0x5d: {  	[tilespmem:s17+$0x9090] =	vst v0  }
0x5e: {  	[tilespmem:s17+$0x90A0] =	vst v0  }
0x5f: {  	[tilespmem:s17+$0x90B0] =	vst v0  }
0x60: {  	[tilespmem:s17+$0x90C0] =	vst v0  }
0x61: {  	[tilespmem:s17+$0x90D0] =	vst v0  }
0x62: {  	[tilespmem:s17+$0x90E0] =	vst v0;
	s17 =	simm.s32 @!p0 $0x1000  }
0x63: {  	[spmem:s24] =	stream.linear.scatter @!p0 [tilespmem:s17], [sflag:$0x7], $0x2800, $0x38;
	[tilespmem:$0x1F700] =	vst v63  }
0x64: {  	s17 =	simm.s32 @!p0 $0x7  }
0x65: {  	_ =	swait.ge @!p0 [sflag:s17], $0x2800  }
0x66: {  	s20 =	simm.s32 $0x9000;
	[sflag:s17] =	ssyncset.done @!p0 $0x0  }
0x67: {  	s3 =	rddreg [dreg:$0x1b];
	[sflag:s17] =	ssyncadd.s32 @!p0 $0xFFFFD800;
	s17 =	simm.s32 $0x0  }
0x68: {  	[tilespmem:s20], [sflag:$0x7] =	stream.linear.gather [hbm4b:s3+s17], $0x80, $0x38;
	[tilespmem:$0x1F700] =	vst v63  }
0x69: {  	_ =	swait.ge [sflag:s19], $0x80  }
0x6a: {  	[sflag:s19] =	ssyncset.done $0x0  }
0x6b: {  	[sflag:s19] =	ssyncadd.s32 $0xFFFFFF80  }
0x6c: {  	[bflag:$0x0] =	sbarrier.arrive $0xFFFF  }
0x6d: {  	s20 =	sld [smem:$0x7F7];
	_ =	sdelay $0x2  }
0x6e: {  	[tilespmem:s17], [sflag:$0x7] =	stream.linear.gather [hbm4b:s20+s17], $0x400, $0x38;
	[tilespmem:$0x1F700] =	vst v63  }
0x6f: {  	_ =	swait.ge [sflag:s19], $0x400  }
0x70: {  	s7 =	smov.u32 s24;
	s24 =	sld [smem:$0x7F8]  }
0x71: {  	[sflag:s19] =	ssyncset.done $0x0  }
0x72: {  	[sflag:s19] =	ssyncadd.s32 $0xFFFFFC00  }
0x73: {  	[tilespmem:s21], [sflag:$0x7] =	stream.linear.gather [hbm4b:s24+s17], $0x400, $0x38;
	[tilespmem:$0x1F700] =	vst v63  }
0x74: {  	_ =	swait.ge [sflag:s19], $0x400  }
0x75: {  	s20 =	sld [smem:$0x7F9]  }
0x76: {  	[sflag:s19] =	ssyncset.done $0x0  }
0x77: {  	s24 =	sld [smem:$0x7FA];
	[sflag:s19] =	ssyncadd.s32 $0xFFFFFC00  }
0x78: {  	[tilespmem:s22], [sflag:$0x2] =	stream.linear.gather [hbm4b:s20+s17], $0x400, $0x38;
	[tilespmem:$0x1F700] =	vst v63  }
0x79: {  	_ = 	snop  }
0x7a: {  	[tilespmem:s23], [sflag:$0x2] =	stream.linear.gather [hbm4b:s24+s17], $0x400, $0x38;
	[tilespmem:$0x1F700] =	vst v63  }
.LBB2_6:
0x7b: {  	p1 =	seq.s32 s17, $0x0  }
0x7c: {  	s20 =	simm.s32 @!p1 $0x1  }
0x7d: {  	_ =	swait.ge @!p1 [sflag:s20], $0x400  }
0x7e: {  	[sflag:s20] =	ssyncset.done @!p1 $0x0  }
0x7f: {  	[sflag:s20] =	ssyncadd.s32 @!p1 $0xFFFFFC00  }
0x80: {  	_ =	swait.ge @!p1 [sflag:s20], $0x400  }
0x81: {  	[sflag:s20] =	ssyncset.done @!p1 $0x0  }
0x82: {  	[sflag:s20] =	ssyncadd.s32 @!p1 $0xFFFFFC00  }
0x83: {  	[tilespmem:s18], [sflag:$0x3] =	stream.indirect.gather [hbm4b:s1+s25], $0x80, s4, s25, $0xb8;
	[tilespmem:$0x1F700] =	vst v63  }
0x84: {  	_ = 	snop  }
0x85: {  	[tilespmem:s26], [sflag:$0x4] =	stream.indirect.gather [hbm4b:s1+s25], $0x80, s25, s25, $0xb8;
	[tilespmem:$0x1F700] =	vst v63  }
0x86: {  	v2 =	vld [tilespmem:$0x400];
	_ =	sdelay $0x7  }
0x87: {  	[tilespmem:v2+s28+$0x0] =	vst.idx.add.f32.msk $0xffff, v1  }
0x88: {  	v2 =	vld [tilespmem:$0x410];
	_ =	sdelay $0x7  }
0x89: {  	[tilespmem:v2+s28+$0x0] =	vst.idx.add.f32.msk $0xffff, v1  }
0x8a: {  	v2 =	vld [tilespmem:$0x420];
	_ =	sdelay $0x7  }
0x8b: {  	[tilespmem:v2+s28+$0x0] =	vst.idx.add.f32.msk $0xffff, v1  }
0x8c: {  	v2 =	vld [tilespmem:$0x430];
	_ =	sdelay $0x7  }
0x8d: {  	[tilespmem:v2+s28+$0x0] =	vst.idx.add.f32.msk $0xffff, v1  }
0x8e: {  	v2 =	vld [tilespmem:$0x440];
	_ =	sdelay $0x7  }
0x8f: {  	[tilespmem:v2+s28+$0x0] =	vst.idx.add.f32.msk $0xffff, v1  }
0x90: {  	v2 =	vld [tilespmem:$0x450];
	_ =	sdelay $0x7  }
0x91: {  	[tilespmem:v2+s28+$0x0] =	vst.idx.add.f32.msk $0xffff, v1  }
0x92: {  	v2 =	vld [tilespmem:$0x460];
	_ =	sdelay $0x7  }
0x93: {  	[tilespmem:v2+s28+$0x0] =	vst.idx.add.f32.msk $0xffff, v1  }
0x94: {  	v2 =	vld [tilespmem:$0x470];
	_ =	sdelay $0x7  }
0x95: {  	[tilespmem:v2+s28+$0x0] =	vst.idx.add.f32.msk $0xffff, v1  }
0x96: {  	_ =	swait.ge [sflag:s29], $0x4000  }
0x97: {  	[sflag:s29] =	ssyncset.done $0x0  }
0x98: {  	[sflag:s29] =	ssyncadd.s32 $0xFFFFC000  }
0x99: {  	[spmem:s2] =	stream.indirect.scatter.add.f32 [tilespmem:s18], [sflag:$0x5], $0x80, s21, s25, $0xb8;
	[tilespmem:$0x1F700] =	vst v63  }
0x9a: {  	_ =	swait.ge [sflag:s30], $0x4000  }
0x9b: {  	[sflag:s30] =	ssyncset.done $0x0  }
0x9c: {  	s24 =	rddreg [dreg:$0x8];
	[sflag:s30] =	ssyncadd.s32 $0xFFFFC000  }
0x9d: {  	[tilespmem:s18], [sflag:$0x3] =	stream.indirect.gather [hbm4b:s1+s25], $0x80, s24, s25, $0xb8;
	[tilespmem:$0x1F700] =	vst v63  }
0x9e: {  	v2 =	vld [tilespmem:$0x480];
	_ =	sdelay $0x7  }
0x9f: {  	[tilespmem:v2+s28+$0x0] =	vst.idx.add.f32.msk $0xffff, v1  }
0xa0: {  	v2 =	vld [tilespmem:$0x490];
	_ =	sdelay $0x7  }
0xa1: {  	[tilespmem:v2+s28+$0x0] =	vst.idx.add.f32.msk $0xffff, v1  }
0xa2: {  	v2 =	vld [tilespmem:$0x4A0];
	_ =	sdelay $0x7  }
0xa3: {  	[tilespmem:v2+s28+$0x0] =	vst.idx.add.f32.msk $0xffff, v1  }
0xa4: {  	v2 =	vld [tilespmem:$0x4B0];
	_ =	sdelay $0x7  }
0xa5: {  	[tilespmem:v2+s28+$0x0] =	vst.idx.add.f32.msk $0xffff, v1  }
0xa6: {  	v2 =	vld [tilespmem:$0x4C0];
	_ =	sdelay $0x7  }
0xa7: {  	[tilespmem:v2+s28+$0x0] =	vst.idx.add.f32.msk $0xffff, v1  }
0xa8: {  	v2 =	vld [tilespmem:$0x4D0];
	_ =	sdelay $0x7  }
0xa9: {  	[tilespmem:v2+s28+$0x0] =	vst.idx.add.f32.msk $0xffff, v1  }
0xaa: {  	v2 =	vld [tilespmem:$0x4E0];
	_ =	sdelay $0x7  }
0xab: {  	[tilespmem:v2+s28+$0x0] =	vst.idx.add.f32.msk $0xffff, v1  }
0xac: {  	v2 =	vld [tilespmem:$0x4F0];
	_ =	sdelay $0x7  }
0xad: {  	[tilespmem:v2+s28+$0x0] =	vst.idx.add.f32.msk $0xffff, v1  }
0xae: {  	_ =	swait.ge [sflag:s31], $0x4000  }
0xaf: {  	[sflag:s31] =	ssyncset.done $0x0  }
0xb0: {  	s3 =	rddreg [dreg:$0x9];
	[sflag:s31] =	ssyncadd.s32 $0xFFFFC000  }
0xb1: {  	[spmem:s2] =	stream.indirect.scatter.add.f32 [tilespmem:s26], [sflag:$0x6], $0x80, s3, s25, $0xb8;
	[tilespmem:$0x1F700] =	vst v63  }
0xb2: {  	_ =	swait.ge [sflag:s0], $0x4000  }
0xb3: {  	[sflag:s0] =	ssyncset.done $0x0  }
0xb4: {  	s24 =	rddreg [dreg:$0xa];
	[sflag:s0] =	ssyncadd.s32 $0xFFFFC000  }
0xb5: {  	[tilespmem:s26], [sflag:$0x4] =	stream.indirect.gather [hbm4b:s1+s25], $0x80, s24, s25, $0xb8;
	[tilespmem:$0x1F700] =	vst v63  }
0xb6: {  	v2 =	vld [tilespmem:$0x500];
	_ =	sdelay $0x7  }
0xb7: {  	[tilespmem:v2+s28+$0x0] =	vst.idx.add.f32.msk $0xffff, v1  }
0xb8: {  	v2 =	vld [tilespmem:$0x510];
	_ =	sdelay $0x7  }
0xb9: {  	[tilespmem:v2+s28+$0x0] =	vst.idx.add.f32.msk $0xffff, v1  }
0xba: {  	v2 =	vld [tilespmem:$0x520];
	_ =	sdelay $0x7  }
0xbb: {  	[tilespmem:v2+s28+$0x0] =	vst.idx.add.f32.msk $0xffff, v1  }
0xbc: {  	v2 =	vld [tilespmem:$0x530];
	_ =	sdelay $0x7  }
0xbd: {  	[tilespmem:v2+s28+$0x0] =	vst.idx.add.f32.msk $0xffff, v1  }
0xbe: {  	v2 =	vld [tilespmem:$0x540];
	_ =	sdelay $0x7  }
0xbf: {  	[tilespmem:v2+s28+$0x0] =	vst.idx.add.f32.msk $0xffff, v1  }
0xc0: {  	v2 =	vld [tilespmem:$0x550];
	_ =	sdelay $0x7  }
0xc1: {  	[tilespmem:v2+s28+$0x0] =	vst.idx.add.f32.msk $0xffff, v1  }
0xc2: {  	v2 =	vld [tilespmem:$0x560];
	_ =	sdelay $0x7  }
0xc3: {  	[tilespmem:v2+s28+$0x0] =	vst.idx.add.f32.msk $0xffff, v1  }
0xc4: {  	v2 =	vld [tilespmem:$0x570];
	_ =	sdelay $0x7  }
0xc5: {  	[tilespmem:v2+s28+$0x0] =	vst.idx.add.f32.msk $0xffff, v1  }
0xc6: {  	_ =	swait.ge [sflag:s29], $0x4000  }
0xc7: {  	[sflag:s29] =	ssyncset.done $0x0  }
0xc8: {  	s3 =	rddreg [dreg:$0xb];
	[sflag:s29] =	ssyncadd.s32 $0xFFFFC000  }
0xc9: {  	[spmem:s2] =	stream.indirect.scatter.add.f32 [tilespmem:s18], [sflag:$0x5], $0x80, s3, s25, $0xb8;
	[tilespmem:$0x1F700] =	vst v63  }
0xca: {  	_ =	swait.ge [sflag:s30], $0x4000  }
0xcb: {  	[sflag:s30] =	ssyncset.done $0x0  }
0xcc: {  	s24 =	rddreg [dreg:$0xc];
	[sflag:s30] =	ssyncadd.s32 $0xFFFFC000  }
0xcd: {  	[tilespmem:s18], [sflag:$0x3] =	stream.indirect.gather [hbm4b:s1+s25], $0x80, s24, s25, $0xb8;
	[tilespmem:$0x1F700] =	vst v63  }
0xce: {  	v2 =	vld [tilespmem:$0x580];
	_ =	sdelay $0x7  }
0xcf: {  	[tilespmem:v2+s28+$0x0] =	vst.idx.add.f32.msk $0xffff, v1  }
0xd0: {  	v2 =	vld [tilespmem:$0x590];
	_ =	sdelay $0x7  }
0xd1: {  	[tilespmem:v2+s28+$0x0] =	vst.idx.add.f32.msk $0xffff, v1  }
0xd2: {  	v2 =	vld [tilespmem:$0x5A0];
	_ =	sdelay $0x7  }
0xd3: {  	[tilespmem:v2+s28+$0x0] =	vst.idx.add.f32.msk $0xffff, v1  }
0xd4: {  	v2 =	vld [tilespmem:$0x5B0];
	_ =	sdelay $0x7  }
0xd5: {  	[tilespmem:v2+s28+$0x0] =	vst.idx.add.f32.msk $0xffff, v1  }
0xd6: {  	v2 =	vld [tilespmem:$0x5C0];
	_ =	sdelay $0x7  }
0xd7: {  	[tilespmem:v2+s28+$0x0] =	vst.idx.add.f32.msk $0xffff, v1  }
0xd8: {  	v2 =	vld [tilespmem:$0x5D0];
	_ =	sdelay $0x7  }
0xd9: {  	[tilespmem:v2+s28+$0x0] =	vst.idx.add.f32.msk $0xffff, v1  }
0xda: {  	v2 =	vld [tilespmem:$0x5E0];
	_ =	sdelay $0x7  }
0xdb: {  	[tilespmem:v2+s28+$0x0] =	vst.idx.add.f32.msk $0xffff, v1  }
0xdc: {  	v2 =	vld [tilespmem:$0x5F0];
	_ =	sdelay $0x7  }
0xdd: {  	[tilespmem:v2+s28+$0x0] =	vst.idx.add.f32.msk $0xffff, v1  }
0xde: {  	_ =	swait.ge [sflag:s31], $0x4000  }
0xdf: {  	[sflag:s31] =	ssyncset.done $0x0  }
0xe0: {  	s3 =	rddreg [dreg:$0xd];
	[sflag:s31] =	ssyncadd.s32 $0xFFFFC000  }
0xe1: {  	[spmem:s2] =	stream.indirect.scatter.add.f32 [tilespmem:s26], [sflag:$0x6], $0x80, s3, s25, $0xb8;
	[tilespmem:$0x1F700] =	vst v63  }
0xe2: {  	_ =	swait.ge [sflag:s0], $0x4000  }
0xe3: {  	[sflag:s0] =	ssyncset.done $0x0  }
0xe4: {  	s24 =	rddreg [dreg:$0xe];
	[sflag:s0] =	ssyncadd.s32 $0xFFFFC000  }
0xe5: {  	[tilespmem:s26], [sflag:$0x4] =	stream.indirect.gather [hbm4b:s1+s25], $0x80, s24, s25, $0xb8;
	[tilespmem:$0x1F700] =	vst v63  }
0xe6: {  	v2 =	vld [tilespmem:$0x600];
	_ =	sdelay $0x7  }
0xe7: {  	[tilespmem:v2+s28+$0x0] =	vst.idx.add.f32.msk $0xffff, v1  }
0xe8: {  	v2 =	vld [tilespmem:$0x610];
	_ =	sdelay $0x7  }
0xe9: {  	[tilespmem:v2+s28+$0x0] =	vst.idx.add.f32.msk $0xffff, v1  }
0xea: {  	v2 =	vld [tilespmem:$0x620];
	_ =	sdelay $0x7  }
0xeb: {  	[tilespmem:v2+s28+$0x0] =	vst.idx.add.f32.msk $0xffff, v1  }
0xec: {  	v2 =	vld [tilespmem:$0x630];
	_ =	sdelay $0x7  }
0xed: {  	[tilespmem:v2+s28+$0x0] =	vst.idx.add.f32.msk $0xffff, v1  }
0xee: {  	v2 =	vld [tilespmem:$0x640];
	_ =	sdelay $0x7  }
0xef: {  	[tilespmem:v2+s28+$0x0] =	vst.idx.add.f32.msk $0xffff, v1  }
0xf0: {  	v2 =	vld [tilespmem:$0x650];
	_ =	sdelay $0x7  }
0xf1: {  	[tilespmem:v2+s28+$0x0] =	vst.idx.add.f32.msk $0xffff, v1  }
0xf2: {  	v2 =	vld [tilespmem:$0x660];
	_ =	sdelay $0x7  }
0xf3: {  	[tilespmem:v2+s28+$0x0] =	vst.idx.add.f32.msk $0xffff, v1  }
0xf4: {  	v2 =	vld [tilespmem:$0x670];
	_ =	sdelay $0x7  }
0xf5: {  	[tilespmem:v2+s28+$0x0] =	vst.idx.add.f32.msk $0xffff, v1  }
0xf6: {  	_ =	swait.ge [sflag:s29], $0x4000  }
0xf7: {  	[sflag:s29] =	ssyncset.done $0x0  }
0xf8: {  	s3 =	rddreg [dreg:$0xf];
	[sflag:s29] =	ssyncadd.s32 $0xFFFFC000  }
0xf9: {  	[spmem:s2] =	stream.indirect.scatter.add.f32 [tilespmem:s18], [sflag:$0x5], $0x80, s3, s25, $0xb8;
	[tilespmem:$0x1F700] =	vst v63  }
0xfa: {  	_ =	swait.ge [sflag:s30], $0x4000  }
0xfb: {  	[sflag:s30] =	ssyncset.done $0x0  }
0xfc: {  	s24 =	rddreg [dreg:$0x10];
	[sflag:s30] =	ssyncadd.s32 $0xFFFFC000  }
0xfd: {  	[tilespmem:s18], [sflag:$0x3] =	stream.indirect.gather [hbm4b:s1+s25], $0x80, s24, s25, $0xb8;
	[tilespmem:$0x1F700] =	vst v63  }
0xfe: {  	v2 =	vld [tilespmem:$0x680];
	_ =	sdelay $0x7  }
0xff: {  	[tilespmem:v2+s28+$0x0] =	vst.idx.add.f32.msk $0xffff, v1  }
0x100: {  	v2 =	vld [tilespmem:$0x690];
	_ =	sdelay $0x7  }
0x101: {  	[tilespmem:v2+s28+$0x0] =	vst.idx.add.f32.msk $0xffff, v1  }
0x102: {  	v2 =	vld [tilespmem:$0x6A0];
	_ =	sdelay $0x7  }
0x103: {  	[tilespmem:v2+s28+$0x0] =	vst.idx.add.f32.msk $0xffff, v1  }
0x104: {  	v2 =	vld [tilespmem:$0x6B0];
	_ =	sdelay $0x7  }
0x105: {  	[tilespmem:v2+s28+$0x0] =	vst.idx.add.f32.msk $0xffff, v1  }
0x106: {  	v2 =	vld [tilespmem:$0x6C0];
	_ =	sdelay $0x7  }
0x107: {  	[tilespmem:v2+s28+$0x0] =	vst.idx.add.f32.msk $0xffff, v1  }
0x108: {  	v2 =	vld [tilespmem:$0x6D0];
	_ =	sdelay $0x7  }
0x109: {  	[tilespmem:v2+s28+$0x0] =	vst.idx.add.f32.msk $0xffff, v1  }
0x10a: {  	v2 =	vld [tilespmem:$0x6E0];
	_ =	sdelay $0x7  }
0x10b: {  	[tilespmem:v2+s28+$0x0] =	vst.idx.add.f32.msk $0xffff, v1  }
0x10c: {  	v2 =	vld [tilespmem:$0x6F0];
	_ =	sdelay $0x7  }
0x10d: {  	[tilespmem:v2+s28+$0x0] =	vst.idx.add.f32.msk $0xffff, v1  }
0x10e: {  	_ =	swait.ge [sflag:s31], $0x4000  }
0x10f: {  	[sflag:s31] =	ssyncset.done $0x0  }
0x110: {  	s3 =	rddreg [dreg:$0x11];
	[sflag:s31] =	ssyncadd.s32 $0xFFFFC000  }
0x111: {  	[spmem:s2] =	stream.indirect.scatter.add.f32 [tilespmem:s26], [sflag:$0x6], $0x80, s3, s25, $0xb8;
	[tilespmem:$0x1F700] =	vst v63  }
0x112: {  	_ =	swait.ge [sflag:s0], $0x4000  }
0x113: {  	[sflag:s0] =	ssyncset.done $0x0  }
0x114: {  	s24 =	rddreg [dreg:$0x12];
	[sflag:s0] =	ssyncadd.s32 $0xFFFFC000  }
0x115: {  	[tilespmem:s26], [sflag:$0x4] =	stream.indirect.gather [hbm4b:s1+s25], $0x80, s24, s25, $0xb8;
	[tilespmem:$0x1F700] =	vst v63  }
0x116: {  	v2 =	vld [tilespmem:$0x700];
	_ =	sdelay $0x7  }
0x117: {  	[tilespmem:v2+s28+$0x0] =	vst.idx.add.f32.msk $0xffff, v1  }
0x118: {  	v2 =	vld [tilespmem:$0x710];
	_ =	sdelay $0x7  }
0x119: {  	[tilespmem:v2+s28+$0x0] =	vst.idx.add.f32.msk $0xffff, v1  }
0x11a: {  	v2 =	vld [tilespmem:$0x720];
	_ =	sdelay $0x7  }
0x11b: {  	[tilespmem:v2+s28+$0x0] =	vst.idx.add.f32.msk $0xffff, v1  }
0x11c: {  	v2 =	vld [tilespmem:$0x730];
	_ =	sdelay $0x7  }
0x11d: {  	[tilespmem:v2+s28+$0x0] =	vst.idx.add.f32.msk $0xffff, v1  }
0x11e: {  	v2 =	vld [tilespmem:$0x740];
	_ =	sdelay $0x7  }
0x11f: {  	[tilespmem:v2+s28+$0x0] =	vst.idx.add.f32.msk $0xffff, v1  }
0x120: {  	v2 =	vld [tilespmem:$0x750];
	_ =	sdelay $0x7  }
0x121: {  	[tilespmem:v2+s28+$0x0] =	vst.idx.add.f32.msk $0xffff, v1  }
0x122: {  	v2 =	vld [tilespmem:$0x760];
	_ =	sdelay $0x7  }
0x123: {  	[tilespmem:v2+s28+$0x0] =	vst.idx.add.f32.msk $0xffff, v1  }
0x124: {  	v2 =	vld [tilespmem:$0x770];
	_ =	sdelay $0x7  }
0x125: {  	[tilespmem:v2+s28+$0x0] =	vst.idx.add.f32.msk $0xffff, v1  }
0x126: {  	_ =	swait.ge [sflag:s29], $0x4000  }
0x127: {  	[sflag:s29] =	ssyncset.done $0x0  }
0x128: {  	s3 =	rddreg [dreg:$0x13];
	[sflag:s29] =	ssyncadd.s32 $0xFFFFC000  }
0x129: {  	[spmem:s2] =	stream.indirect.scatter.add.f32 [tilespmem:s18], [sflag:$0x5], $0x80, s3, s25, $0xb8;
	[tilespmem:$0x1F700] =	vst v63  }
0x12a: {  	v2 =	vld [tilespmem:$0x780];
	_ =	sdelay $0x7  }
0x12b: {  	[tilespmem:v2+s28+$0x0] =	vst.idx.add.f32.msk $0xffff, v1  }
0x12c: {  	v2 =	vld [tilespmem:$0x790];
	_ =	sdelay $0x7  }
0x12d: {  	[tilespmem:v2+s28+$0x0] =	vst.idx.add.f32.msk $0xffff, v1  }
0x12e: {  	v2 =	vld [tilespmem:$0x7A0];
	_ =	sdelay $0x7  }
0x12f: {  	[tilespmem:v2+s28+$0x0] =	vst.idx.add.f32.msk $0xffff, v1  }
0x130: {  	v2 =	vld [tilespmem:$0x7B0];
	_ =	sdelay $0x7  }
0x131: {  	[tilespmem:v2+s28+$0x0] =	vst.idx.add.f32.msk $0xffff, v1  }
0x132: {  	v2 =	vld [tilespmem:$0x7C0];
	_ =	sdelay $0x7  }
0x133: {  	[tilespmem:v2+s28+$0x0] =	vst.idx.add.f32.msk $0xffff, v1  }
0x134: {  	v2 =	vld [tilespmem:$0x7D0];
	_ =	sdelay $0x7  }
0x135: {  	[tilespmem:v2+s28+$0x0] =	vst.idx.add.f32.msk $0xffff, v1  }
0x136: {  	v2 =	vld [tilespmem:$0x7E0];
	_ =	sdelay $0x7  }
0x137: {  	[tilespmem:v2+s28+$0x0] =	vst.idx.add.f32.msk $0xffff, v1  }
0x138: {  	v2 =	vld [tilespmem:$0x7F0];
	_ =	sdelay $0x7  }
0x139: {  	[tilespmem:v2+s28+$0x0] =	vst.idx.add.f32.msk $0xffff, v1  }
0x13a: {  	_ =	swait.ge [sflag:s31], $0x4000  }
0x13b: {  	[sflag:s31] =	ssyncset.done $0x0  }
0x13c: {  	s24 =	rddreg [dreg:$0x14];
	[sflag:s31] =	ssyncadd.s32 $0xFFFFC000  }
0x13d: {  	[spmem:s2] =	stream.indirect.scatter.add.f32 [tilespmem:s26], [sflag:$0x6], $0x80, s24, s25, $0xb8;
	[tilespmem:$0x1F700] =	vst v63  }
0x13e: {  	_ =	swait.ge [sflag:s30], $0x4000  }
0x13f: {  	[sflag:s30] =	ssyncset.done $0x0  }
0x140: {  	[sflag:s30] =	ssyncadd.s32 $0xFFFFC000  }
0x141: {  	_ =	swait.ge [sflag:s0], $0x4000  }
0x142: {  	s3 =	rddreg [dreg:$0x6]  }
0x143: {  	[sflag:s0] =	ssyncset.done $0x0;
	s24 =	rddreg [dreg:$0x7];
	s20 =	sadd.s32 s17, s3  }
0x144: {  	[sflag:s0] =	ssyncadd.s32 $0xFFFFC000;
	s24 =	sadd.s32 s17, s24;
	s3 =	sadd.s32 $0x100, s20  }
0x145: {  	[tilespmem:s4], [sflag:$0x1] =	stream.linear.gather [hbm4b:s3+s4], $0x400, $0x38;
	[tilespmem:$0x1F700] =	vst v63  }
0x146: {  	s3 =	sadd.s32 $0x100, s24  }
0x147: {  	[tilespmem:s21], [sflag:$0x1] =	stream.linear.gather [hbm4b:s3+s4], $0x400, $0x38;
	[tilespmem:$0x1F700] =	vst v63  }
0x148: {  	_ =	swait.ge [sflag:s5], $0x400  }
0x149: {  	[sflag:s5] =	ssyncset.done $0x0  }
0x14a: {  	[sflag:s5] =	ssyncadd.s32 $0xFFFFFC00  }
0x14b: {  	_ =	swait.ge [sflag:s5], $0x400  }
0x14c: {  	[sflag:s5] =	ssyncset.done $0x0  }
0x14d: {  	[sflag:s5] =	ssyncadd.s32 $0xFFFFFC00  }
0x14e: {  	[tilespmem:s18], [sflag:$0x3] =	stream.indirect.gather [hbm4b:s1+s25], $0x80, s22, s25, $0xb8;
	[tilespmem:$0x1F700] =	vst v63  }
0x14f: {  	s3 =	rddreg [dreg:$0x15]  }
0x150: {  	[tilespmem:s26], [sflag:$0x4] =	stream.indirect.gather [hbm4b:s1+s25], $0x80, s3, s25, $0xb8;
	[tilespmem:$0x1F700] =	vst v63  }
0x151: {  	v2 =	vld [tilespmem:$0xC00];
	_ =	sdelay $0x7  }
0x152: {  	[tilespmem:v2+s28+$0x0] =	vst.idx.add.f32.msk $0xffff, v1  }
0x153: {  	v2 =	vld [tilespmem:$0xC10];
	_ =	sdelay $0x7  }
0x154: {  	[tilespmem:v2+s28+$0x0] =	vst.idx.add.f32.msk $0xffff, v1  }
0x155: {  	v2 =	vld [tilespmem:$0xC20];
	_ =	sdelay $0x7  }
0x156: {  	[tilespmem:v2+s28+$0x0] =	vst.idx.add.f32.msk $0xffff, v1  }
0x157: {  	v2 =	vld [tilespmem:$0xC30];
	_ =	sdelay $0x7  }
0x158: {  	[tilespmem:v2+s28+$0x0] =	vst.idx.add.f32.msk $0xffff, v1  }
0x159: {  	v2 =	vld [tilespmem:$0xC40];
	_ =	sdelay $0x7  }
0x15a: {  	[tilespmem:v2+s28+$0x0] =	vst.idx.add.f32.msk $0xffff, v1  }
0x15b: {  	v2 =	vld [tilespmem:$0xC50];
	_ =	sdelay $0x7  }
0x15c: {  	[tilespmem:v2+s28+$0x0] =	vst.idx.add.f32.msk $0xffff, v1  }
0x15d: {  	v2 =	vld [tilespmem:$0xC60];
	_ =	sdelay $0x7  }
0x15e: {  	[tilespmem:v2+s28+$0x0] =	vst.idx.add.f32.msk $0xffff, v1  }
0x15f: {  	v2 =	vld [tilespmem:$0xC70];
	_ =	sdelay $0x7  }
0x160: {  	[tilespmem:v2+s28+$0x0] =	vst.idx.add.f32.msk $0xffff, v1  }
0x161: {  	_ =	swait.ge [sflag:s29], $0x4000  }
0x162: {  	[sflag:s29] =	ssyncset.done $0x0  }
0x163: {  	[sflag:s29] =	ssyncadd.s32 $0xFFFFC000  }
0x164: {  	[spmem:s2] =	stream.indirect.scatter.add.f32 [tilespmem:s18], [sflag:$0x5], $0x80, s23, s25, $0xb8;
	[tilespmem:$0x1F700] =	vst v63  }
0x165: {  	_ =	swait.ge [sflag:s30], $0x4000  }
0x166: {  	[sflag:s30] =	ssyncset.done $0x0  }
0x167: {  	s3 =	rddreg [dreg:$0x16];
	[sflag:s30] =	ssyncadd.s32 $0xFFFFC000  }
0x168: {  	[tilespmem:s18], [sflag:$0x3] =	stream.indirect.gather [hbm4b:s1+s25], $0x80, s3, s25, $0xb8;
	[tilespmem:$0x1F700] =	vst v63  }
0x169: {  	v2 =	vld [tilespmem:$0xC80];
	_ =	sdelay $0x7  }
0x16a: {  	[tilespmem:v2+s28+$0x0] =	vst.idx.add.f32.msk $0xffff, v1  }
0x16b: {  	v2 =	vld [tilespmem:$0xC90];
	_ =	sdelay $0x7  }
0x16c: {  	[tilespmem:v2+s28+$0x0] =	vst.idx.add.f32.msk $0xffff, v1  }
0x16d: {  	v2 =	vld [tilespmem:$0xCA0];
	_ =	sdelay $0x7  }
0x16e: {  	[tilespmem:v2+s28+$0x0] =	vst.idx.add.f32.msk $0xffff, v1  }
0x16f: {  	v2 =	vld [tilespmem:$0xCB0];
	_ =	sdelay $0x7  }
0x170: {  	[tilespmem:v2+s28+$0x0] =	vst.idx.add.f32.msk $0xffff, v1  }
0x171: {  	v2 =	vld [tilespmem:$0xCC0];
	_ =	sdelay $0x7  }
0x172: {  	[tilespmem:v2+s28+$0x0] =	vst.idx.add.f32.msk $0xffff, v1  }
0x173: {  	v2 =	vld [tilespmem:$0xCD0];
	_ =	sdelay $0x7  }
0x174: {  	[tilespmem:v2+s28+$0x0] =	vst.idx.add.f32.msk $0xffff, v1  }
0x175: {  	v2 =	vld [tilespmem:$0xCE0];
	_ =	sdelay $0x7  }
0x176: {  	[tilespmem:v2+s28+$0x0] =	vst.idx.add.f32.msk $0xffff, v1  }
0x177: {  	v2 =	vld [tilespmem:$0xCF0];
	_ =	sdelay $0x7  }
0x178: {  	[tilespmem:v2+s28+$0x0] =	vst.idx.add.f32.msk $0xffff, v1  }
0x179: {  	_ =	swait.ge [sflag:s31], $0x4000  }
0x17a: {  	[sflag:s31] =	ssyncset.done $0x0  }
0x17b: {  	s3 =	rddreg [dreg:$0x17];
	[sflag:s31] =	ssyncadd.s32 $0xFFFFC000  }
0x17c: {  	[spmem:s2] =	stream.indirect.scatter.add.f32 [tilespmem:s26], [sflag:$0x6], $0x80, s3, s25, $0xb8;
	[tilespmem:$0x1F700] =	vst v63  }
0x17d: {  	_ =	swait.ge [sflag:s0], $0x4000  }
0x17e: {  	[sflag:s0] =	ssyncset.done $0x0  }
0x17f: {  	s3 =	rddreg [dreg:$0x18];
	[sflag:s0] =	ssyncadd.s32 $0xFFFFC000  }
0x180: {  	[tilespmem:s26], [sflag:$0x4] =	stream.indirect.gather [hbm4b:s1+s25], $0x80, s3, s25, $0xb8;
	[tilespmem:$0x1F700] =	vst v63  }
0x181: {  	v2 =	vld [tilespmem:$0xD00];
	_ =	sdelay $0x7  }
0x182: {  	[tilespmem:v2+s28+$0x0] =	vst.idx.add.f32.msk $0xffff, v1  }
0x183: {  	v2 =	vld [tilespmem:$0xD10];
	_ =	sdelay $0x7  }
0x184: {  	[tilespmem:v2+s28+$0x0] =	vst.idx.add.f32.msk $0xffff, v1  }
0x185: {  	v2 =	vld [tilespmem:$0xD20];
	_ =	sdelay $0x7  }
0x186: {  	[tilespmem:v2+s28+$0x0] =	vst.idx.add.f32.msk $0xffff, v1  }
0x187: {  	v2 =	vld [tilespmem:$0xD30];
	_ =	sdelay $0x7  }
0x188: {  	[tilespmem:v2+s28+$0x0] =	vst.idx.add.f32.msk $0xffff, v1  }
0x189: {  	v2 =	vld [tilespmem:$0xD40];
	_ =	sdelay $0x7  }
0x18a: {  	[tilespmem:v2+s28+$0x0] =	vst.idx.add.f32.msk $0xffff, v1  }
0x18b: {  	v2 =	vld [tilespmem:$0xD50];
	_ =	sdelay $0x7  }
0x18c: {  	[tilespmem:v2+s28+$0x0] =	vst.idx.add.f32.msk $0xffff, v1  }
0x18d: {  	v2 =	vld [tilespmem:$0xD60];
	_ =	sdelay $0x7  }
0x18e: {  	[tilespmem:v2+s28+$0x0] =	vst.idx.add.f32.msk $0xffff, v1  }
0x18f: {  	v2 =	vld [tilespmem:$0xD70];
	_ =	sdelay $0x7  }
0x190: {  	[tilespmem:v2+s28+$0x0] =	vst.idx.add.f32.msk $0xffff, v1  }
0x191: {  	_ =	swait.ge [sflag:s29], $0x4000  }
0x192: {  	[sflag:s29] =	ssyncset.done $0x0  }
0x193: {  	s3 =	rddreg [dreg:$0x19];
	[sflag:s29] =	ssyncadd.s32 $0xFFFFC000  }
0x194: {  	[spmem:s2] =	stream.indirect.scatter.add.f32 [tilespmem:s18], [sflag:$0x5], $0x80, s3, s25, $0xb8;
	[tilespmem:$0x1F700] =	vst v63  }
0x195: {  	_ =	swait.ge [sflag:s30], $0x4000  }
0x196: {  	[sflag:s30] =	ssyncset.done $0x0  }
0x197: {  	s3 =	rddreg [dreg:$0x1a];
	[sflag:s30] =	ssyncadd.s32 $0xFFFFC000  }
0x198: {  	[tilespmem:s18], [sflag:$0x3] =	stream.indirect.gather [hbm4b:s1+s25], $0x80, s3, s25, $0xb8;
	[tilespmem:$0x1F700] =	vst v63  }
0x199: {  	v2 =	vld [tilespmem:$0xD80];
	_ =	sdelay $0x7  }
0x19a: {  	[tilespmem:v2+s28+$0x0] =	vst.idx.add.f32.msk $0xffff, v1  }
0x19b: {  	v2 =	vld [tilespmem:$0xD90];
	_ =	sdelay $0x7  }
0x19c: {  	[tilespmem:v2+s28+$0x0] =	vst.idx.add.f32.msk $0xffff, v1  }
0x19d: {  	v2 =	vld [tilespmem:$0xDA0];
	_ =	sdelay $0x7  }
0x19e: {  	[tilespmem:v2+s28+$0x0] =	vst.idx.add.f32.msk $0xffff, v1  }
0x19f: {  	v2 =	vld [tilespmem:$0xDB0];
	_ =	sdelay $0x7  }
0x1a0: {  	[tilespmem:v2+s28+$0x0] =	vst.idx.add.f32.msk $0xffff, v1  }
0x1a1: {  	v2 =	vld [tilespmem:$0xDC0];
	_ =	sdelay $0x7  }
0x1a2: {  	[tilespmem:v2+s28+$0x0] =	vst.idx.add.f32.msk $0xffff, v1  }
0x1a3: {  	v2 =	vld [tilespmem:$0xDD0];
	_ =	sdelay $0x7  }
0x1a4: {  	[tilespmem:v2+s28+$0x0] =	vst.idx.add.f32.msk $0xffff, v1  }
0x1a5: {  	v2 =	vld [tilespmem:$0xDE0];
	_ =	sdelay $0x7  }
0x1a6: {  	[tilespmem:v2+s28+$0x0] =	vst.idx.add.f32.msk $0xffff, v1  }
0x1a7: {  	v2 =	vld [tilespmem:$0xDF0];
	_ =	sdelay $0x7  }
0x1a8: {  	[tilespmem:v2+s28+$0x0] =	vst.idx.add.f32.msk $0xffff, v1  }
0x1a9: {  	_ =	swait.ge [sflag:s31], $0x4000  }
0x1aa: {  	[sflag:s31] =	ssyncset.done $0x0  }
0x1ab: {  	[sflag:s31] =	ssyncadd.s32 $0xFFFFC000  }
0x1ac: {  	[spmem:s2] =	stream.indirect.scatter.add.f32 [tilespmem:s26], [sflag:$0x6], $0x80, s6, s25, $0xb8;
	[tilespmem:$0x1F700] =	vst v63  }
0x1ad: {  	_ =	swait.ge [sflag:s0], $0x4000  }
0x1ae: {  	[sflag:s0] =	ssyncset.done $0x0  }
0x1af: {  	[sflag:s0] =	ssyncadd.s32 $0xFFFFC000  }
0x1b0: {  	[tilespmem:s26], [sflag:$0x4] =	stream.indirect.gather [hbm4b:s1+s25], $0x80, s8, s25, $0xb8;
	[tilespmem:$0x1F700] =	vst v63  }
0x1b1: {  	v2 =	vld [tilespmem:$0xE00];
	_ =	sdelay $0x7  }
0x1b2: {  	[tilespmem:v2+s28+$0x0] =	vst.idx.add.f32.msk $0xffff, v1  }
0x1b3: {  	v2 =	vld [tilespmem:$0xE10];
	_ =	sdelay $0x7  }
0x1b4: {  	[tilespmem:v2+s28+$0x0] =	vst.idx.add.f32.msk $0xffff, v1  }
0x1b5: {  	v2 =	vld [tilespmem:$0xE20];
	_ =	sdelay $0x7  }
0x1b6: {  	[tilespmem:v2+s28+$0x0] =	vst.idx.add.f32.msk $0xffff, v1  }
0x1b7: {  	v2 =	vld [tilespmem:$0xE30];
	_ =	sdelay $0x7  }
0x1b8: {  	[tilespmem:v2+s28+$0x0] =	vst.idx.add.f32.msk $0xffff, v1  }
0x1b9: {  	v2 =	vld [tilespmem:$0xE40];
	_ =	sdelay $0x7  }
0x1ba: {  	[tilespmem:v2+s28+$0x0] =	vst.idx.add.f32.msk $0xffff, v1  }
0x1bb: {  	v2 =	vld [tilespmem:$0xE50];
	_ =	sdelay $0x7  }
0x1bc: {  	[tilespmem:v2+s28+$0x0] =	vst.idx.add.f32.msk $0xffff, v1  }
0x1bd: {  	v2 =	vld [tilespmem:$0xE60];
	_ =	sdelay $0x7  }
0x1be: {  	[tilespmem:v2+s28+$0x0] =	vst.idx.add.f32.msk $0xffff, v1  }
0x1bf: {  	v2 =	vld [tilespmem:$0xE70];
	_ =	sdelay $0x7  }
0x1c0: {  	[tilespmem:v2+s28+$0x0] =	vst.idx.add.f32.msk $0xffff, v1  }
0x1c1: {  	_ =	swait.ge [sflag:s29], $0x4000  }
0x1c2: {  	[sflag:s29] =	ssyncset.done $0x0  }
0x1c3: {  	[sflag:s29] =	ssyncadd.s32 $0xFFFFC000  }
0x1c4: {  	[spmem:s2] =	stream.indirect.scatter.add.f32 [tilespmem:s18], [sflag:$0x5], $0x80, s9, s25, $0xb8;
	[tilespmem:$0x1F700] =	vst v63  }
0x1c5: {  	_ =	swait.ge [sflag:s30], $0x4000  }
0x1c6: {  	[sflag:s30] =	ssyncset.done $0x0  }
0x1c7: {  	[sflag:s30] =	ssyncadd.s32 $0xFFFFC000  }
0x1c8: {  	[tilespmem:s18], [sflag:$0x3] =	stream.indirect.gather [hbm4b:s1+s25], $0x80, s10, s25, $0xb8;
	[tilespmem:$0x1F700] =	vst v63  }
0x1c9: {  	v2 =	vld [tilespmem:$0xE80];
	_ =	sdelay $0x7  }
0x1ca: {  	[tilespmem:v2+s28+$0x0] =	vst.idx.add.f32.msk $0xffff, v1  }
0x1cb: {  	v2 =	vld [tilespmem:$0xE90];
	_ =	sdelay $0x7  }
0x1cc: {  	[tilespmem:v2+s28+$0x0] =	vst.idx.add.f32.msk $0xffff, v1  }
0x1cd: {  	v2 =	vld [tilespmem:$0xEA0];
	_ =	sdelay $0x7  }
0x1ce: {  	[tilespmem:v2+s28+$0x0] =	vst.idx.add.f32.msk $0xffff, v1  }
0x1cf: {  	v2 =	vld [tilespmem:$0xEB0];
	_ =	sdelay $0x7  }
0x1d0: {  	[tilespmem:v2+s28+$0x0] =	vst.idx.add.f32.msk $0xffff, v1  }
0x1d1: {  	v2 =	vld [tilespmem:$0xEC0];
	_ =	sdelay $0x7  }
0x1d2: {  	[tilespmem:v2+s28+$0x0] =	vst.idx.add.f32.msk $0xffff, v1  }
0x1d3: {  	v2 =	vld [tilespmem:$0xED0];
	_ =	sdelay $0x7  }
0x1d4: {  	[tilespmem:v2+s28+$0x0] =	vst.idx.add.f32.msk $0xffff, v1  }
0x1d5: {  	v2 =	vld [tilespmem:$0xEE0];
	_ =	sdelay $0x7  }
0x1d6: {  	[tilespmem:v2+s28+$0x0] =	vst.idx.add.f32.msk $0xffff, v1  }
0x1d7: {  	v2 =	vld [tilespmem:$0xEF0];
	_ =	sdelay $0x7  }
0x1d8: {  	[tilespmem:v2+s28+$0x0] =	vst.idx.add.f32.msk $0xffff, v1  }
0x1d9: {  	_ =	swait.ge [sflag:s31], $0x4000  }
0x1da: {  	[sflag:s31] =	ssyncset.done $0x0  }
0x1db: {  	[sflag:s31] =	ssyncadd.s32 $0xFFFFC000  }
0x1dc: {  	[spmem:s2] =	stream.indirect.scatter.add.f32 [tilespmem:s26], [sflag:$0x6], $0x80, s11, s25, $0xb8;
	[tilespmem:$0x1F700] =	vst v63  }
0x1dd: {  	_ =	swait.ge [sflag:s0], $0x4000  }
0x1de: {  	[sflag:s0] =	ssyncset.done $0x0  }
0x1df: {  	[sflag:s0] =	ssyncadd.s32 $0xFFFFC000  }
0x1e0: {  	[tilespmem:s26], [sflag:$0x4] =	stream.indirect.gather [hbm4b:s1+s25], $0x80, s12, s25, $0xb8;
	[tilespmem:$0x1F700] =	vst v63  }
0x1e1: {  	v2 =	vld [tilespmem:$0xF00];
	_ =	sdelay $0x7  }
0x1e2: {  	[tilespmem:v2+s28+$0x0] =	vst.idx.add.f32.msk $0xffff, v1  }
0x1e3: {  	v2 =	vld [tilespmem:$0xF10];
	_ =	sdelay $0x7  }
0x1e4: {  	[tilespmem:v2+s28+$0x0] =	vst.idx.add.f32.msk $0xffff, v1  }
0x1e5: {  	v2 =	vld [tilespmem:$0xF20];
	_ =	sdelay $0x7  }
0x1e6: {  	[tilespmem:v2+s28+$0x0] =	vst.idx.add.f32.msk $0xffff, v1  }
0x1e7: {  	v2 =	vld [tilespmem:$0xF30];
	_ =	sdelay $0x7  }
0x1e8: {  	[tilespmem:v2+s28+$0x0] =	vst.idx.add.f32.msk $0xffff, v1  }
0x1e9: {  	v2 =	vld [tilespmem:$0xF40];
	_ =	sdelay $0x7  }
0x1ea: {  	[tilespmem:v2+s28+$0x0] =	vst.idx.add.f32.msk $0xffff, v1  }
0x1eb: {  	v2 =	vld [tilespmem:$0xF50];
	_ =	sdelay $0x7  }
0x1ec: {  	[tilespmem:v2+s28+$0x0] =	vst.idx.add.f32.msk $0xffff, v1  }
0x1ed: {  	v2 =	vld [tilespmem:$0xF60];
	_ =	sdelay $0x7  }
0x1ee: {  	[tilespmem:v2+s28+$0x0] =	vst.idx.add.f32.msk $0xffff, v1  }
0x1ef: {  	v2 =	vld [tilespmem:$0xF70];
	_ =	sdelay $0x7  }
0x1f0: {  	[tilespmem:v2+s28+$0x0] =	vst.idx.add.f32.msk $0xffff, v1  }
0x1f1: {  	_ =	swait.ge [sflag:s29], $0x4000  }
0x1f2: {  	[sflag:s29] =	ssyncset.done $0x0  }
0x1f3: {  	[sflag:s29] =	ssyncadd.s32 $0xFFFFC000  }
0x1f4: {  	[spmem:s2] =	stream.indirect.scatter.add.f32 [tilespmem:s18], [sflag:$0x5], $0x80, s13, s25, $0xb8;
	[tilespmem:$0x1F700] =	vst v63  }
0x1f5: {  	v2 =	vld [tilespmem:$0xF80];
	_ =	sdelay $0x7  }
0x1f6: {  	[tilespmem:v2+s28+$0x0] =	vst.idx.add.f32.msk $0xffff, v1  }
0x1f7: {  	v2 =	vld [tilespmem:$0xF90];
	_ =	sdelay $0x7  }
0x1f8: {  	[tilespmem:v2+s28+$0x0] =	vst.idx.add.f32.msk $0xffff, v1  }
0x1f9: {  	v2 =	vld [tilespmem:$0xFA0];
	_ =	sdelay $0x7  }
0x1fa: {  	[tilespmem:v2+s28+$0x0] =	vst.idx.add.f32.msk $0xffff, v1  }
0x1fb: {  	v2 =	vld [tilespmem:$0xFB0];
	_ =	sdelay $0x7  }
0x1fc: {  	[tilespmem:v2+s28+$0x0] =	vst.idx.add.f32.msk $0xffff, v1  }
0x1fd: {  	v2 =	vld [tilespmem:$0xFC0];
	_ =	sdelay $0x7  }
0x1fe: {  	[tilespmem:v2+s28+$0x0] =	vst.idx.add.f32.msk $0xffff, v1  }
0x1ff: {  	v2 =	vld [tilespmem:$0xFD0];
	_ =	sdelay $0x7  }
0x200: {  	[tilespmem:v2+s28+$0x0] =	vst.idx.add.f32.msk $0xffff, v1  }
0x201: {  	v2 =	vld [tilespmem:$0xFE0];
	_ =	sdelay $0x7  }
0x202: {  	[tilespmem:v2+s28+$0x0] =	vst.idx.add.f32.msk $0xffff, v1  }
0x203: {  	v2 =	vld [tilespmem:$0xFF0];
	_ =	sdelay $0x7  }
0x204: {  	[tilespmem:v2+s28+$0x0] =	vst.idx.add.f32.msk $0xffff, v1  }
0x205: {  	_ =	swait.ge [sflag:s31], $0x4000  }
0x206: {  	[sflag:s31] =	ssyncset.done $0x0  }
0x207: {  	[sflag:s31] =	ssyncadd.s32 $0xFFFFC000  }
0x208: {  	[spmem:s2] =	stream.indirect.scatter.add.f32 [tilespmem:s26], [sflag:$0x6], $0x80, s14, s25, $0xb8;
	[tilespmem:$0x1F700] =	vst v63  }
0x209: {  	_ =	swait.ge [sflag:s30], $0x4000  }
0x20a: {  	[sflag:s30] =	ssyncset.done $0x0  }
0x20b: {  	s17 =	sadd.s32 $0x100, s17;
	[sflag:s30] =	ssyncadd.s32 $0xFFFFC000  }
0x20c: {  	p1 =	sne.s32 s17, $0x500;
	_ =	swait.ge [sflag:s0], $0x4000  }
.Ltmp2:
0x20d: {  	[sflag:s0] =	ssyncset.done $0x0;
	(pc) =	sbr.rel @p1 .LBB2_6-.Ltmp2, $4  }
0x20e: {  	s20 =	sadd.s32 $0x180, s20;
	[sflag:s0] =	ssyncadd.s32 $0xFFFFC000  }
0x20f: {  	[tilespmem:s22], [sflag:$0x2] =	stream.linear.gather [hbm4b:s20+s4], $0x400, $0x38;
	[tilespmem:$0x1F700] =	vst v63  }
0x210: {  	s24 =	sadd.s32 $0x180, s24  }
0x211: {  	[tilespmem:s23], [sflag:$0x2] =	stream.linear.gather [hbm4b:s24+s4], $0x400, $0x38;
	[tilespmem:$0x1F700] =	vst v63  }
0x212: {  	_ =	swait.ge [sflag:s15], $0x400  }
0x213: {  	[sflag:s15] =	ssyncset.done $0x0  }
0x214: {  	[sflag:s15] =	ssyncadd.s32 $0xFFFFFC00  }
0x215: {  	_ =	swait.ge [sflag:s15], $0x400  }
0x216: {  	[sflag:s15] =	ssyncset.done $0x0  }
0x217: {  	[sflag:s15] =	ssyncadd.s32 $0xFFFFFC00  }
0x218: {  	_ =	swait.ge [sflag:s5], $0x400  }
0x219: {  	[sflag:s5] =	ssyncset.done $0x0  }
0x21a: {  	[sflag:s5] =	ssyncadd.s32 $0xFFFFFC00  }
0x21b: {  	_ =	swait.ge [sflag:s5], $0x400  }
0x21c: {  	s24 =	smov.u32 s7;
	[sflag:s5] =	ssyncset.done $0x0  }
0x21d: {  	s3 =	simm.s32 $0x9000;
	s20 =	simm.s32 $0x50;
	[sflag:s5] =	ssyncadd.s32 $0xFFFFFC00  }
0x21e: {  	[spmem:s24] =	stream.indirect.scatter.add.f32 [tilespmem:s28], [sflag:$0x7], $0x80, s3, s20, $0xb8;
	[tilespmem:$0x1F700] =	vst v63  }
0x21f: {  	_ =	swait.ge [sflag:s19], $0x2800  }
0x220: {  	[sflag:s19] =	ssyncset.done $0x0  }
0x221: {  	[sflag:s19] =	ssyncadd.s32 $0xFFFFD800  }
0x222: {  	[bflag:$0x0] =	sbarrier.arrive $0xFFFF  }
0x223: {  	s17 =	stileid.u32;
	s20 =	sld [smem:$0x7FD]  }
0x224: {  	s3 =	sshll.u32 s17, $0x6;
	s7 =	rddreg [dreg:$0x1c]  }
0x225: {  	s3 =	sor.u32 $0x1C07, s3;
	s17 =	sshrl.u32 s7, $0x3  }
0x226: {  	[hbm:s20], [sflag:s3] =	dma.local [spmem:s17], $0x2780  }
0x227: {  	_ =	swait.ge [sflag:s19], $0x2780  }
0x228: {  	s20 =	sld [smem:$0x7FB]  }
0x229: {  	[sflag:s19] =	ssyncset.done $0x0  }
0x22a: {  	s17 =	sshrl.u32 @!p0 s24, $0x3;
	[sflag:s19] =	ssyncadd.s32 $0xFFFFD880  }
0x22b: {  	[hbm:s20], [sflag:s3] =	dma.local @!p0 [spmem:s17], $0x500  }
0x22c: {  	s3 =	simm.s32 @!p0 $0x7  }
0x22d: {  	_ =	swait.ge @!p0 [sflag:s3], $0x500  }
0x22e: {  	s20 =	sld [smem:$0x7FC];
	_ =	sdelay $0x1  }
0x22f: {  	s16 =	sadd.s32 $0x1, s16  }
0x230: {  	p1 =	sne.s32 s16, s20  }
.Ltmp3:
0x231: {  	_ = 	snop;
	(pc) =	sbr.rel @p1 .LBB2_1-.Ltmp3, $3  }
0x232: {  	_ =	sdelay $0x1  }
0x233: {  	[sflag:s3] =	ssyncset.done @!p0 $0x0  }
0x234: {  	[sflag:s3] =	ssyncadd.s32 @!p0 $0xFFFFFB00  }
0x235: {  	_ =	sfence.sel $0x180000  }
0x236: {  	[bflag:$0x0] =	sbarrier.arrive $0xFFFF  }
0x237: {  	_ =	strace $0x90000047  }
0x238: {  	[bflag:$0x2] =	sbarrier.arrive $0xFFFF  }
0x239: {  	s0 =	rddreg [dreg:$0x5]  }
0x23a: {  	s0 =	sadd.s32 @!p0 $0x100000, s0  }
0x23b: {  	[sflag:s0] =	ssyncadd.tile.s32 @!p0 $0x1;
	_ =	shalt  }
.Lfunc_end2:
_tile_overlayer_lowered:
.L_overlay_start_2:
0x23c: {  	(tag) =	ssettag $0x2  }
0x23d: {  	s0 =	rddreg [dreg:$0x0];
	s2 =	stileid.u32  }
0x23e: {  	s1 =	rddreg [dreg:$0x1];
	p0 =	sne.s32 s2, $0x0  }
0x23f: {  	s3 =	rddreg [dreg:$0x2];
	[bflag:$0x3] =	sbarrier.arrive $0xFFFF;
	s2 =	simm.s32 @!p0 $0x1C07  }
0x240: {  	[timem:s3], [sflag:s2] =	dma.local @!p0 [hbm:s0], s1  }
0x241: {  	s0 =	simm.s32 @!p0 $0x7  }
0x242: {  	_ =	swait.ge @!p0 [sflag:s0], s1  }
0x243: {  	s1 =	ssub.s32 @!p0 $0x0, s1;
	[sflag:s0] =	ssyncset.done @!p0 $0x0  }
0x244: {  	[sflag:s0] =	ssyncadd.s32 @!p0 s1  }
0x245: {  	[bflag:$0x3] =	sbarrier.arrive $0xFFFF  }
0x246: {  	_ =	shalt  }

</sc_bundles>
